<compile_context>
chip_gen: v7x
topology: tpu7x:2x2x1
jax: 0.10.2.dev20260603
libtpu: 0.0.44.dev20260713+nightly
codegen_flags: <defaults>
</compile_context>

<pallas_src>
import functools

import jax
import jax.numpy as jnp
import numpy as np
from jax.experimental import pallas as pl
from jax.experimental.pallas import tpu as pltpu
from jax.experimental.pallas import tpu_sc as plsc

_N_HID = 32
_NB_ITER = 1
_K = 32
_B, _N, _M = 2, 4096, 4096


_BI = 256


def _ktile(f0b, f1, p1b, p2, rec_eps):
    f0n = f0b * jax.lax.rsqrt(jnp.sum(f0b * f0b, -1, keepdims=True) + 1e-8)
    f1n = f1 * jax.lax.rsqrt(jnp.sum(f1 * f1, -1, keepdims=True) + 1e-8)
    c = 1.0 - jax.lax.dot_general(
        f0n, f1n, (((1,), (1,)), ((), ())), preferred_element_type=jnp.float32)
    d2 = jnp.sum(p1b * p1b, -1, keepdims=True) + jnp.sum(p2 * p2, -1)[None, :]
    d2 = d2 - 2.0 * jax.lax.dot_general(
        p1b, p2, (((1,), (1,)), ((), ())), preferred_element_type=jnp.float32)
    return jnp.exp(-c * rec_eps) * (d2 < 100.0).astype(jnp.float32)


def _colsum_body(scal, f0, f1, p1, p2, out):
    i = pl.program_id(1)
    kt = _ktile(f0[0], f1[0], p1[0], p2[0], scal[0])
    part = jnp.sum(kt, axis=0, keepdims=True)

    @pl.when(i == 0)
    def _():
        out[0] = part

    @pl.when(i != 0)
    def _():
        out[0] += part


def _rows_body(scal, f0, f1, p1, p2, colsum, out):
    rec_eps, power, inv_n, inv_m = scal[0], scal[1], scal[2], scal[3]
    kt = _ktile(f0[0], f1[0], p1[0], p2[0], rec_eps)
    bb = jnp.exp(power * jnp.log(inv_m / (colsum[0, 0] * inv_n + 1e-8)))
    kb_t = kt * bb[None, :]
    kb = jnp.sum(kb_t, -1, keepdims=True)
    a = jnp.exp(power * jnp.log(inv_n / (kb + 1e-8)))
    s = jnp.dot(kb_t, p2[0], preferred_element_type=jnp.float32)
    out[0] = (a * s) / (a * kb + 1e-8) - p1[0]


def _sinkhorn_flow(f0, f1, pc1, pc2, eps, gam):
    power = gam / (gam + eps)
    scal = jnp.stack([1.0 / eps, power, 1.0 / _N, 1.0 / _M]).astype(jnp.float32)
    n_i = _N // _BI
    colsum = pl.pallas_call(
        _colsum_body,
        grid=(_B, n_i),
        in_specs=[
            pl.BlockSpec(memory_space=pltpu.SMEM),
            pl.BlockSpec((1, _BI, f0.shape[-1]), lambda b, i: (b, i, 0)),
            pl.BlockSpec((1, _M, f1.shape[-1]), lambda b, i: (b, 0, 0)),
            pl.BlockSpec((1, _BI, 3), lambda b, i: (b, i, 0)),
            pl.BlockSpec((1, _M, 3), lambda b, i: (b, 0, 0)),
        ],
        out_specs=pl.BlockSpec((1, 1, _M), lambda b, i: (b, 0, 0)),
        out_shape=jax.ShapeDtypeStruct((_B, 1, _M), jnp.float32),
    )(scal, f0, f1, pc1, pc2)
    flow = pl.pallas_call(
        _rows_body,
        grid=(_B, n_i),
        in_specs=[
            pl.BlockSpec(memory_space=pltpu.SMEM),
            pl.BlockSpec((1, _BI, f0.shape[-1]), lambda b, i: (b, i, 0)),
            pl.BlockSpec((1, _M, f1.shape[-1]), lambda b, i: (b, 0, 0)),
            pl.BlockSpec((1, _BI, 3), lambda b, i: (b, i, 0)),
            pl.BlockSpec((1, _M, 3), lambda b, i: (b, 0, 0)),
            pl.BlockSpec((1, 1, _M), lambda b, i: (b, 0, 0)),
        ],
        out_specs=pl.BlockSpec((1, _BI, 3), lambda b, i: (b, i, 0)),
        out_shape=jax.ShapeDtypeStruct((_B, _N, 3), jnp.float32),
    )(scal, f0, f1, pc1, pc2, colsum)
    return flow



_RB = 128
_SEG = 512


def _knn_body(h_rows, g_cols, out, d_ref, acc_ref, pidx_ref):
    t = pl.program_id(2)
    n = g_cols.shape[1]
    nseg = n // _SEG
    big = jnp.int32(2 ** 30)

    @pl.when(t == 0)
    def _():
        hr = h_rows[0]

        def init(s, _):
            ga = g_cols[0, pl.ds(s * _SEG, _SEG)]
            s3 = ga[:, 0:1] * hr[0:1, :]
            s3 = s3 + ga[:, 1:2] * hr[1:2, :]
            s3 = s3 + ga[:, 2:3] * hr[2:3, :]
            d_ref[pl.ds(s * _SEG, _SEG), :] = (
                jnp.broadcast_to(ga[:, 3:4], (_SEG, _RB)) + s3)
            return 0

        jax.lax.fori_loop(0, nseg, init, 0, unroll=2)
        pidx_ref[...] = jnp.full((1, _RB), -1, jnp.int32)

    pidx = pidx_ref[...]

    def scan(s, carry):
        m, idx = carry
        seg = d_ref[pl.ds(s * _SEG, _SEG), :]
        jidx = jax.lax.broadcasted_iota(jnp.int32, (_SEG, _RB), 0) + s * _SEG
        seg = jnp.where(jidx == pidx, jnp.float32(1e30), seg)
        d_ref[pl.ds(s * _SEG, _SEG), :] = seg
        smin = jnp.min(seg, 0, keepdims=True)
        scand = jnp.min(jnp.where(seg == smin, jidx, big), 0, keepdims=True)
        better = smin < m
        return (jnp.where(better, smin, m), jnp.where(better, scand, idx))

    m0 = jnp.full((1, _RB), 1e30, jnp.float32)
    i0 = jnp.full((1, _RB), big, jnp.int32)
    _, idx = jax.lax.fori_loop(0, nseg, scan, (m0, i0), unroll=2)
    pidx_ref[...] = idx
    acc_ref[pl.ds(t, 1)] = idx

    @pl.when(t == _K - 1)
    def _():
        out[0] = acc_ref[...]


def _build_graph(pcloud, k):
    b, n, _ = pcloud.shape
    p2sum = jnp.sum(pcloud * pcloud, -1, keepdims=True)
    pr = jax.lax.reduce_precision(pcloud, 8, 7)
    g = jnp.concatenate([pr, p2sum], -1)
    h = -2.0 * jnp.swapaxes(pr, 1, 2)
    nbr_t = pl.pallas_call(
        _knn_body,
        grid=(b, n // _RB, _K),
        in_specs=[
            pl.BlockSpec((1, 3, _RB), lambda bb, i, t: (bb, 0, i)),
            pl.BlockSpec((1, n, 4), lambda bb, i, t: (bb, 0, 0)),
        ],
        out_specs=pl.BlockSpec((1, _K, _RB), lambda bb, i, t: (bb, 0, i)),
        out_shape=jax.ShapeDtypeStruct((b, _K, n), jnp.int32),
        scratch_shapes=[pltpu.VMEM((n, _RB), jnp.float32),
                        pltpu.VMEM((_K, _RB), jnp.int32),
                        pltpu.VMEM((1, _RB), jnp.int32)],
    )(h, g)
    neighbors = jnp.swapaxes(nbr_t, 1, 2)
    edges = (neighbors + jnp.arange(b)[:, None, None] * n).reshape(-1)
    return edges




def _sc_gather(table, idx):
    v, d0 = table.shape
    if d0 % 128:
        table = jnp.pad(table, ((0, 0), (0, 128 - d0 % 128)))
    dd = table.shape[1]
    e = idx.shape[0]
    info = plsc.get_sparse_core_info()
    nc, ns = info.num_cores, info.num_subcores
    nw = nc * ns
    per_w = e // nw
    ch = 512
    nch = per_w // ch
    mesh = plsc.VectorSubcoreMesh(core_axis_name="c", subcore_axis_name="s")

    @functools.partial(
        pl.kernel, mesh=mesh,
        out_type=jax.ShapeDtypeStruct((e, dd), jnp.float32),
        scratch_types=[
            pltpu.VMEM((per_w,), jnp.int32),
            pltpu.VMEM((ch, dd), jnp.float32),
            pltpu.SemaphoreType.DMA,
        ],
    )
    def gk(idx_hbm, table_hbm, out_hbm, idx_v, rows_v, sem):
        wid = jax.lax.axis_index("s") * nc + jax.lax.axis_index("c")
        base = wid * per_w
        pltpu.sync_copy(idx_hbm.at[pl.ds(base, per_w)], idx_v)

        def body(ci, _):
            pltpu.async_copy(
                table_hbm.at[idx_v.at[pl.ds(ci * ch, ch)]], rows_v, sem).wait()
            pltpu.sync_copy(rows_v, out_hbm.at[pl.ds(base + ci * ch, ch)])
            return 0

        jax.lax.fori_loop(0, nch, body, 0)

    out = gk(idx, table)
    return out[:, :d0] if d0 != dd else out


def _gnorm(x, w, b, num_groups=8, eps=1e-5):
    sh = x.shape
    c = sh[-1]
    xg = x.reshape(sh[:-1] + (num_groups, c // num_groups))
    mean = jnp.mean(xg, -1, keepdims=True)
    var = jnp.var(xg, -1, keepdims=True)
    xg = (xg - mean) / jnp.sqrt(var + eps)
    return xg.reshape(sh) * w + b


def _set_conv(p, signal, pts_flat, edges):
    b, n, c = signal.shape
    k = _K
    cout = p['W1'].shape[0]
    w1a = p['W1'][:, :c]
    w1b = p['W1'][:, c:]
    sig = signal.reshape(b * n, c)
    pw = pts_flat @ w1b.T
    u = sig @ w1a.T + pw
    v = p['b1'][None, :] - pw
    h = _sc_gather(u, edges).reshape(b * n, k, cout) + v[:, None, :]
    h = _gnorm(h, p['gn1_w'], p['gn1_b'])
    h = jax.nn.leaky_relu(h, 0.1)
    h = jnp.max(h, axis=1)
    h = h @ p['W2'].T + p['b2']
    h = _gnorm(h, p['gn2_w'], p['gn2_b'])
    h = jax.nn.leaky_relu(h, 0.1)
    h = h @ p['W3'].T + p['b3']
    h = _gnorm(h, p['gn3_w'], p['gn3_b'])
    h = jax.nn.leaky_relu(h, 0.1)
    return h.reshape(b, n, cout)


def kernel(pc1, pc2, params):
    p1f = pc1.reshape(_B * _N, 3)
    p2f = pc2.reshape(_B * _M, 3)
    e1 = _build_graph(pc1, _K)
    f0 = _set_conv(params['feat_conv1'], pc1, p1f, e1)
    f0 = _set_conv(params['feat_conv2'], f0, p1f, e1)
    f0 = _set_conv(params['feat_conv3'], f0, p1f, e1)
    e2 = _build_graph(pc2, _K)
    f1 = _set_conv(params['feat_conv1'], pc2, p2f, e2)
    f1 = _set_conv(params['feat_conv2'], f1, p2f, e2)
    f1 = _set_conv(params['feat_conv3'], f1, p2f, e2)
    eps = jnp.exp(params['epsilon'])[0] + 0.03
    gam = jnp.exp(params['gamma'])[0]
    ot_flow = _sinkhorn_flow(f0, f1, pc1, pc2, eps, gam)
    x = _set_conv(params['ref_conv1'], ot_flow, p1f, e1)
    x = _set_conv(params['ref_conv2'], x, p1f, e1)
    x = _set_conv(params['ref_conv3'], x, p1f, e1)
    x = x.reshape(_B * _N, -1) @ params['fc_W'].T + params['fc_b']
    return ot_flow + x.reshape(_B, _N, 3)

# --- scband reference (transcript-rebuilt; emitter-appended) ---
"""Pipeline reference for scband-flot-12850542149708 (READ-ONLY COPY).

The authoritative reference and input builder live on the scoring server;
editing this copy changes nothing except your own understanding.
"""

import jax, jax.numpy as jnp
import numpy as np

N_HID = 32
NB_ITER = 1
K_NEIGHBORS = 32
B, N, M = 2, 4096, 4096

def _linear_params(key, cin, cout):
    k1, k2 = jax.random.split(key)
    lim = 1.0 / np.sqrt(cin)
    W = jax.random.uniform(k1, (cout, cin), minval=-lim, maxval=lim, dtype=jnp.float32)
    b = jax.random.uniform(k2, (cout,), minval=-lim, maxval=lim, dtype=jnp.float32)
    return W, b

def _setconv_params(key, cin, cout):
    ks = jax.random.split(key, 3)
    W1, b1 = _linear_params(ks[0], cin + 3, cout)
    W2, b2 = _linear_params(ks[1], cout, cout)
    W3, b3 = _linear_params(ks[2], cout, cout)
    p = {'W1': W1, 'b1': b1, 'W2': W2, 'b2': b2, 'W3': W3, 'b3': b3}
    for i in (1, 2, 3):
        p['gn%d_w' % i] = jnp.ones((cout,), jnp.float32)
        p['gn%d_b' % i] = jnp.zeros((cout,), jnp.float32)
    return p

def setup_inputs(seed: int = 0):
    key = jax.random.key(seed)
    ks = jax.random.split(key, 9)
    pc1 = jax.random.normal(ks[0], (B, N, 3), dtype=jnp.float32)
    pc2 = jax.random.normal(ks[1], (B, M, 3), dtype=jnp.float32)
    n = N_HID
    params = {
        'gamma': jnp.zeros((1,), jnp.float32),
        'epsilon': jnp.zeros((1,), jnp.float32),
        'feat_conv1': _setconv_params(ks[2], 3, n),
        'feat_conv2': _setconv_params(ks[3], n, 2 * n),
        'feat_conv3': _setconv_params(ks[4], 2 * n, 4 * n),
        'ref_conv1': _setconv_params(ks[5], 3, n),
        'ref_conv2': _setconv_params(ks[6], n, 2 * n),
        'ref_conv3': _setconv_params(ks[7], 2 * n, 4 * n),
    }
    fc_W, fc_b = _linear_params(ks[8], 4 * n, 3)
    params['fc_W'] = fc_W
    params['fc_b'] = fc_b
    return {'pc1': pc1, 'pc2': pc2, 'params': params}

def construct_graph(pcloud, nb_neighbors):
    b, n, _ = pcloud.shape
    d2 = jnp.sum(pcloud ** 2, -1, keepdims=True)
    dist = d2 + jnp.swapaxes(d2, 1, 2) - 2.0 * jnp.einsum('bnc,bmc->bnm', pcloud, pcloud)
    _, neighbors = jax.lax.top_k(-dist, nb_neighbors)
    edge_feats = jax.vmap(lambda pts, nb: pts[nb] - pts[:, None, :])(pcloud, neighbors)
    edge_feats = edge_feats.reshape(b * n * nb_neighbors, 3)
    edges = (neighbors + jnp.arange(b)[:, None, None] * n).reshape(-1)
    return {'edges': edges, 'edge_feats': edge_feats, 'k': nb_neighbors}

def group_norm(x, w, b, num_groups=8, eps=1e-5):
    n, c = x.shape
    xg = x.reshape(n, num_groups, c // num_groups)
    mean = jnp.mean(xg, -1, keepdims=True)
    var = jnp.var(xg, -1, keepdims=True)
    xg = (xg - mean) / jnp.sqrt(var + eps)
    return xg.reshape(n, c) * w + b

def set_conv(p, signal, graph):
    b, n, c = signal.shape
    k = graph['k']
    cout = p['W1'].shape[0]
    sig = signal.reshape(b * n, c)
    ef = jnp.concatenate([sig[graph['edges']], graph['edge_feats']], -1)
    h = ef @ p['W1'].T + p['b1']
    h = group_norm(h, p['gn1_w'], p['gn1_b'])
    h = jax.nn.leaky_relu(h, 0.1)
    h = jnp.max(h.reshape(b, n, k, cout), axis=2).reshape(b * n, cout)
    h = h @ p['W2'].T + p['b2']
    h = group_norm(h, p['gn2_w'], p['gn2_b'])
    h = jax.nn.leaky_relu(h, 0.1)
    h = h @ p['W3'].T + p['b3']
    h = group_norm(h, p['gn3_w'], p['gn3_b'])
    h = jax.nn.leaky_relu(h, 0.1)
    return h.reshape(b, n, cout)

def sinkhorn(f1, f2, pc1, pc2, epsilon, gamma, max_iter):
    d2 = jnp.sum(pc1 ** 2, -1, keepdims=True)
    d2 = d2 + jnp.swapaxes(jnp.sum(pc2 ** 2, -1, keepdims=True), 1, 2)
    d2 = d2 - 2.0 * jnp.einsum('bnc,bmc->bnm', pc1, pc2)
    support = (d2 < 100.0).astype(f1.dtype)
    f1 = f1 / jnp.sqrt(jnp.sum(f1 ** 2, -1, keepdims=True) + 1e-8)
    f2 = f2 / jnp.sqrt(jnp.sum(f2 ** 2, -1, keepdims=True) + 1e-8)
    C = 1.0 - jnp.einsum('bnc,bmc->bnm', f1, f2)
    K = jnp.exp(-C / epsilon) * support
    if max_iter == 0:
        return K
    power = gamma / (gamma + epsilon)
    a = jnp.ones((K.shape[0], K.shape[1], 1), f1.dtype) / K.shape[1]
    prob1 = jnp.ones((K.shape[0], K.shape[1], 1), f1.dtype) / K.shape[1]
    prob2 = jnp.ones((K.shape[0], K.shape[2], 1), f1.dtype) / K.shape[2]
    bb = prob2
    for _ in range(max_iter):
        KTa = jnp.matmul(jnp.swapaxes(K, 1, 2), a)
        bb = jnp.power(prob2 / (KTa + 1e-8), power)
        Kb = jnp.matmul(K, bb)
        a = jnp.power(prob1 / (Kb + 1e-8), power)
    T = a * K * jnp.swapaxes(bb, 1, 2)
    return T

def flot_forward(pc1, pc2, params):
    g1 = construct_graph(pc1, K_NEIGHBORS)
    f0 = set_conv(params['feat_conv1'], pc1, g1)
    f0 = set_conv(params['feat_conv2'], f0, g1)
    f0 = set_conv(params['feat_conv3'], f0, g1)
    g2 = construct_graph(pc2, K_NEIGHBORS)
    f1 = set_conv(params['feat_conv1'], pc2, g2)
    f1 = set_conv(params['feat_conv2'], f1, g2)
    f1 = set_conv(params['feat_conv3'], f1, g2)
    eps = jnp.exp(params['epsilon']) + 0.03
    gam = jnp.exp(params['gamma'])
    T = sinkhorn(f0, f1, pc1, pc2, eps, gam, NB_ITER)
    row_sum = jnp.sum(T, -1, keepdims=True)
    ot_flow = jnp.matmul(T, pc2) / (row_sum + 1e-8) - pc1
    x = set_conv(params['ref_conv1'], ot_flow, g1)
    x = set_conv(params['ref_conv2'], x, g1)
    x = set_conv(params['ref_conv3'], x, g1)
    x = x @ params['fc_W'].T + params['fc_b']
    return ot_flow + x

def reference(pc1, pc2, params):
    return flot_forward(pc1, pc2, params)

if __name__ == "__main__":
    import jax
    _d = setup_inputs()
    print(jax.jit(kernel)(*tuple(_d.values())))

</pallas_src>

<mosaic_0001>
#map = affine_map<(d0, d1) -> (0)>
#map1 = affine_map<(d0, d1) -> (0, 0)>
module attributes {stable_mosaic.version = 14 : i64} {
  func.func @gk(%arg0: i32, %arg1: i32, %arg2: memref<262144xi32, #tpu.memory_space<hbm>>, %arg3: memref<8192x128xf32, #tpu.memory_space<hbm>>, %arg4: memref<262144x128xf32, #tpu.memory_space<hbm>>, %arg5: memref<8192xi32, #tpu.memory_space<vmem>>, %arg6: memref<512x128xf32, #tpu.memory_space<vmem>>, %arg7: memref<!tpu.dma_semaphore, #tpu.memory_space<semaphore_mem>>) attributes {dimension_semantics = [#tpu.dimension_semantics<core_parallel>, #tpu.dimension_semantics<subcore_parallel>], iteration_bounds = array<i64: 2, 16>, scalar_prefetch = 0 : i64, scratch_operands = 3 : i64, tpu.core_type = #tpu.core_type<sc_vector_subcore>, window_params = [{transform_indices = #map}, {transform_indices = #map1}, {transform_indices = #map1}]} {
    %mul3A = arith.constant 2 : i32
    %mul3A_0 = arith.muli %arg1, %mul3A : i32
    %add3A = arith.addi %mul3A_0, %arg0 : i32
    %mul3A_1 = arith.constant 8192 : i32
    %mul3A_2 = arith.muli %add3A, %mul3A_1 : i32
    "tpu.region"() ({
      %run_scoped3A = tpu.sem_alloc : memref<!tpu.dma_semaphore, #tpu.memory_space<semaphore_mem>>
      %dma_start3A = tpu.memref_slice %arg2[%mul3A_2] : memref<262144xi32, #tpu.memory_space<hbm>> -> memref<8192xi32, #tpu.memory_space<hbm>>
      %dma_start3A_9 = tpu.memref_slice %arg2[%mul3A_2] : memref<262144xi32, #tpu.memory_space<hbm>> -> memref<8192xi32, #tpu.memory_space<hbm>>
      tpu.enqueue_dma source(%dma_start3A_9 : memref<8192xi32, #tpu.memory_space<hbm>>) target(%arg5 : memref<8192xi32, #tpu.memory_space<vmem>>) target_semaphore(%run_scoped3A : memref<!tpu.dma_semaphore, #tpu.memory_space<semaphore_mem>>)
      %dma_wait3A = tpu.memref_slice %arg2[%mul3A_2] : memref<262144xi32, #tpu.memory_space<hbm>> -> memref<8192xi32, #tpu.memory_space<hbm>>
      %dma_wait3A_10 = tpu.memref_slice %arg2[%mul3A_2] : memref<262144xi32, #tpu.memory_space<hbm>> -> memref<8192xi32, #tpu.memory_space<hbm>>
      tpu.wait_dma2 semaphore(%run_scoped3A : memref<!tpu.dma_semaphore, #tpu.memory_space<semaphore_mem>>) src(%dma_wait3A_10 : memref<8192xi32, #tpu.memory_space<hbm>>) dst(%arg5 : memref<8192xi32, #tpu.memory_space<vmem>>)
      tpu.yield
    }) : () -> ()
    %scan3A = arith.constant 0 : i32
    %scan3A_3 = arith.constant 0 : i32
    %scan3A_4 = arith.constant 16 : i32
    %scan3A_5 = arith.addi %scan3A_3, %scan3A_4 : i32
    %scan3A_6 = arith.constant 1 : i32
    %scan3A_7 = scf.for %scan3A_9 = %scan3A_3 to %scan3A_5 step %scan3A_6 iter_args(%scan3A_10 = %scan3A) -> (i32)  : i32 {
      %mul3A_11 = arith.constant 512 : i32
      %mul3A_12 = arith.muli %scan3A_9, %mul3A_11 : i32
      %dma_start3A = tpu.memref_slice %arg5[%mul3A_12] : memref<8192xi32, #tpu.memory_space<vmem>> -> memref<512xi32, #tpu.memory_space<vmem>>
      %dma_start3A_13 = arith.constant 0 : i32
      %dma_start3A_14 = arith.constant 0 : i32
      %dma_start3A_15 = tpu.memref_slice %arg3[%dma_start3A_13, %dma_start3A_14] : memref<8192x128xf32, #tpu.memory_space<hbm>> -> memref<8192x128xf32, #tpu.memory_space<hbm>>
      tpu.enqueue_indirect_dma source(%dma_start3A_15 : memref<8192x128xf32, #tpu.memory_space<hbm>>) target(%arg6 : memref<512x128xf32, #tpu.memory_space<vmem>>) offsets(%dma_start3A : memref<512xi32, #tpu.memory_space<vmem>>) semaphore(%arg7 : memref<!tpu.dma_semaphore, #tpu.memory_space<semaphore_mem>>)
      %dma_wait3A = tpu.memref_slice %arg5[%mul3A_12] : memref<8192xi32, #tpu.memory_space<vmem>> -> memref<512xi32, #tpu.memory_space<vmem>>
      %dma_wait3A_16 = arith.constant 0 : i32
      %dma_wait3A_17 = arith.constant 0 : i32
      %dma_wait3A_18 = tpu.memref_slice %arg3[%dma_wait3A_16, %dma_wait3A_17] : memref<8192x128xf32, #tpu.memory_space<hbm>> -> memref<8192x128xf32, #tpu.memory_space<hbm>>
      tpu.wait_indirect_dma semaphore(%arg7 : memref<!tpu.dma_semaphore, #tpu.memory_space<semaphore_mem>>) src(%dma_wait3A_18 : memref<8192x128xf32, #tpu.memory_space<hbm>>) dst(%arg6 : memref<512x128xf32, #tpu.memory_space<vmem>>)
      %mul3A_19 = arith.constant 512 : i32
      %mul3A_20 = arith.muli %scan3A_9, %mul3A_19 : i32
      %add3A_21 = arith.addi %mul3A_2, %mul3A_20 : i32
      "tpu.region"() ({
        %run_scoped3A = tpu.sem_alloc : memref<!tpu.dma_semaphore, #tpu.memory_space<semaphore_mem>>
        %dma_start3A_23 = arith.constant 0 : i32
        %dma_start3A_24 = tpu.memref_slice %arg4[%add3A_21, %dma_start3A_23] : memref<262144x128xf32, #tpu.memory_space<hbm>> -> memref<512x128xf32, #tpu.memory_space<hbm>>
        %dma_start3A_25 = arith.constant 0 : i32
        %dma_start3A_26 = tpu.memref_slice %arg4[%add3A_21, %dma_start3A_25] : memref<262144x128xf32, #tpu.memory_space<hbm>> -> memref<512x128xf32, #tpu.memory_space<hbm>>
        tpu.enqueue_dma source(%arg6 : memref<512x128xf32, #tpu.memory_space<vmem>>) target(%dma_start3A_26 : memref<512x128xf32, #tpu.memory_space<hbm>>) target_semaphore(%run_scoped3A : memref<!tpu.dma_semaphore, #tpu.memory_space<semaphore_mem>>)
        %dma_wait3A_27 = arith.constant 0 : i32
        %dma_wait3A_28 = tpu.memref_slice %arg4[%add3A_21, %dma_wait3A_27] : memref<262144x128xf32, #tpu.memory_space<hbm>> -> memref<512x128xf32, #tpu.memory_space<hbm>>
        %dma_wait3A_29 = arith.constant 0 : i32
        %dma_wait3A_30 = tpu.memref_slice %arg4[%add3A_21, %dma_wait3A_29] : memref<262144x128xf32, #tpu.memory_space<hbm>> -> memref<512x128xf32, #tpu.memory_space<hbm>>
        tpu.wait_dma2 semaphore(%run_scoped3A : memref<!tpu.dma_semaphore, #tpu.memory_space<semaphore_mem>>) src(%arg6 : memref<512x128xf32, #tpu.memory_space<vmem>>) dst(%dma_wait3A_30 : memref<512x128xf32, #tpu.memory_space<hbm>>)
        tpu.yield
      }) : () -> ()
      %scan3A_22 = arith.constant 0 : i32
      scf.yield %scan3A_22 : i32
    }
    %scan3A_8 = arith.constant 16 : i32
    return
  }
}

#map = affine_map<(d0, d1) -> (0)>
#map1 = affine_map<(d0, d1) -> (0, 0)>
module attributes {stable_mosaic.version = 14 : i64} {
  func.func @gk(%arg0: i32, %arg1: i32, %arg2: memref<262144xi32, #tpu.memory_space<hbm>>, %arg3: memref<8192x128xf32, #tpu.memory_space<hbm>>, %arg4: memref<262144x128xf32, #tpu.memory_space<hbm>>, %arg5: memref<8192xi32, #tpu.memory_space<vmem>>, %arg6: memref<512x128xf32, #tpu.memory_space<vmem>>, %arg7: memref<!tpu.dma_semaphore, #tpu.memory_space<semaphore_mem>>) attributes {dimension_semantics = [#tpu.dimension_semantics<core_parallel>, #tpu.dimension_semantics<subcore_parallel>], iteration_bounds = array<i64: 2, 16>, scalar_prefetch = 0 : i64, scratch_operands = 3 : i64, tpu.core_type = #tpu.core_type<sc_vector_subcore>, window_params = [{transform_indices = #map}, {transform_indices = #map1}, {transform_indices = #map1}]} {
    %mul3A = arith.constant 2 : i32
    %mul3A_0 = arith.muli %arg1, %mul3A : i32
    %add3A = arith.addi %mul3A_0, %arg0 : i32
    %mul3A_1 = arith.constant 8192 : i32
    %mul3A_2 = arith.muli %add3A, %mul3A_1 : i32
    "tpu.region"() ({
      %run_scoped3A = tpu.sem_alloc : memref<!tpu.dma_semaphore, #tpu.memory_space<semaphore_mem>>
      %dma_start3A = tpu.memref_slice %arg2[%mul3A_2] : memref<262144xi32, #tpu.memory_space<hbm>> -> memref<8192xi32, #tpu.memory_space<hbm>>
      %dma_start3A_9 = tpu.memref_slice %arg2[%mul3A_2] : memref<262144xi32, #tpu.memory_space<hbm>> -> memref<8192xi32, #tpu.memory_space<hbm>>
      tpu.enqueue_dma source(%dma_start3A_9 : memref<8192xi32, #tpu.memory_space<hbm>>) target(%arg5 : memref<8192xi32, #tpu.memory_space<vmem>>) target_semaphore(%run_scoped3A : memref<!tpu.dma_semaphore, #tpu.memory_space<semaphore_mem>>)
      %dma_wait3A = tpu.memref_slice %arg2[%mul3A_2] : memref<262144xi32, #tpu.memory_space<hbm>> -> memref<8192xi32, #tpu.memory_space<hbm>>
      %dma_wait3A_10 = tpu.memref_slice %arg2[%mul3A_2] : memref<262144xi32, #tpu.memory_space<hbm>> -> memref<8192xi32, #tpu.memory_space<hbm>>
      tpu.wait_dma2 semaphore(%run_scoped3A : memref<!tpu.dma_semaphore, #tpu.memory_space<semaphore_mem>>) src(%dma_wait3A_10 : memref<8192xi32, #tpu.memory_space<hbm>>) dst(%arg5 : memref<8192xi32, #tpu.memory_space<vmem>>)
      tpu.yield
    }) : () -> ()
    %scan3A = arith.constant 0 : i32
    %scan3A_3 = arith.constant 0 : i32
    %scan3A_4 = arith.constant 16 : i32
    %scan3A_5 = arith.addi %scan3A_3, %scan3A_4 : i32
    %scan3A_6 = arith.constant 1 : i32
    %scan3A_7 = scf.for %scan3A_9 = %scan3A_3 to %scan3A_5 step %scan3A_6 iter_args(%scan3A_10 = %scan3A) -> (i32)  : i32 {
      %mul3A_11 = arith.constant 512 : i32
      %mul3A_12 = arith.muli %scan3A_9, %mul3A_11 : i32
      %dma_start3A = tpu.memref_slice %arg5[%mul3A_12] : memref<8192xi32, #tpu.memory_space<vmem>> -> memref<512xi32, #tpu.memory_space<vmem>>
      %dma_start3A_13 = arith.constant 0 : i32
      %dma_start3A_14 = arith.constant 0 : i32
      %dma_start3A_15 = tpu.memref_slice %arg3[%dma_start3A_13, %dma_start3A_14] : memref<8192x128xf32, #tpu.memory_space<hbm>> -> memref<8192x128xf32, #tpu.memory_space<hbm>>
      tpu.enqueue_indirect_dma source(%dma_start3A_15 : memref<8192x128xf32, #tpu.memory_space<hbm>>) target(%arg6 : memref<512x128xf32, #tpu.memory_space<vmem>>) offsets(%dma_start3A : memref<512xi32, #tpu.memory_space<vmem>>) semaphore(%arg7 : memref<!tpu.dma_semaphore, #tpu.memory_space<semaphore_mem>>)
      %dma_wait3A = tpu.memref_slice %arg5[%mul3A_12] : memref<8192xi32, #tpu.memory_space<vmem>> -> memref<512xi32, #tpu.memory_space<vmem>>
      %dma_wait3A_16 = arith.constant 0 : i32
      %dma_wait3A_17 = arith.constant 0 : i32
      %dma_wait3A_18 = tpu.memref_slice %arg3[%dma_wait3A_16, %dma_wait3A_17] : memref<8192x128xf32, #tpu.memory_space<hbm>> -> memref<8192x128xf32, #tpu.memory_space<hbm>>
      tpu.wait_indirect_dma semaphore(%arg7 : memref<!tpu.dma_semaphore, #tpu.memory_space<semaphore_mem>>) src(%dma_wait3A_18 : memref<8192x128xf32, #tpu.memory_space<hbm>>) dst(%arg6 : memref<512x128xf32, #tpu.memory_space<vmem>>)
      %mul3A_19 = arith.constant 512 : i32
      %mul3A_20 = arith.muli %scan3A_9, %mul3A_19 : i32
      %add3A_21 = arith.addi %mul3A_2, %mul3A_20 : i32
      "tpu.region"() ({
        %run_scoped3A = tpu.sem_alloc : memref<!tpu.dma_semaphore, #tpu.memory_space<semaphore_mem>>
        %dma_start3A_23 = arith.constant 0 : i32
        %dma_start3A_24 = tpu.memref_slice %arg4[%add3A_21, %dma_start3A_23] : memref<262144x128xf32, #tpu.memory_space<hbm>> -> memref<512x128xf32, #tpu.memory_space<hbm>>
        %dma_start3A_25 = arith.constant 0 : i32
        %dma_start3A_26 = tpu.memref_slice %arg4[%add3A_21, %dma_start3A_25] : memref<262144x128xf32, #tpu.memory_space<hbm>> -> memref<512x128xf32, #tpu.memory_space<hbm>>
        tpu.enqueue_dma source(%arg6 : memref<512x128xf32, #tpu.memory_space<vmem>>) target(%dma_start3A_26 : memref<512x128xf32, #tpu.memory_space<hbm>>) target_semaphore(%run_scoped3A : memref<!tpu.dma_semaphore, #tpu.memory_space<semaphore_mem>>)
        %dma_wait3A_27 = arith.constant 0 : i32
        %dma_wait3A_28 = tpu.memref_slice %arg4[%add3A_21, %dma_wait3A_27] : memref<262144x128xf32, #tpu.memory_space<hbm>> -> memref<512x128xf32, #tpu.memory_space<hbm>>
        %dma_wait3A_29 = arith.constant 0 : i32
        %dma_wait3A_30 = tpu.memref_slice %arg4[%add3A_21, %dma_wait3A_29] : memref<262144x128xf32, #tpu.memory_space<hbm>> -> memref<512x128xf32, #tpu.memory_space<hbm>>
        tpu.wait_dma2 semaphore(%run_scoped3A : memref<!tpu.dma_semaphore, #tpu.memory_space<semaphore_mem>>) src(%arg6 : memref<512x128xf32, #tpu.memory_space<vmem>>) dst(%dma_wait3A_30 : memref<512x128xf32, #tpu.memory_space<hbm>>)
        tpu.yield
      }) : () -> ()
      %scan3A_22 = arith.constant 0 : i32
      scf.yield %scan3A_22 : i32
    }
    %scan3A_8 = arith.constant 16 : i32
    return
  }
}

#map = affine_map<(d0, d1) -> (0)>
#map1 = affine_map<(d0, d1) -> (0, 0)>
module attributes {stable_mosaic.version = 14 : i64} {
  func.func @gk(%arg0: i32, %arg1: i32, %arg2: memref<262144xi32, #tpu.memory_space<hbm>>, %arg3: memref<8192x128xf32, #tpu.memory_space<hbm>>, %arg4: memref<262144x128xf32, #tpu.memory_space<hbm>>, %arg5: memref<8192xi32, #tpu.memory_space<vmem>>, %arg6: memref<512x128xf32, #tpu.memory_space<vmem>>, %arg7: memref<!tpu.dma_semaphore, #tpu.memory_space<semaphore_mem>>) attributes {dimension_semantics = [#tpu.dimension_semantics<core_parallel>, #tpu.dimension_semantics<subcore_parallel>], iteration_bounds = array<i64: 2, 16>, scalar_prefetch = 0 : i64, scratch_operands = 3 : i64, tpu.core_type = #tpu.core_type<sc_vector_subcore>, window_params = [{transform_indices = #map}, {transform_indices = #map1}, {transform_indices = #map1}]} {
    %mul3A = arith.constant 2 : i32
    %mul3A_0 = arith.muli %arg1, %mul3A : i32
    %add3A = arith.addi %mul3A_0, %arg0 : i32
    %mul3A_1 = arith.constant 8192 : i32
    %mul3A_2 = arith.muli %add3A, %mul3A_1 : i32
    "tpu.region"() ({
      %run_scoped3A = tpu.sem_alloc : memref<!tpu.dma_semaphore, #tpu.memory_space<semaphore_mem>>
      %dma_start3A = tpu.memref_slice %arg2[%mul3A_2] : memref<262144xi32, #tpu.memory_space<hbm>> -> memref<8192xi32, #tpu.memory_space<hbm>>
      %dma_start3A_9 = tpu.memref_slice %arg2[%mul3A_2] : memref<262144xi32, #tpu.memory_space<hbm>> -> memref<8192xi32, #tpu.memory_space<hbm>>
      tpu.enqueue_dma source(%dma_start3A_9 : memref<8192xi32, #tpu.memory_space<hbm>>) target(%arg5 : memref<8192xi32, #tpu.memory_space<vmem>>) target_semaphore(%run_scoped3A : memref<!tpu.dma_semaphore, #tpu.memory_space<semaphore_mem>>)
      %dma_wait3A = tpu.memref_slice %arg2[%mul3A_2] : memref<262144xi32, #tpu.memory_space<hbm>> -> memref<8192xi32, #tpu.memory_space<hbm>>
      %dma_wait3A_10 = tpu.memref_slice %arg2[%mul3A_2] : memref<262144xi32, #tpu.memory_space<hbm>> -> memref<8192xi32, #tpu.memory_space<hbm>>
      tpu.wait_dma2 semaphore(%run_scoped3A : memref<!tpu.dma_semaphore, #tpu.memory_space<semaphore_mem>>) src(%dma_wait3A_10 : memref<8192xi32, #tpu.memory_space<hbm>>) dst(%arg5 : memref<8192xi32, #tpu.memory_space<vmem>>)
      tpu.yield
    }) : () -> ()
    %scan3A = arith.constant 0 : i32
    %scan3A_3 = arith.constant 0 : i32
    %scan3A_4 = arith.constant 16 : i32
    %scan3A_5 = arith.addi %scan3A_3, %scan3A_4 : i32
    %scan3A_6 = arith.constant 1 : i32
    %scan3A_7 = scf.for %scan3A_9 = %scan3A_3 to %scan3A_5 step %scan3A_6 iter_args(%scan3A_10 = %scan3A) -> (i32)  : i32 {
      %mul3A_11 = arith.constant 512 : i32
      %mul3A_12 = arith.muli %scan3A_9, %mul3A_11 : i32
      %dma_start3A = tpu.memref_slice %arg5[%mul3A_12] : memref<8192xi32, #tpu.memory_space<vmem>> -> memref<512xi32, #tpu.memory_space<vmem>>
      %dma_start3A_13 = arith.constant 0 : i32
      %dma_start3A_14 = arith.constant 0 : i32
      %dma_start3A_15 = tpu.memref_slice %arg3[%dma_start3A_13, %dma_start3A_14] : memref<8192x128xf32, #tpu.memory_space<hbm>> -> memref<8192x128xf32, #tpu.memory_space<hbm>>
      tpu.enqueue_indirect_dma source(%dma_start3A_15 : memref<8192x128xf32, #tpu.memory_space<hbm>>) target(%arg6 : memref<512x128xf32, #tpu.memory_space<vmem>>) offsets(%dma_start3A : memref<512xi32, #tpu.memory_space<vmem>>) semaphore(%arg7 : memref<!tpu.dma_semaphore, #tpu.memory_space<semaphore_mem>>)
      %dma_wait3A = tpu.memref_slice %arg5[%mul3A_12] : memref<8192xi32, #tpu.memory_space<vmem>> -> memref<512xi32, #tpu.memory_space<vmem>>
      %dma_wait3A_16 = arith.constant 0 : i32
      %dma_wait3A_17 = arith.constant 0 : i32
      %dma_wait3A_18 = tpu.memref_slice %arg3[%dma_wait3A_16, %dma_wait3A_17] : memref<8192x128xf32, #tpu.memory_space<hbm>> -> memref<8192x128xf32, #tpu.memory_space<hbm>>
      tpu.wait_indirect_dma semaphore(%arg7 : memref<!tpu.dma_semaphore, #tpu.memory_space<semaphore_mem>>) src(%dma_wait3A_18 : memref<8192x128xf32, #tpu.memory_space<hbm>>) dst(%arg6 : memref<512x128xf32, #tpu.memory_space<vmem>>)
      %mul3A_19 = arith.constant 512 : i32
      %mul3A_20 = arith.muli %scan3A_9, %mul3A_19 : i32
      %add3A_21 = arith.addi %mul3A_2, %mul3A_20 : i32
      "tpu.region"() ({
        %run_scoped3A = tpu.sem_alloc : memref<!tpu.dma_semaphore, #tpu.memory_space<semaphore_mem>>
        %dma_start3A_23 = arith.constant 0 : i32
        %dma_start3A_24 = tpu.memref_slice %arg4[%add3A_21, %dma_start3A_23] : memref<262144x128xf32, #tpu.memory_space<hbm>> -> memref<512x128xf32, #tpu.memory_space<hbm>>
        %dma_start3A_25 = arith.constant 0 : i32
        %dma_start3A_26 = tpu.memref_slice %arg4[%add3A_21, %dma_start3A_25] : memref<262144x128xf32, #tpu.memory_space<hbm>> -> memref<512x128xf32, #tpu.memory_space<hbm>>
        tpu.enqueue_dma source(%arg6 : memref<512x128xf32, #tpu.memory_space<vmem>>) target(%dma_start3A_26 : memref<512x128xf32, #tpu.memory_space<hbm>>) target_semaphore(%run_scoped3A : memref<!tpu.dma_semaphore, #tpu.memory_space<semaphore_mem>>)
        %dma_wait3A_27 = arith.constant 0 : i32
        %dma_wait3A_28 = tpu.memref_slice %arg4[%add3A_21, %dma_wait3A_27] : memref<262144x128xf32, #tpu.memory_space<hbm>> -> memref<512x128xf32, #tpu.memory_space<hbm>>
        %dma_wait3A_29 = arith.constant 0 : i32
        %dma_wait3A_30 = tpu.memref_slice %arg4[%add3A_21, %dma_wait3A_29] : memref<262144x128xf32, #tpu.memory_space<hbm>> -> memref<512x128xf32, #tpu.memory_space<hbm>>
        tpu.wait_dma2 semaphore(%run_scoped3A : memref<!tpu.dma_semaphore, #tpu.memory_space<semaphore_mem>>) src(%arg6 : memref<512x128xf32, #tpu.memory_space<vmem>>) dst(%dma_wait3A_30 : memref<512x128xf32, #tpu.memory_space<hbm>>)
        tpu.yield
      }) : () -> ()
      %scan3A_22 = arith.constant 0 : i32
      scf.yield %scan3A_22 : i32
    }
    %scan3A_8 = arith.constant 16 : i32
    return
  }
}

#map = affine_map<(d0, d1) -> (0)>
#map1 = affine_map<(d0, d1) -> (0, 0)>
module attributes {stable_mosaic.version = 14 : i64} {
  func.func @gk(%arg0: i32, %arg1: i32, %arg2: memref<262144xi32, #tpu.memory_space<hbm>>, %arg3: memref<8192x128xf32, #tpu.memory_space<hbm>>, %arg4: memref<262144x128xf32, #tpu.memory_space<hbm>>, %arg5: memref<8192xi32, #tpu.memory_space<vmem>>, %arg6: memref<512x128xf32, #tpu.memory_space<vmem>>, %arg7: memref<!tpu.dma_semaphore, #tpu.memory_space<semaphore_mem>>) attributes {dimension_semantics = [#tpu.dimension_semantics<core_parallel>, #tpu.dimension_semantics<subcore_parallel>], iteration_bounds = array<i64: 2, 16>, scalar_prefetch = 0 : i64, scratch_operands = 3 : i64, tpu.core_type = #tpu.core_type<sc_vector_subcore>, window_params = [{transform_indices = #map}, {transform_indices = #map1}, {transform_indices = #map1}]} {
    %mul3A = arith.constant 2 : i32
    %mul3A_0 = arith.muli %arg1, %mul3A : i32
    %add3A = arith.addi %mul3A_0, %arg0 : i32
    %mul3A_1 = arith.constant 8192 : i32
    %mul3A_2 = arith.muli %add3A, %mul3A_1 : i32
    "tpu.region"() ({
      %run_scoped3A = tpu.sem_alloc : memref<!tpu.dma_semaphore, #tpu.memory_space<semaphore_mem>>
      %dma_start3A = tpu.memref_slice %arg2[%mul3A_2] : memref<262144xi32, #tpu.memory_space<hbm>> -> memref<8192xi32, #tpu.memory_space<hbm>>
      %dma_start3A_9 = tpu.memref_slice %arg2[%mul3A_2] : memref<262144xi32, #tpu.memory_space<hbm>> -> memref<8192xi32, #tpu.memory_space<hbm>>
      tpu.enqueue_dma source(%dma_start3A_9 : memref<8192xi32, #tpu.memory_space<hbm>>) target(%arg5 : memref<8192xi32, #tpu.memory_space<vmem>>) target_semaphore(%run_scoped3A : memref<!tpu.dma_semaphore, #tpu.memory_space<semaphore_mem>>)
      %dma_wait3A = tpu.memref_slice %arg2[%mul3A_2] : memref<262144xi32, #tpu.memory_space<hbm>> -> memref<8192xi32, #tpu.memory_space<hbm>>
      %dma_wait3A_10 = tpu.memref_slice %arg2[%mul3A_2] : memref<262144xi32, #tpu.memory_space<hbm>> -> memref<8192xi32, #tpu.memory_space<hbm>>
      tpu.wait_dma2 semaphore(%run_scoped3A : memref<!tpu.dma_semaphore, #tpu.memory_space<semaphore_mem>>) src(%dma_wait3A_10 : memref<8192xi32, #tpu.memory_space<hbm>>) dst(%arg5 : memref<8192xi32, #tpu.memory_space<vmem>>)
      tpu.yield
    }) : () -> ()
    %scan3A = arith.constant 0 : i32
    %scan3A_3 = arith.constant 0 : i32
    %scan3A_4 = arith.constant 16 : i32
    %scan3A_5 = arith.addi %scan3A_3, %scan3A_4 : i32
    %scan3A_6 = arith.constant 1 : i32
    %scan3A_7 = scf.for %scan3A_9 = %scan3A_3 to %scan3A_5 step %scan3A_6 iter_args(%scan3A_10 = %scan3A) -> (i32)  : i32 {
      %mul3A_11 = arith.constant 512 : i32
      %mul3A_12 = arith.muli %scan3A_9, %mul3A_11 : i32
      %dma_start3A = tpu.memref_slice %arg5[%mul3A_12] : memref<8192xi32, #tpu.memory_space<vmem>> -> memref<512xi32, #tpu.memory_space<vmem>>
      %dma_start3A_13 = arith.constant 0 : i32
      %dma_start3A_14 = arith.constant 0 : i32
      %dma_start3A_15 = tpu.memref_slice %arg3[%dma_start3A_13, %dma_start3A_14] : memref<8192x128xf32, #tpu.memory_space<hbm>> -> memref<8192x128xf32, #tpu.memory_space<hbm>>
      tpu.enqueue_indirect_dma source(%dma_start3A_15 : memref<8192x128xf32, #tpu.memory_space<hbm>>) target(%arg6 : memref<512x128xf32, #tpu.memory_space<vmem>>) offsets(%dma_start3A : memref<512xi32, #tpu.memory_space<vmem>>) semaphore(%arg7 : memref<!tpu.dma_semaphore, #tpu.memory_space<semaphore_mem>>)
      %dma_wait3A = tpu.memref_slice %arg5[%mul3A_12] : memref<8192xi32, #tpu.memory_space<vmem>> -> memref<512xi32, #tpu.memory_space<vmem>>
      %dma_wait3A_16 = arith.constant 0 : i32
      %dma_wait3A_17 = arith.constant 0 : i32
      %dma_wait3A_18 = tpu.memref_slice %arg3[%dma_wait3A_16, %dma_wait3A_17] : memref<8192x128xf32, #tpu.memory_space<hbm>> -> memref<8192x128xf32, #tpu.memory_space<hbm>>
      tpu.wait_indirect_dma semaphore(%arg7 : memref<!tpu.dma_semaphore, #tpu.memory_space<semaphore_mem>>) src(%dma_wait3A_18 : memref<8192x128xf32, #tpu.memory_space<hbm>>) dst(%arg6 : memref<512x128xf32, #tpu.memory_space<vmem>>)
      %mul3A_19 = arith.constant 512 : i32
      %mul3A_20 = arith.muli %scan3A_9, %mul3A_19 : i32
      %add3A_21 = arith.addi %mul3A_2, %mul3A_20 : i32
      "tpu.region"() ({
        %run_scoped3A = tpu.sem_alloc : memref<!tpu.dma_semaphore, #tpu.memory_space<semaphore_mem>>
        %dma_start3A_23 = arith.constant 0 : i32
        %dma_start3A_24 = tpu.memref_slice %arg4[%add3A_21, %dma_start3A_23] : memref<262144x128xf32, #tpu.memory_space<hbm>> -> memref<512x128xf32, #tpu.memory_space<hbm>>
        %dma_start3A_25 = arith.constant 0 : i32
        %dma_start3A_26 = tpu.memref_slice %arg4[%add3A_21, %dma_start3A_25] : memref<262144x128xf32, #tpu.memory_space<hbm>> -> memref<512x128xf32, #tpu.memory_space<hbm>>
        tpu.enqueue_dma source(%arg6 : memref<512x128xf32, #tpu.memory_space<vmem>>) target(%dma_start3A_26 : memref<512x128xf32, #tpu.memory_space<hbm>>) target_semaphore(%run_scoped3A : memref<!tpu.dma_semaphore, #tpu.memory_space<semaphore_mem>>)
        %dma_wait3A_27 = arith.constant 0 : i32
        %dma_wait3A_28 = tpu.memref_slice %arg4[%add3A_21, %dma_wait3A_27] : memref<262144x128xf32, #tpu.memory_space<hbm>> -> memref<512x128xf32, #tpu.memory_space<hbm>>
        %dma_wait3A_29 = arith.constant 0 : i32
        %dma_wait3A_30 = tpu.memref_slice %arg4[%add3A_21, %dma_wait3A_29] : memref<262144x128xf32, #tpu.memory_space<hbm>> -> memref<512x128xf32, #tpu.memory_space<hbm>>
        tpu.wait_dma2 semaphore(%run_scoped3A : memref<!tpu.dma_semaphore, #tpu.memory_space<semaphore_mem>>) src(%arg6 : memref<512x128xf32, #tpu.memory_space<vmem>>) dst(%dma_wait3A_30 : memref<512x128xf32, #tpu.memory_space<hbm>>)
        tpu.yield
      }) : () -> ()
      %scan3A_22 = arith.constant 0 : i32
      scf.yield %scan3A_22 : i32
    }
    %scan3A_8 = arith.constant 16 : i32
    return
  }
}

#map = affine_map<(d0, d1) -> (0)>
#map1 = affine_map<(d0, d1) -> (0, 0)>
module attributes {stable_mosaic.version = 14 : i64} {
  func.func @gk(%arg0: i32, %arg1: i32, %arg2: memref<262144xi32, #tpu.memory_space<hbm>>, %arg3: memref<8192x128xf32, #tpu.memory_space<hbm>>, %arg4: memref<262144x128xf32, #tpu.memory_space<hbm>>, %arg5: memref<8192xi32, #tpu.memory_space<vmem>>, %arg6: memref<512x128xf32, #tpu.memory_space<vmem>>, %arg7: memref<!tpu.dma_semaphore, #tpu.memory_space<semaphore_mem>>) attributes {dimension_semantics = [#tpu.dimension_semantics<core_parallel>, #tpu.dimension_semantics<subcore_parallel>], iteration_bounds = array<i64: 2, 16>, scalar_prefetch = 0 : i64, scratch_operands = 3 : i64, tpu.core_type = #tpu.core_type<sc_vector_subcore>, window_params = [{transform_indices = #map}, {transform_indices = #map1}, {transform_indices = #map1}]} {
    %mul3A = arith.constant 2 : i32
    %mul3A_0 = arith.muli %arg1, %mul3A : i32
    %add3A = arith.addi %mul3A_0, %arg0 : i32
    %mul3A_1 = arith.constant 8192 : i32
    %mul3A_2 = arith.muli %add3A, %mul3A_1 : i32
    "tpu.region"() ({
      %run_scoped3A = tpu.sem_alloc : memref<!tpu.dma_semaphore, #tpu.memory_space<semaphore_mem>>
      %dma_start3A = tpu.memref_slice %arg2[%mul3A_2] : memref<262144xi32, #tpu.memory_space<hbm>> -> memref<8192xi32, #tpu.memory_space<hbm>>
      %dma_start3A_9 = tpu.memref_slice %arg2[%mul3A_2] : memref<262144xi32, #tpu.memory_space<hbm>> -> memref<8192xi32, #tpu.memory_space<hbm>>
      tpu.enqueue_dma source(%dma_start3A_9 : memref<8192xi32, #tpu.memory_space<hbm>>) target(%arg5 : memref<8192xi32, #tpu.memory_space<vmem>>) target_semaphore(%run_scoped3A : memref<!tpu.dma_semaphore, #tpu.memory_space<semaphore_mem>>)
      %dma_wait3A = tpu.memref_slice %arg2[%mul3A_2] : memref<262144xi32, #tpu.memory_space<hbm>> -> memref<8192xi32, #tpu.memory_space<hbm>>
      %dma_wait3A_10 = tpu.memref_slice %arg2[%mul3A_2] : memref<262144xi32, #tpu.memory_space<hbm>> -> memref<8192xi32, #tpu.memory_space<hbm>>
      tpu.wait_dma2 semaphore(%run_scoped3A : memref<!tpu.dma_semaphore, #tpu.memory_space<semaphore_mem>>) src(%dma_wait3A_10 : memref<8192xi32, #tpu.memory_space<hbm>>) dst(%arg5 : memref<8192xi32, #tpu.memory_space<vmem>>)
      tpu.yield
    }) : () -> ()
    %scan3A = arith.constant 0 : i32
    %scan3A_3 = arith.constant 0 : i32
    %scan3A_4 = arith.constant 16 : i32
    %scan3A_5 = arith.addi %scan3A_3, %scan3A_4 : i32
    %scan3A_6 = arith.constant 1 : i32
    %scan3A_7 = scf.for %scan3A_9 = %scan3A_3 to %scan3A_5 step %scan3A_6 iter_args(%scan3A_10 = %scan3A) -> (i32)  : i32 {
      %mul3A_11 = arith.constant 512 : i32
      %mul3A_12 = arith.muli %scan3A_9, %mul3A_11 : i32
      %dma_start3A = tpu.memref_slice %arg5[%mul3A_12] : memref<8192xi32, #tpu.memory_space<vmem>> -> memref<512xi32, #tpu.memory_space<vmem>>
      %dma_start3A_13 = arith.constant 0 : i32
      %dma_start3A_14 = arith.constant 0 : i32
      %dma_start3A_15 = tpu.memref_slice %arg3[%dma_start3A_13, %dma_start3A_14] : memref<8192x128xf32, #tpu.memory_space<hbm>> -> memref<8192x128xf32, #tpu.memory_space<hbm>>
      tpu.enqueue_indirect_dma source(%dma_start3A_15 : memref<8192x128xf32, #tpu.memory_space<hbm>>) target(%arg6 : memref<512x128xf32, #tpu.memory_space<vmem>>) offsets(%dma_start3A : memref<512xi32, #tpu.memory_space<vmem>>) semaphore(%arg7 : memref<!tpu.dma_semaphore, #tpu.memory_space<semaphore_mem>>)
      %dma_wait3A = tpu.memref_slice %arg5[%mul3A_12] : memref<8192xi32, #tpu.memory_space<vmem>> -> memref<512xi32, #tpu.memory_space<vmem>>
      %dma_wait3A_16 = arith.constant 0 : i32
      %dma_wait3A_17 = arith.constant 0 : i32
      %dma_wait3A_18 = tpu.memref_slice %arg3[%dma_wait3A_16, %dma_wait3A_17] : memref<8192x128xf32, #tpu.memory_space<hbm>> -> memref<8192x128xf32, #tpu.memory_space<hbm>>
      tpu.wait_indirect_dma semaphore(%arg7 : memref<!tpu.dma_semaphore, #tpu.memory_space<semaphore_mem>>) src(%dma_wait3A_18 : memref<8192x128xf32, #tpu.memory_space<hbm>>) dst(%arg6 : memref<512x128xf32, #tpu.memory_space<vmem>>)
      %mul3A_19 = arith.constant 512 : i32
      %mul3A_20 = arith.muli %scan3A_9, %mul3A_19 : i32
      %add3A_21 = arith.addi %mul3A_2, %mul3A_20 : i32
      "tpu.region"() ({
        %run_scoped3A = tpu.sem_alloc : memref<!tpu.dma_semaphore, #tpu.memory_space<semaphore_mem>>
        %dma_start3A_23 = arith.constant 0 : i32
        %dma_start3A_24 = tpu.memref_slice %arg4[%add3A_21, %dma_start3A_23] : memref<262144x128xf32, #tpu.memory_space<hbm>> -> memref<512x128xf32, #tpu.memory_space<hbm>>
        %dma_start3A_25 = arith.constant 0 : i32
        %dma_start3A_26 = tpu.memref_slice %arg4[%add3A_21, %dma_start3A_25] : memref<262144x128xf32, #tpu.memory_space<hbm>> -> memref<512x128xf32, #tpu.memory_space<hbm>>
        tpu.enqueue_dma source(%arg6 : memref<512x128xf32, #tpu.memory_space<vmem>>) target(%dma_start3A_26 : memref<512x128xf32, #tpu.memory_space<hbm>>) target_semaphore(%run_scoped3A : memref<!tpu.dma_semaphore, #tpu.memory_space<semaphore_mem>>)
        %dma_wait3A_27 = arith.constant 0 : i32
        %dma_wait3A_28 = tpu.memref_slice %arg4[%add3A_21, %dma_wait3A_27] : memref<262144x128xf32, #tpu.memory_space<hbm>> -> memref<512x128xf32, #tpu.memory_space<hbm>>
        %dma_wait3A_29 = arith.constant 0 : i32
        %dma_wait3A_30 = tpu.memref_slice %arg4[%add3A_21, %dma_wait3A_29] : memref<262144x128xf32, #tpu.memory_space<hbm>> -> memref<512x128xf32, #tpu.memory_space<hbm>>
        tpu.wait_dma2 semaphore(%run_scoped3A : memref<!tpu.dma_semaphore, #tpu.memory_space<semaphore_mem>>) src(%arg6 : memref<512x128xf32, #tpu.memory_space<vmem>>) dst(%dma_wait3A_30 : memref<512x128xf32, #tpu.memory_space<hbm>>)
        tpu.yield
      }) : () -> ()
      %scan3A_22 = arith.constant 0 : i32
      scf.yield %scan3A_22 : i32
    }
    %scan3A_8 = arith.constant 16 : i32
    return
  }
}

#map = affine_map<(d0, d1) -> (0)>
#map1 = affine_map<(d0, d1) -> (0, 0)>
module attributes {stable_mosaic.version = 14 : i64} {
  func.func @gk(%arg0: i32, %arg1: i32, %arg2: memref<262144xi32, #tpu.memory_space<hbm>>, %arg3: memref<8192x128xf32, #tpu.memory_space<hbm>>, %arg4: memref<262144x128xf32, #tpu.memory_space<hbm>>, %arg5: memref<8192xi32, #tpu.memory_space<vmem>>, %arg6: memref<512x128xf32, #tpu.memory_space<vmem>>, %arg7: memref<!tpu.dma_semaphore, #tpu.memory_space<semaphore_mem>>) attributes {dimension_semantics = [#tpu.dimension_semantics<core_parallel>, #tpu.dimension_semantics<subcore_parallel>], iteration_bounds = array<i64: 2, 16>, scalar_prefetch = 0 : i64, scratch_operands = 3 : i64, tpu.core_type = #tpu.core_type<sc_vector_subcore>, window_params = [{transform_indices = #map}, {transform_indices = #map1}, {transform_indices = #map1}]} {
    %mul3A = arith.constant 2 : i32
    %mul3A_0 = arith.muli %arg1, %mul3A : i32
    %add3A = arith.addi %mul3A_0, %arg0 : i32
    %mul3A_1 = arith.constant 8192 : i32
    %mul3A_2 = arith.muli %add3A, %mul3A_1 : i32
    "tpu.region"() ({
      %run_scoped3A = tpu.sem_alloc : memref<!tpu.dma_semaphore, #tpu.memory_space<semaphore_mem>>
      %dma_start3A = tpu.memref_slice %arg2[%mul3A_2] : memref<262144xi32, #tpu.memory_space<hbm>> -> memref<8192xi32, #tpu.memory_space<hbm>>
      %dma_start3A_9 = tpu.memref_slice %arg2[%mul3A_2] : memref<262144xi32, #tpu.memory_space<hbm>> -> memref<8192xi32, #tpu.memory_space<hbm>>
      tpu.enqueue_dma source(%dma_start3A_9 : memref<8192xi32, #tpu.memory_space<hbm>>) target(%arg5 : memref<8192xi32, #tpu.memory_space<vmem>>) target_semaphore(%run_scoped3A : memref<!tpu.dma_semaphore, #tpu.memory_space<semaphore_mem>>)
      %dma_wait3A = tpu.memref_slice %arg2[%mul3A_2] : memref<262144xi32, #tpu.memory_space<hbm>> -> memref<8192xi32, #tpu.memory_space<hbm>>
      %dma_wait3A_10 = tpu.memref_slice %arg2[%mul3A_2] : memref<262144xi32, #tpu.memory_space<hbm>> -> memref<8192xi32, #tpu.memory_space<hbm>>
      tpu.wait_dma2 semaphore(%run_scoped3A : memref<!tpu.dma_semaphore, #tpu.memory_space<semaphore_mem>>) src(%dma_wait3A_10 : memref<8192xi32, #tpu.memory_space<hbm>>) dst(%arg5 : memref<8192xi32, #tpu.memory_space<vmem>>)
      tpu.yield
    }) : () -> ()
    %scan3A = arith.constant 0 : i32
    %scan3A_3 = arith.constant 0 : i32
    %scan3A_4 = arith.constant 16 : i32
    %scan3A_5 = arith.addi %scan3A_3, %scan3A_4 : i32
    %scan3A_6 = arith.constant 1 : i32
    %scan3A_7 = scf.for %scan3A_9 = %scan3A_3 to %scan3A_5 step %scan3A_6 iter_args(%scan3A_10 = %scan3A) -> (i32)  : i32 {
      %mul3A_11 = arith.constant 512 : i32
      %mul3A_12 = arith.muli %scan3A_9, %mul3A_11 : i32
      %dma_start3A = tpu.memref_slice %arg5[%mul3A_12] : memref<8192xi32, #tpu.memory_space<vmem>> -> memref<512xi32, #tpu.memory_space<vmem>>
      %dma_start3A_13 = arith.constant 0 : i32
      %dma_start3A_14 = arith.constant 0 : i32
      %dma_start3A_15 = tpu.memref_slice %arg3[%dma_start3A_13, %dma_start3A_14] : memref<8192x128xf32, #tpu.memory_space<hbm>> -> memref<8192x128xf32, #tpu.memory_space<hbm>>
      tpu.enqueue_indirect_dma source(%dma_start3A_15 : memref<8192x128xf32, #tpu.memory_space<hbm>>) target(%arg6 : memref<512x128xf32, #tpu.memory_space<vmem>>) offsets(%dma_start3A : memref<512xi32, #tpu.memory_space<vmem>>) semaphore(%arg7 : memref<!tpu.dma_semaphore, #tpu.memory_space<semaphore_mem>>)
      %dma_wait3A = tpu.memref_slice %arg5[%mul3A_12] : memref<8192xi32, #tpu.memory_space<vmem>> -> memref<512xi32, #tpu.memory_space<vmem>>
      %dma_wait3A_16 = arith.constant 0 : i32
      %dma_wait3A_17 = arith.constant 0 : i32
      %dma_wait3A_18 = tpu.memref_slice %arg3[%dma_wait3A_16, %dma_wait3A_17] : memref<8192x128xf32, #tpu.memory_space<hbm>> -> memref<8192x128xf32, #tpu.memory_space<hbm>>
      tpu.wait_indirect_dma semaphore(%arg7 : memref<!tpu.dma_semaphore, #tpu.memory_space<semaphore_mem>>) src(%dma_wait3A_18 : memref<8192x128xf32, #tpu.memory_space<hbm>>) dst(%arg6 : memref<512x128xf32, #tpu.memory_space<vmem>>)
      %mul3A_19 = arith.constant 512 : i32
      %mul3A_20 = arith.muli %scan3A_9, %mul3A_19 : i32
      %add3A_21 = arith.addi %mul3A_2, %mul3A_20 : i32
      "tpu.region"() ({
        %run_scoped3A = tpu.sem_alloc : memref<!tpu.dma_semaphore, #tpu.memory_space<semaphore_mem>>
        %dma_start3A_23 = arith.constant 0 : i32
        %dma_start3A_24 = tpu.memref_slice %arg4[%add3A_21, %dma_start3A_23] : memref<262144x128xf32, #tpu.memory_space<hbm>> -> memref<512x128xf32, #tpu.memory_space<hbm>>
        %dma_start3A_25 = arith.constant 0 : i32
        %dma_start3A_26 = tpu.memref_slice %arg4[%add3A_21, %dma_start3A_25] : memref<262144x128xf32, #tpu.memory_space<hbm>> -> memref<512x128xf32, #tpu.memory_space<hbm>>
        tpu.enqueue_dma source(%arg6 : memref<512x128xf32, #tpu.memory_space<vmem>>) target(%dma_start3A_26 : memref<512x128xf32, #tpu.memory_space<hbm>>) target_semaphore(%run_scoped3A : memref<!tpu.dma_semaphore, #tpu.memory_space<semaphore_mem>>)
        %dma_wait3A_27 = arith.constant 0 : i32
        %dma_wait3A_28 = tpu.memref_slice %arg4[%add3A_21, %dma_wait3A_27] : memref<262144x128xf32, #tpu.memory_space<hbm>> -> memref<512x128xf32, #tpu.memory_space<hbm>>
        %dma_wait3A_29 = arith.constant 0 : i32
        %dma_wait3A_30 = tpu.memref_slice %arg4[%add3A_21, %dma_wait3A_29] : memref<262144x128xf32, #tpu.memory_space<hbm>> -> memref<512x128xf32, #tpu.memory_space<hbm>>
        tpu.wait_dma2 semaphore(%run_scoped3A : memref<!tpu.dma_semaphore, #tpu.memory_space<semaphore_mem>>) src(%arg6 : memref<512x128xf32, #tpu.memory_space<vmem>>) dst(%dma_wait3A_30 : memref<512x128xf32, #tpu.memory_space<hbm>>)
        tpu.yield
      }) : () -> ()
      %scan3A_22 = arith.constant 0 : i32
      scf.yield %scan3A_22 : i32
    }
    %scan3A_8 = arith.constant 16 : i32
    return
  }
}

#map = affine_map<(d0, d1) -> (0)>
#map1 = affine_map<(d0, d1) -> (0, 0)>
module attributes {stable_mosaic.version = 14 : i64} {
  func.func @gk(%arg0: i32, %arg1: i32, %arg2: memref<262144xi32, #tpu.memory_space<hbm>>, %arg3: memref<8192x128xf32, #tpu.memory_space<hbm>>, %arg4: memref<262144x128xf32, #tpu.memory_space<hbm>>, %arg5: memref<8192xi32, #tpu.memory_space<vmem>>, %arg6: memref<512x128xf32, #tpu.memory_space<vmem>>, %arg7: memref<!tpu.dma_semaphore, #tpu.memory_space<semaphore_mem>>) attributes {dimension_semantics = [#tpu.dimension_semantics<core_parallel>, #tpu.dimension_semantics<subcore_parallel>], iteration_bounds = array<i64: 2, 16>, scalar_prefetch = 0 : i64, scratch_operands = 3 : i64, tpu.core_type = #tpu.core_type<sc_vector_subcore>, window_params = [{transform_indices = #map}, {transform_indices = #map1}, {transform_indices = #map1}]} {
    %mul3A = arith.constant 2 : i32
    %mul3A_0 = arith.muli %arg1, %mul3A : i32
    %add3A = arith.addi %mul3A_0, %arg0 : i32
    %mul3A_1 = arith.constant 8192 : i32
    %mul3A_2 = arith.muli %add3A, %mul3A_1 : i32
    "tpu.region"() ({
      %run_scoped3A = tpu.sem_alloc : memref<!tpu.dma_semaphore, #tpu.memory_space<semaphore_mem>>
      %dma_start3A = tpu.memref_slice %arg2[%mul3A_2] : memref<262144xi32, #tpu.memory_space<hbm>> -> memref<8192xi32, #tpu.memory_space<hbm>>
      %dma_start3A_9 = tpu.memref_slice %arg2[%mul3A_2] : memref<262144xi32, #tpu.memory_space<hbm>> -> memref<8192xi32, #tpu.memory_space<hbm>>
      tpu.enqueue_dma source(%dma_start3A_9 : memref<8192xi32, #tpu.memory_space<hbm>>) target(%arg5 : memref<8192xi32, #tpu.memory_space<vmem>>) target_semaphore(%run_scoped3A : memref<!tpu.dma_semaphore, #tpu.memory_space<semaphore_mem>>)
      %dma_wait3A = tpu.memref_slice %arg2[%mul3A_2] : memref<262144xi32, #tpu.memory_space<hbm>> -> memref<8192xi32, #tpu.memory_space<hbm>>
      %dma_wait3A_10 = tpu.memref_slice %arg2[%mul3A_2] : memref<262144xi32, #tpu.memory_space<hbm>> -> memref<8192xi32, #tpu.memory_space<hbm>>
      tpu.wait_dma2 semaphore(%run_scoped3A : memref<!tpu.dma_semaphore, #tpu.memory_space<semaphore_mem>>) src(%dma_wait3A_10 : memref<8192xi32, #tpu.memory_space<hbm>>) dst(%arg5 : memref<8192xi32, #tpu.memory_space<vmem>>)
      tpu.yield
    }) : () -> ()
    %scan3A = arith.constant 0 : i32
    %scan3A_3 = arith.constant 0 : i32
    %scan3A_4 = arith.constant 16 : i32
    %scan3A_5 = arith.addi %scan3A_3, %scan3A_4 : i32
    %scan3A_6 = arith.constant 1 : i32
    %scan3A_7 = scf.for %scan3A_9 = %scan3A_3 to %scan3A_5 step %scan3A_6 iter_args(%scan3A_10 = %scan3A) -> (i32)  : i32 {
      %mul3A_11 = arith.constant 512 : i32
      %mul3A_12 = arith.muli %scan3A_9, %mul3A_11 : i32
      %dma_start3A = tpu.memref_slice %arg5[%mul3A_12] : memref<8192xi32, #tpu.memory_space<vmem>> -> memref<512xi32, #tpu.memory_space<vmem>>
      %dma_start3A_13 = arith.constant 0 : i32
      %dma_start3A_14 = arith.constant 0 : i32
      %dma_start3A_15 = tpu.memref_slice %arg3[%dma_start3A_13, %dma_start3A_14] : memref<8192x128xf32, #tpu.memory_space<hbm>> -> memref<8192x128xf32, #tpu.memory_space<hbm>>
      tpu.enqueue_indirect_dma source(%dma_start3A_15 : memref<8192x128xf32, #tpu.memory_space<hbm>>) target(%arg6 : memref<512x128xf32, #tpu.memory_space<vmem>>) offsets(%dma_start3A : memref<512xi32, #tpu.memory_space<vmem>>) semaphore(%arg7 : memref<!tpu.dma_semaphore, #tpu.memory_space<semaphore_mem>>)
      %dma_wait3A = tpu.memref_slice %arg5[%mul3A_12] : memref<8192xi32, #tpu.memory_space<vmem>> -> memref<512xi32, #tpu.memory_space<vmem>>
      %dma_wait3A_16 = arith.constant 0 : i32
      %dma_wait3A_17 = arith.constant 0 : i32
      %dma_wait3A_18 = tpu.memref_slice %arg3[%dma_wait3A_16, %dma_wait3A_17] : memref<8192x128xf32, #tpu.memory_space<hbm>> -> memref<8192x128xf32, #tpu.memory_space<hbm>>
      tpu.wait_indirect_dma semaphore(%arg7 : memref<!tpu.dma_semaphore, #tpu.memory_space<semaphore_mem>>) src(%dma_wait3A_18 : memref<8192x128xf32, #tpu.memory_space<hbm>>) dst(%arg6 : memref<512x128xf32, #tpu.memory_space<vmem>>)
      %mul3A_19 = arith.constant 512 : i32
      %mul3A_20 = arith.muli %scan3A_9, %mul3A_19 : i32
      %add3A_21 = arith.addi %mul3A_2, %mul3A_20 : i32
      "tpu.region"() ({
        %run_scoped3A = tpu.sem_alloc : memref<!tpu.dma_semaphore, #tpu.memory_space<semaphore_mem>>
        %dma_start3A_23 = arith.constant 0 : i32
        %dma_start3A_24 = tpu.memref_slice %arg4[%add3A_21, %dma_start3A_23] : memref<262144x128xf32, #tpu.memory_space<hbm>> -> memref<512x128xf32, #tpu.memory_space<hbm>>
        %dma_start3A_25 = arith.constant 0 : i32
        %dma_start3A_26 = tpu.memref_slice %arg4[%add3A_21, %dma_start3A_25] : memref<262144x128xf32, #tpu.memory_space<hbm>> -> memref<512x128xf32, #tpu.memory_space<hbm>>
        tpu.enqueue_dma source(%arg6 : memref<512x128xf32, #tpu.memory_space<vmem>>) target(%dma_start3A_26 : memref<512x128xf32, #tpu.memory_space<hbm>>) target_semaphore(%run_scoped3A : memref<!tpu.dma_semaphore, #tpu.memory_space<semaphore_mem>>)
        %dma_wait3A_27 = arith.constant 0 : i32
        %dma_wait3A_28 = tpu.memref_slice %arg4[%add3A_21, %dma_wait3A_27] : memref<262144x128xf32, #tpu.memory_space<hbm>> -> memref<512x128xf32, #tpu.memory_space<hbm>>
        %dma_wait3A_29 = arith.constant 0 : i32
        %dma_wait3A_30 = tpu.memref_slice %arg4[%add3A_21, %dma_wait3A_29] : memref<262144x128xf32, #tpu.memory_space<hbm>> -> memref<512x128xf32, #tpu.memory_space<hbm>>
        tpu.wait_dma2 semaphore(%run_scoped3A : memref<!tpu.dma_semaphore, #tpu.memory_space<semaphore_mem>>) src(%arg6 : memref<512x128xf32, #tpu.memory_space<vmem>>) dst(%dma_wait3A_30 : memref<512x128xf32, #tpu.memory_space<hbm>>)
        tpu.yield
      }) : () -> ()
      %scan3A_22 = arith.constant 0 : i32
      scf.yield %scan3A_22 : i32
    }
    %scan3A_8 = arith.constant 16 : i32
    return
  }
}

#map = affine_map<(d0, d1) -> (0)>
#map1 = affine_map<(d0, d1) -> (0, 0)>
module attributes {stable_mosaic.version = 14 : i64} {
  func.func @gk(%arg0: i32, %arg1: i32, %arg2: memref<262144xi32, #tpu.memory_space<hbm>>, %arg3: memref<8192x128xf32, #tpu.memory_space<hbm>>, %arg4: memref<262144x128xf32, #tpu.memory_space<hbm>>, %arg5: memref<8192xi32, #tpu.memory_space<vmem>>, %arg6: memref<512x128xf32, #tpu.memory_space<vmem>>, %arg7: memref<!tpu.dma_semaphore, #tpu.memory_space<semaphore_mem>>) attributes {dimension_semantics = [#tpu.dimension_semantics<core_parallel>, #tpu.dimension_semantics<subcore_parallel>], iteration_bounds = array<i64: 2, 16>, scalar_prefetch = 0 : i64, scratch_operands = 3 : i64, tpu.core_type = #tpu.core_type<sc_vector_subcore>, window_params = [{transform_indices = #map}, {transform_indices = #map1}, {transform_indices = #map1}]} {
    %mul3A = arith.constant 2 : i32
    %mul3A_0 = arith.muli %arg1, %mul3A : i32
    %add3A = arith.addi %mul3A_0, %arg0 : i32
    %mul3A_1 = arith.constant 8192 : i32
    %mul3A_2 = arith.muli %add3A, %mul3A_1 : i32
    "tpu.region"() ({
      %run_scoped3A = tpu.sem_alloc : memref<!tpu.dma_semaphore, #tpu.memory_space<semaphore_mem>>
      %dma_start3A = tpu.memref_slice %arg2[%mul3A_2] : memref<262144xi32, #tpu.memory_space<hbm>> -> memref<8192xi32, #tpu.memory_space<hbm>>
      %dma_start3A_9 = tpu.memref_slice %arg2[%mul3A_2] : memref<262144xi32, #tpu.memory_space<hbm>> -> memref<8192xi32, #tpu.memory_space<hbm>>
      tpu.enqueue_dma source(%dma_start3A_9 : memref<8192xi32, #tpu.memory_space<hbm>>) target(%arg5 : memref<8192xi32, #tpu.memory_space<vmem>>) target_semaphore(%run_scoped3A : memref<!tpu.dma_semaphore, #tpu.memory_space<semaphore_mem>>)
      %dma_wait3A = tpu.memref_slice %arg2[%mul3A_2] : memref<262144xi32, #tpu.memory_space<hbm>> -> memref<8192xi32, #tpu.memory_space<hbm>>
      %dma_wait3A_10 = tpu.memref_slice %arg2[%mul3A_2] : memref<262144xi32, #tpu.memory_space<hbm>> -> memref<8192xi32, #tpu.memory_space<hbm>>
      tpu.wait_dma2 semaphore(%run_scoped3A : memref<!tpu.dma_semaphore, #tpu.memory_space<semaphore_mem>>) src(%dma_wait3A_10 : memref<8192xi32, #tpu.memory_space<hbm>>) dst(%arg5 : memref<8192xi32, #tpu.memory_space<vmem>>)
      tpu.yield
    }) : () -> ()
    %scan3A = arith.constant 0 : i32
    %scan3A_3 = arith.constant 0 : i32
    %scan3A_4 = arith.constant 16 : i32
    %scan3A_5 = arith.addi %scan3A_3, %scan3A_4 : i32
    %scan3A_6 = arith.constant 1 : i32
    %scan3A_7 = scf.for %scan3A_9 = %scan3A_3 to %scan3A_5 step %scan3A_6 iter_args(%scan3A_10 = %scan3A) -> (i32)  : i32 {
      %mul3A_11 = arith.constant 512 : i32
      %mul3A_12 = arith.muli %scan3A_9, %mul3A_11 : i32
      %dma_start3A = tpu.memref_slice %arg5[%mul3A_12] : memref<8192xi32, #tpu.memory_space<vmem>> -> memref<512xi32, #tpu.memory_space<vmem>>
      %dma_start3A_13 = arith.constant 0 : i32
      %dma_start3A_14 = arith.constant 0 : i32
      %dma_start3A_15 = tpu.memref_slice %arg3[%dma_start3A_13, %dma_start3A_14] : memref<8192x128xf32, #tpu.memory_space<hbm>> -> memref<8192x128xf32, #tpu.memory_space<hbm>>
      tpu.enqueue_indirect_dma source(%dma_start3A_15 : memref<8192x128xf32, #tpu.memory_space<hbm>>) target(%arg6 : memref<512x128xf32, #tpu.memory_space<vmem>>) offsets(%dma_start3A : memref<512xi32, #tpu.memory_space<vmem>>) semaphore(%arg7 : memref<!tpu.dma_semaphore, #tpu.memory_space<semaphore_mem>>)
      %dma_wait3A = tpu.memref_slice %arg5[%mul3A_12] : memref<8192xi32, #tpu.memory_space<vmem>> -> memref<512xi32, #tpu.memory_space<vmem>>
      %dma_wait3A_16 = arith.constant 0 : i32
      %dma_wait3A_17 = arith.constant 0 : i32
      %dma_wait3A_18 = tpu.memref_slice %arg3[%dma_wait3A_16, %dma_wait3A_17] : memref<8192x128xf32, #tpu.memory_space<hbm>> -> memref<8192x128xf32, #tpu.memory_space<hbm>>
      tpu.wait_indirect_dma semaphore(%arg7 : memref<!tpu.dma_semaphore, #tpu.memory_space<semaphore_mem>>) src(%dma_wait3A_18 : memref<8192x128xf32, #tpu.memory_space<hbm>>) dst(%arg6 : memref<512x128xf32, #tpu.memory_space<vmem>>)
      %mul3A_19 = arith.constant 512 : i32
      %mul3A_20 = arith.muli %scan3A_9, %mul3A_19 : i32
      %add3A_21 = arith.addi %mul3A_2, %mul3A_20 : i32
      "tpu.region"() ({
        %run_scoped3A = tpu.sem_alloc : memref<!tpu.dma_semaphore, #tpu.memory_space<semaphore_mem>>
        %dma_start3A_23 = arith.constant 0 : i32
        %dma_start3A_24 = tpu.memref_slice %arg4[%add3A_21, %dma_start3A_23] : memref<262144x128xf32, #tpu.memory_space<hbm>> -> memref<512x128xf32, #tpu.memory_space<hbm>>
        %dma_start3A_25 = arith.constant 0 : i32
        %dma_start3A_26 = tpu.memref_slice %arg4[%add3A_21, %dma_start3A_25] : memref<262144x128xf32, #tpu.memory_space<hbm>> -> memref<512x128xf32, #tpu.memory_space<hbm>>
        tpu.enqueue_dma source(%arg6 : memref<512x128xf32, #tpu.memory_space<vmem>>) target(%dma_start3A_26 : memref<512x128xf32, #tpu.memory_space<hbm>>) target_semaphore(%run_scoped3A : memref<!tpu.dma_semaphore, #tpu.memory_space<semaphore_mem>>)
        %dma_wait3A_27 = arith.constant 0 : i32
        %dma_wait3A_28 = tpu.memref_slice %arg4[%add3A_21, %dma_wait3A_27] : memref<262144x128xf32, #tpu.memory_space<hbm>> -> memref<512x128xf32, #tpu.memory_space<hbm>>
        %dma_wait3A_29 = arith.constant 0 : i32
        %dma_wait3A_30 = tpu.memref_slice %arg4[%add3A_21, %dma_wait3A_29] : memref<262144x128xf32, #tpu.memory_space<hbm>> -> memref<512x128xf32, #tpu.memory_space<hbm>>
        tpu.wait_dma2 semaphore(%run_scoped3A : memref<!tpu.dma_semaphore, #tpu.memory_space<semaphore_mem>>) src(%arg6 : memref<512x128xf32, #tpu.memory_space<vmem>>) dst(%dma_wait3A_30 : memref<512x128xf32, #tpu.memory_space<hbm>>)
        tpu.yield
      }) : () -> ()
      %scan3A_22 = arith.constant 0 : i32
      scf.yield %scan3A_22 : i32
    }
    %scan3A_8 = arith.constant 16 : i32
    return
  }
}

#map = affine_map<(d0, d1) -> (0)>
#map1 = affine_map<(d0, d1) -> (0, 0)>
module attributes {stable_mosaic.version = 14 : i64} {
  func.func @gk(%arg0: i32, %arg1: i32, %arg2: memref<262144xi32, #tpu.memory_space<hbm>>, %arg3: memref<8192x128xf32, #tpu.memory_space<hbm>>, %arg4: memref<262144x128xf32, #tpu.memory_space<hbm>>, %arg5: memref<8192xi32, #tpu.memory_space<vmem>>, %arg6: memref<512x128xf32, #tpu.memory_space<vmem>>, %arg7: memref<!tpu.dma_semaphore, #tpu.memory_space<semaphore_mem>>) attributes {dimension_semantics = [#tpu.dimension_semantics<core_parallel>, #tpu.dimension_semantics<subcore_parallel>], iteration_bounds = array<i64: 2, 16>, scalar_prefetch = 0 : i64, scratch_operands = 3 : i64, tpu.core_type = #tpu.core_type<sc_vector_subcore>, window_params = [{transform_indices = #map}, {transform_indices = #map1}, {transform_indices = #map1}]} {
    %mul3A = arith.constant 2 : i32
    %mul3A_0 = arith.muli %arg1, %mul3A : i32
    %add3A = arith.addi %mul3A_0, %arg0 : i32
    %mul3A_1 = arith.constant 8192 : i32
    %mul3A_2 = arith.muli %add3A, %mul3A_1 : i32
    "tpu.region"() ({
      %run_scoped3A = tpu.sem_alloc : memref<!tpu.dma_semaphore, #tpu.memory_space<semaphore_mem>>
      %dma_start3A = tpu.memref_slice %arg2[%mul3A_2] : memref<262144xi32, #tpu.memory_space<hbm>> -> memref<8192xi32, #tpu.memory_space<hbm>>
      %dma_start3A_9 = tpu.memref_slice %arg2[%mul3A_2] : memref<262144xi32, #tpu.memory_space<hbm>> -> memref<8192xi32, #tpu.memory_space<hbm>>
      tpu.enqueue_dma source(%dma_start3A_9 : memref<8192xi32, #tpu.memory_space<hbm>>) target(%arg5 : memref<8192xi32, #tpu.memory_space<vmem>>) target_semaphore(%run_scoped3A : memref<!tpu.dma_semaphore, #tpu.memory_space<semaphore_mem>>)
      %dma_wait3A = tpu.memref_slice %arg2[%mul3A_2] : memref<262144xi32, #tpu.memory_space<hbm>> -> memref<8192xi32, #tpu.memory_space<hbm>>
      %dma_wait3A_10 = tpu.memref_slice %arg2[%mul3A_2] : memref<262144xi32, #tpu.memory_space<hbm>> -> memref<8192xi32, #tpu.memory_space<hbm>>
      tpu.wait_dma2 semaphore(%run_scoped3A : memref<!tpu.dma_semaphore, #tpu.memory_space<semaphore_mem>>) src(%dma_wait3A_10 : memref<8192xi32, #tpu.memory_space<hbm>>) dst(%arg5 : memref<8192xi32, #tpu.memory_space<vmem>>)
      tpu.yield
    }) : () -> ()
    %scan3A = arith.constant 0 : i32
    %scan3A_3 = arith.constant 0 : i32
    %scan3A_4 = arith.constant 16 : i32
    %scan3A_5 = arith.addi %scan3A_3, %scan3A_4 : i32
    %scan3A_6 = arith.constant 1 : i32
    %scan3A_7 = scf.for %scan3A_9 = %scan3A_3 to %scan3A_5 step %scan3A_6 iter_args(%scan3A_10 = %scan3A) -> (i32)  : i32 {
      %mul3A_11 = arith.constant 512 : i32
      %mul3A_12 = arith.muli %scan3A_9, %mul3A_11 : i32
      %dma_start3A = tpu.memref_slice %arg5[%mul3A_12] : memref<8192xi32, #tpu.memory_space<vmem>> -> memref<512xi32, #tpu.memory_space<vmem>>
      %dma_start3A_13 = arith.constant 0 : i32
      %dma_start3A_14 = arith.constant 0 : i32
      %dma_start3A_15 = tpu.memref_slice %arg3[%dma_start3A_13, %dma_start3A_14] : memref<8192x128xf32, #tpu.memory_space<hbm>> -> memref<8192x128xf32, #tpu.memory_space<hbm>>
      tpu.enqueue_indirect_dma source(%dma_start3A_15 : memref<8192x128xf32, #tpu.memory_space<hbm>>) target(%arg6 : memref<512x128xf32, #tpu.memory_space<vmem>>) offsets(%dma_start3A : memref<512xi32, #tpu.memory_space<vmem>>) semaphore(%arg7 : memref<!tpu.dma_semaphore, #tpu.memory_space<semaphore_mem>>)
      %dma_wait3A = tpu.memref_slice %arg5[%mul3A_12] : memref<8192xi32, #tpu.memory_space<vmem>> -> memref<512xi32, #tpu.memory_space<vmem>>
      %dma_wait3A_16 = arith.constant 0 : i32
      %dma_wait3A_17 = arith.constant 0 : i32
      %dma_wait3A_18 = tpu.memref_slice %arg3[%dma_wait3A_16, %dma_wait3A_17] : memref<8192x128xf32, #tpu.memory_space<hbm>> -> memref<8192x128xf32, #tpu.memory_space<hbm>>
      tpu.wait_indirect_dma semaphore(%arg7 : memref<!tpu.dma_semaphore, #tpu.memory_space<semaphore_mem>>) src(%dma_wait3A_18 : memref<8192x128xf32, #tpu.memory_space<hbm>>) dst(%arg6 : memref<512x128xf32, #tpu.memory_space<vmem>>)
      %mul3A_19 = arith.constant 512 : i32
      %mul3A_20 = arith.muli %scan3A_9, %mul3A_19 : i32
      %add3A_21 = arith.addi %mul3A_2, %mul3A_20 : i32
      "tpu.region"() ({
        %run_scoped3A = tpu.sem_alloc : memref<!tpu.dma_semaphore, #tpu.memory_space<semaphore_mem>>
        %dma_start3A_23 = arith.constant 0 : i32
        %dma_start3A_24 = tpu.memref_slice %arg4[%add3A_21, %dma_start3A_23] : memref<262144x128xf32, #tpu.memory_space<hbm>> -> memref<512x128xf32, #tpu.memory_space<hbm>>
        %dma_start3A_25 = arith.constant 0 : i32
        %dma_start3A_26 = tpu.memref_slice %arg4[%add3A_21, %dma_start3A_25] : memref<262144x128xf32, #tpu.memory_space<hbm>> -> memref<512x128xf32, #tpu.memory_space<hbm>>
        tpu.enqueue_dma source(%arg6 : memref<512x128xf32, #tpu.memory_space<vmem>>) target(%dma_start3A_26 : memref<512x128xf32, #tpu.memory_space<hbm>>) target_semaphore(%run_scoped3A : memref<!tpu.dma_semaphore, #tpu.memory_space<semaphore_mem>>)
        %dma_wait3A_27 = arith.constant 0 : i32
        %dma_wait3A_28 = tpu.memref_slice %arg4[%add3A_21, %dma_wait3A_27] : memref<262144x128xf32, #tpu.memory_space<hbm>> -> memref<512x128xf32, #tpu.memory_space<hbm>>
        %dma_wait3A_29 = arith.constant 0 : i32
        %dma_wait3A_30 = tpu.memref_slice %arg4[%add3A_21, %dma_wait3A_29] : memref<262144x128xf32, #tpu.memory_space<hbm>> -> memref<512x128xf32, #tpu.memory_space<hbm>>
        tpu.wait_dma2 semaphore(%run_scoped3A : memref<!tpu.dma_semaphore, #tpu.memory_space<semaphore_mem>>) src(%arg6 : memref<512x128xf32, #tpu.memory_space<vmem>>) dst(%dma_wait3A_30 : memref<512x128xf32, #tpu.memory_space<hbm>>)
        tpu.yield
      }) : () -> ()
      %scan3A_22 = arith.constant 0 : i32
      scf.yield %scan3A_22 : i32
    }
    %scan3A_8 = arith.constant 16 : i32
    return
  }
}

module attributes {stable_mosaic.version = 14 : i64} {
  func.func @_knn_body(%arg0: i32, %arg1: i32, %arg2: i32, %arg3: memref<1x3x128xf32, #tpu.memory_space<vmem>>, %arg4: memref<1x4096x4xf32, #tpu.memory_space<vmem>>, %arg5: memref<1x32x128xi32, #tpu.memory_space<vmem>>, %arg6: memref<4096x128xf32, #tpu.memory_space<vmem>>, %arg7: memref<32x128xi32, #tpu.memory_space<vmem>>, %arg8: memref<1x128xi32, #tpu.memory_space<vmem>>) attributes {dimension_semantics = [#tpu.dimension_semantics<arbitrary>, #tpu.dimension_semantics<arbitrary>, #tpu.dimension_semantics<arbitrary>], iteration_bounds = array<i64: 2, 32, 32>, scalar_prefetch = 0 : i64, scratch_operands = 3 : i64, tpu.core_type = #tpu.core_type<tc>, window_params = [{transform_indices = @transform_0, window_bounds = array<i64: 1, 3, 128>}, {transform_indices = @transform_1, window_bounds = array<i64: 1, 4096, 4>}, {transform_indices = @transform_2, window_bounds = array<i64: 1, 32, 128>}]} {
    %eq3A = arith.constant 0 : i32
    %eq3A_0 = arith.cmpi eq, %arg2, %eq3A : i32
    %convert_element_type3A = arith.extui %eq3A_0 : i1 to i32
    %cond3A = arith.constant 0 : i32
    %cond3A_1 = arith.cmpi ne, %convert_element_type3A, %cond3A : i32
    scf.if %cond3A_1 {
      %get3A_23 = arith.constant 0 : index
      %get3A_24 = arith.constant 0 : index
      %get3A_25 = arith.constant 0 : index
      %get3A_26 = vector.load %arg3[%get3A_23, %get3A_24, %get3A_25] : memref<1x3x128xf32, #tpu.memory_space<vmem>>, vector<1x3x128xf32>
      %get3A_27 = vector.shape_cast %get3A_26 : vector<1x3x128xf32> to vector<3x128xf32>
      %scan3A_28 = arith.constant 0 : i32
      %scan3A_29 = arith.constant 8 : i32
      %scan3A_30 = arith.addi %scan3A_28, %scan3A_29 : i32
      %scan3A_31 = arith.constant 2 : i32
      scf.for %scan3A_38 = %scan3A_28 to %scan3A_30 step %scan3A_31  : i32 {
        %mul3A = arith.constant 512 : i32
        %mul3A_39 = arith.muli %scan3A_38, %mul3A : i32
        %get3A_40 = arith.constant 0 : index
        %get3A_41 = arith.index_cast %mul3A_39 : i32 to index
        %get3A_42 = arith.constant 0 : index
        %get3A_43 = vector.load %arg4[%get3A_40, %get3A_41, %get3A_42] : memref<1x4096x4xf32, #tpu.memory_space<vmem>>, vector<1x512x4xf32>
        %get3A_44 = vector.shape_cast %get3A_43 : vector<1x512x4xf32> to vector<512x4xf32>
        %slice3A = vector.extract_strided_slice %get3A_44 {offsets = [0, 0], sizes = [512, 1], strides = [1, 1]} : vector<512x4xf32> to vector<512x1xf32>
        %slice3A_45 = vector.extract_strided_slice %get3A_27 {offsets = [0, 0], sizes = [1, 128], strides = [1, 1]} : vector<3x128xf32> to vector<1x128xf32>
        %mul3A_46 = vector.broadcast %slice3A : vector<512x1xf32> to vector<512x128xf32>
        %mul3A_47 = vector.broadcast %slice3A_45 : vector<1x128xf32> to vector<512x128xf32>
        %mul3A_48 = arith.mulf %mul3A_46, %mul3A_47 : vector<512x128xf32>
        %slice3A_49 = vector.extract_strided_slice %get3A_44 {offsets = [0, 1], sizes = [512, 1], strides = [1, 1]} : vector<512x4xf32> to vector<512x1xf32>
        %slice3A_50 = vector.extract_strided_slice %get3A_27 {offsets = [1, 0], sizes = [1, 128], strides = [1, 1]} : vector<3x128xf32> to vector<1x128xf32>
        %mul3A_51 = vector.broadcast %slice3A_49 : vector<512x1xf32> to vector<512x128xf32>
        %mul3A_52 = vector.broadcast %slice3A_50 : vector<1x128xf32> to vector<512x128xf32>
        %mul3A_53 = arith.mulf %mul3A_51, %mul3A_52 : vector<512x128xf32>
        %add3A = arith.addf %mul3A_48, %mul3A_53 : vector<512x128xf32>
        %slice3A_54 = vector.extract_strided_slice %get3A_44 {offsets = [0, 2], sizes = [512, 1], strides = [1, 1]} : vector<512x4xf32> to vector<512x1xf32>
        %slice3A_55 = vector.extract_strided_slice %get3A_27 {offsets = [2, 0], sizes = [1, 128], strides = [1, 1]} : vector<3x128xf32> to vector<1x128xf32>
        %mul3A_56 = vector.broadcast %slice3A_54 : vector<512x1xf32> to vector<512x128xf32>
        %mul3A_57 = vector.broadcast %slice3A_55 : vector<1x128xf32> to vector<512x128xf32>
        %mul3A_58 = arith.mulf %mul3A_56, %mul3A_57 : vector<512x128xf32>
        %add3A_59 = arith.addf %add3A, %mul3A_58 : vector<512x128xf32>
        %slice3A_60 = vector.extract_strided_slice %get3A_44 {offsets = [0, 3], sizes = [512, 1], strides = [1, 1]} : vector<512x4xf32> to vector<512x1xf32>
        %broadcast_in_dim3A_61 = vector.shape_cast %slice3A_60 : vector<512x1xf32> to vector<512x1xf32>
        %broadcast_in_dim3A_62 = vector.broadcast %broadcast_in_dim3A_61 : vector<512x1xf32> to vector<512x128xf32>
        %add3A_63 = arith.addf %broadcast_in_dim3A_62, %add3A_59 : vector<512x128xf32>
        %mul3A_64 = arith.constant 512 : i32
        %mul3A_65 = arith.muli %scan3A_38, %mul3A_64 : i32
        %swap3A_66 = arith.index_cast %mul3A_65 : i32 to index
        %swap3A_67 = arith.constant 0 : index
        %swap3A_68 = vector.load %arg6[%swap3A_66, %swap3A_67] : memref<4096x128xf32, #tpu.memory_space<vmem>>, vector<512x128xf32>
        tpu.vector_store %arg6[%swap3A_66, %swap3A_67], %add3A_63 {strides = array<i32>} : memref<4096x128xf32, #tpu.memory_space<vmem>>, vector<512x128xf32>,
        %scan3A_69 = arith.constant 1 : i32
        %scan3A_70 = arith.addi %scan3A_38, %scan3A_69 : i32
        %mul3A_71 = arith.constant 512 : i32
        %mul3A_72 = arith.muli %scan3A_70, %mul3A_71 : i32
        %get3A_73 = arith.constant 0 : index
        %get3A_74 = arith.index_cast %mul3A_72 : i32 to index
        %get3A_75 = arith.constant 0 : index
        %get3A_76 = vector.load %arg4[%get3A_73, %get3A_74, %get3A_75] : memref<1x4096x4xf32, #tpu.memory_space<vmem>>, vector<1x512x4xf32>
        %get3A_77 = vector.shape_cast %get3A_76 : vector<1x512x4xf32> to vector<512x4xf32>
        %slice3A_78 = vector.extract_strided_slice %get3A_77 {offsets = [0, 0], sizes = [512, 1], strides = [1, 1]} : vector<512x4xf32> to vector<512x1xf32>
        %slice3A_79 = vector.extract_strided_slice %get3A_27 {offsets = [0, 0], sizes = [1, 128], strides = [1, 1]} : vector<3x128xf32> to vector<1x128xf32>
        %mul3A_80 = vector.broadcast %slice3A_78 : vector<512x1xf32> to vector<512x128xf32>
        %mul3A_81 = vector.broadcast %slice3A_79 : vector<1x128xf32> to vector<512x128xf32>
        %mul3A_82 = arith.mulf %mul3A_80, %mul3A_81 : vector<512x128xf32>
        %slice3A_83 = vector.extract_strided_slice %get3A_77 {offsets = [0, 1], sizes = [512, 1], strides = [1, 1]} : vector<512x4xf32> to vector<512x1xf32>
        %slice3A_84 = vector.extract_strided_slice %get3A_27 {offsets = [1, 0], sizes = [1, 128], strides = [1, 1]} : vector<3x128xf32> to vector<1x128xf32>
        %mul3A_85 = vector.broadcast %slice3A_83 : vector<512x1xf32> to vector<512x128xf32>
        %mul3A_86 = vector.broadcast %slice3A_84 : vector<1x128xf32> to vector<512x128xf32>
        %mul3A_87 = arith.mulf %mul3A_85, %mul3A_86 : vector<512x128xf32>
        %add3A_88 = arith.addf %mul3A_82, %mul3A_87 : vector<512x128xf32>
        %slice3A_89 = vector.extract_strided_slice %get3A_77 {offsets = [0, 2], sizes = [512, 1], strides = [1, 1]} : vector<512x4xf32> to vector<512x1xf32>
        %slice3A_90 = vector.extract_strided_slice %get3A_27 {offsets = [2, 0], sizes = [1, 128], strides = [1, 1]} : vector<3x128xf32> to vector<1x128xf32>
        %mul3A_91 = vector.broadcast %slice3A_89 : vector<512x1xf32> to vector<512x128xf32>
        %mul3A_92 = vector.broadcast %slice3A_90 : vector<1x128xf32> to vector<512x128xf32>
        %mul3A_93 = arith.mulf %mul3A_91, %mul3A_92 : vector<512x128xf32>
        %add3A_94 = arith.addf %add3A_88, %mul3A_93 : vector<512x128xf32>
        %slice3A_95 = vector.extract_strided_slice %get3A_77 {offsets = [0, 3], sizes = [512, 1], strides = [1, 1]} : vector<512x4xf32> to vector<512x1xf32>
        %broadcast_in_dim3A_96 = vector.shape_cast %slice3A_95 : vector<512x1xf32> to vector<512x1xf32>
        %broadcast_in_dim3A_97 = vector.broadcast %broadcast_in_dim3A_96 : vector<512x1xf32> to vector<512x128xf32>
        %add3A_98 = arith.addf %broadcast_in_dim3A_97, %add3A_94 : vector<512x128xf32>
        %mul3A_99 = arith.constant 512 : i32
        %mul3A_100 = arith.muli %scan3A_70, %mul3A_99 : i32
        %swap3A_101 = arith.index_cast %mul3A_100 : i32 to index
        %swap3A_102 = arith.constant 0 : index
        %swap3A_103 = vector.load %arg6[%swap3A_101, %swap3A_102] : memref<4096x128xf32, #tpu.memory_space<vmem>>, vector<512x128xf32>
        tpu.vector_store %arg6[%swap3A_101, %swap3A_102], %add3A_98 {strides = array<i32>} : memref<4096x128xf32, #tpu.memory_space<vmem>>, vector<512x128xf32>,
      }
      %scan3A_32 = arith.constant 8 : i32
      %broadcast_in_dim3A_33 = arith.constant -1 : i32
      %broadcast_in_dim3A_34 = vector.broadcast %broadcast_in_dim3A_33 : i32 to vector<1x128xi32>
      %swap3A_35 = arith.constant 0 : index
      %swap3A_36 = arith.constant 0 : index
      %swap3A_37 = vector.load %arg8[%swap3A_35, %swap3A_36] : memref<1x128xi32, #tpu.memory_space<vmem>>, vector<1x128xi32>
      tpu.vector_store %arg8[%swap3A_35, %swap3A_36], %broadcast_in_dim3A_34 {strides = array<i32>} : memref<1x128xi32, #tpu.memory_space<vmem>>, vector<1x128xi32>,
    } else {
    }
    %get3A = arith.constant 0 : index
    %get3A_2 = arith.constant 0 : index
    %get3A_3 = vector.load %arg8[%get3A, %get3A_2] : memref<1x128xi32, #tpu.memory_space<vmem>>, vector<1x128xi32>
    %broadcast_in_dim3A = arith.constant 1.000000e+30 : f32
    %broadcast_in_dim3A_4 = vector.broadcast %broadcast_in_dim3A : f32 to vector<1x128xf32>
    %broadcast_in_dim3A_5 = arith.constant 1073741824 : i32
    %broadcast_in_dim3A_6 = vector.broadcast %broadcast_in_dim3A_5 : i32 to vector<1x128xi32>
    %scan3A = arith.constant 1073741824 : i32
    %scan3A_7 = arith.constant 0 : i32
    %scan3A_8 = arith.constant 8 : i32
    %scan3A_9 = arith.addi %scan3A_7, %scan3A_8 : i32
    %scan3A_10 = arith.constant 2 : i32
    %scan3A_11:2 = scf.for %scan3A_23 = %scan3A_7 to %scan3A_9 step %scan3A_10 iter_args(%scan3A_24 = %broadcast_in_dim3A_4, %scan3A_25 = %broadcast_in_dim3A_6) -> (vector<1x128xf32>, vector<1x128xi32>)  : i32 {
      %mul3A = arith.constant 512 : i32
      %mul3A_26 = arith.muli %scan3A_23, %mul3A : i32
      %get3A_27 = arith.index_cast %mul3A_26 : i32 to index
      %get3A_28 = arith.constant 0 : index
      %get3A_29 = vector.load %arg6[%get3A_27, %get3A_28] : memref<4096x128xf32, #tpu.memory_space<vmem>>, vector<512x128xf32>
      %iota3A = tpu.iota {dimensions = array<i32: 0>} : vector<512x128xi32>
      %mul3A_30 = arith.constant 512 : i32
      %mul3A_31 = arith.muli %scan3A_23, %mul3A_30 : i32
      %add3A = vector.broadcast %mul3A_31 : i32 to vector<512x128xi32>
      %add3A_32 = arith.addi %iota3A, %add3A : vector<512x128xi32>
      %eq3A_33 = vector.broadcast %get3A_3 : vector<1x128xi32> to vector<512x128xi32>
      %eq3A_34 = arith.cmpi eq, %add3A_32, %eq3A_33 : vector<512x128xi32>
      %jit3A = arith.constant 1.000000e+30 : f32
      %broadcast_in_dim3A_35 = vector.broadcast %jit3A : f32 to vector<512x128xf32>
      %select_n3A = arith.select %eq3A_34, %broadcast_in_dim3A_35, %get3A_29 : vector<512x128xi1>, vector<512x128xf32>
      %mul3A_36 = arith.constant 512 : i32
      %mul3A_37 = arith.muli %scan3A_23, %mul3A_36 : i32
      %swap3A_38 = arith.index_cast %mul3A_37 : i32 to index
      %swap3A_39 = arith.constant 0 : index
      %swap3A_40 = vector.load %arg6[%swap3A_38, %swap3A_39] : memref<4096x128xf32, #tpu.memory_space<vmem>>, vector<512x128xf32>
      tpu.vector_store %arg6[%swap3A_38, %swap3A_39], %select_n3A {strides = array<i32>} : memref<4096x128xf32, #tpu.memory_space<vmem>>, vector<512x128xf32>,
      %reduce_min3A = arith.constant dense<0x7F800000> : vector<128xf32>
      %reduce_min3A_41 = vector.multi_reduction <minimumf>, %select_n3A, %reduce_min3A [0] : vector<512x128xf32> to vector<128xf32>
      %broadcast_in_dim3A_42 = vector.shape_cast %reduce_min3A_41 : vector<128xf32> to vector<1x128xf32>
      %eq3A_43 = vector.broadcast %broadcast_in_dim3A_42 : vector<1x128xf32> to vector<512x128xf32>
      %eq3A_44 = arith.cmpf oeq, %select_n3A, %eq3A_43 : vector<512x128xf32>
      %broadcast_in_dim3A_45 = vector.broadcast %scan3A : i32 to vector<512x128xi32>
      %select_n3A_46 = arith.select %eq3A_44, %add3A_32, %broadcast_in_dim3A_45 : vector<512x128xi1>, vector<512x128xi32>
      %reduce_min3A_47 = arith.constant dense<2147483647> : vector<128xi32>
      %reduce_min3A_48 = vector.multi_reduction <minsi>, %select_n3A_46, %reduce_min3A_47 [0] : vector<512x128xi32> to vector<128xi32>
      %broadcast_in_dim3A_49 = vector.shape_cast %reduce_min3A_48 : vector<128xi32> to vector<1x128xi32>
      %lt3A = arith.cmpf olt, %broadcast_in_dim3A_42, %scan3A_24 : vector<1x128xf32>
      %select_n3A_50 = arith.select %lt3A, %broadcast_in_dim3A_42, %scan3A_24 : vector<1x128xi1>, vector<1x128xf32>
      %select_n3A_51 = arith.select %lt3A, %broadcast_in_dim3A_49, %scan3A_25 : vector<1x128xi1>, vector<1x128xi32>
      %scan3A_52 = arith.constant 1 : i32
      %scan3A_53 = arith.addi %scan3A_23, %scan3A_52 : i32
      %mul3A_54 = arith.constant 512 : i32
      %mul3A_55 = arith.muli %scan3A_53, %mul3A_54 : i32
      %get3A_56 = arith.index_cast %mul3A_55 : i32 to index
      %get3A_57 = arith.constant 0 : index
      %get3A_58 = vector.load %arg6[%get3A_56, %get3A_57] : memref<4096x128xf32, #tpu.memory_space<vmem>>, vector<512x128xf32>
      %iota3A_59 = tpu.iota {dimensions = array<i32: 0>} : vector<512x128xi32>
      %mul3A_60 = arith.constant 512 : i32
      %mul3A_61 = arith.muli %scan3A_53, %mul3A_60 : i32
      %add3A_62 = vector.broadcast %mul3A_61 : i32 to vector<512x128xi32>
      %add3A_63 = arith.addi %iota3A_59, %add3A_62 : vector<512x128xi32>
      %eq3A_64 = vector.broadcast %get3A_3 : vector<1x128xi32> to vector<512x128xi32>
      %eq3A_65 = arith.cmpi eq, %add3A_63, %eq3A_64 : vector<512x128xi32>
      %jit3A_66 = arith.constant 1.000000e+30 : f32
      %broadcast_in_dim3A_67 = vector.broadcast %jit3A_66 : f32 to vector<512x128xf32>
      %select_n3A_68 = arith.select %eq3A_65, %broadcast_in_dim3A_67, %get3A_58 : vector<512x128xi1>, vector<512x128xf32>
      %mul3A_69 = arith.constant 512 : i32
      %mul3A_70 = arith.muli %scan3A_53, %mul3A_69 : i32
      %swap3A_71 = arith.index_cast %mul3A_70 : i32 to index
      %swap3A_72 = arith.constant 0 : index
      %swap3A_73 = vector.load %arg6[%swap3A_71, %swap3A_72] : memref<4096x128xf32, #tpu.memory_space<vmem>>, vector<512x128xf32>
      tpu.vector_store %arg6[%swap3A_71, %swap3A_72], %select_n3A_68 {strides = array<i32>} : memref<4096x128xf32, #tpu.memory_space<vmem>>, vector<512x128xf32>,
      %reduce_min3A_74 = arith.constant dense<0x7F800000> : vector<128xf32>
      %reduce_min3A_75 = vector.multi_reduction <minimumf>, %select_n3A_68, %reduce_min3A_74 [0] : vector<512x128xf32> to vector<128xf32>
      %broadcast_in_dim3A_76 = vector.shape_cast %reduce_min3A_75 : vector<128xf32> to vector<1x128xf32>
      %eq3A_77 = vector.broadcast %broadcast_in_dim3A_76 : vector<1x128xf32> to vector<512x128xf32>
      %eq3A_78 = arith.cmpf oeq, %select_n3A_68, %eq3A_77 : vector<512x128xf32>
      %broadcast_in_dim3A_79 = vector.broadcast %scan3A : i32 to vector<512x128xi32>
      %select_n3A_80 = arith.select %eq3A_78, %add3A_63, %broadcast_in_dim3A_79 : vector<512x128xi1>, vector<512x128xi32>
      %reduce_min3A_81 = arith.constant dense<2147483647> : vector<128xi32>
      %reduce_min3A_82 = vector.multi_reduction <minsi>, %select_n3A_80, %reduce_min3A_81 [0] : vector<512x128xi32> to vector<128xi32>
      %broadcast_in_dim3A_83 = vector.shape_cast %reduce_min3A_82 : vector<128xi32> to vector<1x128xi32>
      %lt3A_84 = arith.cmpf olt, %broadcast_in_dim3A_76, %select_n3A_50 : vector<1x128xf32>
      %select_n3A_85 = arith.select %lt3A_84, %broadcast_in_dim3A_76, %select_n3A_50 : vector<1x128xi1>, vector<1x128xf32>
      %select_n3A_86 = arith.select %lt3A_84, %broadcast_in_dim3A_83, %select_n3A_51 : vector<1x128xi1>, vector<1x128xi32>
      scf.yield %select_n3A_85, %select_n3A_86 : vector<1x128xf32>, vector<1x128xi32>
    }
    %scan3A_12 = arith.constant 8 : i32
    %swap3A = arith.constant 0 : index
    %swap3A_13 = arith.constant 0 : index
    %swap3A_14 = vector.load %arg8[%swap3A, %swap3A_13] : memref<1x128xi32, #tpu.memory_space<vmem>>, vector<1x128xi32>
    tpu.vector_store %arg8[%swap3A, %swap3A_13], %scan3A_11#1 {strides = array<i32>} : memref<1x128xi32, #tpu.memory_space<vmem>>, vector<1x128xi32>,
    %swap3A_15 = arith.index_cast %arg2 : i32 to index
    %swap3A_16 = arith.constant 0 : index
    %swap3A_17 = vector.load %arg7[%swap3A_15, %swap3A_16] : memref<32x128xi32, #tpu.memory_space<vmem>>, vector<1x128xi32>
    tpu.vector_store %arg7[%swap3A_15, %swap3A_16], %scan3A_11#1 {strides = array<i32>} : memref<32x128xi32, #tpu.memory_space<vmem>>, vector<1x128xi32>,
    %eq3A_18 = arith.constant 31 : i32
    %eq3A_19 = arith.cmpi eq, %arg2, %eq3A_18 : i32
    %convert_element_type3A_20 = arith.extui %eq3A_19 : i1 to i32
    %cond3A_21 = arith.constant 0 : i32
    %cond3A_22 = arith.cmpi ne, %convert_element_type3A_20, %cond3A_21 : i32
    scf.if %cond3A_22 {
      %get3A_23 = arith.constant 0 : index
      %get3A_24 = arith.constant 0 : index
      %get3A_25 = vector.load %arg7[%get3A_23, %get3A_24] : memref<32x128xi32, #tpu.memory_space<vmem>>, vector<32x128xi32>
      %swap3A_26 = arith.constant 0 : index
      %swap3A_27 = arith.constant 0 : index
      %swap3A_28 = arith.constant 0 : index
      %swap3A_29 = vector.load %arg5[%swap3A_26, %swap3A_27, %swap3A_28] : memref<1x32x128xi32, #tpu.memory_space<vmem>>, vector<1x32x128xi32>
      %swap3A_30 = vector.shape_cast %swap3A_29 : vector<1x32x128xi32> to vector<32x128xi32>
      %swap3A_31 = vector.shape_cast %get3A_25 : vector<32x128xi32> to vector<1x32x128xi32>
      tpu.vector_store %arg5[%swap3A_26, %swap3A_27, %swap3A_28], %swap3A_31 {strides = array<i32>} : memref<1x32x128xi32, #tpu.memory_space<vmem>>, vector<1x32x128xi32>,
    } else {
    }
    return
  }
  func.func @transform_0(%arg0: i32, %arg1: i32, %arg2: i32) -> (i32, i32, i32) {
    %c0_i32 = arith.constant 0 : i32
    %c0_i32_0 = arith.constant 0 : i32
    return %arg0, %c0_i32, %arg1 : i32, i32, i32
  }
  func.func @transform_1(%arg0: i32, %arg1: i32, %arg2: i32) -> (i32, i32, i32) {
    %c0_i32 = arith.constant 0 : i32
    %c0_i32_0 = arith.constant 0 : i32
    %c0_i32_1 = arith.constant 0 : i32
    return %arg0, %c0_i32, %c0_i32_0 : i32, i32, i32
  }
  func.func @transform_2(%arg0: i32, %arg1: i32, %arg2: i32) -> (i32, i32, i32) {
    %c0_i32 = arith.constant 0 : i32
    %c0_i32_0 = arith.constant 0 : i32
    return %arg0, %c0_i32, %arg1 : i32, i32, i32
  }
}

module attributes {stable_mosaic.version = 14 : i64} {
  func.func @_colsum_body(%arg0: i32, %arg1: i32, %arg2: memref<4xf32, #tpu.memory_space<smem>>, %arg3: memref<1x256x128xf32, #tpu.memory_space<vmem>>, %arg4: memref<1x4096x128xf32, #tpu.memory_space<vmem>>, %arg5: memref<1x256x3xf32, #tpu.memory_space<vmem>>, %arg6: memref<1x4096x3xf32, #tpu.memory_space<vmem>>, %arg7: memref<1x1x4096xf32, #tpu.memory_space<vmem>>) attributes {dimension_semantics = [#tpu.dimension_semantics<arbitrary>, #tpu.dimension_semantics<arbitrary>], iteration_bounds = array<i64: 2, 16>, scalar_prefetch = 0 : i64, scratch_operands = 0 : i64, tpu.core_type = #tpu.core_type<tc>, window_params = [{transform_indices = @transform_0, window_bounds = array<i64: 4>}, {transform_indices = @transform_1, window_bounds = array<i64: 1, 256, 128>}, {transform_indices = @transform_2, window_bounds = array<i64: 1, 4096, 128>}, {transform_indices = @transform_3, window_bounds = array<i64: 1, 256, 3>}, {transform_indices = @transform_4, window_bounds = array<i64: 1, 4096, 3>}, {transform_indices = @transform_5, window_bounds = array<i64: 1, 1, 4096>}]} {
    %get3A = arith.constant 0 : index
    %get3A_0 = arith.constant 0 : index
    %get3A_1 = arith.constant 0 : index
    %get3A_2 = vector.load %arg3[%get3A, %get3A_0, %get3A_1] : memref<1x256x128xf32, #tpu.memory_space<vmem>>, vector<1x256x128xf32>
    %get3A_3 = vector.shape_cast %get3A_2 : vector<1x256x128xf32> to vector<256x128xf32>
    %get3A_4 = arith.constant 0 : index
    %get3A_5 = arith.constant 0 : index
    %get3A_6 = arith.constant 0 : index
    %get3A_7 = vector.load %arg4[%get3A_4, %get3A_5, %get3A_6] : memref<1x4096x128xf32, #tpu.memory_space<vmem>>, vector<1x4096x128xf32>
    %get3A_8 = vector.shape_cast %get3A_7 : vector<1x4096x128xf32> to vector<4096x128xf32>
    %get3A_9 = arith.constant 0 : index
    %get3A_10 = arith.constant 0 : index
    %get3A_11 = arith.constant 0 : index
    %get3A_12 = vector.load %arg5[%get3A_9, %get3A_10, %get3A_11] : memref<1x256x3xf32, #tpu.memory_space<vmem>>, vector<1x256x3xf32>
    %get3A_13 = vector.shape_cast %get3A_12 : vector<1x256x3xf32> to vector<256x3xf32>
    %get3A_14 = arith.constant 0 : index
    %get3A_15 = arith.constant 0 : index
    %get3A_16 = arith.constant 0 : index
    %get3A_17 = vector.load %arg6[%get3A_14, %get3A_15, %get3A_16] : memref<1x4096x3xf32, #tpu.memory_space<vmem>>, vector<1x4096x3xf32>
    %get3A_18 = vector.shape_cast %get3A_17 : vector<1x4096x3xf32> to vector<4096x3xf32>
    %get3A_19 = arith.constant 0 : index
    %get3A_20 = memref.load %arg2[%get3A_19] : memref<4xf32, #tpu.memory_space<smem>>
    %mul3A = arith.mulf %get3A_3, %get3A_3 : vector<256x128xf32>
    %reduce_sum3A = arith.constant dense<0.000000e+00> : vector<256xf32>
    %reduce_sum3A_21 = vector.multi_reduction <add>, %mul3A, %reduce_sum3A [1] : vector<256x128xf32> to vector<256xf32>
    %broadcast_in_dim3A = vector.shape_cast %reduce_sum3A_21 : vector<256xf32> to vector<256x1xf32>
    %add3A = arith.constant 9.99999993E-9 : f32
    %add3A_22 = vector.broadcast %add3A : f32 to vector<256x1xf32>
    %add3A_23 = arith.addf %broadcast_in_dim3A, %add3A_22 : vector<256x1xf32>
    %rsqrt3A = math.rsqrt %add3A_23 : vector<256x1xf32>
    %mul3A_24 = vector.broadcast %rsqrt3A : vector<256x1xf32> to vector<256x128xf32>
    %mul3A_25 = arith.mulf %get3A_3, %mul3A_24 : vector<256x128xf32>
    %mul3A_26 = arith.mulf %get3A_8, %get3A_8 : vector<4096x128xf32>
    %reduce_sum3A_27 = arith.constant dense<0.000000e+00> : vector<4096xf32>
    %reduce_sum3A_28 = vector.multi_reduction <add>, %mul3A_26, %reduce_sum3A_27 [1] : vector<4096x128xf32> to vector<4096xf32>
    %broadcast_in_dim3A_29 = vector.shape_cast %reduce_sum3A_28 : vector<4096xf32> to vector<4096x1xf32>
    %add3A_30 = arith.constant 9.99999993E-9 : f32
    %add3A_31 = vector.broadcast %add3A_30 : f32 to vector<4096x1xf32>
    %add3A_32 = arith.addf %broadcast_in_dim3A_29, %add3A_31 : vector<4096x1xf32>
    %rsqrt3A_33 = math.rsqrt %add3A_32 : vector<4096x1xf32>
    %mul3A_34 = vector.broadcast %rsqrt3A_33 : vector<4096x1xf32> to vector<4096x128xf32>
    %mul3A_35 = arith.mulf %get3A_8, %mul3A_34 : vector<4096x128xf32>
    %dot_general3A = arith.constant dense<0.000000e+00> : vector<256x4096xf32>
    %dot_general3A_36 = tpu.matmul %mul3A_25, %mul3A_35, %dot_general3A {dimension_numbers = #tpu.dot_dimension_numbers<[1], [1], [0], [0], [0, 0, 1, 0], [], []>, transpose_lhs_hint = false} : vector<256x128xf32>, vector<4096x128xf32>, vector<256x4096xf32> -> vector<256x4096xf32>
    %sub3A = arith.constant 1.000000e+00 : f32
    %sub3A_37 = vector.broadcast %sub3A : f32 to vector<256x4096xf32>
    %sub3A_38 = arith.subf %sub3A_37, %dot_general3A_36 : vector<256x4096xf32>
    %mul3A_39 = arith.mulf %get3A_13, %get3A_13 : vector<256x3xf32>
    %reduce_sum3A_40 = arith.constant dense<0.000000e+00> : vector<256xf32>
    %reduce_sum3A_41 = vector.multi_reduction <add>, %mul3A_39, %reduce_sum3A_40 [1] : vector<256x3xf32> to vector<256xf32>
    %broadcast_in_dim3A_42 = vector.shape_cast %reduce_sum3A_41 : vector<256xf32> to vector<256x1xf32>
    %mul3A_43 = arith.mulf %get3A_18, %get3A_18 : vector<4096x3xf32>
    %reduce_sum3A_44 = arith.constant dense<0.000000e+00> : vector<4096xf32>
    %reduce_sum3A_45 = vector.multi_reduction <add>, %mul3A_43, %reduce_sum3A_44 [1] : vector<4096x3xf32> to vector<4096xf32>
    %broadcast_in_dim3A_46 = vector.shape_cast %reduce_sum3A_45 : vector<4096xf32> to vector<1x4096xf32>
    %add3A_47 = vector.broadcast %broadcast_in_dim3A_42 : vector<256x1xf32> to vector<256x4096xf32>
    %add3A_48 = vector.broadcast %broadcast_in_dim3A_46 : vector<1x4096xf32> to vector<256x4096xf32>
    %add3A_49 = arith.addf %add3A_47, %add3A_48 : vector<256x4096xf32>
    %dot_general3A_50 = arith.constant dense<0.000000e+00> : vector<256x4096xf32>
    %dot_general3A_51 = tpu.matmul %get3A_13, %get3A_18, %dot_general3A_50 {dimension_numbers = #tpu.dot_dimension_numbers<[1], [1], [0], [0], [0, 0, 1, 0], [], []>, transpose_lhs_hint = false} : vector<256x3xf32>, vector<4096x3xf32>, vector<256x4096xf32> -> vector<256x4096xf32>
    %mul3A_52 = arith.constant 2.000000e+00 : f32
    %mul3A_53 = vector.broadcast %mul3A_52 : f32 to vector<256x4096xf32>
    %mul3A_54 = arith.mulf %mul3A_53, %dot_general3A_51 : vector<256x4096xf32>
    %sub3A_55 = arith.subf %add3A_49, %mul3A_54 : vector<256x4096xf32>
    %neg3A = arith.constant 0.000000e+00 : f32
    %neg3A_56 = vector.broadcast %neg3A : f32 to vector<256x4096xf32>
    %neg3A_57 = arith.subf %neg3A_56, %sub3A_38 : vector<256x4096xf32>
    %mul3A_58 = vector.broadcast %get3A_20 : f32 to vector<256x4096xf32>
    %mul3A_59 = arith.mulf %neg3A_57, %mul3A_58 : vector<256x4096xf32>
    %exp3A = math.exp %mul3A_59 : vector<256x4096xf32>
    %lt3A = arith.constant 1.000000e+02 : f32
    %lt3A_60 = vector.broadcast %lt3A : f32 to vector<256x4096xf32>
    %lt3A_61 = arith.cmpf olt, %sub3A_55, %lt3A_60 : vector<256x4096xf32>
    %convert_element_type3A = arith.extui %lt3A_61 : vector<256x4096xi1> to vector<256x4096xi32>
    %convert_element_type3A_62 = arith.sitofp %convert_element_type3A : vector<256x4096xi32> to vector<256x4096xf32>
    %mul3A_63 = arith.mulf %exp3A, %convert_element_type3A_62 : vector<256x4096xf32>
    %reduce_sum3A_64 = arith.constant dense<0.000000e+00> : vector<4096xf32>
    %reduce_sum3A_65 = vector.multi_reduction <add>, %mul3A_63, %reduce_sum3A_64 [0] : vector<256x4096xf32> to vector<4096xf32>
    %broadcast_in_dim3A_66 = vector.shape_cast %reduce_sum3A_65 : vector<4096xf32> to vector<1x4096xf32>
    %eq3A = arith.constant 0 : i32
    %eq3A_67 = arith.cmpi eq, %arg1, %eq3A : i32
    %convert_element_type3A_68 = arith.extui %eq3A_67 : i1 to i32
    %cond3A = arith.constant 0 : i32
    %cond3A_69 = arith.cmpi ne, %convert_element_type3A_68, %cond3A : i32
    scf.if %cond3A_69 {
      %swap3A = arith.constant 0 : index
      %swap3A_74 = arith.constant 0 : index
      %swap3A_75 = arith.constant 0 : index
      %swap3A_76 = vector.load %arg7[%swap3A, %swap3A_74, %swap3A_75] : memref<1x1x4096xf32, #tpu.memory_space<vmem>>, vector<1x1x4096xf32>
      %swap3A_77 = vector.shape_cast %swap3A_76 : vector<1x1x4096xf32> to vector<1x4096xf32>
      %swap3A_78 = vector.shape_cast %broadcast_in_dim3A_66 : vector<1x4096xf32> to vector<1x1x4096xf32>
      tpu.vector_store %arg7[%swap3A, %swap3A_74, %swap3A_75], %swap3A_78 {strides = array<i32>} : memref<1x1x4096xf32, #tpu.memory_space<vmem>>, vector<1x1x4096xf32>,
    } else {
    }
    %ne3A = arith.constant 0 : i32
    %ne3A_70 = arith.cmpi ne, %arg1, %ne3A : i32
    %convert_element_type3A_71 = arith.extui %ne3A_70 : i1 to i32
    %cond3A_72 = arith.constant 0 : i32
    %cond3A_73 = arith.cmpi ne, %convert_element_type3A_71, %cond3A_72 : i32
    scf.if %cond3A_73 {
      %get3A_74 = arith.constant 0 : index
      %get3A_75 = arith.constant 0 : index
      %get3A_76 = arith.constant 0 : index
      %get3A_77 = vector.load %arg7[%get3A_74, %get3A_75, %get3A_76] : memref<1x1x4096xf32, #tpu.memory_space<vmem>>, vector<1x1x4096xf32>
      %get3A_78 = vector.shape_cast %get3A_77 : vector<1x1x4096xf32> to vector<1x4096xf32>
      %add3A_79 = arith.addf %get3A_78, %broadcast_in_dim3A_66 : vector<1x4096xf32>
      %swap3A = arith.constant 0 : index
      %swap3A_80 = arith.constant 0 : index
      %swap3A_81 = arith.constant 0 : index
      %swap3A_82 = vector.load %arg7[%swap3A, %swap3A_80, %swap3A_81] : memref<1x1x4096xf32, #tpu.memory_space<vmem>>, vector<1x1x4096xf32>
      %swap3A_83 = vector.shape_cast %swap3A_82 : vector<1x1x4096xf32> to vector<1x4096xf32>
      %swap3A_84 = vector.shape_cast %add3A_79 : vector<1x4096xf32> to vector<1x1x4096xf32>
      tpu.vector_store %arg7[%swap3A, %swap3A_80, %swap3A_81], %swap3A_84 {strides = array<i32>} : memref<1x1x4096xf32, #tpu.memory_space<vmem>>, vector<1x1x4096xf32>,
    } else {
    }
    return
  }
  func.func @transform_0(%arg0: i32, %arg1: i32) -> i32 {
    %c0_i32 = arith.constant 0 : i32
    %c0_i32_0 = arith.constant 0 : i32
    return %c0_i32 : i32
  }
  func.func @transform_1(%arg0: i32, %arg1: i32) -> (i32, i32, i32) {
    %c0_i32 = arith.constant 0 : i32
    %c0_i32_0 = arith.constant 0 : i32
    return %arg0, %arg1, %c0_i32 : i32, i32, i32
  }
  func.func @transform_2(%arg0: i32, %arg1: i32) -> (i32, i32, i32) {
    %c0_i32 = arith.constant 0 : i32
    %c0_i32_0 = arith.constant 0 : i32
    %c0_i32_1 = arith.constant 0 : i32
    return %arg0, %c0_i32, %c0_i32_0 : i32, i32, i32
  }
  func.func @transform_3(%arg0: i32, %arg1: i32) -> (i32, i32, i32) {
    %c0_i32 = arith.constant 0 : i32
    %c0_i32_0 = arith.constant 0 : i32
    return %arg0, %arg1, %c0_i32 : i32, i32, i32
  }
  func.func @transform_4(%arg0: i32, %arg1: i32) -> (i32, i32, i32) {
    %c0_i32 = arith.constant 0 : i32
    %c0_i32_0 = arith.constant 0 : i32
    %c0_i32_1 = arith.constant 0 : i32
    return %arg0, %c0_i32, %c0_i32_0 : i32, i32, i32
  }
  func.func @transform_5(%arg0: i32, %arg1: i32) -> (i32, i32, i32) {
    %c0_i32 = arith.constant 0 : i32
    %c0_i32_0 = arith.constant 0 : i32
    %c0_i32_1 = arith.constant 0 : i32
    return %arg0, %c0_i32, %c0_i32_0 : i32, i32, i32
  }
}

module attributes {stable_mosaic.version = 14 : i64} {
  func.func @_rows_body(%arg0: i32, %arg1: i32, %arg2: memref<4xf32, #tpu.memory_space<smem>>, %arg3: memref<1x256x128xf32, #tpu.memory_space<vmem>>, %arg4: memref<1x4096x128xf32, #tpu.memory_space<vmem>>, %arg5: memref<1x256x3xf32, #tpu.memory_space<vmem>>, %arg6: memref<1x4096x3xf32, #tpu.memory_space<vmem>>, %arg7: memref<1x1x4096xf32, #tpu.memory_space<vmem>>, %arg8: memref<1x256x3xf32, #tpu.memory_space<vmem>>) attributes {dimension_semantics = [#tpu.dimension_semantics<arbitrary>, #tpu.dimension_semantics<arbitrary>], iteration_bounds = array<i64: 2, 16>, scalar_prefetch = 0 : i64, scratch_operands = 0 : i64, tpu.core_type = #tpu.core_type<tc>, window_params = [{transform_indices = @transform_0, window_bounds = array<i64: 4>}, {transform_indices = @transform_1, window_bounds = array<i64: 1, 256, 128>}, {transform_indices = @transform_2, window_bounds = array<i64: 1, 4096, 128>}, {transform_indices = @transform_3, window_bounds = array<i64: 1, 256, 3>}, {transform_indices = @transform_4, window_bounds = array<i64: 1, 4096, 3>}, {transform_indices = @transform_5, window_bounds = array<i64: 1, 1, 4096>}, {transform_indices = @transform_6, window_bounds = array<i64: 1, 256, 3>}]} {
    %get3A = arith.constant 0 : index
    %get3A_0 = memref.load %arg2[%get3A] : memref<4xf32, #tpu.memory_space<smem>>
    %get3A_1 = arith.constant 1 : index
    %get3A_2 = memref.load %arg2[%get3A_1] : memref<4xf32, #tpu.memory_space<smem>>
    %get3A_3 = arith.constant 2 : index
    %get3A_4 = memref.load %arg2[%get3A_3] : memref<4xf32, #tpu.memory_space<smem>>
    %get3A_5 = arith.constant 3 : index
    %get3A_6 = memref.load %arg2[%get3A_5] : memref<4xf32, #tpu.memory_space<smem>>
    %get3A_7 = arith.constant 0 : index
    %get3A_8 = arith.constant 0 : index
    %get3A_9 = arith.constant 0 : index
    %get3A_10 = vector.load %arg3[%get3A_7, %get3A_8, %get3A_9] : memref<1x256x128xf32, #tpu.memory_space<vmem>>, vector<1x256x128xf32>
    %get3A_11 = vector.shape_cast %get3A_10 : vector<1x256x128xf32> to vector<256x128xf32>
    %get3A_12 = arith.constant 0 : index
    %get3A_13 = arith.constant 0 : index
    %get3A_14 = arith.constant 0 : index
    %get3A_15 = vector.load %arg4[%get3A_12, %get3A_13, %get3A_14] : memref<1x4096x128xf32, #tpu.memory_space<vmem>>, vector<1x4096x128xf32>
    %get3A_16 = vector.shape_cast %get3A_15 : vector<1x4096x128xf32> to vector<4096x128xf32>
    %get3A_17 = arith.constant 0 : index
    %get3A_18 = arith.constant 0 : index
    %get3A_19 = arith.constant 0 : index
    %get3A_20 = vector.load %arg5[%get3A_17, %get3A_18, %get3A_19] : memref<1x256x3xf32, #tpu.memory_space<vmem>>, vector<1x256x3xf32>
    %get3A_21 = vector.shape_cast %get3A_20 : vector<1x256x3xf32> to vector<256x3xf32>
    %get3A_22 = arith.constant 0 : index
    %get3A_23 = arith.constant 0 : index
    %get3A_24 = arith.constant 0 : index
    %get3A_25 = vector.load %arg6[%get3A_22, %get3A_23, %get3A_24] : memref<1x4096x3xf32, #tpu.memory_space<vmem>>, vector<1x4096x3xf32>
    %get3A_26 = vector.shape_cast %get3A_25 : vector<1x4096x3xf32> to vector<4096x3xf32>
    %mul3A = arith.mulf %get3A_11, %get3A_11 : vector<256x128xf32>
    %reduce_sum3A = arith.constant dense<0.000000e+00> : vector<256xf32>
    %reduce_sum3A_27 = vector.multi_reduction <add>, %mul3A, %reduce_sum3A [1] : vector<256x128xf32> to vector<256xf32>
    %broadcast_in_dim3A = vector.shape_cast %reduce_sum3A_27 : vector<256xf32> to vector<256x1xf32>
    %add3A = arith.constant 9.99999993E-9 : f32
    %add3A_28 = vector.broadcast %add3A : f32 to vector<256x1xf32>
    %add3A_29 = arith.addf %broadcast_in_dim3A, %add3A_28 : vector<256x1xf32>
    %rsqrt3A = math.rsqrt %add3A_29 : vector<256x1xf32>
    %mul3A_30 = vector.broadcast %rsqrt3A : vector<256x1xf32> to vector<256x128xf32>
    %mul3A_31 = arith.mulf %get3A_11, %mul3A_30 : vector<256x128xf32>
    %mul3A_32 = arith.mulf %get3A_16, %get3A_16 : vector<4096x128xf32>
    %reduce_sum3A_33 = arith.constant dense<0.000000e+00> : vector<4096xf32>
    %reduce_sum3A_34 = vector.multi_reduction <add>, %mul3A_32, %reduce_sum3A_33 [1] : vector<4096x128xf32> to vector<4096xf32>
    %broadcast_in_dim3A_35 = vector.shape_cast %reduce_sum3A_34 : vector<4096xf32> to vector<4096x1xf32>
    %add3A_36 = arith.constant 9.99999993E-9 : f32
    %add3A_37 = vector.broadcast %add3A_36 : f32 to vector<4096x1xf32>
    %add3A_38 = arith.addf %broadcast_in_dim3A_35, %add3A_37 : vector<4096x1xf32>
    %rsqrt3A_39 = math.rsqrt %add3A_38 : vector<4096x1xf32>
    %mul3A_40 = vector.broadcast %rsqrt3A_39 : vector<4096x1xf32> to vector<4096x128xf32>
    %mul3A_41 = arith.mulf %get3A_16, %mul3A_40 : vector<4096x128xf32>
    %dot_general3A = arith.constant dense<0.000000e+00> : vector<256x4096xf32>
    %dot_general3A_42 = tpu.matmul %mul3A_31, %mul3A_41, %dot_general3A {dimension_numbers = #tpu.dot_dimension_numbers<[1], [1], [0], [0], [0, 0, 1, 0], [], []>, transpose_lhs_hint = false} : vector<256x128xf32>, vector<4096x128xf32>, vector<256x4096xf32> -> vector<256x4096xf32>
    %sub3A = arith.constant 1.000000e+00 : f32
    %sub3A_43 = vector.broadcast %sub3A : f32 to vector<256x4096xf32>
    %sub3A_44 = arith.subf %sub3A_43, %dot_general3A_42 : vector<256x4096xf32>
    %mul3A_45 = arith.mulf %get3A_21, %get3A_21 : vector<256x3xf32>
    %reduce_sum3A_46 = arith.constant dense<0.000000e+00> : vector<256xf32>
    %reduce_sum3A_47 = vector.multi_reduction <add>, %mul3A_45, %reduce_sum3A_46 [1] : vector<256x3xf32> to vector<256xf32>
    %broadcast_in_dim3A_48 = vector.shape_cast %reduce_sum3A_47 : vector<256xf32> to vector<256x1xf32>
    %mul3A_49 = arith.mulf %get3A_26, %get3A_26 : vector<4096x3xf32>
    %reduce_sum3A_50 = arith.constant dense<0.000000e+00> : vector<4096xf32>
    %reduce_sum3A_51 = vector.multi_reduction <add>, %mul3A_49, %reduce_sum3A_50 [1] : vector<4096x3xf32> to vector<4096xf32>
    %broadcast_in_dim3A_52 = vector.shape_cast %reduce_sum3A_51 : vector<4096xf32> to vector<1x4096xf32>
    %add3A_53 = vector.broadcast %broadcast_in_dim3A_48 : vector<256x1xf32> to vector<256x4096xf32>
    %add3A_54 = vector.broadcast %broadcast_in_dim3A_52 : vector<1x4096xf32> to vector<256x4096xf32>
    %add3A_55 = arith.addf %add3A_53, %add3A_54 : vector<256x4096xf32>
    %dot_general3A_56 = arith.constant dense<0.000000e+00> : vector<256x4096xf32>
    %dot_general3A_57 = tpu.matmul %get3A_21, %get3A_26, %dot_general3A_56 {dimension_numbers = #tpu.dot_dimension_numbers<[1], [1], [0], [0], [0, 0, 1, 0], [], []>, transpose_lhs_hint = false} : vector<256x3xf32>, vector<4096x3xf32>, vector<256x4096xf32> -> vector<256x4096xf32>
    %mul3A_58 = arith.constant 2.000000e+00 : f32
    %mul3A_59 = vector.broadcast %mul3A_58 : f32 to vector<256x4096xf32>
    %mul3A_60 = arith.mulf %mul3A_59, %dot_general3A_57 : vector<256x4096xf32>
    %sub3A_61 = arith.subf %add3A_55, %mul3A_60 : vector<256x4096xf32>
    %neg3A = arith.constant 0.000000e+00 : f32
    %neg3A_62 = vector.broadcast %neg3A : f32 to vector<256x4096xf32>
    %neg3A_63 = arith.subf %neg3A_62, %sub3A_44 : vector<256x4096xf32>
    %mul3A_64 = vector.broadcast %get3A_0 : f32 to vector<256x4096xf32>
    %mul3A_65 = arith.mulf %neg3A_63, %mul3A_64 : vector<256x4096xf32>
    %exp3A = math.exp %mul3A_65 : vector<256x4096xf32>
    %lt3A = arith.constant 1.000000e+02 : f32
    %lt3A_66 = vector.broadcast %lt3A : f32 to vector<256x4096xf32>
    %lt3A_67 = arith.cmpf olt, %sub3A_61, %lt3A_66 : vector<256x4096xf32>
    %convert_element_type3A = arith.extui %lt3A_67 : vector<256x4096xi1> to vector<256x4096xi32>
    %convert_element_type3A_68 = arith.sitofp %convert_element_type3A : vector<256x4096xi32> to vector<256x4096xf32>
    %mul3A_69 = arith.mulf %exp3A, %convert_element_type3A_68 : vector<256x4096xf32>
    %get3A_70 = arith.constant 0 : index
    %get3A_71 = arith.constant 0 : index
    %get3A_72 = arith.constant 0 : index
    %get3A_73 = vector.load %arg7[%get3A_70, %get3A_71, %get3A_72] : memref<1x1x4096xf32, #tpu.memory_space<vmem>>, vector<1x1x4096xf32>
    %get3A_74 = vector.shape_cast %get3A_73 : vector<1x1x4096xf32> to vector<4096xf32>
    %mul3A_75 = vector.broadcast %get3A_4 : f32 to vector<4096xf32>
    %mul3A_76 = arith.mulf %get3A_74, %mul3A_75 : vector<4096xf32>
    %add3A_77 = arith.constant 9.99999993E-9 : f32
    %add3A_78 = vector.broadcast %add3A_77 : f32 to vector<4096xf32>
    %add3A_79 = arith.addf %mul3A_76, %add3A_78 : vector<4096xf32>
    %div3A = vector.broadcast %get3A_6 : f32 to vector<4096xf32>
    %div3A_80 = arith.divf %div3A, %add3A_79 : vector<4096xf32>
    %log3A = math.log %div3A_80 : vector<4096xf32>
    %mul3A_81 = vector.broadcast %get3A_2 : f32 to vector<4096xf32>
    %mul3A_82 = arith.mulf %mul3A_81, %log3A : vector<4096xf32>
    %exp3A_83 = math.exp %mul3A_82 : vector<4096xf32>
    %broadcast_in_dim3A_84 = vector.shape_cast %exp3A_83 : vector<4096xf32> to vector<1x4096xf32>
    %mul3A_85 = vector.broadcast %broadcast_in_dim3A_84 : vector<1x4096xf32> to vector<256x4096xf32>
    %mul3A_86 = arith.mulf %mul3A_69, %mul3A_85 : vector<256x4096xf32>
    %reduce_sum3A_87 = arith.constant dense<0.000000e+00> : vector<256xf32>
    %reduce_sum3A_88 = vector.multi_reduction <add>, %mul3A_86, %reduce_sum3A_87 [1] : vector<256x4096xf32> to vector<256xf32>
    %broadcast_in_dim3A_89 = vector.shape_cast %reduce_sum3A_88 : vector<256xf32> to vector<256x1xf32>
    %add3A_90 = arith.constant 9.99999993E-9 : f32
    %add3A_91 = vector.broadcast %add3A_90 : f32 to vector<256x1xf32>
    %add3A_92 = arith.addf %broadcast_in_dim3A_89, %add3A_91 : vector<256x1xf32>
    %div3A_93 = vector.broadcast %get3A_4 : f32 to vector<256x1xf32>
    %div3A_94 = arith.divf %div3A_93, %add3A_92 : vector<256x1xf32>
    %log3A_95 = math.log %div3A_94 : vector<256x1xf32>
    %mul3A_96 = vector.broadcast %get3A_2 : f32 to vector<256x1xf32>
    %mul3A_97 = arith.mulf %mul3A_96, %log3A_95 : vector<256x1xf32>
    %exp3A_98 = math.exp %mul3A_97 : vector<256x1xf32>
    %get3A_99 = arith.constant 0 : index
    %get3A_100 = arith.constant 0 : index
    %get3A_101 = arith.constant 0 : index
    %get3A_102 = vector.load %arg6[%get3A_99, %get3A_100, %get3A_101] : memref<1x4096x3xf32, #tpu.memory_space<vmem>>, vector<1x4096x3xf32>
    %get3A_103 = vector.shape_cast %get3A_102 : vector<1x4096x3xf32> to vector<4096x3xf32>
    %dot_general3A_104 = arith.constant dense<0.000000e+00> : vector<256x3xf32>
    %dot_general3A_105 = tpu.matmul %mul3A_86, %get3A_103, %dot_general3A_104 {dimension_numbers = #tpu.dot_dimension_numbers<[1], [0], [0], [1], [0, 0, 1, 1], [], []>, transpose_lhs_hint = false} : vector<256x4096xf32>, vector<4096x3xf32>, vector<256x3xf32> -> vector<256x3xf32>
    %mul3A_106 = vector.broadcast %exp3A_98 : vector<256x1xf32> to vector<256x3xf32>
    %mul3A_107 = arith.mulf %mul3A_106, %dot_general3A_105 : vector<256x3xf32>
    %mul3A_108 = arith.mulf %exp3A_98, %broadcast_in_dim3A_89 : vector<256x1xf32>
    %add3A_109 = arith.constant 9.99999993E-9 : f32
    %add3A_110 = vector.broadcast %add3A_109 : f32 to vector<256x1xf32>
    %add3A_111 = arith.addf %mul3A_108, %add3A_110 : vector<256x1xf32>
    %div3A_112 = vector.broadcast %add3A_111 : vector<256x1xf32> to vector<256x3xf32>
    %div3A_113 = arith.divf %mul3A_107, %div3A_112 : vector<256x3xf32>
    %get3A_114 = arith.constant 0 : index
    %get3A_115 = arith.constant 0 : index
    %get3A_116 = arith.constant 0 : index
    %get3A_117 = vector.load %arg5[%get3A_114, %get3A_115, %get3A_116] : memref<1x256x3xf32, #tpu.memory_space<vmem>>, vector<1x256x3xf32>
    %get3A_118 = vector.shape_cast %get3A_117 : vector<1x256x3xf32> to vector<256x3xf32>
    %sub3A_119 = arith.subf %div3A_113, %get3A_118 : vector<256x3xf32>
    %swap3A = arith.constant 0 : index
    %swap3A_120 = arith.constant 0 : index
    %swap3A_121 = arith.constant 0 : index
    %swap3A_122 = vector.load %arg8[%swap3A, %swap3A_120, %swap3A_121] : memref<1x256x3xf32, #tpu.memory_space<vmem>>, vector<1x256x3xf32>
    %swap3A_123 = vector.shape_cast %swap3A_122 : vector<1x256x3xf32> to vector<256x3xf32>
    %swap3A_124 = vector.shape_cast %sub3A_119 : vector<256x3xf32> to vector<1x256x3xf32>
    tpu.vector_store %arg8[%swap3A, %swap3A_120, %swap3A_121], %swap3A_124 {strides = array<i32>} : memref<1x256x3xf32, #tpu.memory_space<vmem>>, vector<1x256x3xf32>,
    return
  }
  func.func @transform_0(%arg0: i32, %arg1: i32) -> i32 {
    %c0_i32 = arith.constant 0 : i32
    %c0_i32_0 = arith.constant 0 : i32
    return %c0_i32 : i32
  }
  func.func @transform_1(%arg0: i32, %arg1: i32) -> (i32, i32, i32) {
    %c0_i32 = arith.constant 0 : i32
    %c0_i32_0 = arith.constant 0 : i32
    return %arg0, %arg1, %c0_i32 : i32, i32, i32
  }
  func.func @transform_2(%arg0: i32, %arg1: i32) -> (i32, i32, i32) {
    %c0_i32 = arith.constant 0 : i32
    %c0_i32_0 = arith.constant 0 : i32
    %c0_i32_1 = arith.constant 0 : i32
    return %arg0, %c0_i32, %c0_i32_0 : i32, i32, i32
  }
  func.func @transform_3(%arg0: i32, %arg1: i32) -> (i32, i32, i32) {
    %c0_i32 = arith.constant 0 : i32
    %c0_i32_0 = arith.constant 0 : i32
    return %arg0, %arg1, %c0_i32 : i32, i32, i32
  }
  func.func @transform_4(%arg0: i32, %arg1: i32) -> (i32, i32, i32) {
    %c0_i32 = arith.constant 0 : i32
    %c0_i32_0 = arith.constant 0 : i32
    %c0_i32_1 = arith.constant 0 : i32
    return %arg0, %c0_i32, %c0_i32_0 : i32, i32, i32
  }
  func.func @transform_5(%arg0: i32, %arg1: i32) -> (i32, i32, i32) {
    %c0_i32 = arith.constant 0 : i32
    %c0_i32_0 = arith.constant 0 : i32
    %c0_i32_1 = arith.constant 0 : i32
    return %arg0, %c0_i32, %c0_i32_0 : i32, i32, i32
  }
  func.func @transform_6(%arg0: i32, %arg1: i32) -> (i32, i32, i32) {
    %c0_i32 = arith.constant 0 : i32
    %c0_i32_0 = arith.constant 0 : i32
    return %arg0, %arg1, %c0_i32 : i32, i32, i32
  }
}

</mosaic_0001>

<sc_bundles>
// kernel: kernel.15.cloned.1.call-start
scs
__scs_entry_jumppad:
0x0: {  	(pc) =	sbr.rel $0x88, $3  }
0x1: {  	(tag) =	ssettag $0x0;
	lr =	simm.s32 $0x1  }
0x2: {  	[smem:$0x3F53] =	sst lr;
	_ =	strace $0xD0000000  }
0x3: {  	_ = 	snop  }
0x4: {  	_ = 	snop  }
0x5: {  	_ = 	snop  }
0x6: {  	_ = 	snop  }
0x7: {  	_ = 	snop  }
__scs_overlays_trampoline_lowered:
0x8: {  	[smem:$0x3F62] =	sst s0  }
0x9: {  	[smem:$0x3F63] =	sst s1  }
0xa: {  	[smem:$0x3F64] =	sst s2  }
0xb: {  	[smem:$0x3F65] =	sst s3  }
0xc: {  	[smem:$0x3F66] =	sst s4  }
0xd: {  	[smem:$0x3F67] =	sst s5  }
0xe: {  	[smem:$0x3F68] =	sst s6  }
0xf: {  	[smem:$0x3F69] =	sst s7  }
0x10: {  	[smem:$0x3F6A] =	sst s8  }
0x11: {  	[smem:$0x3F6B] =	sst s9;
	s0 =	simm.s32 @!p0 $0x0  }
0x12: {  	s1 =	sld [smem:$0x3F51];
	s0 =	simm.s32 @p0 $0x1  }
0x13: {  	[smem:$0x3F6C] =	sst s0;
	s0 =	simm.s32 @!p1 $0x0  }
0x14: {  	s2 =	sld [smem:$0x3F50];
	s0 =	simm.s32 @p1 $0x1  }
0x15: {  	[smem:$0x3F6D] =	sst s0;
	s0 =	simm.s32 @!p2 $0x0  }
0x16: {  	s3 =	sld [smem:$0x3FDB];
	s0 =	simm.s32 @p2 $0x1  }
0x17: {  	s4 =	simm.s32 $0x1BF5;
	[smem:$0x3F6F] =	sst s0  }
0x18: {  	s0 =	sld [smem:$0x3F52];
	_ =	swait.ge [sflag:s4], $0x0  }
0x19: {  	s7 =	sld [smem:$0x3F53]  }
0x1a: {  	s8 =	sadd.s32 $0xFFFFE003, lr  }
0x1b: {  	s9 =	sadd.s32 $0xFFFFFEF7, lr;
	s5 =	simm.s32 $0xFFFFFFFF;
	p2 =	slt.u32 s8, $0xFFFFF086  }
0x1c: {  	p1 =	slt.u32 s9, $0xF7A;
	s5 =	simm.s32 @!p2 $0x0  }
0x1d: {  	s5 =	simm.s32 @p1 $0x1;
	p0 =	seq.s32 s7, s2  }
0x1e: {  	s7 =	smul.u32 @!p0 $0xF7A, s2;
	p2 =	seq.s32 @!p0 s5, $0x0  }
0x1f: {  	s9 =	smul.u32 $0xF7A, s1;
	s8 =	simm.s32 @!p0 $0x1BF5;
	p2 =	por !p2, p0  }
0x20: {  	[sflag:s8] =	ssyncset.s32 @!p0 $0xFFFFF086;
	s6 =	sadd.s32 @!p0 s3, s7;
	s7 =	simm.s32 @!p0 $0x108  }
0x21: {  	s3 =	sadd.s32 s3, s9;
	s6 =	sadd.s32 @!p0 $0x88, s6;
	s7 =	simm.s32 @p2 $0x1082  }
0x22: {  	[simem:s7], [sflag:s8] =	dma.local @!p0 [hbm:s6], $0xF7A  }
0x23: {  	s9 =	sor.u32 $0xD0000000, s2;
	s6 =	simm.s32 $0x108;
	_ =	swait.ge @!p0 [sflag:s8], $0x0  }
0x24: {  	s3 =	sadd.s32 $0x88, s3;
	s6 =	simm.s32 @!p1 $0x1082;
	[sflag:s4] =	ssyncset.s32 $0xFFFFF086  }
0x25: {  	[simem:s6], [sflag:s4] =	dma.local [hbm:s3], $0xF7A  }
0x26: {  	[smem:$0x3F53] =	sst s1;
	(tag) =	ssettag s2;
	_ =	strace s9  }
0x27: {  	s1 =	sld [smem:$0x3F63]  }
0x28: {  	s2 =	sld [smem:$0x3F64]  }
0x29: {  	s4 =	sld [smem:$0x3F66]  }
0x2a: {  	p0 =	seq.s32 s5, $0x0;
	s5 =	sld [smem:$0x3F67]  }
0x2b: {  	s6 =	sld [smem:$0x3F68]  }
0x2c: {  	s7 =	sld [smem:$0x3F69]  }
0x2d: {  	s3 =	simm.s32 $0x108;
	s8 =	sld [smem:$0x3F6A]  }
0x2e: {  	s3 =	simm.s32 @!p0 $0x1082;
	s9 =	sld [smem:$0x3F6B]  }
0x2f: {  	lr =	sadd.s32 s0, s3;
	s0 =	sld [smem:$0x3F62]  }
0x30: {  	s3 =	sld [smem:$0x3F65]  }
0x31: {  	[smem:$0x3F6E] =	sst s10  }
0x32: {  	s10 =	sld [smem:$0x3F6C];
	_ =	sdelay $0x3  }
0x33: {  	p0 =	seq.s32 s10, $0x1;
	s10 =	sld [smem:$0x3F6E];
	_ =	sdelay $0x3  }
0x34: {  	[smem:$0x3F6E] =	sst s10  }
0x35: {  	s10 =	sld [smem:$0x3F6D];
	_ =	sdelay $0x3  }
0x36: {  	p1 =	seq.s32 s10, $0x1;
	s10 =	sld [smem:$0x3F6E];
	_ =	sdelay $0x3  }
0x37: {  	[smem:$0x3F6E] =	sst s10  }
0x38: {  	s10 =	sld [smem:$0x3F6F]  }
0x39: {  	_ = 	snop;
	(pc) =	sbr.ind lr, $3  }
0x3a: {  	_ = 	snop  }
0x3b: {  	_ = 	snop  }
0x3c: {  	p2 =	seq.s32 s10, $0x1;
	s10 =	sld [smem:$0x3F6E]  }
0x3d: {  	_ =	shalt  }
0x3e: {  	_ =	shalt  }
0x3f: {  	_ =	shalt  }
0x40: {  	_ =	shalt  }
0x41: {  	_ =	shalt  }
0x42: {  	_ =	shalt  }
0x43: {  	_ =	shalt  }
0x44: {  	_ =	shalt  }
0x45: {  	_ =	shalt  }
0x46: {  	_ =	shalt  }
0x47: {  	_ =	shalt  }
0x48: {  	_ =	shalt  }
0x49: {  	_ =	shalt  }
0x4a: {  	_ =	shalt  }
0x4b: {  	_ =	shalt  }
0x4c: {  	_ =	shalt  }
0x4d: {  	_ =	shalt  }
0x4e: {  	_ =	shalt  }
0x4f: {  	_ =	shalt  }
0x50: {  	_ =	shalt  }
0x51: {  	_ =	shalt  }
0x52: {  	_ =	shalt  }
0x53: {  	_ =	shalt  }
0x54: {  	_ =	shalt  }
0x55: {  	_ =	shalt  }
0x56: {  	_ =	shalt  }
0x57: {  	_ =	shalt  }
0x58: {  	_ =	shalt  }
0x59: {  	_ =	shalt  }
0x5a: {  	_ =	shalt  }
0x5b: {  	_ =	shalt  }
0x5c: {  	_ =	shalt  }
0x5d: {  	_ =	shalt  }
0x5e: {  	_ =	shalt  }
0x5f: {  	_ =	shalt  }
0x60: {  	_ =	shalt  }
0x61: {  	_ =	shalt  }
0x62: {  	_ =	shalt  }
0x63: {  	_ =	shalt  }
0x64: {  	_ =	shalt  }
0x65: {  	_ =	shalt  }
0x66: {  	_ =	shalt  }
0x67: {  	_ =	shalt  }
0x68: {  	_ =	shalt  }
0x69: {  	_ =	shalt  }
0x6a: {  	_ =	shalt  }
0x6b: {  	_ =	shalt  }
0x6c: {  	_ =	shalt  }
0x6d: {  	_ =	shalt  }
0x6e: {  	_ =	shalt  }
0x6f: {  	_ =	shalt  }
0x70: {  	_ =	shalt  }
0x71: {  	_ =	shalt  }
0x72: {  	_ =	shalt  }
0x73: {  	_ =	shalt  }
0x74: {  	_ =	shalt  }
0x75: {  	_ =	shalt  }
0x76: {  	_ =	shalt  }
0x77: {  	_ =	shalt  }
0x78: {  	_ =	shalt  }
0x79: {  	_ =	shalt  }
0x7a: {  	_ =	shalt  }
0x7b: {  	_ =	shalt  }
0x7c: {  	_ =	shalt  }
0x7d: {  	_ =	shalt  }
0x7e: {  	_ =	shalt  }
0x7f: {  	_ =	shalt  }
0x80: {  	_ =	shalt  }
0x81: {  	_ =	shalt  }
0x82: {  	_ =	shalt  }
0x83: {  	_ =	shalt  }
0x84: {  	_ =	shalt  }
0x85: {  	_ =	shalt  }
0x86: {  	_ =	shalt  }
0x87: {  	_ =	shalt  }
.Lfunc_end0:
.L_simem_size_0:
called_computation.6_lowered:
.L_overlay_start_0:
0x88: {  	s2 =	sld [smem:$0x3FD9]  }
0x89: {  	s3 =	sld [smem:$0x3FFE];
	_ =	sdelay $0x1  }
0x8a: {  	s1 =	srdreg.scid  }
0x8b: {  	s0 =	sand.u32 $0x1, s1  }
0x8c: {  	s16 =	sshll.u32 s0, $0xA;
	s2 =	sadd.s32 s3, s2  }
0x8d: {  	s2 =	sadd.s32 s2, s16  }
0x8e: {  	[smem:$0x3F7A] =	sst s2  }
0x8f: {  	_ = 	snop  }
0x90: {  	(tm) =	ssettm $0x1  }
0x91: {  	s17 =	sld [smem:$0x3FFB];
	_ =	sdelay $0x3  }
0x92: {  	_ =	strace s17  }
0x93: {  	s2 =	sld [smem:$0x3FFC];
	_ =	sdelay $0x3  }
0x94: {  	_ =	strace s2  }
0x95: {  	s2 =	sld [smem:$0x3FFD];
	_ =	sdelay $0x3  }
0x96: {  	_ =	strace s2  }
0x97: {  	_ =	strace $0x8FFFFFFF  }
0x98: {  	s18 =	sld [smem:$0x3FDB];
	_ =	sdelay $0x1  }
0x99: {  	s19 =	simm.s32 $_scs_section_size  }
0x9a: {  	s4 =	simm.s32 $_size__tile_overlayer_lowered;
	s5 =	simm.s32 $_tile_overlayer_lowered  }
0x9b: {  	s22 =	simm.s32 $0x1BFF;
	s21 =	sshll.u32 s5, $0x1;
	s2 =	sadd.s32 s19, s18  }
0x9c: {  	s6 =	simm.s32 $0x0;
	s20 =	sshll.u32 s4, $0x1;
	s4 =	sadd.s32 s21, s2  }
0x9d: {  	[timem:s6], [sflag:s22] =	dma.local [hbm:s4], s20  }
0x9e: {  	_ =	swait.ge [sflag:s22], s20  }
0x9f: {  	s3 =	ssub.s32 $0x0, s20;
	[sflag:s22] =	ssyncset.done $0x0  }
0xa0: {  	[sflag:s22] =	ssyncadd.s32 s3;
	_ =	sdelay $0x1  }
0xa1: {  	s23 =	simm.s32 $0x1B8B  }
0xa2: {  	_ =	swait.ge [sflag:s23], $0x1  }
0xa3: {  	[sflag:s23] =	ssyncset.done $0x0  }
0xa4: {  	s25 =	simm.s32 $0x1B8E;
	s24 =	sld [smem:$0x3FFE];
	[sflag:s23] =	ssyncadd.s32 $0xFFFFFFFF  }
0xa5: {  	s26 =	simm.s32 $execute0_lowered;
	[smem:$0x3FD2] =	sst s25  }
0xa6: {  	s4 =	sshll.u32 s26, $0x1;
	_ =	strace $0x80000046;
	[dreg:$0x1] =	wrdreg $0xFFFFFFFF  }
0xa7: {  	s28 =	simm.s32 $_size_execute0_lowered;
	s2 =	sadd.s32 s2, s4;
	[dreg:$0x0] =	wrdreg $0x0  }
0xa8: {  	s4 =	sshll.u32 s28, $0x1;
	[dreg:$0x2] =	wrdreg s2  }
0xa9: {  	[dreg:$0x3] =	wrdreg s4  }
0xaa: {  	[dreg:$0x4] =	wrdreg $0xC0  }
0xab: {  	_ =	task [dreg:s6], $0x5FFFF  }
0xac: {  	[dreg:$0x1] =	wrdreg $0xFFFFFFFF  }
0xad: {  	[dreg:$0x0] =	wrdreg $0x60  }
0xae: {  	[dreg:$0x2] =	wrdreg s24  }
0xaf: {  	[dreg:$0x3] =	wrdreg $0x9  }
0xb0: {  	_ =	task.clear_ibuf [dreg:s6], $0x4FFFF;
	_ =	strace $0x90000046  }
0xb1: {  	s29 =	simm.s32 $0x9;
	_ =	strace $0x80000048  }
0xb2: {  	_ =	swait.ge [sflag:s29], $0x1  }
0xb3: {  	[sflag:s29] =	ssyncadd.s32 $0xFFFFFFFF  }
0xb4: {  	_ =	strace $0x90000048  }
0xb5: {  	_ =	sfence  }
0xb6: {  	s30 =	sld [smem:$0x0];
	_ =	sdelay $0x2  }
0xb7: {  	s31 =	sshll.u32 s1, $0xD;
	s1 =	sshrl.u32 s1, $0x2  }
0xb8: {  	s3 =	sand.u32 $0x4000, s31;
	s1 =	sadd.s32 s1, s30  }
0xb9: {  	s0 =	sor.u32 s3, s0;
	s1 =	sshll.u32 s1, $0x11  }
0xba: {  	s0 =	sor.u32 s1, s0  }
0xbb: {  	s0 =	sadd.s32 $0x8F2B, s0  }
0xbc: {  	[sflag:s0] =	ssyncadd.remote.s32 $0x1  }
0xbd: {  	_ =	sfence.sel $0xFFFF  }
0xbe: {  	[dreg:$0x0] =	wrdreg $0xFFFFFFFF;
	(pc) =	sbr.abs _section_cstart, $3  }
0xbf: {  	[dreg:$0x1] =	wrdreg $0xFFFFFFFF  }
0xc0: {  	_ =	task.clear_ibuf [dreg:s6], $0x2FFFF;
	_ =	strace $0x9FFFFFFF  }
0xc1: {  	(tm) =	ssettm $0x7FFFFFFF  }
tec
execute0_lowered:
.L_overlay_start_1:
0x0: {  	(tag) =	ssettag $0x1  }
0x1: {  	s1 =	srdreg.scid;
	s0 =	stileid.u32  }
0x2: {  	s5 =	rddreg [dreg:$0x0];
	s2 =	simm.s32 $0x0;
	s10 =	simm.s32 $0x1  }
0x3: {  	s11 =	simm.s32 $0x0;
	s4 =	sand.u32 $0x1, s1;
	s1 =	rddreg [dreg:$0x1]  }
0x4: {  	s3 =	sshll.u32 s0, $0xE;
	[smem:$0x7FF] =	sst s2;
	s8 =	sshll.u32 s0, $0x12  }
0x5: {  	s6 =	sshll.u32 s4, $0xD;
	_ =	strace $0x80000047;
	s7 =	ssub.s32 $0x2, s4  }
0x6: {  	s8 =	sadd.s32 s8, s5;
	s30 =	sshll.u32 s4, $0x11;
	s3 =	sor.u32 s6, s3  }
0x7: {  	s9 =	sshrl.u32 s7, $0x1;
	s31 =	sadd.s32 s30, s8;
	s8 =	simm.s32 $0x200  }
0x8: {  	s3 =	sshrl.u32 s3, $0x3;
	s29 =	ssub.s32 s7, s9;
	s6 =	sadd.s32 $0x4C200, s31  }
0x9: {  	s7 =	simm.s32 $0x2;
	s9 =	simm.s32 $0x2000;
	s28 =	sadd.s32 s3, s5  }
0xa: {  	s3 =	sadd.s32 $0x2C200, s5;
	s5 =	smax.u32 s29, $0x1;
	s4 =	sadd.s32 $0x24200, s28  }
.LBB2_1:
0xb: {  	[tilespmem:s2], [sflag:$0x2] =	stream.linear.gather [hbm4b:s4+s2], $0x2000, $0x38;
	[tilespmem:$0x12000] =	vst v63  }
0xc: {  	_ =	swait.ge [sflag:s7], $0x2000  }
0xd: {  	[sflag:s7] =	ssyncset.done $0x0  }
0xe: {  	s12 =	simm.s32 $0x0;
	[sflag:s7] =	ssyncadd.s32 $0xFFFFE000  }
0xf: {  	[tilespmem:s9], [sflag:$0x1] =	stream.indirect.gather [hbm4b:s3+s8], $0x80, s12, s8, $0xb8;
	[tilespmem:$0x12000] =	vst v63  }
0x10: {  	_ =	swait.ge [sflag:s10], $0x10000  }
0x11: {  	[sflag:s10] =	ssyncset.done $0x0  }
0x12: {  	[sflag:s10] =	ssyncadd.s32 $0xFFFF0000  }
0x13: {  	[hbm4b:s6+s2] =	stream.linear.scatter [tilespmem:s9], [sflag:$0x2], $0x10000, $0x38;
	[tilespmem:$0x12000] =	vst v63  }
0x14: {  	s13 =	simm.s32 $0x800;
	_ =	swait.ge [sflag:s7], $0x10000  }
0x15: {  	s14 =	simm.s32 $0x1000;
	s12 =	sadd.s32 $0x2000, s6;
	[sflag:s7] =	ssyncset.done $0x0  }
.LBB2_2:
0x16: {  	s15 =	sshra.s32 s13, $0x2  }
0x17: {  	[sflag:s7] =	ssyncadd.s32 $0xFFFF0000;
	s13 =	smov.u32 s14;
	s16 =	sadd.s32 $0x800, s14  }
0x18: {  	[tilespmem:s9], [sflag:$0x1] =	stream.indirect.gather [hbm4b:s3+s8], $0x80, s15, s8, $0xb8;
	[tilespmem:$0x12000] =	vst v63  }
0x19: {  	p0 =	sne.s32 s14, $0x7800;
	_ =	swait.ge [sflag:s10], $0x10000  }
.Ltmp0:
0x1a: {  	[sflag:s10] =	ssyncset.done $0x0;
	(pc) =	sbr.rel @p0 .LBB2_2-.Ltmp0, $4  }
0x1b: {  	[sflag:s10] =	ssyncadd.s32 $0xFFFF0000  }
0x1c: {  	[hbm4b:s12+s2] =	stream.linear.scatter [tilespmem:s9], [sflag:$0x2], $0x10000, $0x38;
	[tilespmem:$0x12000] =	vst v63  }
0x1d: {  	_ =	swait.ge [sflag:s7], $0x10000  }
0x1e: {  	s14 =	smov.u32 s16;
	s12 =	sadd.s32 $0x2000, s12;
	[sflag:s7] =	ssyncset.done $0x0  }
0x1f: {  	s13 =	sshra.s32 s13, $0x2;
	[sflag:s7] =	ssyncadd.s32 $0xFFFF0000  }
0x20: {  	[tilespmem:s9], [sflag:$0x1] =	stream.indirect.gather [hbm4b:s3+s8], $0x80, s13, s8, $0xb8;
	[tilespmem:$0x12000] =	vst v63  }
0x21: {  	s11 =	sadd.s32 $0x1, s11;
	_ =	swait.ge [sflag:s10], $0x10000  }
0x22: {  	p0 =	sne.s32 s11, s5;
	[sflag:s10] =	ssyncset.done $0x0  }
.Ltmp1:
0x23: {  	[sflag:s10] =	ssyncadd.s32 $0xFFFF0000;
	(pc) =	sbr.rel @p0 .LBB2_1-.Ltmp1, $4  }
0x24: {  	[hbm4b:s12+s2] =	stream.linear.scatter [tilespmem:s9], [sflag:$0x2], $0x10000, $0x38;
	[tilespmem:$0x12000] =	vst v63  }
0x25: {  	_ =	swait.ge [sflag:s7], $0x10000  }
0x26: {  	[sflag:s7] =	ssyncset.done $0x0  }
0x27: {  	[sflag:s7] =	ssyncadd.s32 $0xFFFF0000  }
0x28: {  	_ =	sfence.sel $0x180000  }
0x29: {  	[bflag:$0x0] =	sbarrier.arrive $0xFFFF  }
0x2a: {  	p0 =	sne.s32 s0, $0x0;
	_ =	strace $0x90000047  }
0x2b: {  	s0 =	sadd.s32 @!p0 $0x100000, s1;
	[bflag:$0x2] =	sbarrier.arrive $0xFFFF  }
0x2c: {  	[sflag:s0] =	ssyncadd.tile.s32 @!p0 $0x1;
	_ =	shalt  }
.Lfunc_end2:
_tile_overlayer_lowered:
.L_overlay_start_2:
0x2d: {  	(tag) =	ssettag $0x2  }
0x2e: {  	s0 =	rddreg [dreg:$0x0];
	s2 =	stileid.u32  }
0x2f: {  	s1 =	rddreg [dreg:$0x1];
	p0 =	sne.s32 s2, $0x0  }
0x30: {  	s3 =	rddreg [dreg:$0x2];
	[bflag:$0x3] =	sbarrier.arrive $0xFFFF;
	s2 =	simm.s32 @!p0 $0x1C02  }
0x31: {  	[timem:s3], [sflag:s2] =	dma.local @!p0 [hbm:s0], s1  }
0x32: {  	s0 =	simm.s32 @!p0 $0x2  }
0x33: {  	_ =	swait.ge @!p0 [sflag:s0], s1  }
0x34: {  	s1 =	ssub.s32 @!p0 $0x0, s1;
	[sflag:s0] =	ssyncset.done @!p0 $0x0  }
0x35: {  	[sflag:s0] =	ssyncadd.s32 @!p0 s1  }
0x36: {  	[bflag:$0x3] =	sbarrier.arrive $0xFFFF  }
0x37: {  	_ =	shalt  }

// kernel: kernel.18.cloned.1.call-start
scs
__scs_entry_jumppad:
0x0: {  	(pc) =	sbr.rel $0x88, $3  }
0x1: {  	(tag) =	ssettag $0x0;
	lr =	simm.s32 $0x1  }
0x2: {  	[smem:$0x3F53] =	sst lr;
	_ =	strace $0xD0000000  }
0x3: {  	_ = 	snop  }
0x4: {  	_ = 	snop  }
0x5: {  	_ = 	snop  }
0x6: {  	_ = 	snop  }
0x7: {  	_ = 	snop  }
__scs_overlays_trampoline_lowered:
0x8: {  	[smem:$0x3F62] =	sst s0  }
0x9: {  	[smem:$0x3F63] =	sst s1  }
0xa: {  	[smem:$0x3F64] =	sst s2  }
0xb: {  	[smem:$0x3F65] =	sst s3  }
0xc: {  	[smem:$0x3F66] =	sst s4  }
0xd: {  	[smem:$0x3F67] =	sst s5  }
0xe: {  	[smem:$0x3F68] =	sst s6  }
0xf: {  	[smem:$0x3F69] =	sst s7  }
0x10: {  	[smem:$0x3F6A] =	sst s8  }
0x11: {  	[smem:$0x3F6B] =	sst s9;
	s0 =	simm.s32 @!p0 $0x0  }
0x12: {  	s1 =	sld [smem:$0x3F51];
	s0 =	simm.s32 @p0 $0x1  }
0x13: {  	[smem:$0x3F6C] =	sst s0;
	s0 =	simm.s32 @!p1 $0x0  }
0x14: {  	s2 =	sld [smem:$0x3F50];
	s0 =	simm.s32 @p1 $0x1  }
0x15: {  	[smem:$0x3F6D] =	sst s0;
	s0 =	simm.s32 @!p2 $0x0  }
0x16: {  	s3 =	sld [smem:$0x3FDB];
	s0 =	simm.s32 @p2 $0x1  }
0x17: {  	s4 =	simm.s32 $0x1BF5;
	[smem:$0x3F6F] =	sst s0  }
0x18: {  	s0 =	sld [smem:$0x3F52];
	_ =	swait.ge [sflag:s4], $0x0  }
0x19: {  	s7 =	sld [smem:$0x3F53]  }
0x1a: {  	s8 =	sadd.s32 $0xFFFFE003, lr  }
0x1b: {  	s9 =	sadd.s32 $0xFFFFFEF7, lr;
	s5 =	simm.s32 $0xFFFFFFFF;
	p2 =	slt.u32 s8, $0xFFFFF086  }
0x1c: {  	p1 =	slt.u32 s9, $0xF7A;
	s5 =	simm.s32 @!p2 $0x0  }
0x1d: {  	s5 =	simm.s32 @p1 $0x1;
	p0 =	seq.s32 s7, s2  }
0x1e: {  	s7 =	smul.u32 @!p0 $0xF7A, s2;
	p2 =	seq.s32 @!p0 s5, $0x0  }
0x1f: {  	s9 =	smul.u32 $0xF7A, s1;
	s8 =	simm.s32 @!p0 $0x1BF5;
	p2 =	por !p2, p0  }
0x20: {  	[sflag:s8] =	ssyncset.s32 @!p0 $0xFFFFF086;
	s6 =	sadd.s32 @!p0 s3, s7;
	s7 =	simm.s32 @!p0 $0x108  }
0x21: {  	s3 =	sadd.s32 s3, s9;
	s6 =	sadd.s32 @!p0 $0x88, s6;
	s7 =	simm.s32 @p2 $0x1082  }
0x22: {  	[simem:s7], [sflag:s8] =	dma.local @!p0 [hbm:s6], $0xF7A  }
0x23: {  	s9 =	sor.u32 $0xD0000000, s2;
	s6 =	simm.s32 $0x108;
	_ =	swait.ge @!p0 [sflag:s8], $0x0  }
0x24: {  	s3 =	sadd.s32 $0x88, s3;
	s6 =	simm.s32 @!p1 $0x1082;
	[sflag:s4] =	ssyncset.s32 $0xFFFFF086  }
0x25: {  	[simem:s6], [sflag:s4] =	dma.local [hbm:s3], $0xF7A  }
0x26: {  	[smem:$0x3F53] =	sst s1;
	(tag) =	ssettag s2;
	_ =	strace s9  }
0x27: {  	s1 =	sld [smem:$0x3F63]  }
0x28: {  	s2 =	sld [smem:$0x3F64]  }
0x29: {  	s4 =	sld [smem:$0x3F66]  }
0x2a: {  	p0 =	seq.s32 s5, $0x0;
	s5 =	sld [smem:$0x3F67]  }
0x2b: {  	s6 =	sld [smem:$0x3F68]  }
0x2c: {  	s7 =	sld [smem:$0x3F69]  }
0x2d: {  	s3 =	simm.s32 $0x108;
	s8 =	sld [smem:$0x3F6A]  }
0x2e: {  	s3 =	simm.s32 @!p0 $0x1082;
	s9 =	sld [smem:$0x3F6B]  }
0x2f: {  	lr =	sadd.s32 s0, s3;
	s0 =	sld [smem:$0x3F62]  }
0x30: {  	s3 =	sld [smem:$0x3F65]  }
0x31: {  	[smem:$0x3F6E] =	sst s10  }
0x32: {  	s10 =	sld [smem:$0x3F6C];
	_ =	sdelay $0x3  }
0x33: {  	p0 =	seq.s32 s10, $0x1;
	s10 =	sld [smem:$0x3F6E];
	_ =	sdelay $0x3  }
0x34: {  	[smem:$0x3F6E] =	sst s10  }
0x35: {  	s10 =	sld [smem:$0x3F6D];
	_ =	sdelay $0x3  }
0x36: {  	p1 =	seq.s32 s10, $0x1;
	s10 =	sld [smem:$0x3F6E];
	_ =	sdelay $0x3  }
0x37: {  	[smem:$0x3F6E] =	sst s10  }
0x38: {  	s10 =	sld [smem:$0x3F6F]  }
0x39: {  	_ = 	snop;
	(pc) =	sbr.ind lr, $3  }
0x3a: {  	_ = 	snop  }
0x3b: {  	_ = 	snop  }
0x3c: {  	p2 =	seq.s32 s10, $0x1;
	s10 =	sld [smem:$0x3F6E]  }
0x3d: {  	_ =	shalt  }
0x3e: {  	_ =	shalt  }
0x3f: {  	_ =	shalt  }
0x40: {  	_ =	shalt  }
0x41: {  	_ =	shalt  }
0x42: {  	_ =	shalt  }
0x43: {  	_ =	shalt  }
0x44: {  	_ =	shalt  }
0x45: {  	_ =	shalt  }
0x46: {  	_ =	shalt  }
0x47: {  	_ =	shalt  }
0x48: {  	_ =	shalt  }
0x49: {  	_ =	shalt  }
0x4a: {  	_ =	shalt  }
0x4b: {  	_ =	shalt  }
0x4c: {  	_ =	shalt  }
0x4d: {  	_ =	shalt  }
0x4e: {  	_ =	shalt  }
0x4f: {  	_ =	shalt  }
0x50: {  	_ =	shalt  }
0x51: {  	_ =	shalt  }
0x52: {  	_ =	shalt  }
0x53: {  	_ =	shalt  }
0x54: {  	_ =	shalt  }
0x55: {  	_ =	shalt  }
0x56: {  	_ =	shalt  }
0x57: {  	_ =	shalt  }
0x58: {  	_ =	shalt  }
0x59: {  	_ =	shalt  }
0x5a: {  	_ =	shalt  }
0x5b: {  	_ =	shalt  }
0x5c: {  	_ =	shalt  }
0x5d: {  	_ =	shalt  }
0x5e: {  	_ =	shalt  }
0x5f: {  	_ =	shalt  }
0x60: {  	_ =	shalt  }
0x61: {  	_ =	shalt  }
0x62: {  	_ =	shalt  }
0x63: {  	_ =	shalt  }
0x64: {  	_ =	shalt  }
0x65: {  	_ =	shalt  }
0x66: {  	_ =	shalt  }
0x67: {  	_ =	shalt  }
0x68: {  	_ =	shalt  }
0x69: {  	_ =	shalt  }
0x6a: {  	_ =	shalt  }
0x6b: {  	_ =	shalt  }
0x6c: {  	_ =	shalt  }
0x6d: {  	_ =	shalt  }
0x6e: {  	_ =	shalt  }
0x6f: {  	_ =	shalt  }
0x70: {  	_ =	shalt  }
0x71: {  	_ =	shalt  }
0x72: {  	_ =	shalt  }
0x73: {  	_ =	shalt  }
0x74: {  	_ =	shalt  }
0x75: {  	_ =	shalt  }
0x76: {  	_ =	shalt  }
0x77: {  	_ =	shalt  }
0x78: {  	_ =	shalt  }
0x79: {  	_ =	shalt  }
0x7a: {  	_ =	shalt  }
0x7b: {  	_ =	shalt  }
0x7c: {  	_ =	shalt  }
0x7d: {  	_ =	shalt  }
0x7e: {  	_ =	shalt  }
0x7f: {  	_ =	shalt  }
0x80: {  	_ =	shalt  }
0x81: {  	_ =	shalt  }
0x82: {  	_ =	shalt  }
0x83: {  	_ =	shalt  }
0x84: {  	_ =	shalt  }
0x85: {  	_ =	shalt  }
0x86: {  	_ =	shalt  }
0x87: {  	_ =	shalt  }
.Lfunc_end0:
.L_simem_size_0:
called_computation.7_lowered:
.L_overlay_start_0:
0x88: {  	s2 =	sld [smem:$0x3FD9]  }
0x89: {  	s3 =	sld [smem:$0x3FFE];
	_ =	sdelay $0x1  }
0x8a: {  	s1 =	srdreg.scid  }
0x8b: {  	s0 =	sand.u32 $0x1, s1  }
0x8c: {  	s16 =	sshll.u32 s0, $0xA;
	s2 =	sadd.s32 s3, s2  }
0x8d: {  	s2 =	sadd.s32 s2, s16  }
0x8e: {  	[smem:$0x3F7A] =	sst s2  }
0x8f: {  	_ = 	snop  }
0x90: {  	(tm) =	ssettm $0x1  }
0x91: {  	s17 =	sld [smem:$0x3FFB];
	_ =	sdelay $0x3  }
0x92: {  	_ =	strace s17  }
0x93: {  	s2 =	sld [smem:$0x3FFC];
	_ =	sdelay $0x3  }
0x94: {  	_ =	strace s2  }
0x95: {  	s2 =	sld [smem:$0x3FFD];
	_ =	sdelay $0x3  }
0x96: {  	_ =	strace s2  }
0x97: {  	_ =	strace $0x8FFFFFFF  }
0x98: {  	s18 =	sld [smem:$0x3FDB];
	_ =	sdelay $0x1  }
0x99: {  	s19 =	simm.s32 $_scs_section_size  }
0x9a: {  	s4 =	simm.s32 $_size__tile_overlayer_lowered;
	s5 =	simm.s32 $_tile_overlayer_lowered  }
0x9b: {  	s22 =	simm.s32 $0x1BFF;
	s21 =	sshll.u32 s5, $0x1;
	s2 =	sadd.s32 s19, s18  }
0x9c: {  	s6 =	simm.s32 $0x0;
	s20 =	sshll.u32 s4, $0x1;
	s4 =	sadd.s32 s21, s2  }
0x9d: {  	[timem:s6], [sflag:s22] =	dma.local [hbm:s4], s20  }
0x9e: {  	_ =	swait.ge [sflag:s22], s20  }
0x9f: {  	s3 =	ssub.s32 $0x0, s20;
	[sflag:s22] =	ssyncset.done $0x0  }
0xa0: {  	[sflag:s22] =	ssyncadd.s32 s3;
	_ =	sdelay $0x1  }
0xa1: {  	s23 =	simm.s32 $0x1B8B  }
0xa2: {  	_ =	swait.ge [sflag:s23], $0x1  }
0xa3: {  	[sflag:s23] =	ssyncset.done $0x0  }
0xa4: {  	s25 =	simm.s32 $0x1B8E;
	s24 =	sld [smem:$0x3FFE];
	[sflag:s23] =	ssyncadd.s32 $0xFFFFFFFF  }
0xa5: {  	s26 =	simm.s32 $execute0_lowered;
	[smem:$0x3FD2] =	sst s25  }
0xa6: {  	s4 =	sshll.u32 s26, $0x1;
	_ =	strace $0x80000052;
	[dreg:$0x1] =	wrdreg $0xFFFFFFFF  }
0xa7: {  	s28 =	simm.s32 $_size_execute0_lowered;
	s2 =	sadd.s32 s2, s4;
	[dreg:$0x0] =	wrdreg $0x0  }
0xa8: {  	s4 =	sshll.u32 s28, $0x1;
	[dreg:$0x2] =	wrdreg s2  }
0xa9: {  	[dreg:$0x3] =	wrdreg s4  }
0xaa: {  	[dreg:$0x4] =	wrdreg $0xC0  }
0xab: {  	_ =	task [dreg:s6], $0x5FFFF  }
0xac: {  	[dreg:$0x1] =	wrdreg $0xFFFFFFFF  }
0xad: {  	[dreg:$0x0] =	wrdreg $0x60  }
0xae: {  	[dreg:$0x2] =	wrdreg s24  }
0xaf: {  	[dreg:$0x3] =	wrdreg $0x9  }
0xb0: {  	_ =	task.clear_ibuf [dreg:s6], $0x4FFFF;
	_ =	strace $0x90000052  }
0xb1: {  	s29 =	simm.s32 $0x9;
	_ =	strace $0x80000054  }
0xb2: {  	_ =	swait.ge [sflag:s29], $0x1  }
0xb3: {  	[sflag:s29] =	ssyncadd.s32 $0xFFFFFFFF  }
0xb4: {  	_ =	strace $0x90000054  }
0xb5: {  	_ =	sfence  }
0xb6: {  	s30 =	sld [smem:$0x0];
	_ =	sdelay $0x2  }
0xb7: {  	s31 =	sshll.u32 s1, $0xD;
	s1 =	sshrl.u32 s1, $0x2  }
0xb8: {  	s3 =	sand.u32 $0x4000, s31;
	s1 =	sadd.s32 s1, s30  }
0xb9: {  	s0 =	sor.u32 s3, s0;
	s1 =	sshll.u32 s1, $0x11  }
0xba: {  	s0 =	sor.u32 s1, s0  }
0xbb: {  	s0 =	sadd.s32 $0x8F2B, s0  }
0xbc: {  	[sflag:s0] =	ssyncadd.remote.s32 $0x1  }
0xbd: {  	_ =	sfence.sel $0xFFFF  }
0xbe: {  	[dreg:$0x0] =	wrdreg $0xFFFFFFFF;
	(pc) =	sbr.abs _section_cstart, $3  }
0xbf: {  	[dreg:$0x1] =	wrdreg $0xFFFFFFFF  }
0xc0: {  	_ =	task.clear_ibuf [dreg:s6], $0x2FFFF;
	_ =	strace $0x9FFFFFFF  }
0xc1: {  	(tm) =	ssettm $0x7FFFFFFF  }
tec
execute0_lowered:
.L_overlay_start_1:
0x0: {  	(tag) =	ssettag $0x1  }
0x1: {  	s1 =	srdreg.scid;
	s0 =	stileid.u32  }
0x2: {  	s5 =	rddreg [dreg:$0x0];
	s2 =	simm.s32 $0x0;
	s10 =	simm.s32 $0x1  }
0x3: {  	s11 =	simm.s32 $0x0;
	s4 =	sand.u32 $0x1, s1;
	s1 =	rddreg [dreg:$0x1]  }
0x4: {  	s3 =	sshll.u32 s0, $0xE;
	[smem:$0x7FF] =	sst s2;
	s8 =	sshll.u32 s0, $0x12  }
0x5: {  	s6 =	sshll.u32 s4, $0xD;
	_ =	strace $0x80000053;
	s7 =	ssub.s32 $0x2, s4  }
0x6: {  	s8 =	sadd.s32 s8, s5;
	s30 =	sshll.u32 s4, $0x11;
	s3 =	sor.u32 s6, s3  }
0x7: {  	s9 =	sshrl.u32 s7, $0x1;
	s31 =	sadd.s32 s30, s8;
	s8 =	simm.s32 $0x200  }
0x8: {  	s3 =	sshrl.u32 s3, $0x3;
	s29 =	ssub.s32 s7, s9;
	s6 =	sadd.s32 $0x5C200, s31  }
0x9: {  	s7 =	simm.s32 $0x2;
	s9 =	simm.s32 $0x2000;
	s28 =	sadd.s32 s3, s5  }
0xa: {  	s3 =	sadd.s32 $0x3C200, s5;
	s5 =	smax.u32 s29, $0x1;
	s4 =	sadd.s32 $0x24200, s28  }
.LBB2_1:
0xb: {  	[tilespmem:s2], [sflag:$0x2] =	stream.linear.gather [hbm4b:s4+s2], $0x2000, $0x38;
	[tilespmem:$0x12000] =	vst v63  }
0xc: {  	_ =	swait.ge [sflag:s7], $0x2000  }
0xd: {  	[sflag:s7] =	ssyncset.done $0x0  }
0xe: {  	s12 =	simm.s32 $0x0;
	[sflag:s7] =	ssyncadd.s32 $0xFFFFE000  }
0xf: {  	[tilespmem:s9], [sflag:$0x1] =	stream.indirect.gather [hbm4b:s3+s8], $0x80, s12, s8, $0xb8;
	[tilespmem:$0x12000] =	vst v63  }
0x10: {  	_ =	swait.ge [sflag:s10], $0x10000  }
0x11: {  	[sflag:s10] =	ssyncset.done $0x0  }
0x12: {  	[sflag:s10] =	ssyncadd.s32 $0xFFFF0000  }
0x13: {  	[hbm4b:s6+s2] =	stream.linear.scatter [tilespmem:s9], [sflag:$0x2], $0x10000, $0x38;
	[tilespmem:$0x12000] =	vst v63  }
0x14: {  	s13 =	simm.s32 $0x800;
	_ =	swait.ge [sflag:s7], $0x10000  }
0x15: {  	s14 =	simm.s32 $0x1000;
	s12 =	sadd.s32 $0x2000, s6;
	[sflag:s7] =	ssyncset.done $0x0  }
.LBB2_2:
0x16: {  	s15 =	sshra.s32 s13, $0x2  }
0x17: {  	[sflag:s7] =	ssyncadd.s32 $0xFFFF0000;
	s13 =	smov.u32 s14;
	s16 =	sadd.s32 $0x800, s14  }
0x18: {  	[tilespmem:s9], [sflag:$0x1] =	stream.indirect.gather [hbm4b:s3+s8], $0x80, s15, s8, $0xb8;
	[tilespmem:$0x12000] =	vst v63  }
0x19: {  	p0 =	sne.s32 s14, $0x7800;
	_ =	swait.ge [sflag:s10], $0x10000  }
.Ltmp0:
0x1a: {  	[sflag:s10] =	ssyncset.done $0x0;
	(pc) =	sbr.rel @p0 .LBB2_2-.Ltmp0, $4  }
0x1b: {  	[sflag:s10] =	ssyncadd.s32 $0xFFFF0000  }
0x1c: {  	[hbm4b:s12+s2] =	stream.linear.scatter [tilespmem:s9], [sflag:$0x2], $0x10000, $0x38;
	[tilespmem:$0x12000] =	vst v63  }
0x1d: {  	_ =	swait.ge [sflag:s7], $0x10000  }
0x1e: {  	s14 =	smov.u32 s16;
	s12 =	sadd.s32 $0x2000, s12;
	[sflag:s7] =	ssyncset.done $0x0  }
0x1f: {  	s13 =	sshra.s32 s13, $0x2;
	[sflag:s7] =	ssyncadd.s32 $0xFFFF0000  }
0x20: {  	[tilespmem:s9], [sflag:$0x1] =	stream.indirect.gather [hbm4b:s3+s8], $0x80, s13, s8, $0xb8;
	[tilespmem:$0x12000] =	vst v63  }
0x21: {  	s11 =	sadd.s32 $0x1, s11;
	_ =	swait.ge [sflag:s10], $0x10000  }
0x22: {  	p0 =	sne.s32 s11, s5;
	[sflag:s10] =	ssyncset.done $0x0  }
.Ltmp1:
0x23: {  	[sflag:s10] =	ssyncadd.s32 $0xFFFF0000;
	(pc) =	sbr.rel @p0 .LBB2_1-.Ltmp1, $4  }
0x24: {  	[hbm4b:s12+s2] =	stream.linear.scatter [tilespmem:s9], [sflag:$0x2], $0x10000, $0x38;
	[tilespmem:$0x12000] =	vst v63  }
0x25: {  	_ =	swait.ge [sflag:s7], $0x10000  }
0x26: {  	[sflag:s7] =	ssyncset.done $0x0  }
0x27: {  	[sflag:s7] =	ssyncadd.s32 $0xFFFF0000  }
0x28: {  	_ =	sfence.sel $0x180000  }
0x29: {  	[bflag:$0x0] =	sbarrier.arrive $0xFFFF  }
0x2a: {  	p0 =	sne.s32 s0, $0x0;
	_ =	strace $0x90000053  }
0x2b: {  	s0 =	sadd.s32 @!p0 $0x100000, s1;
	[bflag:$0x2] =	sbarrier.arrive $0xFFFF  }
0x2c: {  	[sflag:s0] =	ssyncadd.tile.s32 @!p0 $0x1;
	_ =	shalt  }
.Lfunc_end2:
_tile_overlayer_lowered:
.L_overlay_start_2:
0x2d: {  	(tag) =	ssettag $0x2  }
0x2e: {  	s0 =	rddreg [dreg:$0x0];
	s2 =	stileid.u32  }
0x2f: {  	s1 =	rddreg [dreg:$0x1];
	p0 =	sne.s32 s2, $0x0  }
0x30: {  	s3 =	rddreg [dreg:$0x2];
	[bflag:$0x3] =	sbarrier.arrive $0xFFFF;
	s2 =	simm.s32 @!p0 $0x1C02  }
0x31: {  	[timem:s3], [sflag:s2] =	dma.local @!p0 [hbm:s0], s1  }
0x32: {  	s0 =	simm.s32 @!p0 $0x2  }
0x33: {  	_ =	swait.ge @!p0 [sflag:s0], s1  }
0x34: {  	s1 =	ssub.s32 @!p0 $0x0, s1;
	[sflag:s0] =	ssyncset.done @!p0 $0x0  }
0x35: {  	[sflag:s0] =	ssyncadd.s32 @!p0 s1  }
0x36: {  	[bflag:$0x3] =	sbarrier.arrive $0xFFFF  }
0x37: {  	_ =	shalt  }

// kernel: kernel.21.cloned.1.call-start
scs
__scs_entry_jumppad:
0x0: {  	(pc) =	sbr.rel $0x88, $3  }
0x1: {  	(tag) =	ssettag $0x0;
	lr =	simm.s32 $0x1  }
0x2: {  	[smem:$0x3F53] =	sst lr;
	_ =	strace $0xD0000000  }
0x3: {  	_ = 	snop  }
0x4: {  	_ = 	snop  }
0x5: {  	_ = 	snop  }
0x6: {  	_ = 	snop  }
0x7: {  	_ = 	snop  }
__scs_overlays_trampoline_lowered:
0x8: {  	[smem:$0x3F62] =	sst s0  }
0x9: {  	[smem:$0x3F63] =	sst s1  }
0xa: {  	[smem:$0x3F64] =	sst s2  }
0xb: {  	[smem:$0x3F65] =	sst s3  }
0xc: {  	[smem:$0x3F66] =	sst s4  }
0xd: {  	[smem:$0x3F67] =	sst s5  }
0xe: {  	[smem:$0x3F68] =	sst s6  }
0xf: {  	[smem:$0x3F69] =	sst s7  }
0x10: {  	[smem:$0x3F6A] =	sst s8  }
0x11: {  	[smem:$0x3F6B] =	sst s9;
	s0 =	simm.s32 @!p0 $0x0  }
0x12: {  	s1 =	sld [smem:$0x3F51];
	s0 =	simm.s32 @p0 $0x1  }
0x13: {  	[smem:$0x3F6C] =	sst s0;
	s0 =	simm.s32 @!p1 $0x0  }
0x14: {  	s2 =	sld [smem:$0x3F50];
	s0 =	simm.s32 @p1 $0x1  }
0x15: {  	[smem:$0x3F6D] =	sst s0;
	s0 =	simm.s32 @!p2 $0x0  }
0x16: {  	s3 =	sld [smem:$0x3FDB];
	s0 =	simm.s32 @p2 $0x1  }
0x17: {  	s4 =	simm.s32 $0x1BF5;
	[smem:$0x3F6F] =	sst s0  }
0x18: {  	s0 =	sld [smem:$0x3F52];
	_ =	swait.ge [sflag:s4], $0x0  }
0x19: {  	s7 =	sld [smem:$0x3F53]  }
0x1a: {  	s8 =	sadd.s32 $0xFFFFE003, lr  }
0x1b: {  	s9 =	sadd.s32 $0xFFFFFEF7, lr;
	s5 =	simm.s32 $0xFFFFFFFF;
	p2 =	slt.u32 s8, $0xFFFFF086  }
0x1c: {  	p1 =	slt.u32 s9, $0xF7A;
	s5 =	simm.s32 @!p2 $0x0  }
0x1d: {  	s5 =	simm.s32 @p1 $0x1;
	p0 =	seq.s32 s7, s2  }
0x1e: {  	s7 =	smul.u32 @!p0 $0xF7A, s2;
	p2 =	seq.s32 @!p0 s5, $0x0  }
0x1f: {  	s9 =	smul.u32 $0xF7A, s1;
	s8 =	simm.s32 @!p0 $0x1BF5;
	p2 =	por !p2, p0  }
0x20: {  	[sflag:s8] =	ssyncset.s32 @!p0 $0xFFFFF086;
	s6 =	sadd.s32 @!p0 s3, s7;
	s7 =	simm.s32 @!p0 $0x108  }
0x21: {  	s3 =	sadd.s32 s3, s9;
	s6 =	sadd.s32 @!p0 $0x88, s6;
	s7 =	simm.s32 @p2 $0x1082  }
0x22: {  	[simem:s7], [sflag:s8] =	dma.local @!p0 [hbm:s6], $0xF7A  }
0x23: {  	s9 =	sor.u32 $0xD0000000, s2;
	s6 =	simm.s32 $0x108;
	_ =	swait.ge @!p0 [sflag:s8], $0x0  }
0x24: {  	s3 =	sadd.s32 $0x88, s3;
	s6 =	simm.s32 @!p1 $0x1082;
	[sflag:s4] =	ssyncset.s32 $0xFFFFF086  }
0x25: {  	[simem:s6], [sflag:s4] =	dma.local [hbm:s3], $0xF7A  }
0x26: {  	[smem:$0x3F53] =	sst s1;
	(tag) =	ssettag s2;
	_ =	strace s9  }
0x27: {  	s1 =	sld [smem:$0x3F63]  }
0x28: {  	s2 =	sld [smem:$0x3F64]  }
0x29: {  	s4 =	sld [smem:$0x3F66]  }
0x2a: {  	p0 =	seq.s32 s5, $0x0;
	s5 =	sld [smem:$0x3F67]  }
0x2b: {  	s6 =	sld [smem:$0x3F68]  }
0x2c: {  	s7 =	sld [smem:$0x3F69]  }
0x2d: {  	s3 =	simm.s32 $0x108;
	s8 =	sld [smem:$0x3F6A]  }
0x2e: {  	s3 =	simm.s32 @!p0 $0x1082;
	s9 =	sld [smem:$0x3F6B]  }
0x2f: {  	lr =	sadd.s32 s0, s3;
	s0 =	sld [smem:$0x3F62]  }
0x30: {  	s3 =	sld [smem:$0x3F65]  }
0x31: {  	[smem:$0x3F6E] =	sst s10  }
0x32: {  	s10 =	sld [smem:$0x3F6C];
	_ =	sdelay $0x3  }
0x33: {  	p0 =	seq.s32 s10, $0x1;
	s10 =	sld [smem:$0x3F6E];
	_ =	sdelay $0x3  }
0x34: {  	[smem:$0x3F6E] =	sst s10  }
0x35: {  	s10 =	sld [smem:$0x3F6D];
	_ =	sdelay $0x3  }
0x36: {  	p1 =	seq.s32 s10, $0x1;
	s10 =	sld [smem:$0x3F6E];
	_ =	sdelay $0x3  }
0x37: {  	[smem:$0x3F6E] =	sst s10  }
0x38: {  	s10 =	sld [smem:$0x3F6F]  }
0x39: {  	_ = 	snop;
	(pc) =	sbr.ind lr, $3  }
0x3a: {  	_ = 	snop  }
0x3b: {  	_ = 	snop  }
0x3c: {  	p2 =	seq.s32 s10, $0x1;
	s10 =	sld [smem:$0x3F6E]  }
0x3d: {  	_ =	shalt  }
0x3e: {  	_ =	shalt  }
0x3f: {  	_ =	shalt  }
0x40: {  	_ =	shalt  }
0x41: {  	_ =	shalt  }
0x42: {  	_ =	shalt  }
0x43: {  	_ =	shalt  }
0x44: {  	_ =	shalt  }
0x45: {  	_ =	shalt  }
0x46: {  	_ =	shalt  }
0x47: {  	_ =	shalt  }
0x48: {  	_ =	shalt  }
0x49: {  	_ =	shalt  }
0x4a: {  	_ =	shalt  }
0x4b: {  	_ =	shalt  }
0x4c: {  	_ =	shalt  }
0x4d: {  	_ =	shalt  }
0x4e: {  	_ =	shalt  }
0x4f: {  	_ =	shalt  }
0x50: {  	_ =	shalt  }
0x51: {  	_ =	shalt  }
0x52: {  	_ =	shalt  }
0x53: {  	_ =	shalt  }
0x54: {  	_ =	shalt  }
0x55: {  	_ =	shalt  }
0x56: {  	_ =	shalt  }
0x57: {  	_ =	shalt  }
0x58: {  	_ =	shalt  }
0x59: {  	_ =	shalt  }
0x5a: {  	_ =	shalt  }
0x5b: {  	_ =	shalt  }
0x5c: {  	_ =	shalt  }
0x5d: {  	_ =	shalt  }
0x5e: {  	_ =	shalt  }
0x5f: {  	_ =	shalt  }
0x60: {  	_ =	shalt  }
0x61: {  	_ =	shalt  }
0x62: {  	_ =	shalt  }
0x63: {  	_ =	shalt  }
0x64: {  	_ =	shalt  }
0x65: {  	_ =	shalt  }
0x66: {  	_ =	shalt  }
0x67: {  	_ =	shalt  }
0x68: {  	_ =	shalt  }
0x69: {  	_ =	shalt  }
0x6a: {  	_ =	shalt  }
0x6b: {  	_ =	shalt  }
0x6c: {  	_ =	shalt  }
0x6d: {  	_ =	shalt  }
0x6e: {  	_ =	shalt  }
0x6f: {  	_ =	shalt  }
0x70: {  	_ =	shalt  }
0x71: {  	_ =	shalt  }
0x72: {  	_ =	shalt  }
0x73: {  	_ =	shalt  }
0x74: {  	_ =	shalt  }
0x75: {  	_ =	shalt  }
0x76: {  	_ =	shalt  }
0x77: {  	_ =	shalt  }
0x78: {  	_ =	shalt  }
0x79: {  	_ =	shalt  }
0x7a: {  	_ =	shalt  }
0x7b: {  	_ =	shalt  }
0x7c: {  	_ =	shalt  }
0x7d: {  	_ =	shalt  }
0x7e: {  	_ =	shalt  }
0x7f: {  	_ =	shalt  }
0x80: {  	_ =	shalt  }
0x81: {  	_ =	shalt  }
0x82: {  	_ =	shalt  }
0x83: {  	_ =	shalt  }
0x84: {  	_ =	shalt  }
0x85: {  	_ =	shalt  }
0x86: {  	_ =	shalt  }
0x87: {  	_ =	shalt  }
.Lfunc_end0:
.L_simem_size_0:
called_computation.8_lowered:
.L_overlay_start_0:
0x88: {  	s2 =	sld [smem:$0x3FD9]  }
0x89: {  	s3 =	sld [smem:$0x3FFE];
	_ =	sdelay $0x1  }
0x8a: {  	s1 =	srdreg.scid  }
0x8b: {  	s0 =	sand.u32 $0x1, s1  }
0x8c: {  	s16 =	sshll.u32 s0, $0xA;
	s2 =	sadd.s32 s3, s2  }
0x8d: {  	s2 =	sadd.s32 s2, s16  }
0x8e: {  	[smem:$0x3F7A] =	sst s2  }
0x8f: {  	_ = 	snop  }
0x90: {  	(tm) =	ssettm $0x1  }
0x91: {  	s17 =	sld [smem:$0x3FFB];
	_ =	sdelay $0x3  }
0x92: {  	_ =	strace s17  }
0x93: {  	s2 =	sld [smem:$0x3FFC];
	_ =	sdelay $0x3  }
0x94: {  	_ =	strace s2  }
0x95: {  	s2 =	sld [smem:$0x3FFD];
	_ =	sdelay $0x3  }
0x96: {  	_ =	strace s2  }
0x97: {  	_ =	strace $0x8FFFFFFF  }
0x98: {  	s18 =	sld [smem:$0x3FDB];
	_ =	sdelay $0x1  }
0x99: {  	s19 =	simm.s32 $_scs_section_size  }
0x9a: {  	s4 =	simm.s32 $_size__tile_overlayer_lowered;
	s5 =	simm.s32 $_tile_overlayer_lowered  }
0x9b: {  	s22 =	simm.s32 $0x1BFF;
	s21 =	sshll.u32 s5, $0x1;
	s2 =	sadd.s32 s19, s18  }
0x9c: {  	s6 =	simm.s32 $0x0;
	s20 =	sshll.u32 s4, $0x1;
	s4 =	sadd.s32 s21, s2  }
0x9d: {  	[timem:s6], [sflag:s22] =	dma.local [hbm:s4], s20  }
0x9e: {  	_ =	swait.ge [sflag:s22], s20  }
0x9f: {  	s3 =	ssub.s32 $0x0, s20;
	[sflag:s22] =	ssyncset.done $0x0  }
0xa0: {  	[sflag:s22] =	ssyncadd.s32 s3;
	_ =	sdelay $0x1  }
0xa1: {  	s23 =	simm.s32 $0x1B8B  }
0xa2: {  	_ =	swait.ge [sflag:s23], $0x1  }
0xa3: {  	[sflag:s23] =	ssyncset.done $0x0  }
0xa4: {  	s25 =	simm.s32 $0x1B8E;
	s24 =	sld [smem:$0x3FFE];
	[sflag:s23] =	ssyncadd.s32 $0xFFFFFFFF  }
0xa5: {  	s26 =	simm.s32 $execute0_lowered;
	[smem:$0x3FD2] =	sst s25  }
0xa6: {  	s4 =	sshll.u32 s26, $0x1;
	_ =	strace $0x8000005E;
	[dreg:$0x1] =	wrdreg $0xFFFFFFFF  }
0xa7: {  	s28 =	simm.s32 $_size_execute0_lowered;
	s2 =	sadd.s32 s2, s4;
	[dreg:$0x0] =	wrdreg $0x0  }
0xa8: {  	s4 =	sshll.u32 s28, $0x1;
	[dreg:$0x2] =	wrdreg s2  }
0xa9: {  	[dreg:$0x3] =	wrdreg s4  }
0xaa: {  	[dreg:$0x4] =	wrdreg $0xC0  }
0xab: {  	_ =	task [dreg:s6], $0x5FFFF  }
0xac: {  	[dreg:$0x1] =	wrdreg $0xFFFFFFFF  }
0xad: {  	[dreg:$0x0] =	wrdreg $0x60  }
0xae: {  	[dreg:$0x2] =	wrdreg s24  }
0xaf: {  	[dreg:$0x3] =	wrdreg $0x9  }
0xb0: {  	_ =	task.clear_ibuf [dreg:s6], $0x4FFFF;
	_ =	strace $0x9000005E  }
0xb1: {  	s29 =	simm.s32 $0x9;
	_ =	strace $0x80000060  }
0xb2: {  	_ =	swait.ge [sflag:s29], $0x1  }
0xb3: {  	[sflag:s29] =	ssyncadd.s32 $0xFFFFFFFF  }
0xb4: {  	_ =	strace $0x90000060  }
0xb5: {  	_ =	sfence  }
0xb6: {  	s30 =	sld [smem:$0x0];
	_ =	sdelay $0x2  }
0xb7: {  	s31 =	sshll.u32 s1, $0xD;
	s1 =	sshrl.u32 s1, $0x2  }
0xb8: {  	s3 =	sand.u32 $0x4000, s31;
	s1 =	sadd.s32 s1, s30  }
0xb9: {  	s0 =	sor.u32 s3, s0;
	s1 =	sshll.u32 s1, $0x11  }
0xba: {  	s0 =	sor.u32 s1, s0  }
0xbb: {  	s0 =	sadd.s32 $0x8F2B, s0  }
0xbc: {  	[sflag:s0] =	ssyncadd.remote.s32 $0x1  }
0xbd: {  	_ =	sfence.sel $0xFFFF  }
0xbe: {  	[dreg:$0x0] =	wrdreg $0xFFFFFFFF;
	(pc) =	sbr.abs _section_cstart, $3  }
0xbf: {  	[dreg:$0x1] =	wrdreg $0xFFFFFFFF  }
0xc0: {  	_ =	task.clear_ibuf [dreg:s6], $0x2FFFF;
	_ =	strace $0x9FFFFFFF  }
0xc1: {  	(tm) =	ssettm $0x7FFFFFFF  }
tec
execute0_lowered:
.L_overlay_start_1:
0x0: {  	(tag) =	ssettag $0x1  }
0x1: {  	s1 =	srdreg.scid;
	s0 =	stileid.u32  }
0x2: {  	s5 =	rddreg [dreg:$0x0];
	s2 =	simm.s32 $0x0;
	s10 =	simm.s32 $0x1  }
0x3: {  	s11 =	simm.s32 $0x0;
	s4 =	sand.u32 $0x1, s1;
	s1 =	rddreg [dreg:$0x1]  }
0x4: {  	s3 =	sshll.u32 s0, $0xE;
	[smem:$0x7FF] =	sst s2;
	s8 =	sshll.u32 s0, $0x12  }
0x5: {  	s6 =	sshll.u32 s4, $0xD;
	_ =	strace $0x8000005F;
	s7 =	ssub.s32 $0x2, s4  }
0x6: {  	s8 =	sadd.s32 s8, s5;
	s30 =	sshll.u32 s4, $0x11;
	s3 =	sor.u32 s6, s3  }
0x7: {  	s9 =	sshrl.u32 s7, $0x1;
	s31 =	sadd.s32 s30, s8;
	s8 =	simm.s32 $0x200  }
0x8: {  	s3 =	sshrl.u32 s3, $0x3;
	s29 =	ssub.s32 s7, s9;
	s6 =	sadd.s32 $0x5C200, s31  }
0x9: {  	s7 =	simm.s32 $0x2;
	s9 =	simm.s32 $0x2000;
	s28 =	sadd.s32 s3, s5  }
0xa: {  	s3 =	sadd.s32 $0x864200, s5;
	s5 =	smax.u32 s29, $0x1;
	s4 =	sadd.s32 $0x24200, s28  }
.LBB2_1:
0xb: {  	[tilespmem:s2], [sflag:$0x2] =	stream.linear.gather [hbm4b:s4+s2], $0x2000, $0x38;
	[tilespmem:$0x12000] =	vst v63  }
0xc: {  	_ =	swait.ge [sflag:s7], $0x2000  }
0xd: {  	[sflag:s7] =	ssyncset.done $0x0  }
0xe: {  	s12 =	simm.s32 $0x0;
	[sflag:s7] =	ssyncadd.s32 $0xFFFFE000  }
0xf: {  	[tilespmem:s9], [sflag:$0x1] =	stream.indirect.gather [hbm4b:s3+s8], $0x80, s12, s8, $0xb8;
	[tilespmem:$0x12000] =	vst v63  }
0x10: {  	_ =	swait.ge [sflag:s10], $0x10000  }
0x11: {  	[sflag:s10] =	ssyncset.done $0x0  }
0x12: {  	[sflag:s10] =	ssyncadd.s32 $0xFFFF0000  }
0x13: {  	[hbm4b:s6+s2] =	stream.linear.scatter [tilespmem:s9], [sflag:$0x2], $0x10000, $0x38;
	[tilespmem:$0x12000] =	vst v63  }
0x14: {  	s13 =	simm.s32 $0x800;
	_ =	swait.ge [sflag:s7], $0x10000  }
0x15: {  	s14 =	simm.s32 $0x1000;
	s12 =	sadd.s32 $0x2000, s6;
	[sflag:s7] =	ssyncset.done $0x0  }
.LBB2_2:
0x16: {  	s15 =	sshra.s32 s13, $0x2  }
0x17: {  	[sflag:s7] =	ssyncadd.s32 $0xFFFF0000;
	s13 =	smov.u32 s14;
	s16 =	sadd.s32 $0x800, s14  }
0x18: {  	[tilespmem:s9], [sflag:$0x1] =	stream.indirect.gather [hbm4b:s3+s8], $0x80, s15, s8, $0xb8;
	[tilespmem:$0x12000] =	vst v63  }
0x19: {  	p0 =	sne.s32 s14, $0x7800;
	_ =	swait.ge [sflag:s10], $0x10000  }
.Ltmp0:
0x1a: {  	[sflag:s10] =	ssyncset.done $0x0;
	(pc) =	sbr.rel @p0 .LBB2_2-.Ltmp0, $4  }
0x1b: {  	[sflag:s10] =	ssyncadd.s32 $0xFFFF0000  }
0x1c: {  	[hbm4b:s12+s2] =	stream.linear.scatter [tilespmem:s9], [sflag:$0x2], $0x10000, $0x38;
	[tilespmem:$0x12000] =	vst v63  }
0x1d: {  	_ =	swait.ge [sflag:s7], $0x10000  }
0x1e: {  	s14 =	smov.u32 s16;
	s12 =	sadd.s32 $0x2000, s12;
	[sflag:s7] =	ssyncset.done $0x0  }
0x1f: {  	s13 =	sshra.s32 s13, $0x2;
	[sflag:s7] =	ssyncadd.s32 $0xFFFF0000  }
0x20: {  	[tilespmem:s9], [sflag:$0x1] =	stream.indirect.gather [hbm4b:s3+s8], $0x80, s13, s8, $0xb8;
	[tilespmem:$0x12000] =	vst v63  }
0x21: {  	s11 =	sadd.s32 $0x1, s11;
	_ =	swait.ge [sflag:s10], $0x10000  }
0x22: {  	p0 =	sne.s32 s11, s5;
	[sflag:s10] =	ssyncset.done $0x0  }
.Ltmp1:
0x23: {  	[sflag:s10] =	ssyncadd.s32 $0xFFFF0000;
	(pc) =	sbr.rel @p0 .LBB2_1-.Ltmp1, $4  }
0x24: {  	[hbm4b:s12+s2] =	stream.linear.scatter [tilespmem:s9], [sflag:$0x2], $0x10000, $0x38;
	[tilespmem:$0x12000] =	vst v63  }
0x25: {  	_ =	swait.ge [sflag:s7], $0x10000  }
0x26: {  	[sflag:s7] =	ssyncset.done $0x0  }
0x27: {  	[sflag:s7] =	ssyncadd.s32 $0xFFFF0000  }
0x28: {  	_ =	sfence.sel $0x180000  }
0x29: {  	[bflag:$0x0] =	sbarrier.arrive $0xFFFF  }
0x2a: {  	p0 =	sne.s32 s0, $0x0;
	_ =	strace $0x9000005F  }
0x2b: {  	s0 =	sadd.s32 @!p0 $0x100000, s1;
	[bflag:$0x2] =	sbarrier.arrive $0xFFFF  }
0x2c: {  	[sflag:s0] =	ssyncadd.tile.s32 @!p0 $0x1;
	_ =	shalt  }
.Lfunc_end2:
_tile_overlayer_lowered:
.L_overlay_start_2:
0x2d: {  	(tag) =	ssettag $0x2  }
0x2e: {  	s0 =	rddreg [dreg:$0x0];
	s2 =	stileid.u32  }
0x2f: {  	s1 =	rddreg [dreg:$0x1];
	p0 =	sne.s32 s2, $0x0  }
0x30: {  	s3 =	rddreg [dreg:$0x2];
	[bflag:$0x3] =	sbarrier.arrive $0xFFFF;
	s2 =	simm.s32 @!p0 $0x1C02  }
0x31: {  	[timem:s3], [sflag:s2] =	dma.local @!p0 [hbm:s0], s1  }
0x32: {  	s0 =	simm.s32 @!p0 $0x2  }
0x33: {  	_ =	swait.ge @!p0 [sflag:s0], s1  }
0x34: {  	s1 =	ssub.s32 @!p0 $0x0, s1;
	[sflag:s0] =	ssyncset.done @!p0 $0x0  }
0x35: {  	[sflag:s0] =	ssyncadd.s32 @!p0 s1  }
0x36: {  	[bflag:$0x3] =	sbarrier.arrive $0xFFFF  }
0x37: {  	_ =	shalt  }

// kernel: kernel.24.cloned.1.call-start
scs
__scs_entry_jumppad:
0x0: {  	(pc) =	sbr.rel $0x88, $3  }
0x1: {  	(tag) =	ssettag $0x0;
	lr =	simm.s32 $0x1  }
0x2: {  	[smem:$0x3F53] =	sst lr;
	_ =	strace $0xD0000000  }
0x3: {  	_ = 	snop  }
0x4: {  	_ = 	snop  }
0x5: {  	_ = 	snop  }
0x6: {  	_ = 	snop  }
0x7: {  	_ = 	snop  }
__scs_overlays_trampoline_lowered:
0x8: {  	[smem:$0x3F62] =	sst s0  }
0x9: {  	[smem:$0x3F63] =	sst s1  }
0xa: {  	[smem:$0x3F64] =	sst s2  }
0xb: {  	[smem:$0x3F65] =	sst s3  }
0xc: {  	[smem:$0x3F66] =	sst s4  }
0xd: {  	[smem:$0x3F67] =	sst s5  }
0xe: {  	[smem:$0x3F68] =	sst s6  }
0xf: {  	[smem:$0x3F69] =	sst s7  }
0x10: {  	[smem:$0x3F6A] =	sst s8  }
0x11: {  	[smem:$0x3F6B] =	sst s9;
	s0 =	simm.s32 @!p0 $0x0  }
0x12: {  	s1 =	sld [smem:$0x3F51];
	s0 =	simm.s32 @p0 $0x1  }
0x13: {  	[smem:$0x3F6C] =	sst s0;
	s0 =	simm.s32 @!p1 $0x0  }
0x14: {  	s2 =	sld [smem:$0x3F50];
	s0 =	simm.s32 @p1 $0x1  }
0x15: {  	[smem:$0x3F6D] =	sst s0;
	s0 =	simm.s32 @!p2 $0x0  }
0x16: {  	s3 =	sld [smem:$0x3FDB];
	s0 =	simm.s32 @p2 $0x1  }
0x17: {  	s4 =	simm.s32 $0x1BF5;
	[smem:$0x3F6F] =	sst s0  }
0x18: {  	s0 =	sld [smem:$0x3F52];
	_ =	swait.ge [sflag:s4], $0x0  }
0x19: {  	s7 =	sld [smem:$0x3F53]  }
0x1a: {  	s8 =	sadd.s32 $0xFFFFE003, lr  }
0x1b: {  	s9 =	sadd.s32 $0xFFFFFEF7, lr;
	s5 =	simm.s32 $0xFFFFFFFF;
	p2 =	slt.u32 s8, $0xFFFFF086  }
0x1c: {  	p1 =	slt.u32 s9, $0xF7A;
	s5 =	simm.s32 @!p2 $0x0  }
0x1d: {  	s5 =	simm.s32 @p1 $0x1;
	p0 =	seq.s32 s7, s2  }
0x1e: {  	s7 =	smul.u32 @!p0 $0xF7A, s2;
	p2 =	seq.s32 @!p0 s5, $0x0  }
0x1f: {  	s9 =	smul.u32 $0xF7A, s1;
	s8 =	simm.s32 @!p0 $0x1BF5;
	p2 =	por !p2, p0  }
0x20: {  	[sflag:s8] =	ssyncset.s32 @!p0 $0xFFFFF086;
	s6 =	sadd.s32 @!p0 s3, s7;
	s7 =	simm.s32 @!p0 $0x108  }
0x21: {  	s3 =	sadd.s32 s3, s9;
	s6 =	sadd.s32 @!p0 $0x88, s6;
	s7 =	simm.s32 @p2 $0x1082  }
0x22: {  	[simem:s7], [sflag:s8] =	dma.local @!p0 [hbm:s6], $0xF7A  }
0x23: {  	s9 =	sor.u32 $0xD0000000, s2;
	s6 =	simm.s32 $0x108;
	_ =	swait.ge @!p0 [sflag:s8], $0x0  }
0x24: {  	s3 =	sadd.s32 $0x88, s3;
	s6 =	simm.s32 @!p1 $0x1082;
	[sflag:s4] =	ssyncset.s32 $0xFFFFF086  }
0x25: {  	[simem:s6], [sflag:s4] =	dma.local [hbm:s3], $0xF7A  }
0x26: {  	[smem:$0x3F53] =	sst s1;
	(tag) =	ssettag s2;
	_ =	strace s9  }
0x27: {  	s1 =	sld [smem:$0x3F63]  }
0x28: {  	s2 =	sld [smem:$0x3F64]  }
0x29: {  	s4 =	sld [smem:$0x3F66]  }
0x2a: {  	p0 =	seq.s32 s5, $0x0;
	s5 =	sld [smem:$0x3F67]  }
0x2b: {  	s6 =	sld [smem:$0x3F68]  }
0x2c: {  	s7 =	sld [smem:$0x3F69]  }
0x2d: {  	s3 =	simm.s32 $0x108;
	s8 =	sld [smem:$0x3F6A]  }
0x2e: {  	s3 =	simm.s32 @!p0 $0x1082;
	s9 =	sld [smem:$0x3F6B]  }
0x2f: {  	lr =	sadd.s32 s0, s3;
	s0 =	sld [smem:$0x3F62]  }
0x30: {  	s3 =	sld [smem:$0x3F65]  }
0x31: {  	[smem:$0x3F6E] =	sst s10  }
0x32: {  	s10 =	sld [smem:$0x3F6C];
	_ =	sdelay $0x3  }
0x33: {  	p0 =	seq.s32 s10, $0x1;
	s10 =	sld [smem:$0x3F6E];
	_ =	sdelay $0x3  }
0x34: {  	[smem:$0x3F6E] =	sst s10  }
0x35: {  	s10 =	sld [smem:$0x3F6D];
	_ =	sdelay $0x3  }
0x36: {  	p1 =	seq.s32 s10, $0x1;
	s10 =	sld [smem:$0x3F6E];
	_ =	sdelay $0x3  }
0x37: {  	[smem:$0x3F6E] =	sst s10  }
0x38: {  	s10 =	sld [smem:$0x3F6F]  }
0x39: {  	_ = 	snop;
	(pc) =	sbr.ind lr, $3  }
0x3a: {  	_ = 	snop  }
0x3b: {  	_ = 	snop  }
0x3c: {  	p2 =	seq.s32 s10, $0x1;
	s10 =	sld [smem:$0x3F6E]  }
0x3d: {  	_ =	shalt  }
0x3e: {  	_ =	shalt  }
0x3f: {  	_ =	shalt  }
0x40: {  	_ =	shalt  }
0x41: {  	_ =	shalt  }
0x42: {  	_ =	shalt  }
0x43: {  	_ =	shalt  }
0x44: {  	_ =	shalt  }
0x45: {  	_ =	shalt  }
0x46: {  	_ =	shalt  }
0x47: {  	_ =	shalt  }
0x48: {  	_ =	shalt  }
0x49: {  	_ =	shalt  }
0x4a: {  	_ =	shalt  }
0x4b: {  	_ =	shalt  }
0x4c: {  	_ =	shalt  }
0x4d: {  	_ =	shalt  }
0x4e: {  	_ =	shalt  }
0x4f: {  	_ =	shalt  }
0x50: {  	_ =	shalt  }
0x51: {  	_ =	shalt  }
0x52: {  	_ =	shalt  }
0x53: {  	_ =	shalt  }
0x54: {  	_ =	shalt  }
0x55: {  	_ =	shalt  }
0x56: {  	_ =	shalt  }
0x57: {  	_ =	shalt  }
0x58: {  	_ =	shalt  }
0x59: {  	_ =	shalt  }
0x5a: {  	_ =	shalt  }
0x5b: {  	_ =	shalt  }
0x5c: {  	_ =	shalt  }
0x5d: {  	_ =	shalt  }
0x5e: {  	_ =	shalt  }
0x5f: {  	_ =	shalt  }
0x60: {  	_ =	shalt  }
0x61: {  	_ =	shalt  }
0x62: {  	_ =	shalt  }
0x63: {  	_ =	shalt  }
0x64: {  	_ =	shalt  }
0x65: {  	_ =	shalt  }
0x66: {  	_ =	shalt  }
0x67: {  	_ =	shalt  }
0x68: {  	_ =	shalt  }
0x69: {  	_ =	shalt  }
0x6a: {  	_ =	shalt  }
0x6b: {  	_ =	shalt  }
0x6c: {  	_ =	shalt  }
0x6d: {  	_ =	shalt  }
0x6e: {  	_ =	shalt  }
0x6f: {  	_ =	shalt  }
0x70: {  	_ =	shalt  }
0x71: {  	_ =	shalt  }
0x72: {  	_ =	shalt  }
0x73: {  	_ =	shalt  }
0x74: {  	_ =	shalt  }
0x75: {  	_ =	shalt  }
0x76: {  	_ =	shalt  }
0x77: {  	_ =	shalt  }
0x78: {  	_ =	shalt  }
0x79: {  	_ =	shalt  }
0x7a: {  	_ =	shalt  }
0x7b: {  	_ =	shalt  }
0x7c: {  	_ =	shalt  }
0x7d: {  	_ =	shalt  }
0x7e: {  	_ =	shalt  }
0x7f: {  	_ =	shalt  }
0x80: {  	_ =	shalt  }
0x81: {  	_ =	shalt  }
0x82: {  	_ =	shalt  }
0x83: {  	_ =	shalt  }
0x84: {  	_ =	shalt  }
0x85: {  	_ =	shalt  }
0x86: {  	_ =	shalt  }
0x87: {  	_ =	shalt  }
.Lfunc_end0:
.L_simem_size_0:
called_computation.9_lowered:
.L_overlay_start_0:
0x88: {  	s2 =	sld [smem:$0x3FD9]  }
0x89: {  	s3 =	sld [smem:$0x3FFE];
	_ =	sdelay $0x1  }
0x8a: {  	s1 =	srdreg.scid  }
0x8b: {  	s0 =	sand.u32 $0x1, s1  }
0x8c: {  	s17 =	sshll.u32 s0, $0xA;
	s2 =	sadd.s32 s3, s2  }
0x8d: {  	s2 =	sadd.s32 s2, s17  }
0x8e: {  	[smem:$0x3F7A] =	sst s2  }
0x8f: {  	_ = 	snop  }
0x90: {  	(tm) =	ssettm $0x1  }
0x91: {  	s18 =	sld [smem:$0x3FFB];
	_ =	sdelay $0x3  }
0x92: {  	_ =	strace s18  }
0x93: {  	s2 =	sld [smem:$0x3FFC];
	_ =	sdelay $0x3  }
0x94: {  	_ =	strace s2  }
0x95: {  	s2 =	sld [smem:$0x3FFD];
	_ =	sdelay $0x3  }
0x96: {  	_ =	strace s2  }
0x97: {  	_ =	strace $0x8FFFFFFF  }
0x98: {  	s19 =	sld [smem:$0x3FDB];
	_ =	sdelay $0x1  }
0x99: {  	s20 =	simm.s32 $_scs_section_size  }
0x9a: {  	s4 =	simm.s32 $_size__tile_overlayer_lowered;
	s5 =	simm.s32 $_tile_overlayer_lowered  }
0x9b: {  	s6 =	simm.s32 $0x1BFF;
	s21 =	sshll.u32 s5, $0x1;
	s3 =	sadd.s32 s20, s19  }
0x9c: {  	s22 =	simm.s32 $0x0;
	s4 =	sshll.u32 s4, $0x1;
	s5 =	sadd.s32 s21, s3  }
0x9d: {  	[timem:s22], [sflag:s6] =	dma.local [hbm:s5], s4  }
0x9e: {  	_ =	swait.ge [sflag:s6], s4  }
0x9f: {  	s4 =	ssub.s32 $0x0, s4;
	[sflag:s6] =	ssyncset.done $0x0  }
0xa0: {  	[sflag:s6] =	ssyncadd.s32 s4;
	_ =	sdelay $0x1  }
0xa1: {  	s23 =	simm.s32 $0x1B8B  }
0xa2: {  	_ =	swait.ge [sflag:s23], $0x1  }
0xa3: {  	[sflag:s23] =	ssyncset.done $0x0  }
0xa4: {  	[sflag:s23] =	ssyncadd.s32 $0xFFFFFFFF  }
0xa5: {  	s4 =	sld [smem:$0x0]  }
0xa6: {  	s5 =	sand.u32 $0xFFFFFFFE, s1  }
0xa7: {  	p0 =	sne.s32 s1, s5  }
0xa8: {  	s5 =	sshll.u32 @p0 s5, $0xE  }
0xa9: {  	s5 =	sadd.s32 @p0 $0x11B8D, s5;
	s6 =	sshll.u32 @p0 s4, $0x11  }
0xaa: {  	s5 =	sor.u32 @p0 s6, s5  }
0xab: {  	[sflag:s5] =	ssyncadd.remote.s32 @p0 $0x1;
	_ =	sdelay $0x1  }
0xac: {  	s5 =	simm.s32 @p0 $0x1B8D  }
0xad: {  	_ =	swait.eq @p0 [sflag:s5], $0x1  }
0xae: {  	[sflag:s5] =	ssyncadd.s32 @p0 $0xFFFFFFFF  }
0xaf: {  	s6 =	sshll.u32 @!p0 s1, $0xE  }
0xb0: {  	s6 =	sor.u32 @!p0 $0x4000, s6;
	s5 =	simm.s32 @!p0 $0x1B8D  }
0xb1: {  	s4 =	sshll.u32 @!p0 s4, $0x11;
	s6 =	sadd.s32 @!p0 $0x11B8D, s6;
	_ =	swait.eq @!p0 [sflag:s5], $0x1  }
0xb2: {  	s4 =	sor.u32 @!p0 s4, s6;
	[sflag:s5] =	ssyncadd.s32 @!p0 $0xFFFFFFFF  }
0xb3: {  	s25 =	simm.s32 $0x1B8E;
	s24 =	sld [smem:$0x3FFE];
	[sflag:s4] =	ssyncadd.remote.s32 @!p0 $0x1  }
0xb4: {  	s26 =	simm.s32 $execute0_lowered;
	[smem:$0x3FD2] =	sst s25  }
0xb5: {  	s5 =	sshll.u32 s26, $0x1;
	_ =	strace $0x80000049;
	[dreg:$0x1] =	wrdreg $0xFFFFFFFF  }
0xb6: {  	s28 =	simm.s32 $_size_execute0_lowered;
	s3 =	sadd.s32 s3, s5;
	[dreg:$0x0] =	wrdreg $0x0  }
0xb7: {  	s5 =	sshll.u32 s28, $0x1;
	[dreg:$0x2] =	wrdreg s3  }
0xb8: {  	[dreg:$0x3] =	wrdreg s5  }
0xb9: {  	[dreg:$0x4] =	wrdreg $0xC0  }
0xba: {  	_ =	task [dreg:s22], $0x5FFFF  }
0xbb: {  	[dreg:$0x1] =	wrdreg $0xFFFFFFFF  }
0xbc: {  	[dreg:$0x0] =	wrdreg $0x60  }
0xbd: {  	[dreg:$0x2] =	wrdreg s24  }
0xbe: {  	[dreg:$0x3] =	wrdreg $0xA  }
0xbf: {  	_ =	task.clear_ibuf [dreg:s22], $0x4FFFF;
	_ =	strace $0x90000049  }
0xc0: {  	s29 =	simm.s32 $0xA;
	_ =	strace $0x8000004B  }
0xc1: {  	_ =	swait.ge [sflag:s29], $0x1  }
0xc2: {  	[sflag:s29] =	ssyncadd.s32 $0xFFFFFFFF  }
0xc3: {  	_ =	strace $0x9000004B  }
0xc4: {  	_ =	sfence  }
0xc5: {  	s30 =	sld [smem:$0x0];
	_ =	sdelay $0x2  }
0xc6: {  	s31 =	sshll.u32 s1, $0xD;
	s1 =	sshrl.u32 s1, $0x2  }
0xc7: {  	s4 =	sand.u32 $0x4000, s31;
	s1 =	sadd.s32 s1, s30  }
0xc8: {  	s0 =	sor.u32 s4, s0;
	s1 =	sshll.u32 s1, $0x11  }
0xc9: {  	s0 =	sor.u32 s1, s0  }
0xca: {  	s0 =	sadd.s32 $0x8F2B, s0  }
0xcb: {  	[sflag:s0] =	ssyncadd.remote.s32 $0x1  }
0xcc: {  	_ =	sfence.sel $0xFFFF  }
0xcd: {  	[dreg:$0x0] =	wrdreg $0xFFFFFFFF;
	(pc) =	sbr.abs _section_cstart, $3  }
0xce: {  	[dreg:$0x1] =	wrdreg $0xFFFFFFFF  }
0xcf: {  	_ =	task.clear_ibuf [dreg:s22], $0x2FFFF;
	_ =	strace $0x9FFFFFFF  }
0xd0: {  	(tm) =	ssettm $0x7FFFFFFF  }
0xd1: {  	_ =	shalt  }
tec
execute0_lowered:
.L_overlay_start_1:
0x0: {  	(tag) =	ssettag $0x1  }
0x1: {  	s1 =	srdreg.scid;
	s0 =	stileid.u32  }
0x2: {  	s5 =	rddreg [dreg:$0x0];
	s2 =	simm.s32 $0x0;
	s10 =	simm.s32 $0x1  }
0x3: {  	s11 =	simm.s32 $0x0;
	s4 =	sand.u32 $0x1, s1;
	s1 =	rddreg [dreg:$0x1]  }
0x4: {  	s3 =	sshll.u32 s0, $0xE;
	[smem:$0x7FF] =	sst s2;
	s8 =	sshll.u32 s0, $0x12  }
0x5: {  	s6 =	sshll.u32 s4, $0xD;
	_ =	strace $0x8000004A;
	s7 =	ssub.s32 $0x2, s4  }
0x6: {  	s8 =	sadd.s32 s8, s5;
	s30 =	sshll.u32 s4, $0x11;
	s3 =	sor.u32 s6, s3  }
0x7: {  	s9 =	sshrl.u32 s7, $0x1;
	s31 =	sadd.s32 s30, s8;
	s8 =	simm.s32 $0x200  }
0x8: {  	s3 =	sshrl.u32 s3, $0x3;
	s29 =	ssub.s32 s7, s9;
	s6 =	sadd.s32 $0x46C200, s31  }
0x9: {  	s7 =	simm.s32 $0x2;
	s9 =	simm.s32 $0x2000;
	s28 =	sadd.s32 s3, s5  }
0xa: {  	s3 =	sadd.s32 $0x44C200, s5;
	s5 =	smax.u32 s29, $0x1;
	s4 =	sadd.s32 $0x1C200, s28  }
.LBB2_1:
0xb: {  	[tilespmem:s2], [sflag:$0x2] =	stream.linear.gather [hbm4b:s4+s2], $0x2000, $0x38;
	[tilespmem:$0x12000] =	vst v63  }
0xc: {  	_ =	swait.ge [sflag:s7], $0x2000  }
0xd: {  	[sflag:s7] =	ssyncset.done $0x0  }
0xe: {  	s12 =	simm.s32 $0x0;
	[sflag:s7] =	ssyncadd.s32 $0xFFFFE000  }
0xf: {  	[tilespmem:s9], [sflag:$0x1] =	stream.indirect.gather [hbm4b:s3+s8], $0x80, s12, s8, $0xb8;
	[tilespmem:$0x12000] =	vst v63  }
0x10: {  	_ =	swait.ge [sflag:s10], $0x10000  }
0x11: {  	[sflag:s10] =	ssyncset.done $0x0  }
0x12: {  	[sflag:s10] =	ssyncadd.s32 $0xFFFF0000  }
0x13: {  	[hbm4b:s6+s2] =	stream.linear.scatter [tilespmem:s9], [sflag:$0x2], $0x10000, $0x38;
	[tilespmem:$0x12000] =	vst v63  }
0x14: {  	s13 =	simm.s32 $0x800;
	_ =	swait.ge [sflag:s7], $0x10000  }
0x15: {  	s14 =	simm.s32 $0x1000;
	s12 =	sadd.s32 $0x2000, s6;
	[sflag:s7] =	ssyncset.done $0x0  }
.LBB2_2:
0x16: {  	s15 =	sshra.s32 s13, $0x2  }
0x17: {  	[sflag:s7] =	ssyncadd.s32 $0xFFFF0000;
	s13 =	smov.u32 s14;
	s16 =	sadd.s32 $0x800, s14  }
0x18: {  	[tilespmem:s9], [sflag:$0x1] =	stream.indirect.gather [hbm4b:s3+s8], $0x80, s15, s8, $0xb8;
	[tilespmem:$0x12000] =	vst v63  }
0x19: {  	p0 =	sne.s32 s14, $0x7800;
	_ =	swait.ge [sflag:s10], $0x10000  }
.Ltmp0:
0x1a: {  	[sflag:s10] =	ssyncset.done $0x0;
	(pc) =	sbr.rel @p0 .LBB2_2-.Ltmp0, $4  }
0x1b: {  	[sflag:s10] =	ssyncadd.s32 $0xFFFF0000  }
0x1c: {  	[hbm4b:s12+s2] =	stream.linear.scatter [tilespmem:s9], [sflag:$0x2], $0x10000, $0x38;
	[tilespmem:$0x12000] =	vst v63  }
0x1d: {  	_ =	swait.ge [sflag:s7], $0x10000  }
0x1e: {  	s14 =	smov.u32 s16;
	s12 =	sadd.s32 $0x2000, s12;
	[sflag:s7] =	ssyncset.done $0x0  }
0x1f: {  	s13 =	sshra.s32 s13, $0x2;
	[sflag:s7] =	ssyncadd.s32 $0xFFFF0000  }
0x20: {  	[tilespmem:s9], [sflag:$0x1] =	stream.indirect.gather [hbm4b:s3+s8], $0x80, s13, s8, $0xb8;
	[tilespmem:$0x12000] =	vst v63  }
0x21: {  	s11 =	sadd.s32 $0x1, s11;
	_ =	swait.ge [sflag:s10], $0x10000  }
0x22: {  	p0 =	sne.s32 s11, s5;
	[sflag:s10] =	ssyncset.done $0x0  }
.Ltmp1:
0x23: {  	[sflag:s10] =	ssyncadd.s32 $0xFFFF0000;
	(pc) =	sbr.rel @p0 .LBB2_1-.Ltmp1, $4  }
0x24: {  	[hbm4b:s12+s2] =	stream.linear.scatter [tilespmem:s9], [sflag:$0x2], $0x10000, $0x38;
	[tilespmem:$0x12000] =	vst v63  }
0x25: {  	_ =	swait.ge [sflag:s7], $0x10000  }
0x26: {  	[sflag:s7] =	ssyncset.done $0x0  }
0x27: {  	[sflag:s7] =	ssyncadd.s32 $0xFFFF0000  }
0x28: {  	_ =	sfence.sel $0x180000  }
0x29: {  	[bflag:$0x0] =	sbarrier.arrive $0xFFFF  }
0x2a: {  	p0 =	sne.s32 s0, $0x0;
	_ =	strace $0x9000004A  }
0x2b: {  	s0 =	sadd.s32 @!p0 $0x100000, s1;
	[bflag:$0x2] =	sbarrier.arrive $0xFFFF  }
0x2c: {  	[sflag:s0] =	ssyncadd.tile.s32 @!p0 $0x1;
	_ =	shalt  }
.Lfunc_end2:
_tile_overlayer_lowered:
.L_overlay_start_2:
0x2d: {  	(tag) =	ssettag $0x2  }
0x2e: {  	s0 =	rddreg [dreg:$0x0];
	s2 =	stileid.u32  }
0x2f: {  	s1 =	rddreg [dreg:$0x1];
	p0 =	sne.s32 s2, $0x0  }
0x30: {  	s3 =	rddreg [dreg:$0x2];
	[bflag:$0x3] =	sbarrier.arrive $0xFFFF;
	s2 =	simm.s32 @!p0 $0x1C02  }
0x31: {  	[timem:s3], [sflag:s2] =	dma.local @!p0 [hbm:s0], s1  }
0x32: {  	s0 =	simm.s32 @!p0 $0x2  }
0x33: {  	_ =	swait.ge @!p0 [sflag:s0], s1  }
0x34: {  	s1 =	ssub.s32 @!p0 $0x0, s1;
	[sflag:s0] =	ssyncset.done @!p0 $0x0  }
0x35: {  	[sflag:s0] =	ssyncadd.s32 @!p0 s1  }
0x36: {  	[bflag:$0x3] =	sbarrier.arrive $0xFFFF  }
0x37: {  	_ =	shalt  }

// kernel: kernel.27.cloned.1.call-start
scs
__scs_entry_jumppad:
0x0: {  	(pc) =	sbr.rel $0x88, $3  }
0x1: {  	(tag) =	ssettag $0x0;
	lr =	simm.s32 $0x1  }
0x2: {  	[smem:$0x3F53] =	sst lr;
	_ =	strace $0xD0000000  }
0x3: {  	_ = 	snop  }
0x4: {  	_ = 	snop  }
0x5: {  	_ = 	snop  }
0x6: {  	_ = 	snop  }
0x7: {  	_ = 	snop  }
__scs_overlays_trampoline_lowered:
0x8: {  	[smem:$0x3F62] =	sst s0  }
0x9: {  	[smem:$0x3F63] =	sst s1  }
0xa: {  	[smem:$0x3F64] =	sst s2  }
0xb: {  	[smem:$0x3F65] =	sst s3  }
0xc: {  	[smem:$0x3F66] =	sst s4  }
0xd: {  	[smem:$0x3F67] =	sst s5  }
0xe: {  	[smem:$0x3F68] =	sst s6  }
0xf: {  	[smem:$0x3F69] =	sst s7  }
0x10: {  	[smem:$0x3F6A] =	sst s8  }
0x11: {  	[smem:$0x3F6B] =	sst s9;
	s0 =	simm.s32 @!p0 $0x0  }
0x12: {  	s1 =	sld [smem:$0x3F51];
	s0 =	simm.s32 @p0 $0x1  }
0x13: {  	[smem:$0x3F6C] =	sst s0;
	s0 =	simm.s32 @!p1 $0x0  }
0x14: {  	s2 =	sld [smem:$0x3F50];
	s0 =	simm.s32 @p1 $0x1  }
0x15: {  	[smem:$0x3F6D] =	sst s0;
	s0 =	simm.s32 @!p2 $0x0  }
0x16: {  	s3 =	sld [smem:$0x3FDB];
	s0 =	simm.s32 @p2 $0x1  }
0x17: {  	s4 =	simm.s32 $0x1BF5;
	[smem:$0x3F6F] =	sst s0  }
0x18: {  	s0 =	sld [smem:$0x3F52];
	_ =	swait.ge [sflag:s4], $0x0  }
0x19: {  	s7 =	sld [smem:$0x3F53]  }
0x1a: {  	s8 =	sadd.s32 $0xFFFFE003, lr  }
0x1b: {  	s9 =	sadd.s32 $0xFFFFFEF7, lr;
	s5 =	simm.s32 $0xFFFFFFFF;
	p2 =	slt.u32 s8, $0xFFFFF086  }
0x1c: {  	p1 =	slt.u32 s9, $0xF7A;
	s5 =	simm.s32 @!p2 $0x0  }
0x1d: {  	s5 =	simm.s32 @p1 $0x1;
	p0 =	seq.s32 s7, s2  }
0x1e: {  	s7 =	smul.u32 @!p0 $0xF7A, s2;
	p2 =	seq.s32 @!p0 s5, $0x0  }
0x1f: {  	s9 =	smul.u32 $0xF7A, s1;
	s8 =	simm.s32 @!p0 $0x1BF5;
	p2 =	por !p2, p0  }
0x20: {  	[sflag:s8] =	ssyncset.s32 @!p0 $0xFFFFF086;
	s6 =	sadd.s32 @!p0 s3, s7;
	s7 =	simm.s32 @!p0 $0x108  }
0x21: {  	s3 =	sadd.s32 s3, s9;
	s6 =	sadd.s32 @!p0 $0x88, s6;
	s7 =	simm.s32 @p2 $0x1082  }
0x22: {  	[simem:s7], [sflag:s8] =	dma.local @!p0 [hbm:s6], $0xF7A  }
0x23: {  	s9 =	sor.u32 $0xD0000000, s2;
	s6 =	simm.s32 $0x108;
	_ =	swait.ge @!p0 [sflag:s8], $0x0  }
0x24: {  	s3 =	sadd.s32 $0x88, s3;
	s6 =	simm.s32 @!p1 $0x1082;
	[sflag:s4] =	ssyncset.s32 $0xFFFFF086  }
0x25: {  	[simem:s6], [sflag:s4] =	dma.local [hbm:s3], $0xF7A  }
0x26: {  	[smem:$0x3F53] =	sst s1;
	(tag) =	ssettag s2;
	_ =	strace s9  }
0x27: {  	s1 =	sld [smem:$0x3F63]  }
0x28: {  	s2 =	sld [smem:$0x3F64]  }
0x29: {  	s4 =	sld [smem:$0x3F66]  }
0x2a: {  	p0 =	seq.s32 s5, $0x0;
	s5 =	sld [smem:$0x3F67]  }
0x2b: {  	s6 =	sld [smem:$0x3F68]  }
0x2c: {  	s7 =	sld [smem:$0x3F69]  }
0x2d: {  	s3 =	simm.s32 $0x108;
	s8 =	sld [smem:$0x3F6A]  }
0x2e: {  	s3 =	simm.s32 @!p0 $0x1082;
	s9 =	sld [smem:$0x3F6B]  }
0x2f: {  	lr =	sadd.s32 s0, s3;
	s0 =	sld [smem:$0x3F62]  }
0x30: {  	s3 =	sld [smem:$0x3F65]  }
0x31: {  	[smem:$0x3F6E] =	sst s10  }
0x32: {  	s10 =	sld [smem:$0x3F6C];
	_ =	sdelay $0x3  }
0x33: {  	p0 =	seq.s32 s10, $0x1;
	s10 =	sld [smem:$0x3F6E];
	_ =	sdelay $0x3  }
0x34: {  	[smem:$0x3F6E] =	sst s10  }
0x35: {  	s10 =	sld [smem:$0x3F6D];
	_ =	sdelay $0x3  }
0x36: {  	p1 =	seq.s32 s10, $0x1;
	s10 =	sld [smem:$0x3F6E];
	_ =	sdelay $0x3  }
0x37: {  	[smem:$0x3F6E] =	sst s10  }
0x38: {  	s10 =	sld [smem:$0x3F6F]  }
0x39: {  	_ = 	snop;
	(pc) =	sbr.ind lr, $3  }
0x3a: {  	_ = 	snop  }
0x3b: {  	_ = 	snop  }
0x3c: {  	p2 =	seq.s32 s10, $0x1;
	s10 =	sld [smem:$0x3F6E]  }
0x3d: {  	_ =	shalt  }
0x3e: {  	_ =	shalt  }
0x3f: {  	_ =	shalt  }
0x40: {  	_ =	shalt  }
0x41: {  	_ =	shalt  }
0x42: {  	_ =	shalt  }
0x43: {  	_ =	shalt  }
0x44: {  	_ =	shalt  }
0x45: {  	_ =	shalt  }
0x46: {  	_ =	shalt  }
0x47: {  	_ =	shalt  }
0x48: {  	_ =	shalt  }
0x49: {  	_ =	shalt  }
0x4a: {  	_ =	shalt  }
0x4b: {  	_ =	shalt  }
0x4c: {  	_ =	shalt  }
0x4d: {  	_ =	shalt  }
0x4e: {  	_ =	shalt  }
0x4f: {  	_ =	shalt  }
0x50: {  	_ =	shalt  }
0x51: {  	_ =	shalt  }
0x52: {  	_ =	shalt  }
0x53: {  	_ =	shalt  }
0x54: {  	_ =	shalt  }
0x55: {  	_ =	shalt  }
0x56: {  	_ =	shalt  }
0x57: {  	_ =	shalt  }
0x58: {  	_ =	shalt  }
0x59: {  	_ =	shalt  }
0x5a: {  	_ =	shalt  }
0x5b: {  	_ =	shalt  }
0x5c: {  	_ =	shalt  }
0x5d: {  	_ =	shalt  }
0x5e: {  	_ =	shalt  }
0x5f: {  	_ =	shalt  }
0x60: {  	_ =	shalt  }
0x61: {  	_ =	shalt  }
0x62: {  	_ =	shalt  }
0x63: {  	_ =	shalt  }
0x64: {  	_ =	shalt  }
0x65: {  	_ =	shalt  }
0x66: {  	_ =	shalt  }
0x67: {  	_ =	shalt  }
0x68: {  	_ =	shalt  }
0x69: {  	_ =	shalt  }
0x6a: {  	_ =	shalt  }
0x6b: {  	_ =	shalt  }
0x6c: {  	_ =	shalt  }
0x6d: {  	_ =	shalt  }
0x6e: {  	_ =	shalt  }
0x6f: {  	_ =	shalt  }
0x70: {  	_ =	shalt  }
0x71: {  	_ =	shalt  }
0x72: {  	_ =	shalt  }
0x73: {  	_ =	shalt  }
0x74: {  	_ =	shalt  }
0x75: {  	_ =	shalt  }
0x76: {  	_ =	shalt  }
0x77: {  	_ =	shalt  }
0x78: {  	_ =	shalt  }
0x79: {  	_ =	shalt  }
0x7a: {  	_ =	shalt  }
0x7b: {  	_ =	shalt  }
0x7c: {  	_ =	shalt  }
0x7d: {  	_ =	shalt  }
0x7e: {  	_ =	shalt  }
0x7f: {  	_ =	shalt  }
0x80: {  	_ =	shalt  }
0x81: {  	_ =	shalt  }
0x82: {  	_ =	shalt  }
0x83: {  	_ =	shalt  }
0x84: {  	_ =	shalt  }
0x85: {  	_ =	shalt  }
0x86: {  	_ =	shalt  }
0x87: {  	_ =	shalt  }
.Lfunc_end0:
.L_simem_size_0:
called_computation.10_lowered:
.L_overlay_start_0:
0x88: {  	s2 =	sld [smem:$0x3FD9]  }
0x89: {  	s3 =	sld [smem:$0x3FFE];
	_ =	sdelay $0x1  }
0x8a: {  	s1 =	srdreg.scid  }
0x8b: {  	s0 =	sand.u32 $0x1, s1  }
0x8c: {  	s17 =	sshll.u32 s0, $0xA;
	s2 =	sadd.s32 s3, s2  }
0x8d: {  	s2 =	sadd.s32 s2, s17  }
0x8e: {  	[smem:$0x3F7A] =	sst s2  }
0x8f: {  	_ = 	snop  }
0x90: {  	(tm) =	ssettm $0x1  }
0x91: {  	s18 =	sld [smem:$0x3FFB];
	_ =	sdelay $0x3  }
0x92: {  	_ =	strace s18  }
0x93: {  	s2 =	sld [smem:$0x3FFC];
	_ =	sdelay $0x3  }
0x94: {  	_ =	strace s2  }
0x95: {  	s2 =	sld [smem:$0x3FFD];
	_ =	sdelay $0x3  }
0x96: {  	_ =	strace s2  }
0x97: {  	_ =	strace $0x8FFFFFFF  }
0x98: {  	s19 =	sld [smem:$0x3FDB];
	_ =	sdelay $0x1  }
0x99: {  	s20 =	simm.s32 $_scs_section_size  }
0x9a: {  	s4 =	simm.s32 $_size__tile_overlayer_lowered;
	s5 =	simm.s32 $_tile_overlayer_lowered  }
0x9b: {  	s6 =	simm.s32 $0x1BFF;
	s21 =	sshll.u32 s5, $0x1;
	s3 =	sadd.s32 s20, s19  }
0x9c: {  	s22 =	simm.s32 $0x0;
	s4 =	sshll.u32 s4, $0x1;
	s5 =	sadd.s32 s21, s3  }
0x9d: {  	[timem:s22], [sflag:s6] =	dma.local [hbm:s5], s4  }
0x9e: {  	_ =	swait.ge [sflag:s6], s4  }
0x9f: {  	s4 =	ssub.s32 $0x0, s4;
	[sflag:s6] =	ssyncset.done $0x0  }
0xa0: {  	[sflag:s6] =	ssyncadd.s32 s4;
	_ =	sdelay $0x1  }
0xa1: {  	s23 =	simm.s32 $0x1B8B  }
0xa2: {  	_ =	swait.ge [sflag:s23], $0x1  }
0xa3: {  	[sflag:s23] =	ssyncset.done $0x0  }
0xa4: {  	[sflag:s23] =	ssyncadd.s32 $0xFFFFFFFF  }
0xa5: {  	s4 =	sld [smem:$0x0]  }
0xa6: {  	s5 =	sand.u32 $0xFFFFFFFE, s1  }
0xa7: {  	p0 =	sne.s32 s1, s5  }
0xa8: {  	s5 =	sshll.u32 @p0 s5, $0xE  }
0xa9: {  	s5 =	sadd.s32 @p0 $0x11B8D, s5;
	s6 =	sshll.u32 @p0 s4, $0x11  }
0xaa: {  	s5 =	sor.u32 @p0 s6, s5  }
0xab: {  	[sflag:s5] =	ssyncadd.remote.s32 @p0 $0x1;
	_ =	sdelay $0x1  }
0xac: {  	s5 =	simm.s32 @p0 $0x1B8D  }
0xad: {  	_ =	swait.eq @p0 [sflag:s5], $0x1  }
0xae: {  	[sflag:s5] =	ssyncadd.s32 @p0 $0xFFFFFFFF  }
0xaf: {  	s6 =	sshll.u32 @!p0 s1, $0xE  }
0xb0: {  	s6 =	sor.u32 @!p0 $0x4000, s6;
	s5 =	simm.s32 @!p0 $0x1B8D  }
0xb1: {  	s4 =	sshll.u32 @!p0 s4, $0x11;
	s6 =	sadd.s32 @!p0 $0x11B8D, s6;
	_ =	swait.eq @!p0 [sflag:s5], $0x1  }
0xb2: {  	s4 =	sor.u32 @!p0 s4, s6;
	[sflag:s5] =	ssyncadd.s32 @!p0 $0xFFFFFFFF  }
0xb3: {  	s25 =	simm.s32 $0x1B8E;
	s24 =	sld [smem:$0x3FFE];
	[sflag:s4] =	ssyncadd.remote.s32 @!p0 $0x1  }
0xb4: {  	s26 =	simm.s32 $execute0_lowered;
	[smem:$0x3FD2] =	sst s25  }
0xb5: {  	s5 =	sshll.u32 s26, $0x1;
	_ =	strace $0x80000055;
	[dreg:$0x1] =	wrdreg $0xFFFFFFFF  }
0xb6: {  	s28 =	simm.s32 $_size_execute0_lowered;
	s3 =	sadd.s32 s3, s5;
	[dreg:$0x0] =	wrdreg $0x0  }
0xb7: {  	s5 =	sshll.u32 s28, $0x1;
	[dreg:$0x2] =	wrdreg s3  }
0xb8: {  	[dreg:$0x3] =	wrdreg s5  }
0xb9: {  	[dreg:$0x4] =	wrdreg $0xC0  }
0xba: {  	_ =	task [dreg:s22], $0x5FFFF  }
0xbb: {  	[dreg:$0x1] =	wrdreg $0xFFFFFFFF  }
0xbc: {  	[dreg:$0x0] =	wrdreg $0x60  }
0xbd: {  	[dreg:$0x2] =	wrdreg s24  }
0xbe: {  	[dreg:$0x3] =	wrdreg $0xA  }
0xbf: {  	_ =	task.clear_ibuf [dreg:s22], $0x4FFFF;
	_ =	strace $0x90000055  }
0xc0: {  	s29 =	simm.s32 $0xA;
	_ =	strace $0x80000057  }
0xc1: {  	_ =	swait.ge [sflag:s29], $0x1  }
0xc2: {  	[sflag:s29] =	ssyncadd.s32 $0xFFFFFFFF  }
0xc3: {  	_ =	strace $0x90000057  }
0xc4: {  	_ =	sfence  }
0xc5: {  	s30 =	sld [smem:$0x0];
	_ =	sdelay $0x2  }
0xc6: {  	s31 =	sshll.u32 s1, $0xD;
	s1 =	sshrl.u32 s1, $0x2  }
0xc7: {  	s4 =	sand.u32 $0x4000, s31;
	s1 =	sadd.s32 s1, s30  }
0xc8: {  	s0 =	sor.u32 s4, s0;
	s1 =	sshll.u32 s1, $0x11  }
0xc9: {  	s0 =	sor.u32 s1, s0  }
0xca: {  	s0 =	sadd.s32 $0x8F2B, s0  }
0xcb: {  	[sflag:s0] =	ssyncadd.remote.s32 $0x1  }
0xcc: {  	_ =	sfence.sel $0xFFFF  }
0xcd: {  	[dreg:$0x0] =	wrdreg $0xFFFFFFFF;
	(pc) =	sbr.abs _section_cstart, $3  }
0xce: {  	[dreg:$0x1] =	wrdreg $0xFFFFFFFF  }
0xcf: {  	_ =	task.clear_ibuf [dreg:s22], $0x2FFFF;
	_ =	strace $0x9FFFFFFF  }
0xd0: {  	(tm) =	ssettm $0x7FFFFFFF  }
0xd1: {  	_ =	shalt  }
tec
execute0_lowered:
.L_overlay_start_1:
0x0: {  	(tag) =	ssettag $0x1  }
0x1: {  	s1 =	srdreg.scid;
	s0 =	stileid.u32  }
0x2: {  	s5 =	rddreg [dreg:$0x0];
	s2 =	simm.s32 $0x0;
	s10 =	simm.s32 $0x1  }
0x3: {  	s11 =	simm.s32 $0x0;
	s4 =	sand.u32 $0x1, s1;
	s1 =	rddreg [dreg:$0x1]  }
0x4: {  	s3 =	sshll.u32 s0, $0xE;
	[smem:$0x7FF] =	sst s2;
	s8 =	sshll.u32 s0, $0x12  }
0x5: {  	s6 =	sshll.u32 s4, $0xD;
	_ =	strace $0x80000056;
	s7 =	ssub.s32 $0x2, s4  }
0x6: {  	s8 =	sadd.s32 s8, s5;
	s30 =	sshll.u32 s4, $0x11;
	s3 =	sor.u32 s6, s3  }
0x7: {  	s9 =	sshrl.u32 s7, $0x1;
	s31 =	sadd.s32 s30, s8;
	s8 =	simm.s32 $0x200  }
0x8: {  	s3 =	sshrl.u32 s3, $0x3;
	s29 =	ssub.s32 s7, s9;
	s6 =	sadd.s32 $0x47C200, s31  }
0x9: {  	s7 =	simm.s32 $0x2;
	s9 =	simm.s32 $0x2000;
	s28 =	sadd.s32 s3, s5  }
0xa: {  	s3 =	sadd.s32 $0x45C200, s5;
	s5 =	smax.u32 s29, $0x1;
	s4 =	sadd.s32 $0x1C200, s28  }
.LBB2_1:
0xb: {  	[tilespmem:s2], [sflag:$0x2] =	stream.linear.gather [hbm4b:s4+s2], $0x2000, $0x38;
	[tilespmem:$0x12000] =	vst v63  }
0xc: {  	_ =	swait.ge [sflag:s7], $0x2000  }
0xd: {  	[sflag:s7] =	ssyncset.done $0x0  }
0xe: {  	s12 =	simm.s32 $0x0;
	[sflag:s7] =	ssyncadd.s32 $0xFFFFE000  }
0xf: {  	[tilespmem:s9], [sflag:$0x1] =	stream.indirect.gather [hbm4b:s3+s8], $0x80, s12, s8, $0xb8;
	[tilespmem:$0x12000] =	vst v63  }
0x10: {  	_ =	swait.ge [sflag:s10], $0x10000  }
0x11: {  	[sflag:s10] =	ssyncset.done $0x0  }
0x12: {  	[sflag:s10] =	ssyncadd.s32 $0xFFFF0000  }
0x13: {  	[hbm4b:s6+s2] =	stream.linear.scatter [tilespmem:s9], [sflag:$0x2], $0x10000, $0x38;
	[tilespmem:$0x12000] =	vst v63  }
0x14: {  	s13 =	simm.s32 $0x800;
	_ =	swait.ge [sflag:s7], $0x10000  }
0x15: {  	s14 =	simm.s32 $0x1000;
	s12 =	sadd.s32 $0x2000, s6;
	[sflag:s7] =	ssyncset.done $0x0  }
.LBB2_2:
0x16: {  	s15 =	sshra.s32 s13, $0x2  }
0x17: {  	[sflag:s7] =	ssyncadd.s32 $0xFFFF0000;
	s13 =	smov.u32 s14;
	s16 =	sadd.s32 $0x800, s14  }
0x18: {  	[tilespmem:s9], [sflag:$0x1] =	stream.indirect.gather [hbm4b:s3+s8], $0x80, s15, s8, $0xb8;
	[tilespmem:$0x12000] =	vst v63  }
0x19: {  	p0 =	sne.s32 s14, $0x7800;
	_ =	swait.ge [sflag:s10], $0x10000  }
.Ltmp0:
0x1a: {  	[sflag:s10] =	ssyncset.done $0x0;
	(pc) =	sbr.rel @p0 .LBB2_2-.Ltmp0, $4  }
0x1b: {  	[sflag:s10] =	ssyncadd.s32 $0xFFFF0000  }
0x1c: {  	[hbm4b:s12+s2] =	stream.linear.scatter [tilespmem:s9], [sflag:$0x2], $0x10000, $0x38;
	[tilespmem:$0x12000] =	vst v63  }
0x1d: {  	_ =	swait.ge [sflag:s7], $0x10000  }
0x1e: {  	s14 =	smov.u32 s16;
	s12 =	sadd.s32 $0x2000, s12;
	[sflag:s7] =	ssyncset.done $0x0  }
0x1f: {  	s13 =	sshra.s32 s13, $0x2;
	[sflag:s7] =	ssyncadd.s32 $0xFFFF0000  }
0x20: {  	[tilespmem:s9], [sflag:$0x1] =	stream.indirect.gather [hbm4b:s3+s8], $0x80, s13, s8, $0xb8;
	[tilespmem:$0x12000] =	vst v63  }
0x21: {  	s11 =	sadd.s32 $0x1, s11;
	_ =	swait.ge [sflag:s10], $0x10000  }
0x22: {  	p0 =	sne.s32 s11, s5;
	[sflag:s10] =	ssyncset.done $0x0  }
.Ltmp1:
0x23: {  	[sflag:s10] =	ssyncadd.s32 $0xFFFF0000;
	(pc) =	sbr.rel @p0 .LBB2_1-.Ltmp1, $4  }
0x24: {  	[hbm4b:s12+s2] =	stream.linear.scatter [tilespmem:s9], [sflag:$0x2], $0x10000, $0x38;
	[tilespmem:$0x12000] =	vst v63  }
0x25: {  	_ =	swait.ge [sflag:s7], $0x10000  }
0x26: {  	[sflag:s7] =	ssyncset.done $0x0  }
0x27: {  	[sflag:s7] =	ssyncadd.s32 $0xFFFF0000  }
0x28: {  	_ =	sfence.sel $0x180000  }
0x29: {  	[bflag:$0x0] =	sbarrier.arrive $0xFFFF  }
0x2a: {  	p0 =	sne.s32 s0, $0x0;
	_ =	strace $0x90000056  }
0x2b: {  	s0 =	sadd.s32 @!p0 $0x100000, s1;
	[bflag:$0x2] =	sbarrier.arrive $0xFFFF  }
0x2c: {  	[sflag:s0] =	ssyncadd.tile.s32 @!p0 $0x1;
	_ =	shalt  }
.Lfunc_end2:
_tile_overlayer_lowered:
.L_overlay_start_2:
0x2d: {  	(tag) =	ssettag $0x2  }
0x2e: {  	s0 =	rddreg [dreg:$0x0];
	s2 =	stileid.u32  }
0x2f: {  	s1 =	rddreg [dreg:$0x1];
	p0 =	sne.s32 s2, $0x0  }
0x30: {  	s3 =	rddreg [dreg:$0x2];
	[bflag:$0x3] =	sbarrier.arrive $0xFFFF;
	s2 =	simm.s32 @!p0 $0x1C02  }
0x31: {  	[timem:s3], [sflag:s2] =	dma.local @!p0 [hbm:s0], s1  }
0x32: {  	s0 =	simm.s32 @!p0 $0x2  }
0x33: {  	_ =	swait.ge @!p0 [sflag:s0], s1  }
0x34: {  	s1 =	ssub.s32 @!p0 $0x0, s1;
	[sflag:s0] =	ssyncset.done @!p0 $0x0  }
0x35: {  	[sflag:s0] =	ssyncadd.s32 @!p0 s1  }
0x36: {  	[bflag:$0x3] =	sbarrier.arrive $0xFFFF  }
0x37: {  	_ =	shalt  }

// kernel: kernel.30.cloned.1.call-start
scs
__scs_entry_jumppad:
0x0: {  	(pc) =	sbr.rel $0x88, $3  }
0x1: {  	(tag) =	ssettag $0x0;
	lr =	simm.s32 $0x1  }
0x2: {  	[smem:$0x3F53] =	sst lr;
	_ =	strace $0xD0000000  }
0x3: {  	_ = 	snop  }
0x4: {  	_ = 	snop  }
0x5: {  	_ = 	snop  }
0x6: {  	_ = 	snop  }
0x7: {  	_ = 	snop  }
__scs_overlays_trampoline_lowered:
0x8: {  	[smem:$0x3F62] =	sst s0  }
0x9: {  	[smem:$0x3F63] =	sst s1  }
0xa: {  	[smem:$0x3F64] =	sst s2  }
0xb: {  	[smem:$0x3F65] =	sst s3  }
0xc: {  	[smem:$0x3F66] =	sst s4  }
0xd: {  	[smem:$0x3F67] =	sst s5  }
0xe: {  	[smem:$0x3F68] =	sst s6  }
0xf: {  	[smem:$0x3F69] =	sst s7  }
0x10: {  	[smem:$0x3F6A] =	sst s8  }
0x11: {  	[smem:$0x3F6B] =	sst s9;
	s0 =	simm.s32 @!p0 $0x0  }
0x12: {  	s1 =	sld [smem:$0x3F51];
	s0 =	simm.s32 @p0 $0x1  }
0x13: {  	[smem:$0x3F6C] =	sst s0;
	s0 =	simm.s32 @!p1 $0x0  }
0x14: {  	s2 =	sld [smem:$0x3F50];
	s0 =	simm.s32 @p1 $0x1  }
0x15: {  	[smem:$0x3F6D] =	sst s0;
	s0 =	simm.s32 @!p2 $0x0  }
0x16: {  	s3 =	sld [smem:$0x3FDB];
	s0 =	simm.s32 @p2 $0x1  }
0x17: {  	s4 =	simm.s32 $0x1BF5;
	[smem:$0x3F6F] =	sst s0  }
0x18: {  	s0 =	sld [smem:$0x3F52];
	_ =	swait.ge [sflag:s4], $0x0  }
0x19: {  	s7 =	sld [smem:$0x3F53]  }
0x1a: {  	s8 =	sadd.s32 $0xFFFFE003, lr  }
0x1b: {  	s9 =	sadd.s32 $0xFFFFFEF7, lr;
	s5 =	simm.s32 $0xFFFFFFFF;
	p2 =	slt.u32 s8, $0xFFFFF086  }
0x1c: {  	p1 =	slt.u32 s9, $0xF7A;
	s5 =	simm.s32 @!p2 $0x0  }
0x1d: {  	s5 =	simm.s32 @p1 $0x1;
	p0 =	seq.s32 s7, s2  }
0x1e: {  	s7 =	smul.u32 @!p0 $0xF7A, s2;
	p2 =	seq.s32 @!p0 s5, $0x0  }
0x1f: {  	s9 =	smul.u32 $0xF7A, s1;
	s8 =	simm.s32 @!p0 $0x1BF5;
	p2 =	por !p2, p0  }
0x20: {  	[sflag:s8] =	ssyncset.s32 @!p0 $0xFFFFF086;
	s6 =	sadd.s32 @!p0 s3, s7;
	s7 =	simm.s32 @!p0 $0x108  }
0x21: {  	s3 =	sadd.s32 s3, s9;
	s6 =	sadd.s32 @!p0 $0x88, s6;
	s7 =	simm.s32 @p2 $0x1082  }
0x22: {  	[simem:s7], [sflag:s8] =	dma.local @!p0 [hbm:s6], $0xF7A  }
0x23: {  	s9 =	sor.u32 $0xD0000000, s2;
	s6 =	simm.s32 $0x108;
	_ =	swait.ge @!p0 [sflag:s8], $0x0  }
0x24: {  	s3 =	sadd.s32 $0x88, s3;
	s6 =	simm.s32 @!p1 $0x1082;
	[sflag:s4] =	ssyncset.s32 $0xFFFFF086  }
0x25: {  	[simem:s6], [sflag:s4] =	dma.local [hbm:s3], $0xF7A  }
0x26: {  	[smem:$0x3F53] =	sst s1;
	(tag) =	ssettag s2;
	_ =	strace s9  }
0x27: {  	s1 =	sld [smem:$0x3F63]  }
0x28: {  	s2 =	sld [smem:$0x3F64]  }
0x29: {  	s4 =	sld [smem:$0x3F66]  }
0x2a: {  	p0 =	seq.s32 s5, $0x0;
	s5 =	sld [smem:$0x3F67]  }
0x2b: {  	s6 =	sld [smem:$0x3F68]  }
0x2c: {  	s7 =	sld [smem:$0x3F69]  }
0x2d: {  	s3 =	simm.s32 $0x108;
	s8 =	sld [smem:$0x3F6A]  }
0x2e: {  	s3 =	simm.s32 @!p0 $0x1082;
	s9 =	sld [smem:$0x3F6B]  }
0x2f: {  	lr =	sadd.s32 s0, s3;
	s0 =	sld [smem:$0x3F62]  }
0x30: {  	s3 =	sld [smem:$0x3F65]  }
0x31: {  	[smem:$0x3F6E] =	sst s10  }
0x32: {  	s10 =	sld [smem:$0x3F6C];
	_ =	sdelay $0x3  }
0x33: {  	p0 =	seq.s32 s10, $0x1;
	s10 =	sld [smem:$0x3F6E];
	_ =	sdelay $0x3  }
0x34: {  	[smem:$0x3F6E] =	sst s10  }
0x35: {  	s10 =	sld [smem:$0x3F6D];
	_ =	sdelay $0x3  }
0x36: {  	p1 =	seq.s32 s10, $0x1;
	s10 =	sld [smem:$0x3F6E];
	_ =	sdelay $0x3  }
0x37: {  	[smem:$0x3F6E] =	sst s10  }
0x38: {  	s10 =	sld [smem:$0x3F6F]  }
0x39: {  	_ = 	snop;
	(pc) =	sbr.ind lr, $3  }
0x3a: {  	_ = 	snop  }
0x3b: {  	_ = 	snop  }
0x3c: {  	p2 =	seq.s32 s10, $0x1;
	s10 =	sld [smem:$0x3F6E]  }
0x3d: {  	_ =	shalt  }
0x3e: {  	_ =	shalt  }
0x3f: {  	_ =	shalt  }
0x40: {  	_ =	shalt  }
0x41: {  	_ =	shalt  }
0x42: {  	_ =	shalt  }
0x43: {  	_ =	shalt  }
0x44: {  	_ =	shalt  }
0x45: {  	_ =	shalt  }
0x46: {  	_ =	shalt  }
0x47: {  	_ =	shalt  }
0x48: {  	_ =	shalt  }
0x49: {  	_ =	shalt  }
0x4a: {  	_ =	shalt  }
0x4b: {  	_ =	shalt  }
0x4c: {  	_ =	shalt  }
0x4d: {  	_ =	shalt  }
0x4e: {  	_ =	shalt  }
0x4f: {  	_ =	shalt  }
0x50: {  	_ =	shalt  }
0x51: {  	_ =	shalt  }
0x52: {  	_ =	shalt  }
0x53: {  	_ =	shalt  }
0x54: {  	_ =	shalt  }
0x55: {  	_ =	shalt  }
0x56: {  	_ =	shalt  }
0x57: {  	_ =	shalt  }
0x58: {  	_ =	shalt  }
0x59: {  	_ =	shalt  }
0x5a: {  	_ =	shalt  }
0x5b: {  	_ =	shalt  }
0x5c: {  	_ =	shalt  }
0x5d: {  	_ =	shalt  }
0x5e: {  	_ =	shalt  }
0x5f: {  	_ =	shalt  }
0x60: {  	_ =	shalt  }
0x61: {  	_ =	shalt  }
0x62: {  	_ =	shalt  }
0x63: {  	_ =	shalt  }
0x64: {  	_ =	shalt  }
0x65: {  	_ =	shalt  }
0x66: {  	_ =	shalt  }
0x67: {  	_ =	shalt  }
0x68: {  	_ =	shalt  }
0x69: {  	_ =	shalt  }
0x6a: {  	_ =	shalt  }
0x6b: {  	_ =	shalt  }
0x6c: {  	_ =	shalt  }
0x6d: {  	_ =	shalt  }
0x6e: {  	_ =	shalt  }
0x6f: {  	_ =	shalt  }
0x70: {  	_ =	shalt  }
0x71: {  	_ =	shalt  }
0x72: {  	_ =	shalt  }
0x73: {  	_ =	shalt  }
0x74: {  	_ =	shalt  }
0x75: {  	_ =	shalt  }
0x76: {  	_ =	shalt  }
0x77: {  	_ =	shalt  }
0x78: {  	_ =	shalt  }
0x79: {  	_ =	shalt  }
0x7a: {  	_ =	shalt  }
0x7b: {  	_ =	shalt  }
0x7c: {  	_ =	shalt  }
0x7d: {  	_ =	shalt  }
0x7e: {  	_ =	shalt  }
0x7f: {  	_ =	shalt  }
0x80: {  	_ =	shalt  }
0x81: {  	_ =	shalt  }
0x82: {  	_ =	shalt  }
0x83: {  	_ =	shalt  }
0x84: {  	_ =	shalt  }
0x85: {  	_ =	shalt  }
0x86: {  	_ =	shalt  }
0x87: {  	_ =	shalt  }
.Lfunc_end0:
.L_simem_size_0:
called_computation.11_lowered:
.L_overlay_start_0:
0x88: {  	s2 =	sld [smem:$0x3FD9]  }
0x89: {  	s3 =	sld [smem:$0x3FFE];
	_ =	sdelay $0x1  }
0x8a: {  	s1 =	srdreg.scid  }
0x8b: {  	s0 =	sand.u32 $0x1, s1  }
0x8c: {  	s17 =	sshll.u32 s0, $0xA;
	s2 =	sadd.s32 s3, s2  }
0x8d: {  	s2 =	sadd.s32 s2, s17  }
0x8e: {  	[smem:$0x3F7A] =	sst s2  }
0x8f: {  	_ = 	snop  }
0x90: {  	(tm) =	ssettm $0x1  }
0x91: {  	s18 =	sld [smem:$0x3FFB];
	_ =	sdelay $0x3  }
0x92: {  	_ =	strace s18  }
0x93: {  	s2 =	sld [smem:$0x3FFC];
	_ =	sdelay $0x3  }
0x94: {  	_ =	strace s2  }
0x95: {  	s2 =	sld [smem:$0x3FFD];
	_ =	sdelay $0x3  }
0x96: {  	_ =	strace s2  }
0x97: {  	_ =	strace $0x8FFFFFFF  }
0x98: {  	s19 =	sld [smem:$0x3FDB];
	_ =	sdelay $0x1  }
0x99: {  	s20 =	simm.s32 $_scs_section_size  }
0x9a: {  	s4 =	simm.s32 $_size__tile_overlayer_lowered;
	s5 =	simm.s32 $_tile_overlayer_lowered  }
0x9b: {  	s6 =	simm.s32 $0x1BFF;
	s21 =	sshll.u32 s5, $0x1;
	s3 =	sadd.s32 s20, s19  }
0x9c: {  	s22 =	simm.s32 $0x0;
	s4 =	sshll.u32 s4, $0x1;
	s5 =	sadd.s32 s21, s3  }
0x9d: {  	[timem:s22], [sflag:s6] =	dma.local [hbm:s5], s4  }
0x9e: {  	_ =	swait.ge [sflag:s6], s4  }
0x9f: {  	s4 =	ssub.s32 $0x0, s4;
	[sflag:s6] =	ssyncset.done $0x0  }
0xa0: {  	[sflag:s6] =	ssyncadd.s32 s4;
	_ =	sdelay $0x1  }
0xa1: {  	s23 =	simm.s32 $0x1B8B  }
0xa2: {  	_ =	swait.ge [sflag:s23], $0x1  }
0xa3: {  	[sflag:s23] =	ssyncset.done $0x0  }
0xa4: {  	[sflag:s23] =	ssyncadd.s32 $0xFFFFFFFF  }
0xa5: {  	s4 =	sld [smem:$0x0]  }
0xa6: {  	s5 =	sand.u32 $0xFFFFFFFE, s1  }
0xa7: {  	p0 =	sne.s32 s1, s5  }
0xa8: {  	s5 =	sshll.u32 @p0 s5, $0xE  }
0xa9: {  	s5 =	sadd.s32 @p0 $0x11B8D, s5;
	s6 =	sshll.u32 @p0 s4, $0x11  }
0xaa: {  	s5 =	sor.u32 @p0 s6, s5  }
0xab: {  	[sflag:s5] =	ssyncadd.remote.s32 @p0 $0x1;
	_ =	sdelay $0x1  }
0xac: {  	s5 =	simm.s32 @p0 $0x1B8D  }
0xad: {  	_ =	swait.eq @p0 [sflag:s5], $0x1  }
0xae: {  	[sflag:s5] =	ssyncadd.s32 @p0 $0xFFFFFFFF  }
0xaf: {  	s6 =	sshll.u32 @!p0 s1, $0xE  }
0xb0: {  	s6 =	sor.u32 @!p0 $0x4000, s6;
	s5 =	simm.s32 @!p0 $0x1B8D  }
0xb1: {  	s4 =	sshll.u32 @!p0 s4, $0x11;
	s6 =	sadd.s32 @!p0 $0x11B8D, s6;
	_ =	swait.eq @!p0 [sflag:s5], $0x1  }
0xb2: {  	s4 =	sor.u32 @!p0 s4, s6;
	[sflag:s5] =	ssyncadd.s32 @!p0 $0xFFFFFFFF  }
0xb3: {  	s25 =	simm.s32 $0x1B8E;
	s24 =	sld [smem:$0x3FFE];
	[sflag:s4] =	ssyncadd.remote.s32 @!p0 $0x1  }
0xb4: {  	s26 =	simm.s32 $execute0_lowered;
	[smem:$0x3FD2] =	sst s25  }
0xb5: {  	s5 =	sshll.u32 s26, $0x1;
	_ =	strace $0x80000061;
	[dreg:$0x1] =	wrdreg $0xFFFFFFFF  }
0xb6: {  	s28 =	simm.s32 $_size_execute0_lowered;
	s3 =	sadd.s32 s3, s5;
	[dreg:$0x0] =	wrdreg $0x0  }
0xb7: {  	s5 =	sshll.u32 s28, $0x1;
	[dreg:$0x2] =	wrdreg s3  }
0xb8: {  	[dreg:$0x3] =	wrdreg s5  }
0xb9: {  	[dreg:$0x4] =	wrdreg $0xC0  }
0xba: {  	_ =	task [dreg:s22], $0x5FFFF  }
0xbb: {  	[dreg:$0x1] =	wrdreg $0xFFFFFFFF  }
0xbc: {  	[dreg:$0x0] =	wrdreg $0x60  }
0xbd: {  	[dreg:$0x2] =	wrdreg s24  }
0xbe: {  	[dreg:$0x3] =	wrdreg $0xA  }
0xbf: {  	_ =	task.clear_ibuf [dreg:s22], $0x4FFFF;
	_ =	strace $0x90000061  }
0xc0: {  	s29 =	simm.s32 $0xA;
	_ =	strace $0x80000063  }
0xc1: {  	_ =	swait.ge [sflag:s29], $0x1  }
0xc2: {  	[sflag:s29] =	ssyncadd.s32 $0xFFFFFFFF  }
0xc3: {  	_ =	strace $0x90000063  }
0xc4: {  	_ =	sfence  }
0xc5: {  	s30 =	sld [smem:$0x0];
	_ =	sdelay $0x2  }
0xc6: {  	s31 =	sshll.u32 s1, $0xD;
	s1 =	sshrl.u32 s1, $0x2  }
0xc7: {  	s4 =	sand.u32 $0x4000, s31;
	s1 =	sadd.s32 s1, s30  }
0xc8: {  	s0 =	sor.u32 s4, s0;
	s1 =	sshll.u32 s1, $0x11  }
0xc9: {  	s0 =	sor.u32 s1, s0  }
0xca: {  	s0 =	sadd.s32 $0x8F2B, s0  }
0xcb: {  	[sflag:s0] =	ssyncadd.remote.s32 $0x1  }
0xcc: {  	_ =	sfence.sel $0xFFFF  }
0xcd: {  	[dreg:$0x0] =	wrdreg $0xFFFFFFFF;
	(pc) =	sbr.abs _section_cstart, $3  }
0xce: {  	[dreg:$0x1] =	wrdreg $0xFFFFFFFF  }
0xcf: {  	_ =	task.clear_ibuf [dreg:s22], $0x2FFFF;
	_ =	strace $0x9FFFFFFF  }
0xd0: {  	(tm) =	ssettm $0x7FFFFFFF  }
0xd1: {  	_ =	shalt  }
tec
execute0_lowered:
.L_overlay_start_1:
0x0: {  	(tag) =	ssettag $0x1  }
0x1: {  	s1 =	srdreg.scid;
	s0 =	stileid.u32  }
0x2: {  	s5 =	rddreg [dreg:$0x0];
	s2 =	simm.s32 $0x0;
	s10 =	simm.s32 $0x1  }
0x3: {  	s11 =	simm.s32 $0x0;
	s4 =	sand.u32 $0x1, s1;
	s1 =	rddreg [dreg:$0x1]  }
0x4: {  	s3 =	sshll.u32 s0, $0xE;
	[smem:$0x7FF] =	sst s2;
	s8 =	sshll.u32 s0, $0x12  }
0x5: {  	s6 =	sshll.u32 s4, $0xD;
	_ =	strace $0x80000062;
	s7 =	ssub.s32 $0x2, s4  }
0x6: {  	s8 =	sadd.s32 s8, s5;
	s30 =	sshll.u32 s4, $0x11;
	s3 =	sor.u32 s6, s3  }
0x7: {  	s9 =	sshrl.u32 s7, $0x1;
	s31 =	sadd.s32 s30, s8;
	s8 =	simm.s32 $0x200  }
0x8: {  	s3 =	sshrl.u32 s3, $0x3;
	s29 =	ssub.s32 s7, s9;
	s6 =	sadd.s32 $0x45C200, s31  }
0x9: {  	s7 =	simm.s32 $0x2;
	s9 =	simm.s32 $0x2000;
	s28 =	sadd.s32 s3, s5  }
0xa: {  	s3 =	sadd.s32 $0x2C200, s5;
	s5 =	smax.u32 s29, $0x1;
	s4 =	sadd.s32 $0x1C200, s28  }
.LBB2_1:
0xb: {  	[tilespmem:s2], [sflag:$0x2] =	stream.linear.gather [hbm4b:s4+s2], $0x2000, $0x38;
	[tilespmem:$0x12000] =	vst v63  }
0xc: {  	_ =	swait.ge [sflag:s7], $0x2000  }
0xd: {  	[sflag:s7] =	ssyncset.done $0x0  }
0xe: {  	s12 =	simm.s32 $0x0;
	[sflag:s7] =	ssyncadd.s32 $0xFFFFE000  }
0xf: {  	[tilespmem:s9], [sflag:$0x1] =	stream.indirect.gather [hbm4b:s3+s8], $0x80, s12, s8, $0xb8;
	[tilespmem:$0x12000] =	vst v63  }
0x10: {  	_ =	swait.ge [sflag:s10], $0x10000  }
0x11: {  	[sflag:s10] =	ssyncset.done $0x0  }
0x12: {  	[sflag:s10] =	ssyncadd.s32 $0xFFFF0000  }
0x13: {  	[hbm4b:s6+s2] =	stream.linear.scatter [tilespmem:s9], [sflag:$0x2], $0x10000, $0x38;
	[tilespmem:$0x12000] =	vst v63  }
0x14: {  	s13 =	simm.s32 $0x800;
	_ =	swait.ge [sflag:s7], $0x10000  }
0x15: {  	s14 =	simm.s32 $0x1000;
	s12 =	sadd.s32 $0x2000, s6;
	[sflag:s7] =	ssyncset.done $0x0  }
.LBB2_2:
0x16: {  	s15 =	sshra.s32 s13, $0x2  }
0x17: {  	[sflag:s7] =	ssyncadd.s32 $0xFFFF0000;
	s13 =	smov.u32 s14;
	s16 =	sadd.s32 $0x800, s14  }
0x18: {  	[tilespmem:s9], [sflag:$0x1] =	stream.indirect.gather [hbm4b:s3+s8], $0x80, s15, s8, $0xb8;
	[tilespmem:$0x12000] =	vst v63  }
0x19: {  	p0 =	sne.s32 s14, $0x7800;
	_ =	swait.ge [sflag:s10], $0x10000  }
.Ltmp0:
0x1a: {  	[sflag:s10] =	ssyncset.done $0x0;
	(pc) =	sbr.rel @p0 .LBB2_2-.Ltmp0, $4  }
0x1b: {  	[sflag:s10] =	ssyncadd.s32 $0xFFFF0000  }
0x1c: {  	[hbm4b:s12+s2] =	stream.linear.scatter [tilespmem:s9], [sflag:$0x2], $0x10000, $0x38;
	[tilespmem:$0x12000] =	vst v63  }
0x1d: {  	_ =	swait.ge [sflag:s7], $0x10000  }
0x1e: {  	s14 =	smov.u32 s16;
	s12 =	sadd.s32 $0x2000, s12;
	[sflag:s7] =	ssyncset.done $0x0  }
0x1f: {  	s13 =	sshra.s32 s13, $0x2;
	[sflag:s7] =	ssyncadd.s32 $0xFFFF0000  }
0x20: {  	[tilespmem:s9], [sflag:$0x1] =	stream.indirect.gather [hbm4b:s3+s8], $0x80, s13, s8, $0xb8;
	[tilespmem:$0x12000] =	vst v63  }
0x21: {  	s11 =	sadd.s32 $0x1, s11;
	_ =	swait.ge [sflag:s10], $0x10000  }
0x22: {  	p0 =	sne.s32 s11, s5;
	[sflag:s10] =	ssyncset.done $0x0  }
.Ltmp1:
0x23: {  	[sflag:s10] =	ssyncadd.s32 $0xFFFF0000;
	(pc) =	sbr.rel @p0 .LBB2_1-.Ltmp1, $4  }
0x24: {  	[hbm4b:s12+s2] =	stream.linear.scatter [tilespmem:s9], [sflag:$0x2], $0x10000, $0x38;
	[tilespmem:$0x12000] =	vst v63  }
0x25: {  	_ =	swait.ge [sflag:s7], $0x10000  }
0x26: {  	[sflag:s7] =	ssyncset.done $0x0  }
0x27: {  	[sflag:s7] =	ssyncadd.s32 $0xFFFF0000  }
0x28: {  	_ =	sfence.sel $0x180000  }
0x29: {  	[bflag:$0x0] =	sbarrier.arrive $0xFFFF  }
0x2a: {  	p0 =	sne.s32 s0, $0x0;
	_ =	strace $0x90000062  }
0x2b: {  	s0 =	sadd.s32 @!p0 $0x100000, s1;
	[bflag:$0x2] =	sbarrier.arrive $0xFFFF  }
0x2c: {  	[sflag:s0] =	ssyncadd.tile.s32 @!p0 $0x1;
	_ =	shalt  }
.Lfunc_end2:
_tile_overlayer_lowered:
.L_overlay_start_2:
0x2d: {  	(tag) =	ssettag $0x2  }
0x2e: {  	s0 =	rddreg [dreg:$0x0];
	s2 =	stileid.u32  }
0x2f: {  	s1 =	rddreg [dreg:$0x1];
	p0 =	sne.s32 s2, $0x0  }
0x30: {  	s3 =	rddreg [dreg:$0x2];
	[bflag:$0x3] =	sbarrier.arrive $0xFFFF;
	s2 =	simm.s32 @!p0 $0x1C02  }
0x31: {  	[timem:s3], [sflag:s2] =	dma.local @!p0 [hbm:s0], s1  }
0x32: {  	s0 =	simm.s32 @!p0 $0x2  }
0x33: {  	_ =	swait.ge @!p0 [sflag:s0], s1  }
0x34: {  	s1 =	ssub.s32 @!p0 $0x0, s1;
	[sflag:s0] =	ssyncset.done @!p0 $0x0  }
0x35: {  	[sflag:s0] =	ssyncadd.s32 @!p0 s1  }
0x36: {  	[bflag:$0x3] =	sbarrier.arrive $0xFFFF  }
0x37: {  	_ =	shalt  }

// kernel: kernel.33.cloned.1.call-start
scs
__scs_entry_jumppad:
0x0: {  	(pc) =	sbr.rel $0x88, $3  }
0x1: {  	(tag) =	ssettag $0x0;
	lr =	simm.s32 $0x1  }
0x2: {  	[smem:$0x3F53] =	sst lr;
	_ =	strace $0xD0000000  }
0x3: {  	_ = 	snop  }
0x4: {  	_ = 	snop  }
0x5: {  	_ = 	snop  }
0x6: {  	_ = 	snop  }
0x7: {  	_ = 	snop  }
__scs_overlays_trampoline_lowered:
0x8: {  	[smem:$0x3F62] =	sst s0  }
0x9: {  	[smem:$0x3F63] =	sst s1  }
0xa: {  	[smem:$0x3F64] =	sst s2  }
0xb: {  	[smem:$0x3F65] =	sst s3  }
0xc: {  	[smem:$0x3F66] =	sst s4  }
0xd: {  	[smem:$0x3F67] =	sst s5  }
0xe: {  	[smem:$0x3F68] =	sst s6  }
0xf: {  	[smem:$0x3F69] =	sst s7  }
0x10: {  	[smem:$0x3F6A] =	sst s8  }
0x11: {  	[smem:$0x3F6B] =	sst s9;
	s0 =	simm.s32 @!p0 $0x0  }
0x12: {  	s1 =	sld [smem:$0x3F51];
	s0 =	simm.s32 @p0 $0x1  }
0x13: {  	[smem:$0x3F6C] =	sst s0;
	s0 =	simm.s32 @!p1 $0x0  }
0x14: {  	s2 =	sld [smem:$0x3F50];
	s0 =	simm.s32 @p1 $0x1  }
0x15: {  	[smem:$0x3F6D] =	sst s0;
	s0 =	simm.s32 @!p2 $0x0  }
0x16: {  	s3 =	sld [smem:$0x3FDB];
	s0 =	simm.s32 @p2 $0x1  }
0x17: {  	s4 =	simm.s32 $0x1BF5;
	[smem:$0x3F6F] =	sst s0  }
0x18: {  	s0 =	sld [smem:$0x3F52];
	_ =	swait.ge [sflag:s4], $0x0  }
0x19: {  	s7 =	sld [smem:$0x3F53]  }
0x1a: {  	s8 =	sadd.s32 $0xFFFFE003, lr  }
0x1b: {  	s9 =	sadd.s32 $0xFFFFFEF7, lr;
	s5 =	simm.s32 $0xFFFFFFFF;
	p2 =	slt.u32 s8, $0xFFFFF086  }
0x1c: {  	p1 =	slt.u32 s9, $0xF7A;
	s5 =	simm.s32 @!p2 $0x0  }
0x1d: {  	s5 =	simm.s32 @p1 $0x1;
	p0 =	seq.s32 s7, s2  }
0x1e: {  	s7 =	smul.u32 @!p0 $0xF7A, s2;
	p2 =	seq.s32 @!p0 s5, $0x0  }
0x1f: {  	s9 =	smul.u32 $0xF7A, s1;
	s8 =	simm.s32 @!p0 $0x1BF5;
	p2 =	por !p2, p0  }
0x20: {  	[sflag:s8] =	ssyncset.s32 @!p0 $0xFFFFF086;
	s6 =	sadd.s32 @!p0 s3, s7;
	s7 =	simm.s32 @!p0 $0x108  }
0x21: {  	s3 =	sadd.s32 s3, s9;
	s6 =	sadd.s32 @!p0 $0x88, s6;
	s7 =	simm.s32 @p2 $0x1082  }
0x22: {  	[simem:s7], [sflag:s8] =	dma.local @!p0 [hbm:s6], $0xF7A  }
0x23: {  	s9 =	sor.u32 $0xD0000000, s2;
	s6 =	simm.s32 $0x108;
	_ =	swait.ge @!p0 [sflag:s8], $0x0  }
0x24: {  	s3 =	sadd.s32 $0x88, s3;
	s6 =	simm.s32 @!p1 $0x1082;
	[sflag:s4] =	ssyncset.s32 $0xFFFFF086  }
0x25: {  	[simem:s6], [sflag:s4] =	dma.local [hbm:s3], $0xF7A  }
0x26: {  	[smem:$0x3F53] =	sst s1;
	(tag) =	ssettag s2;
	_ =	strace s9  }
0x27: {  	s1 =	sld [smem:$0x3F63]  }
0x28: {  	s2 =	sld [smem:$0x3F64]  }
0x29: {  	s4 =	sld [smem:$0x3F66]  }
0x2a: {  	p0 =	seq.s32 s5, $0x0;
	s5 =	sld [smem:$0x3F67]  }
0x2b: {  	s6 =	sld [smem:$0x3F68]  }
0x2c: {  	s7 =	sld [smem:$0x3F69]  }
0x2d: {  	s3 =	simm.s32 $0x108;
	s8 =	sld [smem:$0x3F6A]  }
0x2e: {  	s3 =	simm.s32 @!p0 $0x1082;
	s9 =	sld [smem:$0x3F6B]  }
0x2f: {  	lr =	sadd.s32 s0, s3;
	s0 =	sld [smem:$0x3F62]  }
0x30: {  	s3 =	sld [smem:$0x3F65]  }
0x31: {  	[smem:$0x3F6E] =	sst s10  }
0x32: {  	s10 =	sld [smem:$0x3F6C];
	_ =	sdelay $0x3  }
0x33: {  	p0 =	seq.s32 s10, $0x1;
	s10 =	sld [smem:$0x3F6E];
	_ =	sdelay $0x3  }
0x34: {  	[smem:$0x3F6E] =	sst s10  }
0x35: {  	s10 =	sld [smem:$0x3F6D];
	_ =	sdelay $0x3  }
0x36: {  	p1 =	seq.s32 s10, $0x1;
	s10 =	sld [smem:$0x3F6E];
	_ =	sdelay $0x3  }
0x37: {  	[smem:$0x3F6E] =	sst s10  }
0x38: {  	s10 =	sld [smem:$0x3F6F]  }
0x39: {  	_ = 	snop;
	(pc) =	sbr.ind lr, $3  }
0x3a: {  	_ = 	snop  }
0x3b: {  	_ = 	snop  }
0x3c: {  	p2 =	seq.s32 s10, $0x1;
	s10 =	sld [smem:$0x3F6E]  }
0x3d: {  	_ =	shalt  }
0x3e: {  	_ =	shalt  }
0x3f: {  	_ =	shalt  }
0x40: {  	_ =	shalt  }
0x41: {  	_ =	shalt  }
0x42: {  	_ =	shalt  }
0x43: {  	_ =	shalt  }
0x44: {  	_ =	shalt  }
0x45: {  	_ =	shalt  }
0x46: {  	_ =	shalt  }
0x47: {  	_ =	shalt  }
0x48: {  	_ =	shalt  }
0x49: {  	_ =	shalt  }
0x4a: {  	_ =	shalt  }
0x4b: {  	_ =	shalt  }
0x4c: {  	_ =	shalt  }
0x4d: {  	_ =	shalt  }
0x4e: {  	_ =	shalt  }
0x4f: {  	_ =	shalt  }
0x50: {  	_ =	shalt  }
0x51: {  	_ =	shalt  }
0x52: {  	_ =	shalt  }
0x53: {  	_ =	shalt  }
0x54: {  	_ =	shalt  }
0x55: {  	_ =	shalt  }
0x56: {  	_ =	shalt  }
0x57: {  	_ =	shalt  }
0x58: {  	_ =	shalt  }
0x59: {  	_ =	shalt  }
0x5a: {  	_ =	shalt  }
0x5b: {  	_ =	shalt  }
0x5c: {  	_ =	shalt  }
0x5d: {  	_ =	shalt  }
0x5e: {  	_ =	shalt  }
0x5f: {  	_ =	shalt  }
0x60: {  	_ =	shalt  }
0x61: {  	_ =	shalt  }
0x62: {  	_ =	shalt  }
0x63: {  	_ =	shalt  }
0x64: {  	_ =	shalt  }
0x65: {  	_ =	shalt  }
0x66: {  	_ =	shalt  }
0x67: {  	_ =	shalt  }
0x68: {  	_ =	shalt  }
0x69: {  	_ =	shalt  }
0x6a: {  	_ =	shalt  }
0x6b: {  	_ =	shalt  }
0x6c: {  	_ =	shalt  }
0x6d: {  	_ =	shalt  }
0x6e: {  	_ =	shalt  }
0x6f: {  	_ =	shalt  }
0x70: {  	_ =	shalt  }
0x71: {  	_ =	shalt  }
0x72: {  	_ =	shalt  }
0x73: {  	_ =	shalt  }
0x74: {  	_ =	shalt  }
0x75: {  	_ =	shalt  }
0x76: {  	_ =	shalt  }
0x77: {  	_ =	shalt  }
0x78: {  	_ =	shalt  }
0x79: {  	_ =	shalt  }
0x7a: {  	_ =	shalt  }
0x7b: {  	_ =	shalt  }
0x7c: {  	_ =	shalt  }
0x7d: {  	_ =	shalt  }
0x7e: {  	_ =	shalt  }
0x7f: {  	_ =	shalt  }
0x80: {  	_ =	shalt  }
0x81: {  	_ =	shalt  }
0x82: {  	_ =	shalt  }
0x83: {  	_ =	shalt  }
0x84: {  	_ =	shalt  }
0x85: {  	_ =	shalt  }
0x86: {  	_ =	shalt  }
0x87: {  	_ =	shalt  }
.Lfunc_end0:
.L_simem_size_0:
called_computation.12_lowered:
.L_overlay_start_0:
0x88: {  	s2 =	sld [smem:$0x3FD9]  }
0x89: {  	s3 =	sld [smem:$0x3FFE];
	_ =	sdelay $0x1  }
0x8a: {  	s1 =	srdreg.scid  }
0x8b: {  	s0 =	sand.u32 $0x1, s1  }
0x8c: {  	s16 =	sshll.u32 s0, $0xA;
	s2 =	sadd.s32 s3, s2  }
0x8d: {  	s2 =	sadd.s32 s2, s16  }
0x8e: {  	[smem:$0x3F7A] =	sst s2  }
0x8f: {  	_ = 	snop  }
0x90: {  	(tm) =	ssettm $0x1  }
0x91: {  	s17 =	sld [smem:$0x3FFB];
	_ =	sdelay $0x3  }
0x92: {  	_ =	strace s17  }
0x93: {  	s2 =	sld [smem:$0x3FFC];
	_ =	sdelay $0x3  }
0x94: {  	_ =	strace s2  }
0x95: {  	s2 =	sld [smem:$0x3FFD];
	_ =	sdelay $0x3  }
0x96: {  	_ =	strace s2  }
0x97: {  	_ =	strace $0x8FFFFFFF  }
0x98: {  	s18 =	sld [smem:$0x3FDB];
	_ =	sdelay $0x1  }
0x99: {  	s19 =	simm.s32 $_scs_section_size  }
0x9a: {  	s4 =	simm.s32 $_size__tile_overlayer_lowered;
	s5 =	simm.s32 $_tile_overlayer_lowered  }
0x9b: {  	s22 =	simm.s32 $0x1BFF;
	s21 =	sshll.u32 s5, $0x1;
	s2 =	sadd.s32 s19, s18  }
0x9c: {  	s6 =	simm.s32 $0x0;
	s20 =	sshll.u32 s4, $0x1;
	s4 =	sadd.s32 s21, s2  }
0x9d: {  	[timem:s6], [sflag:s22] =	dma.local [hbm:s4], s20  }
0x9e: {  	_ =	swait.ge [sflag:s22], s20  }
0x9f: {  	s3 =	ssub.s32 $0x0, s20;
	[sflag:s22] =	ssyncset.done $0x0  }
0xa0: {  	[sflag:s22] =	ssyncadd.s32 s3;
	_ =	sdelay $0x1  }
0xa1: {  	s23 =	simm.s32 $0x1B8B  }
0xa2: {  	_ =	swait.ge [sflag:s23], $0x1  }
0xa3: {  	[sflag:s23] =	ssyncset.done $0x0  }
0xa4: {  	s25 =	simm.s32 $0x1B8E;
	s24 =	sld [smem:$0x3FFE];
	[sflag:s23] =	ssyncadd.s32 $0xFFFFFFFF  }
0xa5: {  	s26 =	simm.s32 $execute0_lowered;
	[smem:$0x3FD2] =	sst s25  }
0xa6: {  	s4 =	sshll.u32 s26, $0x1;
	_ =	strace $0x80000064;
	[dreg:$0x1] =	wrdreg $0xFFFFFFFF  }
0xa7: {  	s28 =	simm.s32 $_size_execute0_lowered;
	s2 =	sadd.s32 s2, s4;
	[dreg:$0x0] =	wrdreg $0x0  }
0xa8: {  	s4 =	sshll.u32 s28, $0x1;
	[dreg:$0x2] =	wrdreg s2  }
0xa9: {  	[dreg:$0x3] =	wrdreg s4  }
0xaa: {  	[dreg:$0x4] =	wrdreg $0xC0  }
0xab: {  	_ =	task [dreg:s6], $0x5FFFF  }
0xac: {  	[dreg:$0x1] =	wrdreg $0xFFFFFFFF  }
0xad: {  	[dreg:$0x0] =	wrdreg $0x60  }
0xae: {  	[dreg:$0x2] =	wrdreg s24  }
0xaf: {  	[dreg:$0x3] =	wrdreg $0x9  }
0xb0: {  	_ =	task.clear_ibuf [dreg:s6], $0x4FFFF;
	_ =	strace $0x90000064  }
0xb1: {  	s29 =	simm.s32 $0x9;
	_ =	strace $0x80000066  }
0xb2: {  	_ =	swait.ge [sflag:s29], $0x1  }
0xb3: {  	[sflag:s29] =	ssyncadd.s32 $0xFFFFFFFF  }
0xb4: {  	_ =	strace $0x90000066  }
0xb5: {  	_ =	sfence  }
0xb6: {  	s30 =	sld [smem:$0x0];
	_ =	sdelay $0x2  }
0xb7: {  	s31 =	sshll.u32 s1, $0xD;
	s1 =	sshrl.u32 s1, $0x2  }
0xb8: {  	s3 =	sand.u32 $0x4000, s31;
	s1 =	sadd.s32 s1, s30  }
0xb9: {  	s0 =	sor.u32 s3, s0;
	s1 =	sshll.u32 s1, $0x11  }
0xba: {  	s0 =	sor.u32 s1, s0  }
0xbb: {  	s0 =	sadd.s32 $0x8F2B, s0  }
0xbc: {  	[sflag:s0] =	ssyncadd.remote.s32 $0x1  }
0xbd: {  	_ =	sfence.sel $0xFFFF  }
0xbe: {  	[dreg:$0x0] =	wrdreg $0xFFFFFFFF;
	(pc) =	sbr.abs _section_cstart, $3  }
0xbf: {  	[dreg:$0x1] =	wrdreg $0xFFFFFFFF  }
0xc0: {  	_ =	task.clear_ibuf [dreg:s6], $0x2FFFF;
	_ =	strace $0x9FFFFFFF  }
0xc1: {  	(tm) =	ssettm $0x7FFFFFFF  }
tec
execute0_lowered:
.L_overlay_start_1:
0x0: {  	(tag) =	ssettag $0x1  }
0x1: {  	s1 =	srdreg.scid;
	s0 =	stileid.u32  }
0x2: {  	s5 =	rddreg [dreg:$0x0];
	s2 =	simm.s32 $0x0;
	s10 =	simm.s32 $0x1  }
0x3: {  	s11 =	simm.s32 $0x0;
	s4 =	sand.u32 $0x1, s1;
	s1 =	rddreg [dreg:$0x1]  }
0x4: {  	s3 =	sshll.u32 s0, $0xE;
	[smem:$0x7FF] =	sst s2;
	s8 =	sshll.u32 s0, $0x12  }
0x5: {  	s6 =	sshll.u32 s4, $0xD;
	_ =	strace $0x80000065;
	s7 =	ssub.s32 $0x2, s4  }
0x6: {  	s8 =	sadd.s32 s8, s5;
	s30 =	sshll.u32 s4, $0x11;
	s3 =	sor.u32 s6, s3  }
0x7: {  	s9 =	sshrl.u32 s7, $0x1;
	s31 =	sadd.s32 s30, s8;
	s8 =	simm.s32 $0x200  }
0x8: {  	s3 =	sshrl.u32 s3, $0x3;
	s29 =	ssub.s32 s7, s9;
	s6 =	sadd.s32 $0x5C200, s31  }
0x9: {  	s7 =	simm.s32 $0x2;
	s9 =	simm.s32 $0x2000;
	s28 =	sadd.s32 s3, s5  }
0xa: {  	s3 =	sadd.s32 $0x2C200, s5;
	s5 =	smax.u32 s29, $0x1;
	s4 =	sadd.s32 $0x24200, s28  }
.LBB2_1:
0xb: {  	[tilespmem:s2], [sflag:$0x2] =	stream.linear.gather [hbm4b:s4+s2], $0x2000, $0x38;
	[tilespmem:$0x12000] =	vst v63  }
0xc: {  	_ =	swait.ge [sflag:s7], $0x2000  }
0xd: {  	[sflag:s7] =	ssyncset.done $0x0  }
0xe: {  	s12 =	simm.s32 $0x0;
	[sflag:s7] =	ssyncadd.s32 $0xFFFFE000  }
0xf: {  	[tilespmem:s9], [sflag:$0x1] =	stream.indirect.gather [hbm4b:s3+s8], $0x80, s12, s8, $0xb8;
	[tilespmem:$0x12000] =	vst v63  }
0x10: {  	_ =	swait.ge [sflag:s10], $0x10000  }
0x11: {  	[sflag:s10] =	ssyncset.done $0x0  }
0x12: {  	[sflag:s10] =	ssyncadd.s32 $0xFFFF0000  }
0x13: {  	[hbm4b:s6+s2] =	stream.linear.scatter [tilespmem:s9], [sflag:$0x2], $0x10000, $0x38;
	[tilespmem:$0x12000] =	vst v63  }
0x14: {  	s13 =	simm.s32 $0x800;
	_ =	swait.ge [sflag:s7], $0x10000  }
0x15: {  	s14 =	simm.s32 $0x1000;
	s12 =	sadd.s32 $0x2000, s6;
	[sflag:s7] =	ssyncset.done $0x0  }
.LBB2_2:
0x16: {  	s15 =	sshra.s32 s13, $0x2  }
0x17: {  	[sflag:s7] =	ssyncadd.s32 $0xFFFF0000;
	s13 =	smov.u32 s14;
	s16 =	sadd.s32 $0x800, s14  }
0x18: {  	[tilespmem:s9], [sflag:$0x1] =	stream.indirect.gather [hbm4b:s3+s8], $0x80, s15, s8, $0xb8;
	[tilespmem:$0x12000] =	vst v63  }
0x19: {  	p0 =	sne.s32 s14, $0x7800;
	_ =	swait.ge [sflag:s10], $0x10000  }
.Ltmp0:
0x1a: {  	[sflag:s10] =	ssyncset.done $0x0;
	(pc) =	sbr.rel @p0 .LBB2_2-.Ltmp0, $4  }
0x1b: {  	[sflag:s10] =	ssyncadd.s32 $0xFFFF0000  }
0x1c: {  	[hbm4b:s12+s2] =	stream.linear.scatter [tilespmem:s9], [sflag:$0x2], $0x10000, $0x38;
	[tilespmem:$0x12000] =	vst v63  }
0x1d: {  	_ =	swait.ge [sflag:s7], $0x10000  }
0x1e: {  	s14 =	smov.u32 s16;
	s12 =	sadd.s32 $0x2000, s12;
	[sflag:s7] =	ssyncset.done $0x0  }
0x1f: {  	s13 =	sshra.s32 s13, $0x2;
	[sflag:s7] =	ssyncadd.s32 $0xFFFF0000  }
0x20: {  	[tilespmem:s9], [sflag:$0x1] =	stream.indirect.gather [hbm4b:s3+s8], $0x80, s13, s8, $0xb8;
	[tilespmem:$0x12000] =	vst v63  }
0x21: {  	s11 =	sadd.s32 $0x1, s11;
	_ =	swait.ge [sflag:s10], $0x10000  }
0x22: {  	p0 =	sne.s32 s11, s5;
	[sflag:s10] =	ssyncset.done $0x0  }
.Ltmp1:
0x23: {  	[sflag:s10] =	ssyncadd.s32 $0xFFFF0000;
	(pc) =	sbr.rel @p0 .LBB2_1-.Ltmp1, $4  }
0x24: {  	[hbm4b:s12+s2] =	stream.linear.scatter [tilespmem:s9], [sflag:$0x2], $0x10000, $0x38;
	[tilespmem:$0x12000] =	vst v63  }
0x25: {  	_ =	swait.ge [sflag:s7], $0x10000  }
0x26: {  	[sflag:s7] =	ssyncset.done $0x0  }
0x27: {  	[sflag:s7] =	ssyncadd.s32 $0xFFFF0000  }
0x28: {  	_ =	sfence.sel $0x180000  }
0x29: {  	[bflag:$0x0] =	sbarrier.arrive $0xFFFF  }
0x2a: {  	p0 =	sne.s32 s0, $0x0;
	_ =	strace $0x90000065  }
0x2b: {  	s0 =	sadd.s32 @!p0 $0x100000, s1;
	[bflag:$0x2] =	sbarrier.arrive $0xFFFF  }
0x2c: {  	[sflag:s0] =	ssyncadd.tile.s32 @!p0 $0x1;
	_ =	shalt  }
.Lfunc_end2:
_tile_overlayer_lowered:
.L_overlay_start_2:
0x2d: {  	(tag) =	ssettag $0x2  }
0x2e: {  	s0 =	rddreg [dreg:$0x0];
	s2 =	stileid.u32  }
0x2f: {  	s1 =	rddreg [dreg:$0x1];
	p0 =	sne.s32 s2, $0x0  }
0x30: {  	s3 =	rddreg [dreg:$0x2];
	[bflag:$0x3] =	sbarrier.arrive $0xFFFF;
	s2 =	simm.s32 @!p0 $0x1C02  }
0x31: {  	[timem:s3], [sflag:s2] =	dma.local @!p0 [hbm:s0], s1  }
0x32: {  	s0 =	simm.s32 @!p0 $0x2  }
0x33: {  	_ =	swait.ge @!p0 [sflag:s0], s1  }
0x34: {  	s1 =	ssub.s32 @!p0 $0x0, s1;
	[sflag:s0] =	ssyncset.done @!p0 $0x0  }
0x35: {  	[sflag:s0] =	ssyncadd.s32 @!p0 s1  }
0x36: {  	[bflag:$0x3] =	sbarrier.arrive $0xFFFF  }
0x37: {  	_ =	shalt  }

// kernel: kernel.36.cloned.1.call-start
scs
__scs_entry_jumppad:
0x0: {  	(pc) =	sbr.rel $0x88, $3  }
0x1: {  	(tag) =	ssettag $0x0;
	lr =	simm.s32 $0x1  }
0x2: {  	[smem:$0x3F53] =	sst lr;
	_ =	strace $0xD0000000  }
0x3: {  	_ = 	snop  }
0x4: {  	_ = 	snop  }
0x5: {  	_ = 	snop  }
0x6: {  	_ = 	snop  }
0x7: {  	_ = 	snop  }
__scs_overlays_trampoline_lowered:
0x8: {  	[smem:$0x3F62] =	sst s0  }
0x9: {  	[smem:$0x3F63] =	sst s1  }
0xa: {  	[smem:$0x3F64] =	sst s2  }
0xb: {  	[smem:$0x3F65] =	sst s3  }
0xc: {  	[smem:$0x3F66] =	sst s4  }
0xd: {  	[smem:$0x3F67] =	sst s5  }
0xe: {  	[smem:$0x3F68] =	sst s6  }
0xf: {  	[smem:$0x3F69] =	sst s7  }
0x10: {  	[smem:$0x3F6A] =	sst s8  }
0x11: {  	[smem:$0x3F6B] =	sst s9;
	s0 =	simm.s32 @!p0 $0x0  }
0x12: {  	s1 =	sld [smem:$0x3F51];
	s0 =	simm.s32 @p0 $0x1  }
0x13: {  	[smem:$0x3F6C] =	sst s0;
	s0 =	simm.s32 @!p1 $0x0  }
0x14: {  	s2 =	sld [smem:$0x3F50];
	s0 =	simm.s32 @p1 $0x1  }
0x15: {  	[smem:$0x3F6D] =	sst s0;
	s0 =	simm.s32 @!p2 $0x0  }
0x16: {  	s3 =	sld [smem:$0x3FDB];
	s0 =	simm.s32 @p2 $0x1  }
0x17: {  	s4 =	simm.s32 $0x1BF5;
	[smem:$0x3F6F] =	sst s0  }
0x18: {  	s0 =	sld [smem:$0x3F52];
	_ =	swait.ge [sflag:s4], $0x0  }
0x19: {  	s7 =	sld [smem:$0x3F53]  }
0x1a: {  	s8 =	sadd.s32 $0xFFFFE003, lr  }
0x1b: {  	s9 =	sadd.s32 $0xFFFFFEF7, lr;
	s5 =	simm.s32 $0xFFFFFFFF;
	p2 =	slt.u32 s8, $0xFFFFF086  }
0x1c: {  	p1 =	slt.u32 s9, $0xF7A;
	s5 =	simm.s32 @!p2 $0x0  }
0x1d: {  	s5 =	simm.s32 @p1 $0x1;
	p0 =	seq.s32 s7, s2  }
0x1e: {  	s7 =	smul.u32 @!p0 $0xF7A, s2;
	p2 =	seq.s32 @!p0 s5, $0x0  }
0x1f: {  	s9 =	smul.u32 $0xF7A, s1;
	s8 =	simm.s32 @!p0 $0x1BF5;
	p2 =	por !p2, p0  }
0x20: {  	[sflag:s8] =	ssyncset.s32 @!p0 $0xFFFFF086;
	s6 =	sadd.s32 @!p0 s3, s7;
	s7 =	simm.s32 @!p0 $0x108  }
0x21: {  	s3 =	sadd.s32 s3, s9;
	s6 =	sadd.s32 @!p0 $0x88, s6;
	s7 =	simm.s32 @p2 $0x1082  }
0x22: {  	[simem:s7], [sflag:s8] =	dma.local @!p0 [hbm:s6], $0xF7A  }
0x23: {  	s9 =	sor.u32 $0xD0000000, s2;
	s6 =	simm.s32 $0x108;
	_ =	swait.ge @!p0 [sflag:s8], $0x0  }
0x24: {  	s3 =	sadd.s32 $0x88, s3;
	s6 =	simm.s32 @!p1 $0x1082;
	[sflag:s4] =	ssyncset.s32 $0xFFFFF086  }
0x25: {  	[simem:s6], [sflag:s4] =	dma.local [hbm:s3], $0xF7A  }
0x26: {  	[smem:$0x3F53] =	sst s1;
	(tag) =	ssettag s2;
	_ =	strace s9  }
0x27: {  	s1 =	sld [smem:$0x3F63]  }
0x28: {  	s2 =	sld [smem:$0x3F64]  }
0x29: {  	s4 =	sld [smem:$0x3F66]  }
0x2a: {  	p0 =	seq.s32 s5, $0x0;
	s5 =	sld [smem:$0x3F67]  }
0x2b: {  	s6 =	sld [smem:$0x3F68]  }
0x2c: {  	s7 =	sld [smem:$0x3F69]  }
0x2d: {  	s3 =	simm.s32 $0x108;
	s8 =	sld [smem:$0x3F6A]  }
0x2e: {  	s3 =	simm.s32 @!p0 $0x1082;
	s9 =	sld [smem:$0x3F6B]  }
0x2f: {  	lr =	sadd.s32 s0, s3;
	s0 =	sld [smem:$0x3F62]  }
0x30: {  	s3 =	sld [smem:$0x3F65]  }
0x31: {  	[smem:$0x3F6E] =	sst s10  }
0x32: {  	s10 =	sld [smem:$0x3F6C];
	_ =	sdelay $0x3  }
0x33: {  	p0 =	seq.s32 s10, $0x1;
	s10 =	sld [smem:$0x3F6E];
	_ =	sdelay $0x3  }
0x34: {  	[smem:$0x3F6E] =	sst s10  }
0x35: {  	s10 =	sld [smem:$0x3F6D];
	_ =	sdelay $0x3  }
0x36: {  	p1 =	seq.s32 s10, $0x1;
	s10 =	sld [smem:$0x3F6E];
	_ =	sdelay $0x3  }
0x37: {  	[smem:$0x3F6E] =	sst s10  }
0x38: {  	s10 =	sld [smem:$0x3F6F]  }
0x39: {  	_ = 	snop;
	(pc) =	sbr.ind lr, $3  }
0x3a: {  	_ = 	snop  }
0x3b: {  	_ = 	snop  }
0x3c: {  	p2 =	seq.s32 s10, $0x1;
	s10 =	sld [smem:$0x3F6E]  }
0x3d: {  	_ =	shalt  }
0x3e: {  	_ =	shalt  }
0x3f: {  	_ =	shalt  }
0x40: {  	_ =	shalt  }
0x41: {  	_ =	shalt  }
0x42: {  	_ =	shalt  }
0x43: {  	_ =	shalt  }
0x44: {  	_ =	shalt  }
0x45: {  	_ =	shalt  }
0x46: {  	_ =	shalt  }
0x47: {  	_ =	shalt  }
0x48: {  	_ =	shalt  }
0x49: {  	_ =	shalt  }
0x4a: {  	_ =	shalt  }
0x4b: {  	_ =	shalt  }
0x4c: {  	_ =	shalt  }
0x4d: {  	_ =	shalt  }
0x4e: {  	_ =	shalt  }
0x4f: {  	_ =	shalt  }
0x50: {  	_ =	shalt  }
0x51: {  	_ =	shalt  }
0x52: {  	_ =	shalt  }
0x53: {  	_ =	shalt  }
0x54: {  	_ =	shalt  }
0x55: {  	_ =	shalt  }
0x56: {  	_ =	shalt  }
0x57: {  	_ =	shalt  }
0x58: {  	_ =	shalt  }
0x59: {  	_ =	shalt  }
0x5a: {  	_ =	shalt  }
0x5b: {  	_ =	shalt  }
0x5c: {  	_ =	shalt  }
0x5d: {  	_ =	shalt  }
0x5e: {  	_ =	shalt  }
0x5f: {  	_ =	shalt  }
0x60: {  	_ =	shalt  }
0x61: {  	_ =	shalt  }
0x62: {  	_ =	shalt  }
0x63: {  	_ =	shalt  }
0x64: {  	_ =	shalt  }
0x65: {  	_ =	shalt  }
0x66: {  	_ =	shalt  }
0x67: {  	_ =	shalt  }
0x68: {  	_ =	shalt  }
0x69: {  	_ =	shalt  }
0x6a: {  	_ =	shalt  }
0x6b: {  	_ =	shalt  }
0x6c: {  	_ =	shalt  }
0x6d: {  	_ =	shalt  }
0x6e: {  	_ =	shalt  }
0x6f: {  	_ =	shalt  }
0x70: {  	_ =	shalt  }
0x71: {  	_ =	shalt  }
0x72: {  	_ =	shalt  }
0x73: {  	_ =	shalt  }
0x74: {  	_ =	shalt  }
0x75: {  	_ =	shalt  }
0x76: {  	_ =	shalt  }
0x77: {  	_ =	shalt  }
0x78: {  	_ =	shalt  }
0x79: {  	_ =	shalt  }
0x7a: {  	_ =	shalt  }
0x7b: {  	_ =	shalt  }
0x7c: {  	_ =	shalt  }
0x7d: {  	_ =	shalt  }
0x7e: {  	_ =	shalt  }
0x7f: {  	_ =	shalt  }
0x80: {  	_ =	shalt  }
0x81: {  	_ =	shalt  }
0x82: {  	_ =	shalt  }
0x83: {  	_ =	shalt  }
0x84: {  	_ =	shalt  }
0x85: {  	_ =	shalt  }
0x86: {  	_ =	shalt  }
0x87: {  	_ =	shalt  }
.Lfunc_end0:
.L_simem_size_0:
called_computation.13_lowered:
.L_overlay_start_0:
0x88: {  	s2 =	sld [smem:$0x3FD9]  }
0x89: {  	s3 =	sld [smem:$0x3FFE];
	_ =	sdelay $0x1  }
0x8a: {  	s1 =	srdreg.scid  }
0x8b: {  	s0 =	sand.u32 $0x1, s1  }
0x8c: {  	s16 =	sshll.u32 s0, $0xA;
	s2 =	sadd.s32 s3, s2  }
0x8d: {  	s2 =	sadd.s32 s2, s16  }
0x8e: {  	[smem:$0x3F7A] =	sst s2  }
0x8f: {  	_ = 	snop  }
0x90: {  	(tm) =	ssettm $0x1  }
0x91: {  	s17 =	sld [smem:$0x3FFB];
	_ =	sdelay $0x3  }
0x92: {  	_ =	strace s17  }
0x93: {  	s2 =	sld [smem:$0x3FFC];
	_ =	sdelay $0x3  }
0x94: {  	_ =	strace s2  }
0x95: {  	s2 =	sld [smem:$0x3FFD];
	_ =	sdelay $0x3  }
0x96: {  	_ =	strace s2  }
0x97: {  	_ =	strace $0x8FFFFFFF  }
0x98: {  	s18 =	sld [smem:$0x3FDB];
	_ =	sdelay $0x1  }
0x99: {  	s19 =	simm.s32 $_scs_section_size  }
0x9a: {  	s4 =	simm.s32 $_size__tile_overlayer_lowered;
	s5 =	simm.s32 $_tile_overlayer_lowered  }
0x9b: {  	s22 =	simm.s32 $0x1BFF;
	s21 =	sshll.u32 s5, $0x1;
	s2 =	sadd.s32 s19, s18  }
0x9c: {  	s6 =	simm.s32 $0x0;
	s20 =	sshll.u32 s4, $0x1;
	s4 =	sadd.s32 s21, s2  }
0x9d: {  	[timem:s6], [sflag:s22] =	dma.local [hbm:s4], s20  }
0x9e: {  	_ =	swait.ge [sflag:s22], s20  }
0x9f: {  	s3 =	ssub.s32 $0x0, s20;
	[sflag:s22] =	ssyncset.done $0x0  }
0xa0: {  	[sflag:s22] =	ssyncadd.s32 s3;
	_ =	sdelay $0x1  }
0xa1: {  	s23 =	simm.s32 $0x1B8B  }
0xa2: {  	_ =	swait.ge [sflag:s23], $0x1  }
0xa3: {  	[sflag:s23] =	ssyncset.done $0x0  }
0xa4: {  	s25 =	simm.s32 $0x1B8E;
	s24 =	sld [smem:$0x3FFE];
	[sflag:s23] =	ssyncadd.s32 $0xFFFFFFFF  }
0xa5: {  	s26 =	simm.s32 $execute0_lowered;
	[smem:$0x3FD2] =	sst s25  }
0xa6: {  	s4 =	sshll.u32 s26, $0x1;
	_ =	strace $0x8000006A;
	[dreg:$0x1] =	wrdreg $0xFFFFFFFF  }
0xa7: {  	s28 =	simm.s32 $_size_execute0_lowered;
	s2 =	sadd.s32 s2, s4;
	[dreg:$0x0] =	wrdreg $0x0  }
0xa8: {  	s4 =	sshll.u32 s28, $0x1;
	[dreg:$0x2] =	wrdreg s2  }
0xa9: {  	[dreg:$0x3] =	wrdreg s4  }
0xaa: {  	[dreg:$0x4] =	wrdreg $0xC0  }
0xab: {  	_ =	task [dreg:s6], $0x5FFFF  }
0xac: {  	[dreg:$0x1] =	wrdreg $0xFFFFFFFF  }
0xad: {  	[dreg:$0x0] =	wrdreg $0x60  }
0xae: {  	[dreg:$0x2] =	wrdreg s24  }
0xaf: {  	[dreg:$0x3] =	wrdreg $0x9  }
0xb0: {  	_ =	task.clear_ibuf [dreg:s6], $0x4FFFF;
	_ =	strace $0x9000006A  }
0xb1: {  	s29 =	simm.s32 $0x9;
	_ =	strace $0x8000006C  }
0xb2: {  	_ =	swait.ge [sflag:s29], $0x1  }
0xb3: {  	[sflag:s29] =	ssyncadd.s32 $0xFFFFFFFF  }
0xb4: {  	_ =	strace $0x9000006C  }
0xb5: {  	_ =	sfence  }
0xb6: {  	s30 =	sld [smem:$0x0];
	_ =	sdelay $0x2  }
0xb7: {  	s31 =	sshll.u32 s1, $0xD;
	s1 =	sshrl.u32 s1, $0x2  }
0xb8: {  	s3 =	sand.u32 $0x4000, s31;
	s1 =	sadd.s32 s1, s30  }
0xb9: {  	s0 =	sor.u32 s3, s0;
	s1 =	sshll.u32 s1, $0x11  }
0xba: {  	s0 =	sor.u32 s1, s0  }
0xbb: {  	s0 =	sadd.s32 $0x8F2B, s0  }
0xbc: {  	[sflag:s0] =	ssyncadd.remote.s32 $0x1  }
0xbd: {  	_ =	sfence.sel $0xFFFF  }
0xbe: {  	[dreg:$0x0] =	wrdreg $0xFFFFFFFF;
	(pc) =	sbr.abs _section_cstart, $3  }
0xbf: {  	[dreg:$0x1] =	wrdreg $0xFFFFFFFF  }
0xc0: {  	_ =	task.clear_ibuf [dreg:s6], $0x2FFFF;
	_ =	strace $0x9FFFFFFF  }
0xc1: {  	(tm) =	ssettm $0x7FFFFFFF  }
tec
execute0_lowered:
.L_overlay_start_1:
0x0: {  	(tag) =	ssettag $0x1  }
0x1: {  	s1 =	srdreg.scid;
	s0 =	stileid.u32  }
0x2: {  	s5 =	rddreg [dreg:$0x0];
	s2 =	simm.s32 $0x0;
	s10 =	simm.s32 $0x1  }
0x3: {  	s11 =	simm.s32 $0x0;
	s4 =	sand.u32 $0x1, s1;
	s1 =	rddreg [dreg:$0x1]  }
0x4: {  	s3 =	sshll.u32 s0, $0xE;
	[smem:$0x7FF] =	sst s2;
	s8 =	sshll.u32 s0, $0x12  }
0x5: {  	s6 =	sshll.u32 s4, $0xD;
	_ =	strace $0x8000006B;
	s7 =	ssub.s32 $0x2, s4  }
0x6: {  	s8 =	sadd.s32 s8, s5;
	s30 =	sshll.u32 s4, $0x11;
	s3 =	sor.u32 s6, s3  }
0x7: {  	s9 =	sshrl.u32 s7, $0x1;
	s31 =	sadd.s32 s30, s8;
	s8 =	simm.s32 $0x200  }
0x8: {  	s3 =	sshrl.u32 s3, $0x3;
	s29 =	ssub.s32 s7, s9;
	s6 =	sadd.s32 $0x5C400, s31  }
0x9: {  	s7 =	simm.s32 $0x2;
	s9 =	simm.s32 $0x2000;
	s28 =	sadd.s32 s3, s5  }
0xa: {  	s3 =	sadd.s32 $0x3C400, s5;
	s5 =	smax.u32 s29, $0x1;
	s4 =	sadd.s32 $0x24200, s28  }
.LBB2_1:
0xb: {  	[tilespmem:s2], [sflag:$0x2] =	stream.linear.gather [hbm4b:s4+s2], $0x2000, $0x38;
	[tilespmem:$0x12000] =	vst v63  }
0xc: {  	_ =	swait.ge [sflag:s7], $0x2000  }
0xd: {  	[sflag:s7] =	ssyncset.done $0x0  }
0xe: {  	s12 =	simm.s32 $0x0;
	[sflag:s7] =	ssyncadd.s32 $0xFFFFE000  }
0xf: {  	[tilespmem:s9], [sflag:$0x1] =	stream.indirect.gather [hbm4b:s3+s8], $0x80, s12, s8, $0xb8;
	[tilespmem:$0x12000] =	vst v63  }
0x10: {  	_ =	swait.ge [sflag:s10], $0x10000  }
0x11: {  	[sflag:s10] =	ssyncset.done $0x0  }
0x12: {  	[sflag:s10] =	ssyncadd.s32 $0xFFFF0000  }
0x13: {  	[hbm4b:s6+s2] =	stream.linear.scatter [tilespmem:s9], [sflag:$0x2], $0x10000, $0x38;
	[tilespmem:$0x12000] =	vst v63  }
0x14: {  	s13 =	simm.s32 $0x800;
	_ =	swait.ge [sflag:s7], $0x10000  }
0x15: {  	s14 =	simm.s32 $0x1000;
	s12 =	sadd.s32 $0x2000, s6;
	[sflag:s7] =	ssyncset.done $0x0  }
.LBB2_2:
0x16: {  	s15 =	sshra.s32 s13, $0x2  }
0x17: {  	[sflag:s7] =	ssyncadd.s32 $0xFFFF0000;
	s13 =	smov.u32 s14;
	s16 =	sadd.s32 $0x800, s14  }
0x18: {  	[tilespmem:s9], [sflag:$0x1] =	stream.indirect.gather [hbm4b:s3+s8], $0x80, s15, s8, $0xb8;
	[tilespmem:$0x12000] =	vst v63  }
0x19: {  	p0 =	sne.s32 s14, $0x7800;
	_ =	swait.ge [sflag:s10], $0x10000  }
.Ltmp0:
0x1a: {  	[sflag:s10] =	ssyncset.done $0x0;
	(pc) =	sbr.rel @p0 .LBB2_2-.Ltmp0, $4  }
0x1b: {  	[sflag:s10] =	ssyncadd.s32 $0xFFFF0000  }
0x1c: {  	[hbm4b:s12+s2] =	stream.linear.scatter [tilespmem:s9], [sflag:$0x2], $0x10000, $0x38;
	[tilespmem:$0x12000] =	vst v63  }
0x1d: {  	_ =	swait.ge [sflag:s7], $0x10000  }
0x1e: {  	s14 =	smov.u32 s16;
	s12 =	sadd.s32 $0x2000, s12;
	[sflag:s7] =	ssyncset.done $0x0  }
0x1f: {  	s13 =	sshra.s32 s13, $0x2;
	[sflag:s7] =	ssyncadd.s32 $0xFFFF0000  }
0x20: {  	[tilespmem:s9], [sflag:$0x1] =	stream.indirect.gather [hbm4b:s3+s8], $0x80, s13, s8, $0xb8;
	[tilespmem:$0x12000] =	vst v63  }
0x21: {  	s11 =	sadd.s32 $0x1, s11;
	_ =	swait.ge [sflag:s10], $0x10000  }
0x22: {  	p0 =	sne.s32 s11, s5;
	[sflag:s10] =	ssyncset.done $0x0  }
.Ltmp1:
0x23: {  	[sflag:s10] =	ssyncadd.s32 $0xFFFF0000;
	(pc) =	sbr.rel @p0 .LBB2_1-.Ltmp1, $4  }
0x24: {  	[hbm4b:s12+s2] =	stream.linear.scatter [tilespmem:s9], [sflag:$0x2], $0x10000, $0x38;
	[tilespmem:$0x12000] =	vst v63  }
0x25: {  	_ =	swait.ge [sflag:s7], $0x10000  }
0x26: {  	[sflag:s7] =	ssyncset.done $0x0  }
0x27: {  	[sflag:s7] =	ssyncadd.s32 $0xFFFF0000  }
0x28: {  	_ =	sfence.sel $0x180000  }
0x29: {  	[bflag:$0x0] =	sbarrier.arrive $0xFFFF  }
0x2a: {  	p0 =	sne.s32 s0, $0x0;
	_ =	strace $0x9000006B  }
0x2b: {  	s0 =	sadd.s32 @!p0 $0x100000, s1;
	[bflag:$0x2] =	sbarrier.arrive $0xFFFF  }
0x2c: {  	[sflag:s0] =	ssyncadd.tile.s32 @!p0 $0x1;
	_ =	shalt  }
.Lfunc_end2:
_tile_overlayer_lowered:
.L_overlay_start_2:
0x2d: {  	(tag) =	ssettag $0x2  }
0x2e: {  	s0 =	rddreg [dreg:$0x0];
	s2 =	stileid.u32  }
0x2f: {  	s1 =	rddreg [dreg:$0x1];
	p0 =	sne.s32 s2, $0x0  }
0x30: {  	s3 =	rddreg [dreg:$0x2];
	[bflag:$0x3] =	sbarrier.arrive $0xFFFF;
	s2 =	simm.s32 @!p0 $0x1C02  }
0x31: {  	[timem:s3], [sflag:s2] =	dma.local @!p0 [hbm:s0], s1  }
0x32: {  	s0 =	simm.s32 @!p0 $0x2  }
0x33: {  	_ =	swait.ge @!p0 [sflag:s0], s1  }
0x34: {  	s1 =	ssub.s32 @!p0 $0x0, s1;
	[sflag:s0] =	ssyncset.done @!p0 $0x0  }
0x35: {  	[sflag:s0] =	ssyncadd.s32 @!p0 s1  }
0x36: {  	[bflag:$0x3] =	sbarrier.arrive $0xFFFF  }
0x37: {  	_ =	shalt  }

// kernel: kernel.39.cloned.1.call-start
scs
__scs_entry_jumppad:
0x0: {  	(pc) =	sbr.rel $0x88, $3  }
0x1: {  	(tag) =	ssettag $0x0;
	lr =	simm.s32 $0x1  }
0x2: {  	[smem:$0x3F53] =	sst lr;
	_ =	strace $0xD0000000  }
0x3: {  	_ = 	snop  }
0x4: {  	_ = 	snop  }
0x5: {  	_ = 	snop  }
0x6: {  	_ = 	snop  }
0x7: {  	_ = 	snop  }
__scs_overlays_trampoline_lowered:
0x8: {  	[smem:$0x3F62] =	sst s0  }
0x9: {  	[smem:$0x3F63] =	sst s1  }
0xa: {  	[smem:$0x3F64] =	sst s2  }
0xb: {  	[smem:$0x3F65] =	sst s3  }
0xc: {  	[smem:$0x3F66] =	sst s4  }
0xd: {  	[smem:$0x3F67] =	sst s5  }
0xe: {  	[smem:$0x3F68] =	sst s6  }
0xf: {  	[smem:$0x3F69] =	sst s7  }
0x10: {  	[smem:$0x3F6A] =	sst s8  }
0x11: {  	[smem:$0x3F6B] =	sst s9;
	s0 =	simm.s32 @!p0 $0x0  }
0x12: {  	s1 =	sld [smem:$0x3F51];
	s0 =	simm.s32 @p0 $0x1  }
0x13: {  	[smem:$0x3F6C] =	sst s0;
	s0 =	simm.s32 @!p1 $0x0  }
0x14: {  	s2 =	sld [smem:$0x3F50];
	s0 =	simm.s32 @p1 $0x1  }
0x15: {  	[smem:$0x3F6D] =	sst s0;
	s0 =	simm.s32 @!p2 $0x0  }
0x16: {  	s3 =	sld [smem:$0x3FDB];
	s0 =	simm.s32 @p2 $0x1  }
0x17: {  	s4 =	simm.s32 $0x1BF5;
	[smem:$0x3F6F] =	sst s0  }
0x18: {  	s0 =	sld [smem:$0x3F52];
	_ =	swait.ge [sflag:s4], $0x0  }
0x19: {  	s7 =	sld [smem:$0x3F53]  }
0x1a: {  	s8 =	sadd.s32 $0xFFFFE003, lr  }
0x1b: {  	s9 =	sadd.s32 $0xFFFFFEF7, lr;
	s5 =	simm.s32 $0xFFFFFFFF;
	p2 =	slt.u32 s8, $0xFFFFF086  }
0x1c: {  	p1 =	slt.u32 s9, $0xF7A;
	s5 =	simm.s32 @!p2 $0x0  }
0x1d: {  	s5 =	simm.s32 @p1 $0x1;
	p0 =	seq.s32 s7, s2  }
0x1e: {  	s7 =	smul.u32 @!p0 $0xF7A, s2;
	p2 =	seq.s32 @!p0 s5, $0x0  }
0x1f: {  	s9 =	smul.u32 $0xF7A, s1;
	s8 =	simm.s32 @!p0 $0x1BF5;
	p2 =	por !p2, p0  }
0x20: {  	[sflag:s8] =	ssyncset.s32 @!p0 $0xFFFFF086;
	s6 =	sadd.s32 @!p0 s3, s7;
	s7 =	simm.s32 @!p0 $0x108  }
0x21: {  	s3 =	sadd.s32 s3, s9;
	s6 =	sadd.s32 @!p0 $0x88, s6;
	s7 =	simm.s32 @p2 $0x1082  }
0x22: {  	[simem:s7], [sflag:s8] =	dma.local @!p0 [hbm:s6], $0xF7A  }
0x23: {  	s9 =	sor.u32 $0xD0000000, s2;
	s6 =	simm.s32 $0x108;
	_ =	swait.ge @!p0 [sflag:s8], $0x0  }
0x24: {  	s3 =	sadd.s32 $0x88, s3;
	s6 =	simm.s32 @!p1 $0x1082;
	[sflag:s4] =	ssyncset.s32 $0xFFFFF086  }
0x25: {  	[simem:s6], [sflag:s4] =	dma.local [hbm:s3], $0xF7A  }
0x26: {  	[smem:$0x3F53] =	sst s1;
	(tag) =	ssettag s2;
	_ =	strace s9  }
0x27: {  	s1 =	sld [smem:$0x3F63]  }
0x28: {  	s2 =	sld [smem:$0x3F64]  }
0x29: {  	s4 =	sld [smem:$0x3F66]  }
0x2a: {  	p0 =	seq.s32 s5, $0x0;
	s5 =	sld [smem:$0x3F67]  }
0x2b: {  	s6 =	sld [smem:$0x3F68]  }
0x2c: {  	s7 =	sld [smem:$0x3F69]  }
0x2d: {  	s3 =	simm.s32 $0x108;
	s8 =	sld [smem:$0x3F6A]  }
0x2e: {  	s3 =	simm.s32 @!p0 $0x1082;
	s9 =	sld [smem:$0x3F6B]  }
0x2f: {  	lr =	sadd.s32 s0, s3;
	s0 =	sld [smem:$0x3F62]  }
0x30: {  	s3 =	sld [smem:$0x3F65]  }
0x31: {  	[smem:$0x3F6E] =	sst s10  }
0x32: {  	s10 =	sld [smem:$0x3F6C];
	_ =	sdelay $0x3  }
0x33: {  	p0 =	seq.s32 s10, $0x1;
	s10 =	sld [smem:$0x3F6E];
	_ =	sdelay $0x3  }
0x34: {  	[smem:$0x3F6E] =	sst s10  }
0x35: {  	s10 =	sld [smem:$0x3F6D];
	_ =	sdelay $0x3  }
0x36: {  	p1 =	seq.s32 s10, $0x1;
	s10 =	sld [smem:$0x3F6E];
	_ =	sdelay $0x3  }
0x37: {  	[smem:$0x3F6E] =	sst s10  }
0x38: {  	s10 =	sld [smem:$0x3F6F]  }
0x39: {  	_ = 	snop;
	(pc) =	sbr.ind lr, $3  }
0x3a: {  	_ = 	snop  }
0x3b: {  	_ = 	snop  }
0x3c: {  	p2 =	seq.s32 s10, $0x1;
	s10 =	sld [smem:$0x3F6E]  }
0x3d: {  	_ =	shalt  }
0x3e: {  	_ =	shalt  }
0x3f: {  	_ =	shalt  }
0x40: {  	_ =	shalt  }
0x41: {  	_ =	shalt  }
0x42: {  	_ =	shalt  }
0x43: {  	_ =	shalt  }
0x44: {  	_ =	shalt  }
0x45: {  	_ =	shalt  }
0x46: {  	_ =	shalt  }
0x47: {  	_ =	shalt  }
0x48: {  	_ =	shalt  }
0x49: {  	_ =	shalt  }
0x4a: {  	_ =	shalt  }
0x4b: {  	_ =	shalt  }
0x4c: {  	_ =	shalt  }
0x4d: {  	_ =	shalt  }
0x4e: {  	_ =	shalt  }
0x4f: {  	_ =	shalt  }
0x50: {  	_ =	shalt  }
0x51: {  	_ =	shalt  }
0x52: {  	_ =	shalt  }
0x53: {  	_ =	shalt  }
0x54: {  	_ =	shalt  }
0x55: {  	_ =	shalt  }
0x56: {  	_ =	shalt  }
0x57: {  	_ =	shalt  }
0x58: {  	_ =	shalt  }
0x59: {  	_ =	shalt  }
0x5a: {  	_ =	shalt  }
0x5b: {  	_ =	shalt  }
0x5c: {  	_ =	shalt  }
0x5d: {  	_ =	shalt  }
0x5e: {  	_ =	shalt  }
0x5f: {  	_ =	shalt  }
0x60: {  	_ =	shalt  }
0x61: {  	_ =	shalt  }
0x62: {  	_ =	shalt  }
0x63: {  	_ =	shalt  }
0x64: {  	_ =	shalt  }
0x65: {  	_ =	shalt  }
0x66: {  	_ =	shalt  }
0x67: {  	_ =	shalt  }
0x68: {  	_ =	shalt  }
0x69: {  	_ =	shalt  }
0x6a: {  	_ =	shalt  }
0x6b: {  	_ =	shalt  }
0x6c: {  	_ =	shalt  }
0x6d: {  	_ =	shalt  }
0x6e: {  	_ =	shalt  }
0x6f: {  	_ =	shalt  }
0x70: {  	_ =	shalt  }
0x71: {  	_ =	shalt  }
0x72: {  	_ =	shalt  }
0x73: {  	_ =	shalt  }
0x74: {  	_ =	shalt  }
0x75: {  	_ =	shalt  }
0x76: {  	_ =	shalt  }
0x77: {  	_ =	shalt  }
0x78: {  	_ =	shalt  }
0x79: {  	_ =	shalt  }
0x7a: {  	_ =	shalt  }
0x7b: {  	_ =	shalt  }
0x7c: {  	_ =	shalt  }
0x7d: {  	_ =	shalt  }
0x7e: {  	_ =	shalt  }
0x7f: {  	_ =	shalt  }
0x80: {  	_ =	shalt  }
0x81: {  	_ =	shalt  }
0x82: {  	_ =	shalt  }
0x83: {  	_ =	shalt  }
0x84: {  	_ =	shalt  }
0x85: {  	_ =	shalt  }
0x86: {  	_ =	shalt  }
0x87: {  	_ =	shalt  }
.Lfunc_end0:
.L_simem_size_0:
called_computation.14_lowered:
.L_overlay_start_0:
0x88: {  	s2 =	sld [smem:$0x3FD9]  }
0x89: {  	s3 =	sld [smem:$0x3FFE];
	_ =	sdelay $0x1  }
0x8a: {  	s1 =	srdreg.scid  }
0x8b: {  	s0 =	sand.u32 $0x1, s1  }
0x8c: {  	s16 =	sshll.u32 s0, $0xA;
	s2 =	sadd.s32 s3, s2  }
0x8d: {  	s2 =	sadd.s32 s2, s16  }
0x8e: {  	[smem:$0x3F7A] =	sst s2  }
0x8f: {  	_ = 	snop  }
0x90: {  	(tm) =	ssettm $0x1  }
0x91: {  	s17 =	sld [smem:$0x3FFB];
	_ =	sdelay $0x3  }
0x92: {  	_ =	strace s17  }
0x93: {  	s2 =	sld [smem:$0x3FFC];
	_ =	sdelay $0x3  }
0x94: {  	_ =	strace s2  }
0x95: {  	s2 =	sld [smem:$0x3FFD];
	_ =	sdelay $0x3  }
0x96: {  	_ =	strace s2  }
0x97: {  	_ =	strace $0x8FFFFFFF  }
0x98: {  	s18 =	sld [smem:$0x3FDB];
	_ =	sdelay $0x1  }
0x99: {  	s19 =	simm.s32 $_scs_section_size  }
0x9a: {  	s4 =	simm.s32 $_size__tile_overlayer_lowered;
	s5 =	simm.s32 $_tile_overlayer_lowered  }
0x9b: {  	s22 =	simm.s32 $0x1BFF;
	s21 =	sshll.u32 s5, $0x1;
	s2 =	sadd.s32 s19, s18  }
0x9c: {  	s6 =	simm.s32 $0x0;
	s20 =	sshll.u32 s4, $0x1;
	s4 =	sadd.s32 s21, s2  }
0x9d: {  	[timem:s6], [sflag:s22] =	dma.local [hbm:s4], s20  }
0x9e: {  	_ =	swait.ge [sflag:s22], s20  }
0x9f: {  	s3 =	ssub.s32 $0x0, s20;
	[sflag:s22] =	ssyncset.done $0x0  }
0xa0: {  	[sflag:s22] =	ssyncadd.s32 s3;
	_ =	sdelay $0x1  }
0xa1: {  	s23 =	simm.s32 $0x1B8B  }
0xa2: {  	_ =	swait.ge [sflag:s23], $0x1  }
0xa3: {  	[sflag:s23] =	ssyncset.done $0x0  }
0xa4: {  	s25 =	simm.s32 $0x1B8E;
	s24 =	sld [smem:$0x3FFE];
	[sflag:s23] =	ssyncadd.s32 $0xFFFFFFFF  }
0xa5: {  	s26 =	simm.s32 $execute0_lowered;
	[smem:$0x3FD2] =	sst s25  }
0xa6: {  	s4 =	sshll.u32 s26, $0x1;
	_ =	strace $0x80000070;
	[dreg:$0x1] =	wrdreg $0xFFFFFFFF  }
0xa7: {  	s28 =	simm.s32 $_size_execute0_lowered;
	s2 =	sadd.s32 s2, s4;
	[dreg:$0x0] =	wrdreg $0x0  }
0xa8: {  	s4 =	sshll.u32 s28, $0x1;
	[dreg:$0x2] =	wrdreg s2  }
0xa9: {  	[dreg:$0x3] =	wrdreg s4  }
0xaa: {  	[dreg:$0x4] =	wrdreg $0xC0  }
0xab: {  	_ =	task [dreg:s6], $0x5FFFF  }
0xac: {  	[dreg:$0x1] =	wrdreg $0xFFFFFFFF  }
0xad: {  	[dreg:$0x0] =	wrdreg $0x60  }
0xae: {  	[dreg:$0x2] =	wrdreg s24  }
0xaf: {  	[dreg:$0x3] =	wrdreg $0x9  }
0xb0: {  	_ =	task.clear_ibuf [dreg:s6], $0x4FFFF;
	_ =	strace $0x90000070  }
0xb1: {  	s29 =	simm.s32 $0x9;
	_ =	strace $0x80000072  }
0xb2: {  	_ =	swait.ge [sflag:s29], $0x1  }
0xb3: {  	[sflag:s29] =	ssyncadd.s32 $0xFFFFFFFF  }
0xb4: {  	_ =	strace $0x90000072  }
0xb5: {  	_ =	sfence  }
0xb6: {  	s30 =	sld [smem:$0x0];
	_ =	sdelay $0x2  }
0xb7: {  	s31 =	sshll.u32 s1, $0xD;
	s1 =	sshrl.u32 s1, $0x2  }
0xb8: {  	s3 =	sand.u32 $0x4000, s31;
	s1 =	sadd.s32 s1, s30  }
0xb9: {  	s0 =	sor.u32 s3, s0;
	s1 =	sshll.u32 s1, $0x11  }
0xba: {  	s0 =	sor.u32 s1, s0  }
0xbb: {  	s0 =	sadd.s32 $0x8F2B, s0  }
0xbc: {  	[sflag:s0] =	ssyncadd.remote.s32 $0x1  }
0xbd: {  	_ =	sfence.sel $0xFFFF  }
0xbe: {  	[dreg:$0x0] =	wrdreg $0xFFFFFFFF;
	(pc) =	sbr.abs _section_cstart, $3  }
0xbf: {  	[dreg:$0x1] =	wrdreg $0xFFFFFFFF  }
0xc0: {  	_ =	task.clear_ibuf [dreg:s6], $0x2FFFF;
	_ =	strace $0x9FFFFFFF  }
0xc1: {  	(tm) =	ssettm $0x7FFFFFFF  }
tec
execute0_lowered:
.L_overlay_start_1:
0x0: {  	(tag) =	ssettag $0x1  }
0x1: {  	s1 =	srdreg.scid;
	s0 =	stileid.u32  }
0x2: {  	s5 =	rddreg [dreg:$0x0];
	s2 =	simm.s32 $0x0;
	s10 =	simm.s32 $0x1  }
0x3: {  	s11 =	simm.s32 $0x0;
	s4 =	sand.u32 $0x1, s1;
	s1 =	rddreg [dreg:$0x1]  }
0x4: {  	s3 =	sshll.u32 s0, $0xE;
	[smem:$0x7FF] =	sst s2;
	s8 =	sshll.u32 s0, $0x12  }
0x5: {  	s6 =	sshll.u32 s4, $0xD;
	_ =	strace $0x80000071;
	s7 =	ssub.s32 $0x2, s4  }
0x6: {  	s8 =	sadd.s32 s8, s5;
	s30 =	sshll.u32 s4, $0x11;
	s3 =	sor.u32 s6, s3  }
0x7: {  	s9 =	sshrl.u32 s7, $0x1;
	s31 =	sadd.s32 s30, s8;
	s8 =	simm.s32 $0x200  }
0x8: {  	s3 =	sshrl.u32 s3, $0x3;
	s29 =	ssub.s32 s7, s9;
	s6 =	sadd.s32 $0x7C400, s31  }
0x9: {  	s7 =	simm.s32 $0x2;
	s9 =	simm.s32 $0x2000;
	s28 =	sadd.s32 s3, s5  }
0xa: {  	s3 =	sadd.s32 $0x5C400, s5;
	s5 =	smax.u32 s29, $0x1;
	s4 =	sadd.s32 $0x24200, s28  }
.LBB2_1:
0xb: {  	[tilespmem:s2], [sflag:$0x2] =	stream.linear.gather [hbm4b:s4+s2], $0x2000, $0x38;
	[tilespmem:$0x12000] =	vst v63  }
0xc: {  	_ =	swait.ge [sflag:s7], $0x2000  }
0xd: {  	[sflag:s7] =	ssyncset.done $0x0  }
0xe: {  	s12 =	simm.s32 $0x0;
	[sflag:s7] =	ssyncadd.s32 $0xFFFFE000  }
0xf: {  	[tilespmem:s9], [sflag:$0x1] =	stream.indirect.gather [hbm4b:s3+s8], $0x80, s12, s8, $0xb8;
	[tilespmem:$0x12000] =	vst v63  }
0x10: {  	_ =	swait.ge [sflag:s10], $0x10000  }
0x11: {  	[sflag:s10] =	ssyncset.done $0x0  }
0x12: {  	[sflag:s10] =	ssyncadd.s32 $0xFFFF0000  }
0x13: {  	[hbm4b:s6+s2] =	stream.linear.scatter [tilespmem:s9], [sflag:$0x2], $0x10000, $0x38;
	[tilespmem:$0x12000] =	vst v63  }
0x14: {  	s13 =	simm.s32 $0x800;
	_ =	swait.ge [sflag:s7], $0x10000  }
0x15: {  	s14 =	simm.s32 $0x1000;
	s12 =	sadd.s32 $0x2000, s6;
	[sflag:s7] =	ssyncset.done $0x0  }
.LBB2_2:
0x16: {  	s15 =	sshra.s32 s13, $0x2  }
0x17: {  	[sflag:s7] =	ssyncadd.s32 $0xFFFF0000;
	s13 =	smov.u32 s14;
	s16 =	sadd.s32 $0x800, s14  }
0x18: {  	[tilespmem:s9], [sflag:$0x1] =	stream.indirect.gather [hbm4b:s3+s8], $0x80, s15, s8, $0xb8;
	[tilespmem:$0x12000] =	vst v63  }
0x19: {  	p0 =	sne.s32 s14, $0x7800;
	_ =	swait.ge [sflag:s10], $0x10000  }
.Ltmp0:
0x1a: {  	[sflag:s10] =	ssyncset.done $0x0;
	(pc) =	sbr.rel @p0 .LBB2_2-.Ltmp0, $4  }
0x1b: {  	[sflag:s10] =	ssyncadd.s32 $0xFFFF0000  }
0x1c: {  	[hbm4b:s12+s2] =	stream.linear.scatter [tilespmem:s9], [sflag:$0x2], $0x10000, $0x38;
	[tilespmem:$0x12000] =	vst v63  }
0x1d: {  	_ =	swait.ge [sflag:s7], $0x10000  }
0x1e: {  	s14 =	smov.u32 s16;
	s12 =	sadd.s32 $0x2000, s12;
	[sflag:s7] =	ssyncset.done $0x0  }
0x1f: {  	s13 =	sshra.s32 s13, $0x2;
	[sflag:s7] =	ssyncadd.s32 $0xFFFF0000  }
0x20: {  	[tilespmem:s9], [sflag:$0x1] =	stream.indirect.gather [hbm4b:s3+s8], $0x80, s13, s8, $0xb8;
	[tilespmem:$0x12000] =	vst v63  }
0x21: {  	s11 =	sadd.s32 $0x1, s11;
	_ =	swait.ge [sflag:s10], $0x10000  }
0x22: {  	p0 =	sne.s32 s11, s5;
	[sflag:s10] =	ssyncset.done $0x0  }
.Ltmp1:
0x23: {  	[sflag:s10] =	ssyncadd.s32 $0xFFFF0000;
	(pc) =	sbr.rel @p0 .LBB2_1-.Ltmp1, $4  }
0x24: {  	[hbm4b:s12+s2] =	stream.linear.scatter [tilespmem:s9], [sflag:$0x2], $0x10000, $0x38;
	[tilespmem:$0x12000] =	vst v63  }
0x25: {  	_ =	swait.ge [sflag:s7], $0x10000  }
0x26: {  	[sflag:s7] =	ssyncset.done $0x0  }
0x27: {  	[sflag:s7] =	ssyncadd.s32 $0xFFFF0000  }
0x28: {  	_ =	sfence.sel $0x180000  }
0x29: {  	[bflag:$0x0] =	sbarrier.arrive $0xFFFF  }
0x2a: {  	p0 =	sne.s32 s0, $0x0;
	_ =	strace $0x90000071  }
0x2b: {  	s0 =	sadd.s32 @!p0 $0x100000, s1;
	[bflag:$0x2] =	sbarrier.arrive $0xFFFF  }
0x2c: {  	[sflag:s0] =	ssyncadd.tile.s32 @!p0 $0x1;
	_ =	shalt  }
.Lfunc_end2:
_tile_overlayer_lowered:
.L_overlay_start_2:
0x2d: {  	(tag) =	ssettag $0x2  }
0x2e: {  	s0 =	rddreg [dreg:$0x0];
	s2 =	stileid.u32  }
0x2f: {  	s1 =	rddreg [dreg:$0x1];
	p0 =	sne.s32 s2, $0x0  }
0x30: {  	s3 =	rddreg [dreg:$0x2];
	[bflag:$0x3] =	sbarrier.arrive $0xFFFF;
	s2 =	simm.s32 @!p0 $0x1C02  }
0x31: {  	[timem:s3], [sflag:s2] =	dma.local @!p0 [hbm:s0], s1  }
0x32: {  	s0 =	simm.s32 @!p0 $0x2  }
0x33: {  	_ =	swait.ge @!p0 [sflag:s0], s1  }
0x34: {  	s1 =	ssub.s32 @!p0 $0x0, s1;
	[sflag:s0] =	ssyncset.done @!p0 $0x0  }
0x35: {  	[sflag:s0] =	ssyncadd.s32 @!p0 s1  }
0x36: {  	[bflag:$0x3] =	sbarrier.arrive $0xFFFF  }
0x37: {  	_ =	shalt  }

// kernel: sparse-core-data-format-call.1.cloned.1.call-start
scs
called_computation.1_lowered:
.L_overlay_start_0:
0x0: {  	s1 =	sld [smem:$0x3FD9]  }
0x1: {  	s2 =	sld [smem:$0x3FFE];
	_ =	sdelay $0x1  }
0x2: {  	s3 =	srdreg.scid  }
0x3: {  	s0 =	sand.u32 $0x1, s3  }
0x4: {  	s17 =	sshll.u32 s0, $0xA;
	s1 =	sadd.s32 s2, s1  }
0x5: {  	s1 =	sadd.s32 s1, s17  }
0x6: {  	[smem:$0x3F7A] =	sst s1  }
0x7: {  	_ = 	snop  }
0x8: {  	(tm) =	ssettm $0x1  }
0x9: {  	s18 =	sld [smem:$0x3FFB];
	_ =	sdelay $0x3  }
0xa: {  	_ =	strace s18  }
0xb: {  	s1 =	sld [smem:$0x3FFC];
	_ =	sdelay $0x3  }
0xc: {  	_ =	strace s1  }
0xd: {  	s1 =	sld [smem:$0x3FFD];
	_ =	sdelay $0x3  }
0xe: {  	_ =	strace s1  }
0xf: {  	_ =	strace $0x8FFFFFFF  }
0x10: {  	s19 =	sld [smem:$0x3FDB];
	_ =	sdelay $0x1  }
0x11: {  	s20 =	simm.s32 $_scs_section_size  }
0x12: {  	s4 =	simm.s32 $_size__tile_overlayer_lowered;
	s5 =	simm.s32 $_tile_overlayer_lowered  }
0x13: {  	s23 =	simm.s32 $0x1BFF;
	s22 =	sshll.u32 s5, $0x1;
	s1 =	sadd.s32 s20, s19  }
0x14: {  	s6 =	simm.s32 $0x0;
	s21 =	sshll.u32 s4, $0x1;
	s4 =	sadd.s32 s22, s1  }
0x15: {  	[timem:s6], [sflag:s23] =	dma.local [hbm:s4], s21  }
0x16: {  	_ =	swait.ge [sflag:s23], s21  }
0x17: {  	s2 =	ssub.s32 $0x0, s21;
	[sflag:s23] =	ssyncset.done $0x0  }
0x18: {  	[sflag:s23] =	ssyncadd.s32 s2;
	_ =	sdelay $0x1  }
0x19: {  	s24 =	simm.s32 $0x1B8B  }
0x1a: {  	_ =	swait.ge [sflag:s24], $0x1  }
0x1b: {  	[sflag:s24] =	ssyncset.done $0x0  }
0x1c: {  	s26 =	simm.s32 $0x1B8E;
	s25 =	sld [smem:$0x3FFE];
	[sflag:s24] =	ssyncadd.s32 $0xFFFFFFFF  }
0x1d: {  	s27 =	simm.s32 $execute0_lowered;
	[smem:$0x3FD2] =	sst s26  }
0x1e: {  	s4 =	sshll.u32 s27, $0x1;
	_ =	strace $0x80000067;
	[dreg:$0x1] =	wrdreg $0xFFFFFFFF  }
0x1f: {  	s28 =	simm.s32 $_size_execute0_lowered;
	s1 =	sadd.s32 s1, s4;
	[dreg:$0x0] =	wrdreg $0x0  }
0x20: {  	s4 =	sshll.u32 s28, $0x1;
	[dreg:$0x2] =	wrdreg s1  }
0x21: {  	[dreg:$0x3] =	wrdreg s4  }
0x22: {  	[dreg:$0x4] =	wrdreg $0xC0  }
0x23: {  	_ =	task [dreg:s6], $0x5FFFF  }
0x24: {  	[dreg:$0x1] =	wrdreg $0xFFFFFFFF  }
0x25: {  	[dreg:$0x0] =	wrdreg $0x60  }
0x26: {  	[dreg:$0x2] =	wrdreg s25  }
0x27: {  	[dreg:$0x3] =	wrdreg $0x9  }
0x28: {  	_ =	task.clear_ibuf [dreg:s6], $0x4FFFF;
	_ =	strace $0x90000067  }
0x29: {  	s29 =	simm.s32 $0x9;
	_ =	strace $0x80000069  }
0x2a: {  	_ =	swait.ge [sflag:s29], $0x1  }
0x2b: {  	[sflag:s29] =	ssyncadd.s32 $0xFFFFFFFF  }
0x2c: {  	_ =	strace $0x90000069  }
0x2d: {  	_ =	sfence  }
0x2e: {  	s30 =	sld [smem:$0x0];
	_ =	sdelay $0x2  }
0x2f: {  	s31 =	sshll.u32 s3, $0xD;
	s3 =	sshrl.u32 s3, $0x2  }
0x30: {  	s2 =	sand.u32 $0x4000, s31;
	s1 =	sadd.s32 s3, s30  }
0x31: {  	s0 =	sor.u32 s2, s0;
	s1 =	sshll.u32 s1, $0x11  }
0x32: {  	s0 =	sor.u32 s1, s0  }
0x33: {  	s0 =	sadd.s32 $0x8F2B, s0  }
0x34: {  	[sflag:s0] =	ssyncadd.remote.s32 $0x1  }
0x35: {  	_ =	sfence.sel $0xFFFF  }
0x36: {  	[dreg:$0x0] =	wrdreg $0xFFFFFFFF;
	(pc) =	sbr.abs _section_cstart, $3  }
0x37: {  	[dreg:$0x1] =	wrdreg $0xFFFFFFFF  }
0x38: {  	_ =	task.clear_ibuf [dreg:s6], $0x2FFFF;
	_ =	strace $0x9FFFFFFF  }
0x39: {  	(tm) =	ssettm $0x7FFFFFFF  }
tec
execute0_lowered:
.L_overlay_start_1:
0x0: {  	(tag) =	ssettag $0x1  }
0x1: {  	s0 =	srdreg.scid  }
0x2: {  	s1 =	sshll.u32 s0, $0x4  }
0x3: {  	s4 =	rddreg [dreg:$0x0];
	s0 =	stileid.u32;
	s1 =	sand.u32 $0x10, s1  }
0x4: {  	s7 =	simm.s32 $0x1;
	s8 =	simm.s32 $0x2;
	s1 =	sor.u32 s0, s1  }
0x5: {  	s11 =	simm.s32 $0x0;
	s10 =	simm.s32 $0x0;
	s2 =	sshll.u32 s1, $0x7  }
0x6: {  	s3 =	sadd.s32 $0x5C200, s4;
	s4 =	sadd.s32 $0x45C200, s4;
	s6 =	ssub.s32 $0x40000, s2  }
.Ltmp0:
0x7: {  	s1 =	rddreg [dreg:$0x1];
	s5 =	sand.u32 $0xF80, s6;
	(pc) =	sbr.rel .LBB1_1-.Ltmp0, $4  }
0x8: {  	_ =	strace $0x80000068;
	s9 =	smov.u32 s2;
	p0 =	sne.s32 s5, $0x0  }
0x9: {  	s6 =	sshrl.u32 s6, $0xC;
	s5 =	simm.s32 $0x1;
	s7 =	simm.s32 @!p0 $0x0  }
0xa: {  	[sflag:s5] =	ssyncpa.u1 $0x0;
	p0 =	por $0x0, $0x0;
	s6 =	sadd.s32 s7, s6  }
0xb: {  	[sflag:s8] =	ssyncpa.u1 $0x0;
	s8 =	simm.s32 $0x200000;
	s7 =	sadd.s32 $0x1, s6  }
.LBB1_4:
0xc: {  	s13 =	sshll.u32 s11, $0x3  }
0xd: {  	s15 =	sand.u32 $0x78, s11;
	s13 =	sand.u32 $0x3FC00, s13  }
0xe: {  	s30 =	sand.u32 $0xF8000, s11;
	s31 =	sand.u32 $0x7, s11;
	s13 =	sor.u32 s15, s13  }
0xf: {  	s11 =	sshll.u32 s31, $0x12;
	s15 =	sadd.s32 s4, s30;
	s13 =	sshrl.u32 s13, $0x3  }
0x10: {  	[tilespmem:s14+$0x0 ss:$0x81] =	vst.msk $0xffff, v0;
	s11 =	sor.u32 $0x400, s11;
	s13 =	sadd.s32 s13, s15  }
0x11: {  	[hbm4b:s13+s11] =	stream.strided.scatter [tilespmem:s12], [sflag:$0x2], $0x1000, s8, s11, $0x20;
	[tilespmem:$0x4040] =	vst v63  }
.LBB1_5:
0x12: {  	s13 =	sadd.s32 $0x1000, s9  }
0x13: {  	p2 =	sgt.s32 s13, $0x3FFFF  }
0x14: {  	s13 =	smov.u32 @p2 s2;
	p2 =	sne.s32 s10, s7  }
.Ltmp1:
0x15: {  	p1 =	slt.u32 s10, $0x2;
	(pc) =	sbr.rel @!p2 .LBB1_6-.Ltmp1, $4  }
0x16: {  	s12 =	simm.s32 @!p1 $0x2  }
0x17: {  	s14 =	sadd.s32 $0x1, s10;
	_ =	swait.ge @!p1 [sflag:s12], $0x1000  }
0x18: {  	s11 =	smov.u32 s9;
	p0 =	por !p0, !p0;
	[sflag:s12] =	ssyncset.done @!p1 $0x0  }
0x19: {  	s10 =	smov.u32 s14;
	s9 =	smov.u32 s13;
	[sflag:s12] =	ssyncadd.s32 @!p1 $0xFFFFF000  }
.LBB1_1:
0x1a: {  	p1 =	sge.u32 s10, s6  }
0x1b: {  	s31 =	sadd.s32 $0xFFFFFFFF, s10;
	s12 =	sxor.u32 @!p1 $0xFFFFFFFF, s10;
	s13 =	sshll.u32 @!p1 s9, $0x4  }
0x1c: {  	s14 =	simm.s32 @!p1 $0x20;
	s12 =	sshll.u32 @!p1 s12, $0xC;
	s13 =	sand.u32 @!p1 $0x3FFFF0, s13  }
0x1d: {  	s15 =	simm.s32 @!p1 $0x80;
	s12 =	sand.u32 @!p1 $0x1000, s12;
	s13 =	sadd.s32 @!p1 s3, s13  }
0x1e: {  	[tilespmem:s12], [sflag:$0x1] =	stream.strided.gather @!p1 [hbm4b:s13+s14], $0x1000, s15, s14, $0x38;
	[tilespmem:$0x4040] =	vst v63  }
0x1f: {  	p1 =	sge.u32 s31, s6  }
.Ltmp2:
0x20: {  	_ = 	snop;
	(pc) =	sbr.rel @p1 .LBB1_5-.Ltmp2, $1  }
0x21: {  	_ =	sdelay $0x3  }
0x22: {  	s12 =	simm.s32 $0x1  }
0x23: {  	_ =	swait.ge [sflag:s5], $0x1000;
	s12 =	simm.s32 @!p0 $0x0  }
0x24: {  	[sflag:s5] =	ssyncset.done $0x0;
	s13 =	sshll.u32 s12, $0xC  }
0x25: {  	[sflag:s5] =	ssyncadd.s32 $0xFFFFF000;
	s16 =	sor.u32 $0x10, s13  }
0x26: {  	s12 =	smul.u32 $0x4080, s12;
	v1 =	vld [tilespmem:s16+$0x0]  }
0x27: {  	s30 =	sand.u32 $0x1, s10;
	v0 =	vld [tilespmem:s16+$0xFFFFFFF0]  }
0x28: {  	s14 =	smul.u32 $0x4080, s30;
	s12 =	sshrl.u32 s12, $0x2  }
0x29: {  	s13 =	sor.u32 $0x2000, s12  }
0x2a: {  	s31 =	sshrl.u32 s14, $0x2;
	s14 =	sadd.s32 $0x0, s13  }
0x2b: {  	s15 =	simm.s32 $0x4;
	s16 =	sadd.s32 $0x20, s16;
	s12 =	sor.u32 $0x2000, s31;
	[tilespmem:s14+$0x810 ss:$0x81] =	vst.msk $0xffff, v1  }
.LBB1_3:
0x2c: {  	v1 =	vld [tilespmem:s16+$0x0];
	p1 =	sne.s32 s15, $0x1FC;
	[tilespmem:s14+$0x0 ss:$0x81] =	vst.msk $0xffff, v0;
	s14 =	smov.u32 s15;
	s15 =	sadd.s32 $0x4, s15  }
.Ltmp3:
0x2d: {  	v0 =	vld [tilespmem:s16+$0xFFFFFFF0];
	(pc) =	sbr.rel @p1 .LBB1_3-.Ltmp3, $4  }
0x2e: {  	_ = 	snop  }
0x2f: {  	s14 =	sshra.s32 s14, $0x2  }
0x30: {  	s14 =	sadd.s32 s14, s13  }
0x31: {  	s16 =	sadd.s32 $0x20, s16;
	[tilespmem:s14+$0x810 ss:$0x81] =	vst.msk $0xffff, v1  }
.Ltmp4:
0x32: {  	_ = 	snop;
	(pc) =	sbr.rel .LBB1_4-.Ltmp4, $1  }
0x33: {  	_ =	sdelay $0x3  }
.LBB1_6:
0x34: {  	_ =	sfence.sel $0x180000  }
0x35: {  	s2 =	simm.s32 $0x1;
	[bflag:$0x0] =	sbarrier.arrive $0xFFFF  }
0x36: {  	s31 =	simm.s32 $0x2;
	[sflag:s2] =	ssyncpa.u1 $0x1  }
0x37: {  	[sflag:s31] =	ssyncpa.u1 $0x1  }
0x38: {  	p0 =	sne.s32 s0, $0x0;
	_ =	strace $0x90000068  }
0x39: {  	s0 =	sadd.s32 @!p0 $0x100000, s1;
	[bflag:$0x2] =	sbarrier.arrive $0xFFFF  }
0x3a: {  	[sflag:s0] =	ssyncadd.tile.s32 @!p0 $0x1;
	_ =	shalt  }
.Lfunc_end1:
_tile_overlayer_lowered:
.L_overlay_start_2:
0x3b: {  	(tag) =	ssettag $0x2  }
0x3c: {  	s0 =	rddreg [dreg:$0x0];
	s2 =	stileid.u32  }
0x3d: {  	s1 =	rddreg [dreg:$0x1];
	p0 =	sne.s32 s2, $0x0  }
0x3e: {  	s3 =	rddreg [dreg:$0x2];
	[bflag:$0x3] =	sbarrier.arrive $0xFFFF;
	s2 =	simm.s32 @!p0 $0x1C01  }
0x3f: {  	[timem:s3], [sflag:s2] =	dma.local @!p0 [hbm:s0], s1  }
0x40: {  	s0 =	simm.s32 @!p0 $0x1  }
0x41: {  	_ =	swait.ge @!p0 [sflag:s0], s1  }
0x42: {  	s1 =	ssub.s32 @!p0 $0x0, s1;
	[sflag:s0] =	ssyncset.done @!p0 $0x0  }
0x43: {  	[sflag:s0] =	ssyncadd.s32 @!p0 s1  }
0x44: {  	[bflag:$0x3] =	sbarrier.arrive $0xFFFF  }
0x45: {  	_ =	shalt  }

// kernel: sparse-core-data-format-call.2.cloned.1.call-start
scs
called_computation.2_lowered:
.L_overlay_start_0:
0x0: {  	s2 =	sld [smem:$0x3FD9]  }
0x1: {  	s3 =	sld [smem:$0x3FFE];
	_ =	sdelay $0x1  }
0x2: {  	s1 =	srdreg.scid  }
0x3: {  	s0 =	sand.u32 $0x1, s1  }
0x4: {  	s18 =	sshll.u32 s0, $0xA;
	s2 =	sadd.s32 s3, s2  }
0x5: {  	s2 =	sadd.s32 s2, s18  }
0x6: {  	[smem:$0x3F7A] =	sst s2  }
0x7: {  	_ = 	snop  }
0x8: {  	(tm) =	ssettm $0x1  }
0x9: {  	s19 =	sld [smem:$0x3FFB];
	_ =	sdelay $0x3  }
0xa: {  	_ =	strace s19  }
0xb: {  	s2 =	sld [smem:$0x3FFC];
	_ =	sdelay $0x3  }
0xc: {  	_ =	strace s2  }
0xd: {  	s2 =	sld [smem:$0x3FFD];
	_ =	sdelay $0x3  }
0xe: {  	_ =	strace s2  }
0xf: {  	_ =	strace $0x8FFFFFFF  }
0x10: {  	s20 =	sld [smem:$0x3FDB];
	_ =	sdelay $0x1  }
0x11: {  	s21 =	simm.s32 $_scs_section_size  }
0x12: {  	s4 =	simm.s32 $_size__tile_overlayer_lowered;
	s5 =	simm.s32 $_tile_overlayer_lowered  }
0x13: {  	s6 =	simm.s32 $0x1BFF;
	s22 =	sshll.u32 s5, $0x1;
	s3 =	sadd.s32 s21, s20  }
0x14: {  	s23 =	simm.s32 $0x0;
	s4 =	sshll.u32 s4, $0x1;
	s5 =	sadd.s32 s22, s3  }
0x15: {  	[timem:s23], [sflag:s6] =	dma.local [hbm:s5], s4  }
0x16: {  	_ =	swait.ge [sflag:s6], s4  }
0x17: {  	s4 =	ssub.s32 $0x0, s4;
	[sflag:s6] =	ssyncset.done $0x0  }
0x18: {  	[sflag:s6] =	ssyncadd.s32 s4;
	_ =	sdelay $0x1  }
0x19: {  	s24 =	simm.s32 $0x1B8B  }
0x1a: {  	_ =	swait.ge [sflag:s24], $0x1  }
0x1b: {  	[sflag:s24] =	ssyncset.done $0x0  }
0x1c: {  	[sflag:s24] =	ssyncadd.s32 $0xFFFFFFFF  }
0x1d: {  	s4 =	sld [smem:$0x0]  }
0x1e: {  	s5 =	sand.u32 $0xFFFFFFFE, s1  }
0x1f: {  	p0 =	sne.s32 s1, s5  }
0x20: {  	s5 =	sshll.u32 @p0 s5, $0xE  }
0x21: {  	s5 =	sadd.s32 @p0 $0x11B8D, s5;
	s6 =	sshll.u32 @p0 s4, $0x11  }
0x22: {  	s5 =	sor.u32 @p0 s6, s5  }
0x23: {  	[sflag:s5] =	ssyncadd.remote.s32 @p0 $0x1;
	_ =	sdelay $0x1  }
0x24: {  	s5 =	simm.s32 @p0 $0x1B8D  }
0x25: {  	_ =	swait.eq @p0 [sflag:s5], $0x1  }
0x26: {  	[sflag:s5] =	ssyncadd.s32 @p0 $0xFFFFFFFF  }
0x27: {  	s6 =	sshll.u32 @!p0 s1, $0xE  }
0x28: {  	s6 =	sor.u32 @!p0 $0x4000, s6;
	s5 =	simm.s32 @!p0 $0x1B8D  }
0x29: {  	s4 =	sshll.u32 @!p0 s4, $0x11;
	s6 =	sadd.s32 @!p0 $0x11B8D, s6;
	_ =	swait.eq @!p0 [sflag:s5], $0x1  }
0x2a: {  	s4 =	sor.u32 @!p0 s4, s6;
	[sflag:s5] =	ssyncadd.s32 @!p0 $0xFFFFFFFF  }
0x2b: {  	s26 =	simm.s32 $0x1B8E;
	s25 =	sld [smem:$0x3FFE];
	[sflag:s4] =	ssyncadd.remote.s32 @!p0 $0x1  }
0x2c: {  	s27 =	simm.s32 $execute0_lowered;
	[smem:$0x3FD2] =	sst s26  }
0x2d: {  	s5 =	sshll.u32 s27, $0x1;
	_ =	strace $0x80000058;
	[dreg:$0x1] =	wrdreg $0xFFFFFFFF  }
0x2e: {  	s28 =	simm.s32 $_size_execute0_lowered;
	s3 =	sadd.s32 s3, s5;
	[dreg:$0x0] =	wrdreg $0x0  }
0x2f: {  	s5 =	sshll.u32 s28, $0x1;
	[dreg:$0x2] =	wrdreg s3  }
0x30: {  	[dreg:$0x3] =	wrdreg s5  }
0x31: {  	[dreg:$0x4] =	wrdreg $0xC0  }
0x32: {  	_ =	task [dreg:s23], $0x5FFFF  }
0x33: {  	[dreg:$0x1] =	wrdreg $0xFFFFFFFF  }
0x34: {  	[dreg:$0x0] =	wrdreg $0x60  }
0x35: {  	[dreg:$0x2] =	wrdreg s25  }
0x36: {  	[dreg:$0x3] =	wrdreg $0x9  }
0x37: {  	_ =	task.clear_ibuf [dreg:s23], $0x4FFFF;
	_ =	strace $0x90000058  }
0x38: {  	s29 =	simm.s32 $0x9;
	_ =	strace $0x8000005A  }
0x39: {  	_ =	swait.ge [sflag:s29], $0x1  }
0x3a: {  	[sflag:s29] =	ssyncadd.s32 $0xFFFFFFFF  }
0x3b: {  	_ =	strace $0x9000005A  }
0x3c: {  	_ =	sfence  }
0x3d: {  	s30 =	sld [smem:$0x0];
	_ =	sdelay $0x2  }
0x3e: {  	s31 =	sshll.u32 s1, $0xD;
	s1 =	sshrl.u32 s1, $0x2  }
0x3f: {  	s4 =	sand.u32 $0x4000, s31;
	s1 =	sadd.s32 s1, s30  }
0x40: {  	s0 =	sor.u32 s4, s0;
	s1 =	sshll.u32 s1, $0x11  }
0x41: {  	s0 =	sor.u32 s1, s0  }
0x42: {  	s0 =	sadd.s32 $0x8F2B, s0  }
0x43: {  	[sflag:s0] =	ssyncadd.remote.s32 $0x1  }
0x44: {  	_ =	sfence.sel $0xFFFF  }
0x45: {  	[dreg:$0x0] =	wrdreg $0xFFFFFFFF;
	(pc) =	sbr.abs _section_cstart, $3  }
0x46: {  	[dreg:$0x1] =	wrdreg $0xFFFFFFFF  }
0x47: {  	_ =	task.clear_ibuf [dreg:s23], $0x2FFFF;
	_ =	strace $0x9FFFFFFF  }
0x48: {  	(tm) =	ssettm $0x7FFFFFFF  }
0x49: {  	_ =	shalt  }
tec
execute0_lowered:
.L_overlay_start_1:
0x0: {  	(tag) =	ssettag $0x1  }
0x1: {  	s0 =	srdreg.scid  }
0x2: {  	s1 =	sshll.u32 s0, $0x4  }
0x3: {  	s4 =	rddreg [dreg:$0x0];
	s0 =	stileid.u32;
	s1 =	sand.u32 $0x10, s1  }
0x4: {  	s7 =	simm.s32 $0x1;
	s8 =	simm.s32 $0x2;
	s1 =	sor.u32 s0, s1  }
0x5: {  	s11 =	simm.s32 $0x0;
	s10 =	simm.s32 $0x0;
	s2 =	sshll.u32 s1, $0x7  }
0x6: {  	s3 =	sadd.s32 $0x5C200, s4;
	s4 =	sadd.s32 $0x87C200, s4;
	s6 =	ssub.s32 $0x40000, s2  }
.Ltmp0:
0x7: {  	s1 =	rddreg [dreg:$0x1];
	s5 =	sand.u32 $0xF80, s6;
	(pc) =	sbr.rel .LBB1_1-.Ltmp0, $4  }
0x8: {  	_ =	strace $0x80000059;
	s9 =	smov.u32 s2;
	p0 =	sne.s32 s5, $0x0  }
0x9: {  	s6 =	sshrl.u32 s6, $0xC;
	s5 =	simm.s32 $0x1;
	s7 =	simm.s32 @!p0 $0x0  }
0xa: {  	[sflag:s5] =	ssyncpa.u1 $0x0;
	p0 =	por $0x0, $0x0;
	s6 =	sadd.s32 s7, s6  }
0xb: {  	[sflag:s8] =	ssyncpa.u1 $0x0;
	s8 =	simm.s32 $0x200000;
	s7 =	sadd.s32 $0x1, s6  }
.LBB1_4:
0xc: {  	s14 =	sshll.u32 s11, $0x3  }
0xd: {  	s15 =	sand.u32 $0x78, s11;
	s14 =	sand.u32 $0x3FC00, s14  }
0xe: {  	[tilespmem:s13+$0x810 ss:$0x81] =	vst.msk $0xffff, v2;
	s29 =	sand.u32 $0x1F8000, s11;
	s30 =	sand.u32 $0x7, s11;
	s14 =	sor.u32 s15, s14  }
0xf: {  	[tilespmem:s13+$0x1020 ss:$0x81] =	vst.msk $0xffff, v0;
	s11 =	sshll.u32 s30, $0x12;
	s15 =	sadd.s32 s4, s29;
	s14 =	sshrl.u32 s14, $0x3  }
0x10: {  	[tilespmem:s13+$0x0 ss:$0x81] =	vst.msk $0xffff, v1;
	s11 =	sor.u32 $0x400, s11;
	s31 =	sadd.s32 s14, s15  }
0x11: {  	[hbm4b:s31+s11] =	stream.strided.scatter [tilespmem:s12], [sflag:$0x2], $0x2000, s8, s11, $0x20;
	[tilespmem:$0x8080] =	vst v63  }
.LBB1_5:
0x12: {  	s13 =	sadd.s32 $0x1000, s9  }
0x13: {  	p2 =	sgt.s32 s13, $0x3FFFF  }
0x14: {  	s13 =	smov.u32 @p2 s2;
	p2 =	sne.s32 s10, s7  }
.Ltmp1:
0x15: {  	p1 =	slt.u32 s10, $0x2;
	(pc) =	sbr.rel @!p2 .LBB1_6-.Ltmp1, $4  }
0x16: {  	s12 =	simm.s32 @!p1 $0x2  }
0x17: {  	s14 =	sadd.s32 $0x1, s10;
	_ =	swait.ge @!p1 [sflag:s12], $0x2000  }
0x18: {  	s11 =	smov.u32 s9;
	p0 =	por !p0, !p0;
	[sflag:s12] =	ssyncset.done @!p1 $0x0  }
0x19: {  	s10 =	smov.u32 s14;
	s9 =	smov.u32 s13;
	[sflag:s12] =	ssyncadd.s32 @!p1 $0xFFFFE000  }
.LBB1_1:
0x1a: {  	p1 =	sge.u32 s10, s6  }
0x1b: {  	s31 =	sadd.s32 $0xFFFFFFFF, s10;
	s12 =	sxor.u32 @!p1 $0xFFFFFFFF, s10;
	s13 =	sshll.u32 @!p1 s9, $0x4  }
0x1c: {  	s14 =	simm.s32 @!p1 $0x40;
	s12 =	sshll.u32 @!p1 s12, $0xD;
	s13 =	sand.u32 @!p1 $0x3FFFF0, s13  }
0x1d: {  	s15 =	simm.s32 @!p1 $0x80;
	s12 =	sand.u32 @!p1 $0x2000, s12;
	s13 =	sadd.s32 @!p1 s3, s13  }
0x1e: {  	[tilespmem:s12], [sflag:$0x1] =	stream.strided.gather @!p1 [hbm4b:s13+s14], $0x2000, s15, s14, $0x38;
	[tilespmem:$0x8080] =	vst v63  }
0x1f: {  	p1 =	sge.u32 s31, s6  }
.Ltmp2:
0x20: {  	_ = 	snop;
	(pc) =	sbr.rel @p1 .LBB1_5-.Ltmp2, $1  }
0x21: {  	_ =	sdelay $0x3  }
0x22: {  	s12 =	simm.s32 $0x1  }
0x23: {  	_ =	swait.ge [sflag:s5], $0x2000;
	s12 =	simm.s32 @!p0 $0x0  }
0x24: {  	[sflag:s5] =	ssyncset.done $0x0;
	s13 =	sshll.u32 s12, $0xD  }
0x25: {  	[sflag:s5] =	ssyncadd.s32 $0xFFFFE000;
	s16 =	sor.u32 $0x20, s13  }
0x26: {  	s12 =	smul.u32 $0x8100, s12;
	v3 =	vld [tilespmem:s16+$0x10]  }
0x27: {  	s30 =	sand.u32 $0x1, s10;
	v2 =	vld [tilespmem:s16+$0xFFFFFFF0]  }
0x28: {  	s13 =	smul.u32 $0x8100, s30;
	s12 =	sshrl.u32 s12, $0x2;
	v0 =	vld [tilespmem:s16+$0x0]  }
0x29: {  	v1 =	vld [tilespmem:s16+$0xFFFFFFE0];
	s14 =	sor.u32 $0x4000, s12  }
0x2a: {  	s31 =	sshrl.u32 s13, $0x2;
	s13 =	sadd.s32 $0x0, s14  }
0x2b: {  	s15 =	simm.s32 $0x4;
	s16 =	sadd.s32 $0x40, s16;
	s12 =	sor.u32 $0x4000, s31;
	[tilespmem:s13+$0x1830 ss:$0x81] =	vst.msk $0xffff, v3  }
.LBB1_3:
0x2c: {  	v3 =	vld [tilespmem:s16+$0x10];
	p1 =	sne.s32 s15, $0x1FC;
	[tilespmem:s13+$0x810 ss:$0x81] =	vst.msk $0xffff, v2;
	s17 =	smov.u32 s15;
	s15 =	sadd.s32 $0x4, s15  }
.Ltmp3:
0x2d: {  	v2 =	vld [tilespmem:s16+$0xFFFFFFF0];
	[tilespmem:s13+$0x1020 ss:$0x81] =	vst.msk $0xffff, v0;
	(pc) =	sbr.rel @p1 .LBB1_3-.Ltmp3, $4  }
0x2e: {  	v0 =	vld [tilespmem:s16+$0x0];
	[tilespmem:s13+$0x0 ss:$0x81] =	vst.msk $0xffff, v1  }
0x2f: {  	s13 =	sshra.s32 s17, $0x2;
	v1 =	vld [tilespmem:s16+$0xFFFFFFE0]  }
0x30: {  	s13 =	sadd.s32 s13, s14  }
0x31: {  	s16 =	sadd.s32 $0x40, s16;
	[tilespmem:s13+$0x1830 ss:$0x81] =	vst.msk $0xffff, v3  }
.Ltmp4:
0x32: {  	_ = 	snop;
	(pc) =	sbr.rel .LBB1_4-.Ltmp4, $1  }
0x33: {  	_ =	sdelay $0x3  }
.LBB1_6:
0x34: {  	_ =	sfence.sel $0x180000  }
0x35: {  	s2 =	simm.s32 $0x1;
	[bflag:$0x0] =	sbarrier.arrive $0xFFFF  }
0x36: {  	s31 =	simm.s32 $0x2;
	[sflag:s2] =	ssyncpa.u1 $0x1  }
0x37: {  	[sflag:s31] =	ssyncpa.u1 $0x1  }
0x38: {  	p0 =	sne.s32 s0, $0x0;
	_ =	strace $0x90000059  }
0x39: {  	s0 =	sadd.s32 @!p0 $0x100000, s1;
	[bflag:$0x2] =	sbarrier.arrive $0xFFFF  }
0x3a: {  	[sflag:s0] =	ssyncadd.tile.s32 @!p0 $0x1;
	_ =	shalt  }
.Lfunc_end1:
_tile_overlayer_lowered:
.L_overlay_start_2:
0x3b: {  	(tag) =	ssettag $0x2  }
0x3c: {  	s0 =	rddreg [dreg:$0x0];
	s2 =	stileid.u32  }
0x3d: {  	s1 =	rddreg [dreg:$0x1];
	p0 =	sne.s32 s2, $0x0  }
0x3e: {  	s3 =	rddreg [dreg:$0x2];
	[bflag:$0x3] =	sbarrier.arrive $0xFFFF;
	s2 =	simm.s32 @!p0 $0x1C01  }
0x3f: {  	[timem:s3], [sflag:s2] =	dma.local @!p0 [hbm:s0], s1  }
0x40: {  	s0 =	simm.s32 @!p0 $0x1  }
0x41: {  	_ =	swait.ge @!p0 [sflag:s0], s1  }
0x42: {  	s1 =	ssub.s32 @!p0 $0x0, s1;
	[sflag:s0] =	ssyncset.done @!p0 $0x0  }
0x43: {  	[sflag:s0] =	ssyncadd.s32 @!p0 s1  }
0x44: {  	[bflag:$0x3] =	sbarrier.arrive $0xFFFF  }
0x45: {  	_ =	shalt  }

// kernel: sparse-core-data-format-call.3.cloned.1.call-start
scs
called_computation.3_lowered:
.L_overlay_start_0:
0x0: {  	s2 =	sld [smem:$0x3FD9]  }
0x1: {  	s3 =	sld [smem:$0x3FFE];
	_ =	sdelay $0x1  }
0x2: {  	s1 =	srdreg.scid  }
0x3: {  	s0 =	sand.u32 $0x1, s1  }
0x4: {  	s18 =	sshll.u32 s0, $0xA;
	s2 =	sadd.s32 s3, s2  }
0x5: {  	s2 =	sadd.s32 s2, s18  }
0x6: {  	[smem:$0x3F7A] =	sst s2  }
0x7: {  	_ = 	snop  }
0x8: {  	(tm) =	ssettm $0x1  }
0x9: {  	s19 =	sld [smem:$0x3FFB];
	_ =	sdelay $0x3  }
0xa: {  	_ =	strace s19  }
0xb: {  	s2 =	sld [smem:$0x3FFC];
	_ =	sdelay $0x3  }
0xc: {  	_ =	strace s2  }
0xd: {  	s2 =	sld [smem:$0x3FFD];
	_ =	sdelay $0x3  }
0xe: {  	_ =	strace s2  }
0xf: {  	_ =	strace $0x8FFFFFFF  }
0x10: {  	s20 =	sld [smem:$0x3FDB];
	_ =	sdelay $0x1  }
0x11: {  	s21 =	simm.s32 $_scs_section_size  }
0x12: {  	s4 =	simm.s32 $_size__tile_overlayer_lowered;
	s5 =	simm.s32 $_tile_overlayer_lowered  }
0x13: {  	s6 =	simm.s32 $0x1BFF;
	s22 =	sshll.u32 s5, $0x1;
	s3 =	sadd.s32 s21, s20  }
0x14: {  	s23 =	simm.s32 $0x0;
	s4 =	sshll.u32 s4, $0x1;
	s5 =	sadd.s32 s22, s3  }
0x15: {  	[timem:s23], [sflag:s6] =	dma.local [hbm:s5], s4  }
0x16: {  	_ =	swait.ge [sflag:s6], s4  }
0x17: {  	s4 =	ssub.s32 $0x0, s4;
	[sflag:s6] =	ssyncset.done $0x0  }
0x18: {  	[sflag:s6] =	ssyncadd.s32 s4;
	_ =	sdelay $0x1  }
0x19: {  	s24 =	simm.s32 $0x1B8B  }
0x1a: {  	_ =	swait.ge [sflag:s24], $0x1  }
0x1b: {  	[sflag:s24] =	ssyncset.done $0x0  }
0x1c: {  	[sflag:s24] =	ssyncadd.s32 $0xFFFFFFFF  }
0x1d: {  	s4 =	sld [smem:$0x0]  }
0x1e: {  	s5 =	sand.u32 $0xFFFFFFFE, s1  }
0x1f: {  	p0 =	sne.s32 s1, s5  }
0x20: {  	s5 =	sshll.u32 @p0 s5, $0xE  }
0x21: {  	s5 =	sadd.s32 @p0 $0x11B8D, s5;
	s6 =	sshll.u32 @p0 s4, $0x11  }
0x22: {  	s5 =	sor.u32 @p0 s6, s5  }
0x23: {  	[sflag:s5] =	ssyncadd.remote.s32 @p0 $0x1;
	_ =	sdelay $0x1  }
0x24: {  	s5 =	simm.s32 @p0 $0x1B8D  }
0x25: {  	_ =	swait.eq @p0 [sflag:s5], $0x1  }
0x26: {  	[sflag:s5] =	ssyncadd.s32 @p0 $0xFFFFFFFF  }
0x27: {  	s6 =	sshll.u32 @!p0 s1, $0xE  }
0x28: {  	s6 =	sor.u32 @!p0 $0x4000, s6;
	s5 =	simm.s32 @!p0 $0x1B8D  }
0x29: {  	s4 =	sshll.u32 @!p0 s4, $0x11;
	s6 =	sadd.s32 @!p0 $0x11B8D, s6;
	_ =	swait.eq @!p0 [sflag:s5], $0x1  }
0x2a: {  	s4 =	sor.u32 @!p0 s4, s6;
	[sflag:s5] =	ssyncadd.s32 @!p0 $0xFFFFFFFF  }
0x2b: {  	s26 =	simm.s32 $0x1B8E;
	s25 =	sld [smem:$0x3FFE];
	[sflag:s4] =	ssyncadd.remote.s32 @!p0 $0x1  }
0x2c: {  	s27 =	simm.s32 $execute0_lowered;
	[smem:$0x3FD2] =	sst s26  }
0x2d: {  	s5 =	sshll.u32 s27, $0x1;
	_ =	strace $0x8000005B;
	[dreg:$0x1] =	wrdreg $0xFFFFFFFF  }
0x2e: {  	s28 =	simm.s32 $_size_execute0_lowered;
	s3 =	sadd.s32 s3, s5;
	[dreg:$0x0] =	wrdreg $0x0  }
0x2f: {  	s5 =	sshll.u32 s28, $0x1;
	[dreg:$0x2] =	wrdreg s3  }
0x30: {  	[dreg:$0x3] =	wrdreg s5  }
0x31: {  	[dreg:$0x4] =	wrdreg $0xC0  }
0x32: {  	_ =	task [dreg:s23], $0x5FFFF  }
0x33: {  	[dreg:$0x1] =	wrdreg $0xFFFFFFFF  }
0x34: {  	[dreg:$0x0] =	wrdreg $0x60  }
0x35: {  	[dreg:$0x2] =	wrdreg s25  }
0x36: {  	[dreg:$0x3] =	wrdreg $0xA  }
0x37: {  	_ =	task.clear_ibuf [dreg:s23], $0x4FFFF;
	_ =	strace $0x9000005B  }
0x38: {  	s29 =	simm.s32 $0xA;
	_ =	strace $0x8000005D  }
0x39: {  	_ =	swait.ge [sflag:s29], $0x1  }
0x3a: {  	[sflag:s29] =	ssyncadd.s32 $0xFFFFFFFF  }
0x3b: {  	_ =	strace $0x9000005D  }
0x3c: {  	_ =	sfence  }
0x3d: {  	s30 =	sld [smem:$0x0];
	_ =	sdelay $0x2  }
0x3e: {  	s31 =	sshll.u32 s1, $0xD;
	s1 =	sshrl.u32 s1, $0x2  }
0x3f: {  	s4 =	sand.u32 $0x4000, s31;
	s1 =	sadd.s32 s1, s30  }
0x40: {  	s0 =	sor.u32 s4, s0;
	s1 =	sshll.u32 s1, $0x11  }
0x41: {  	s0 =	sor.u32 s1, s0  }
0x42: {  	s0 =	sadd.s32 $0x8F2B, s0  }
0x43: {  	[sflag:s0] =	ssyncadd.remote.s32 $0x1  }
0x44: {  	_ =	sfence.sel $0xFFFF  }
0x45: {  	[dreg:$0x0] =	wrdreg $0xFFFFFFFF;
	(pc) =	sbr.abs _section_cstart, $3  }
0x46: {  	[dreg:$0x1] =	wrdreg $0xFFFFFFFF  }
0x47: {  	_ =	task.clear_ibuf [dreg:s23], $0x2FFFF;
	_ =	strace $0x9FFFFFFF  }
0x48: {  	(tm) =	ssettm $0x7FFFFFFF  }
0x49: {  	_ =	shalt  }
tec
execute0_lowered:
.L_overlay_start_1:
0x0: {  	(tag) =	ssettag $0x1  }
0x1: {  	s0 =	srdreg.scid  }
0x2: {  	s1 =	sshll.u32 s0, $0x4  }
0x3: {  	s4 =	rddreg [dreg:$0x0];
	s0 =	stileid.u32;
	s1 =	sand.u32 $0x10, s1  }
0x4: {  	s7 =	simm.s32 $0x1;
	s8 =	simm.s32 $0x2;
	s2 =	sor.u32 s0, s1  }
0x5: {  	s11 =	simm.s32 $0x0;
	s3 =	sadd.s32 $0x47C200, s4;
	s2 =	sshll.u32 s2, $0x7  }
0x6: {  	s10 =	simm.s32 $0x0;
	s4 =	sadd.s32 $0xADC200, s4;
	s6 =	ssub.s32 $0x40000, s2  }
.Ltmp0:
0x7: {  	s1 =	rddreg [dreg:$0x1];
	s5 =	sand.u32 $0xF80, s6;
	(pc) =	sbr.rel .LBB1_1-.Ltmp0, $4  }
0x8: {  	_ =	strace $0x8000005C;
	s9 =	smov.u32 s2;
	p0 =	sne.s32 s5, $0x0  }
0x9: {  	s6 =	sshrl.u32 s6, $0xC;
	s5 =	simm.s32 $0x1;
	s7 =	simm.s32 @!p0 $0x0  }
0xa: {  	[sflag:s5] =	ssyncpa.u1 $0x0;
	p0 =	por $0x0, $0x0;
	s6 =	sadd.s32 s7, s6  }
0xb: {  	[sflag:s8] =	ssyncpa.u1 $0x0;
	s8 =	simm.s32 $0x200000;
	s7 =	sadd.s32 $0x1, s6  }
.LBB1_4:
0xc: {  	s14 =	sshll.u32 s11, $0x3  }
0xd: {  	s15 =	sand.u32 $0x78, s11;
	s14 =	sand.u32 $0x3FC00, s14  }
0xe: {  	[tilespmem:s13+$0x810 ss:$0x81] =	vst.msk $0xffff, v2;
	s29 =	sand.u32 $0x1F8000, s11;
	s30 =	sand.u32 $0x7, s11;
	s14 =	sor.u32 s15, s14  }
0xf: {  	[tilespmem:s13+$0x1020 ss:$0x81] =	vst.msk $0xffff, v0;
	s11 =	sshll.u32 s30, $0x12;
	s15 =	sadd.s32 s4, s29;
	s14 =	sshrl.u32 s14, $0x3  }
0x10: {  	[tilespmem:s13+$0x0 ss:$0x81] =	vst.msk $0xffff, v1;
	s11 =	sor.u32 $0x400, s11;
	s31 =	sadd.s32 s14, s15  }
0x11: {  	[hbm4b:s31+s11] =	stream.strided.scatter [tilespmem:s12], [sflag:$0x2], $0x2000, s8, s11, $0x20;
	[tilespmem:$0x8080] =	vst v63  }
.LBB1_5:
0x12: {  	s13 =	sadd.s32 $0x1000, s9  }
0x13: {  	p2 =	sgt.s32 s13, $0x3FFFF  }
0x14: {  	s13 =	smov.u32 @p2 s2;
	p2 =	sne.s32 s10, s7  }
.Ltmp1:
0x15: {  	p1 =	slt.u32 s10, $0x2;
	(pc) =	sbr.rel @!p2 .LBB1_6-.Ltmp1, $4  }
0x16: {  	s12 =	simm.s32 @!p1 $0x2  }
0x17: {  	s14 =	sadd.s32 $0x1, s10;
	_ =	swait.ge @!p1 [sflag:s12], $0x2000  }
0x18: {  	s11 =	smov.u32 s9;
	p0 =	por !p0, !p0;
	[sflag:s12] =	ssyncset.done @!p1 $0x0  }
0x19: {  	s10 =	smov.u32 s14;
	s9 =	smov.u32 s13;
	[sflag:s12] =	ssyncadd.s32 @!p1 $0xFFFFE000  }
.LBB1_1:
0x1a: {  	p1 =	sge.u32 s10, s6  }
0x1b: {  	s31 =	sadd.s32 $0xFFFFFFFF, s10;
	s12 =	sxor.u32 @!p1 $0xFFFFFFFF, s10;
	s13 =	sshll.u32 @!p1 s9, $0x4  }
0x1c: {  	s14 =	simm.s32 @!p1 $0x40;
	s12 =	sshll.u32 @!p1 s12, $0xD;
	s13 =	sand.u32 @!p1 $0x3FFFF0, s13  }
0x1d: {  	s15 =	simm.s32 @!p1 $0x80;
	s12 =	sand.u32 @!p1 $0x2000, s12;
	s13 =	sadd.s32 @!p1 s3, s13  }
0x1e: {  	[tilespmem:s12], [sflag:$0x1] =	stream.strided.gather @!p1 [hbm4b:s13+s14], $0x2000, s15, s14, $0x38;
	[tilespmem:$0x8080] =	vst v63  }
0x1f: {  	p1 =	sge.u32 s31, s6  }
.Ltmp2:
0x20: {  	_ = 	snop;
	(pc) =	sbr.rel @p1 .LBB1_5-.Ltmp2, $1  }
0x21: {  	_ =	sdelay $0x3  }
0x22: {  	s12 =	simm.s32 $0x1  }
0x23: {  	_ =	swait.ge [sflag:s5], $0x2000;
	s12 =	simm.s32 @!p0 $0x0  }
0x24: {  	[sflag:s5] =	ssyncset.done $0x0;
	s13 =	sshll.u32 s12, $0xD  }
0x25: {  	[sflag:s5] =	ssyncadd.s32 $0xFFFFE000;
	s16 =	sor.u32 $0x20, s13  }
0x26: {  	s12 =	smul.u32 $0x8100, s12;
	v3 =	vld [tilespmem:s16+$0x10]  }
0x27: {  	s30 =	sand.u32 $0x1, s10;
	v2 =	vld [tilespmem:s16+$0xFFFFFFF0]  }
0x28: {  	s13 =	smul.u32 $0x8100, s30;
	s12 =	sshrl.u32 s12, $0x2;
	v0 =	vld [tilespmem:s16+$0x0]  }
0x29: {  	v1 =	vld [tilespmem:s16+$0xFFFFFFE0];
	s14 =	sor.u32 $0x4000, s12  }
0x2a: {  	s31 =	sshrl.u32 s13, $0x2;
	s13 =	sadd.s32 $0x0, s14  }
0x2b: {  	s15 =	simm.s32 $0x4;
	s16 =	sadd.s32 $0x40, s16;
	s12 =	sor.u32 $0x4000, s31;
	[tilespmem:s13+$0x1830 ss:$0x81] =	vst.msk $0xffff, v3  }
.LBB1_3:
0x2c: {  	v3 =	vld [tilespmem:s16+$0x10];
	p1 =	sne.s32 s15, $0x1FC;
	[tilespmem:s13+$0x810 ss:$0x81] =	vst.msk $0xffff, v2;
	s17 =	smov.u32 s15;
	s15 =	sadd.s32 $0x4, s15  }
.Ltmp3:
0x2d: {  	v2 =	vld [tilespmem:s16+$0xFFFFFFF0];
	[tilespmem:s13+$0x1020 ss:$0x81] =	vst.msk $0xffff, v0;
	(pc) =	sbr.rel @p1 .LBB1_3-.Ltmp3, $4  }
0x2e: {  	v0 =	vld [tilespmem:s16+$0x0];
	[tilespmem:s13+$0x0 ss:$0x81] =	vst.msk $0xffff, v1  }
0x2f: {  	s13 =	sshra.s32 s17, $0x2;
	v1 =	vld [tilespmem:s16+$0xFFFFFFE0]  }
0x30: {  	s13 =	sadd.s32 s13, s14  }
0x31: {  	s16 =	sadd.s32 $0x40, s16;
	[tilespmem:s13+$0x1830 ss:$0x81] =	vst.msk $0xffff, v3  }
.Ltmp4:
0x32: {  	_ = 	snop;
	(pc) =	sbr.rel .LBB1_4-.Ltmp4, $1  }
0x33: {  	_ =	sdelay $0x3  }
.LBB1_6:
0x34: {  	_ =	sfence.sel $0x180000  }
0x35: {  	s2 =	simm.s32 $0x1;
	[bflag:$0x0] =	sbarrier.arrive $0xFFFF  }
0x36: {  	s31 =	simm.s32 $0x2;
	[sflag:s2] =	ssyncpa.u1 $0x1  }
0x37: {  	[sflag:s31] =	ssyncpa.u1 $0x1  }
0x38: {  	p0 =	sne.s32 s0, $0x0;
	_ =	strace $0x9000005C  }
0x39: {  	s0 =	sadd.s32 @!p0 $0x100000, s1;
	[bflag:$0x2] =	sbarrier.arrive $0xFFFF  }
0x3a: {  	[sflag:s0] =	ssyncadd.tile.s32 @!p0 $0x1;
	_ =	shalt  }
.Lfunc_end1:
_tile_overlayer_lowered:
.L_overlay_start_2:
0x3b: {  	(tag) =	ssettag $0x2  }
0x3c: {  	s0 =	rddreg [dreg:$0x0];
	s2 =	stileid.u32  }
0x3d: {  	s1 =	rddreg [dreg:$0x1];
	p0 =	sne.s32 s2, $0x0  }
0x3e: {  	s3 =	rddreg [dreg:$0x2];
	[bflag:$0x3] =	sbarrier.arrive $0xFFFF;
	s2 =	simm.s32 @!p0 $0x1C01  }
0x3f: {  	[timem:s3], [sflag:s2] =	dma.local @!p0 [hbm:s0], s1  }
0x40: {  	s0 =	simm.s32 @!p0 $0x1  }
0x41: {  	_ =	swait.ge @!p0 [sflag:s0], s1  }
0x42: {  	s1 =	ssub.s32 @!p0 $0x0, s1;
	[sflag:s0] =	ssyncset.done @!p0 $0x0  }
0x43: {  	[sflag:s0] =	ssyncadd.s32 @!p0 s1  }
0x44: {  	[bflag:$0x3] =	sbarrier.arrive $0xFFFF  }
0x45: {  	_ =	shalt  }

// kernel: sparse-core-data-format-call.4.cloned.1.call-start
scs
called_computation.4_lowered:
.L_overlay_start_0:
0x0: {  	s2 =	sld [smem:$0x3FD9]  }
0x1: {  	s3 =	sld [smem:$0x3FFE];
	_ =	sdelay $0x1  }
0x2: {  	s1 =	srdreg.scid  }
0x3: {  	s0 =	sand.u32 $0x1, s1  }
0x4: {  	s18 =	sshll.u32 s0, $0xA;
	s2 =	sadd.s32 s3, s2  }
0x5: {  	s2 =	sadd.s32 s2, s18  }
0x6: {  	[smem:$0x3F7A] =	sst s2  }
0x7: {  	_ = 	snop  }
0x8: {  	(tm) =	ssettm $0x1  }
0x9: {  	s19 =	sld [smem:$0x3FFB];
	_ =	sdelay $0x3  }
0xa: {  	_ =	strace s19  }
0xb: {  	s2 =	sld [smem:$0x3FFC];
	_ =	sdelay $0x3  }
0xc: {  	_ =	strace s2  }
0xd: {  	s2 =	sld [smem:$0x3FFD];
	_ =	sdelay $0x3  }
0xe: {  	_ =	strace s2  }
0xf: {  	_ =	strace $0x8FFFFFFF  }
0x10: {  	s20 =	sld [smem:$0x3FDB];
	_ =	sdelay $0x1  }
0x11: {  	s21 =	simm.s32 $_scs_section_size  }
0x12: {  	s4 =	simm.s32 $_size__tile_overlayer_lowered;
	s5 =	simm.s32 $_tile_overlayer_lowered  }
0x13: {  	s6 =	simm.s32 $0x1BFF;
	s22 =	sshll.u32 s5, $0x1;
	s3 =	sadd.s32 s21, s20  }
0x14: {  	s23 =	simm.s32 $0x0;
	s4 =	sshll.u32 s4, $0x1;
	s5 =	sadd.s32 s22, s3  }
0x15: {  	[timem:s23], [sflag:s6] =	dma.local [hbm:s5], s4  }
0x16: {  	_ =	swait.ge [sflag:s6], s4  }
0x17: {  	s4 =	ssub.s32 $0x0, s4;
	[sflag:s6] =	ssyncset.done $0x0  }
0x18: {  	[sflag:s6] =	ssyncadd.s32 s4;
	_ =	sdelay $0x1  }
0x19: {  	s24 =	simm.s32 $0x1B8B  }
0x1a: {  	_ =	swait.ge [sflag:s24], $0x1  }
0x1b: {  	[sflag:s24] =	ssyncset.done $0x0  }
0x1c: {  	[sflag:s24] =	ssyncadd.s32 $0xFFFFFFFF  }
0x1d: {  	s4 =	sld [smem:$0x0]  }
0x1e: {  	s5 =	sand.u32 $0xFFFFFFFE, s1  }
0x1f: {  	p0 =	sne.s32 s1, s5  }
0x20: {  	s5 =	sshll.u32 @p0 s5, $0xE  }
0x21: {  	s5 =	sadd.s32 @p0 $0x11B8D, s5;
	s6 =	sshll.u32 @p0 s4, $0x11  }
0x22: {  	s5 =	sor.u32 @p0 s6, s5  }
0x23: {  	[sflag:s5] =	ssyncadd.remote.s32 @p0 $0x1;
	_ =	sdelay $0x1  }
0x24: {  	s5 =	simm.s32 @p0 $0x1B8D  }
0x25: {  	_ =	swait.eq @p0 [sflag:s5], $0x1  }
0x26: {  	[sflag:s5] =	ssyncadd.s32 @p0 $0xFFFFFFFF  }
0x27: {  	s6 =	sshll.u32 @!p0 s1, $0xE  }
0x28: {  	s6 =	sor.u32 @!p0 $0x4000, s6;
	s5 =	simm.s32 @!p0 $0x1B8D  }
0x29: {  	s4 =	sshll.u32 @!p0 s4, $0x11;
	s6 =	sadd.s32 @!p0 $0x11B8D, s6;
	_ =	swait.eq @!p0 [sflag:s5], $0x1  }
0x2a: {  	s4 =	sor.u32 @!p0 s4, s6;
	[sflag:s5] =	ssyncadd.s32 @!p0 $0xFFFFFFFF  }
0x2b: {  	s26 =	simm.s32 $0x1B8E;
	s25 =	sld [smem:$0x3FFE];
	[sflag:s4] =	ssyncadd.remote.s32 @!p0 $0x1  }
0x2c: {  	s27 =	simm.s32 $execute0_lowered;
	[smem:$0x3FD2] =	sst s26  }
0x2d: {  	s5 =	sshll.u32 s27, $0x1;
	_ =	strace $0x8000004C;
	[dreg:$0x1] =	wrdreg $0xFFFFFFFF  }
0x2e: {  	s28 =	simm.s32 $_size_execute0_lowered;
	s3 =	sadd.s32 s3, s5;
	[dreg:$0x0] =	wrdreg $0x0  }
0x2f: {  	s5 =	sshll.u32 s28, $0x1;
	[dreg:$0x2] =	wrdreg s3  }
0x30: {  	[dreg:$0x3] =	wrdreg s5  }
0x31: {  	[dreg:$0x4] =	wrdreg $0xC0  }
0x32: {  	_ =	task [dreg:s23], $0x5FFFF  }
0x33: {  	[dreg:$0x1] =	wrdreg $0xFFFFFFFF  }
0x34: {  	[dreg:$0x0] =	wrdreg $0x60  }
0x35: {  	[dreg:$0x2] =	wrdreg s25  }
0x36: {  	[dreg:$0x3] =	wrdreg $0x9  }
0x37: {  	_ =	task.clear_ibuf [dreg:s23], $0x4FFFF;
	_ =	strace $0x9000004C  }
0x38: {  	s29 =	simm.s32 $0x9;
	_ =	strace $0x8000004E  }
0x39: {  	_ =	swait.ge [sflag:s29], $0x1  }
0x3a: {  	[sflag:s29] =	ssyncadd.s32 $0xFFFFFFFF  }
0x3b: {  	_ =	strace $0x9000004E  }
0x3c: {  	_ =	sfence  }
0x3d: {  	s30 =	sld [smem:$0x0];
	_ =	sdelay $0x2  }
0x3e: {  	s31 =	sshll.u32 s1, $0xD;
	s1 =	sshrl.u32 s1, $0x2  }
0x3f: {  	s4 =	sand.u32 $0x4000, s31;
	s1 =	sadd.s32 s1, s30  }
0x40: {  	s0 =	sor.u32 s4, s0;
	s1 =	sshll.u32 s1, $0x11  }
0x41: {  	s0 =	sor.u32 s1, s0  }
0x42: {  	s0 =	sadd.s32 $0x8F2B, s0  }
0x43: {  	[sflag:s0] =	ssyncadd.remote.s32 $0x1  }
0x44: {  	_ =	sfence.sel $0xFFFF  }
0x45: {  	[dreg:$0x0] =	wrdreg $0xFFFFFFFF;
	(pc) =	sbr.abs _section_cstart, $3  }
0x46: {  	[dreg:$0x1] =	wrdreg $0xFFFFFFFF  }
0x47: {  	_ =	task.clear_ibuf [dreg:s23], $0x2FFFF;
	_ =	strace $0x9FFFFFFF  }
0x48: {  	(tm) =	ssettm $0x7FFFFFFF  }
0x49: {  	_ =	shalt  }
tec
execute0_lowered:
.L_overlay_start_1:
0x0: {  	(tag) =	ssettag $0x1  }
0x1: {  	s0 =	srdreg.scid  }
0x2: {  	s1 =	sshll.u32 s0, $0x4  }
0x3: {  	s4 =	rddreg [dreg:$0x0];
	s0 =	stileid.u32;
	s1 =	sand.u32 $0x10, s1  }
0x4: {  	s7 =	simm.s32 $0x1;
	s8 =	simm.s32 $0x2;
	s1 =	sor.u32 s0, s1  }
0x5: {  	s11 =	simm.s32 $0x0;
	s10 =	simm.s32 $0x0;
	s2 =	sshll.u32 s1, $0x7  }
0x6: {  	s3 =	sadd.s32 $0x4C200, s4;
	s4 =	sadd.s32 $0x86C200, s4;
	s6 =	ssub.s32 $0x40000, s2  }
.Ltmp0:
0x7: {  	s1 =	rddreg [dreg:$0x1];
	s5 =	sand.u32 $0xF80, s6;
	(pc) =	sbr.rel .LBB1_1-.Ltmp0, $4  }
0x8: {  	_ =	strace $0x8000004D;
	s9 =	smov.u32 s2;
	p0 =	sne.s32 s5, $0x0  }
0x9: {  	s6 =	sshrl.u32 s6, $0xC;
	s5 =	simm.s32 $0x1;
	s7 =	simm.s32 @!p0 $0x0  }
0xa: {  	[sflag:s5] =	ssyncpa.u1 $0x0;
	p0 =	por $0x0, $0x0;
	s6 =	sadd.s32 s7, s6  }
0xb: {  	[sflag:s8] =	ssyncpa.u1 $0x0;
	s8 =	simm.s32 $0x200000;
	s7 =	sadd.s32 $0x1, s6  }
.LBB1_4:
0xc: {  	s13 =	sshll.u32 s11, $0x3  }
0xd: {  	s15 =	sand.u32 $0x78, s11;
	s13 =	sand.u32 $0x3FC00, s13  }
0xe: {  	s30 =	sand.u32 $0xF8000, s11;
	s31 =	sand.u32 $0x7, s11;
	s13 =	sor.u32 s15, s13  }
0xf: {  	s11 =	sshll.u32 s31, $0x12;
	s15 =	sadd.s32 s4, s30;
	s13 =	sshrl.u32 s13, $0x3  }
0x10: {  	[tilespmem:s14+$0x0 ss:$0x81] =	vst.msk $0xffff, v0;
	s11 =	sor.u32 $0x400, s11;
	s13 =	sadd.s32 s13, s15  }
0x11: {  	[hbm4b:s13+s11] =	stream.strided.scatter [tilespmem:s12], [sflag:$0x2], $0x1000, s8, s11, $0x20;
	[tilespmem:$0x4040] =	vst v63  }
.LBB1_5:
0x12: {  	s13 =	sadd.s32 $0x1000, s9  }
0x13: {  	p2 =	sgt.s32 s13, $0x3FFFF  }
0x14: {  	s13 =	smov.u32 @p2 s2;
	p2 =	sne.s32 s10, s7  }
.Ltmp1:
0x15: {  	p1 =	slt.u32 s10, $0x2;
	(pc) =	sbr.rel @!p2 .LBB1_6-.Ltmp1, $4  }
0x16: {  	s12 =	simm.s32 @!p1 $0x2  }
0x17: {  	s14 =	sadd.s32 $0x1, s10;
	_ =	swait.ge @!p1 [sflag:s12], $0x1000  }
0x18: {  	s11 =	smov.u32 s9;
	p0 =	por !p0, !p0;
	[sflag:s12] =	ssyncset.done @!p1 $0x0  }
0x19: {  	s10 =	smov.u32 s14;
	s9 =	smov.u32 s13;
	[sflag:s12] =	ssyncadd.s32 @!p1 $0xFFFFF000  }
.LBB1_1:
0x1a: {  	p1 =	sge.u32 s10, s6  }
0x1b: {  	s31 =	sadd.s32 $0xFFFFFFFF, s10;
	s12 =	sxor.u32 @!p1 $0xFFFFFFFF, s10;
	s13 =	sshll.u32 @!p1 s9, $0x4  }
0x1c: {  	s14 =	simm.s32 @!p1 $0x20;
	s12 =	sshll.u32 @!p1 s12, $0xC;
	s13 =	sand.u32 @!p1 $0x3FFFF0, s13  }
0x1d: {  	s15 =	simm.s32 @!p1 $0x80;
	s12 =	sand.u32 @!p1 $0x1000, s12;
	s13 =	sadd.s32 @!p1 s3, s13  }
0x1e: {  	[tilespmem:s12], [sflag:$0x1] =	stream.strided.gather @!p1 [hbm4b:s13+s14], $0x1000, s15, s14, $0x38;
	[tilespmem:$0x4040] =	vst v63  }
0x1f: {  	p1 =	sge.u32 s31, s6  }
.Ltmp2:
0x20: {  	_ = 	snop;
	(pc) =	sbr.rel @p1 .LBB1_5-.Ltmp2, $1  }
0x21: {  	_ =	sdelay $0x3  }
0x22: {  	s12 =	simm.s32 $0x1  }
0x23: {  	_ =	swait.ge [sflag:s5], $0x1000;
	s12 =	simm.s32 @!p0 $0x0  }
0x24: {  	[sflag:s5] =	ssyncset.done $0x0;
	s13 =	sshll.u32 s12, $0xC  }
0x25: {  	[sflag:s5] =	ssyncadd.s32 $0xFFFFF000;
	s16 =	sor.u32 $0x10, s13  }
0x26: {  	s12 =	smul.u32 $0x4080, s12;
	v1 =	vld [tilespmem:s16+$0x0]  }
0x27: {  	s30 =	sand.u32 $0x1, s10;
	v0 =	vld [tilespmem:s16+$0xFFFFFFF0]  }
0x28: {  	s14 =	smul.u32 $0x4080, s30;
	s12 =	sshrl.u32 s12, $0x2  }
0x29: {  	s13 =	sor.u32 $0x2000, s12  }
0x2a: {  	s31 =	sshrl.u32 s14, $0x2;
	s14 =	sadd.s32 $0x0, s13  }
0x2b: {  	s15 =	simm.s32 $0x4;
	s16 =	sadd.s32 $0x20, s16;
	s12 =	sor.u32 $0x2000, s31;
	[tilespmem:s14+$0x810 ss:$0x81] =	vst.msk $0xffff, v1  }
.LBB1_3:
0x2c: {  	v1 =	vld [tilespmem:s16+$0x0];
	p1 =	sne.s32 s15, $0x1FC;
	[tilespmem:s14+$0x0 ss:$0x81] =	vst.msk $0xffff, v0;
	s14 =	smov.u32 s15;
	s15 =	sadd.s32 $0x4, s15  }
.Ltmp3:
0x2d: {  	v0 =	vld [tilespmem:s16+$0xFFFFFFF0];
	(pc) =	sbr.rel @p1 .LBB1_3-.Ltmp3, $4  }
0x2e: {  	_ = 	snop  }
0x2f: {  	s14 =	sshra.s32 s14, $0x2  }
0x30: {  	s14 =	sadd.s32 s14, s13  }
0x31: {  	s16 =	sadd.s32 $0x20, s16;
	[tilespmem:s14+$0x810 ss:$0x81] =	vst.msk $0xffff, v1  }
.Ltmp4:
0x32: {  	_ = 	snop;
	(pc) =	sbr.rel .LBB1_4-.Ltmp4, $1  }
0x33: {  	_ =	sdelay $0x3  }
.LBB1_6:
0x34: {  	_ =	sfence.sel $0x180000  }
0x35: {  	s2 =	simm.s32 $0x1;
	[bflag:$0x0] =	sbarrier.arrive $0xFFFF  }
0x36: {  	s31 =	simm.s32 $0x2;
	[sflag:s2] =	ssyncpa.u1 $0x1  }
0x37: {  	[sflag:s31] =	ssyncpa.u1 $0x1  }
0x38: {  	p0 =	sne.s32 s0, $0x0;
	_ =	strace $0x9000004D  }
0x39: {  	s0 =	sadd.s32 @!p0 $0x100000, s1;
	[bflag:$0x2] =	sbarrier.arrive $0xFFFF  }
0x3a: {  	[sflag:s0] =	ssyncadd.tile.s32 @!p0 $0x1;
	_ =	shalt  }
.Lfunc_end1:
_tile_overlayer_lowered:
.L_overlay_start_2:
0x3b: {  	(tag) =	ssettag $0x2  }
0x3c: {  	s0 =	rddreg [dreg:$0x0];
	s2 =	stileid.u32  }
0x3d: {  	s1 =	rddreg [dreg:$0x1];
	p0 =	sne.s32 s2, $0x0  }
0x3e: {  	s3 =	rddreg [dreg:$0x2];
	[bflag:$0x3] =	sbarrier.arrive $0xFFFF;
	s2 =	simm.s32 @!p0 $0x1C01  }
0x3f: {  	[timem:s3], [sflag:s2] =	dma.local @!p0 [hbm:s0], s1  }
0x40: {  	s0 =	simm.s32 @!p0 $0x1  }
0x41: {  	_ =	swait.ge @!p0 [sflag:s0], s1  }
0x42: {  	s1 =	ssub.s32 @!p0 $0x0, s1;
	[sflag:s0] =	ssyncset.done @!p0 $0x0  }
0x43: {  	[sflag:s0] =	ssyncadd.s32 @!p0 s1  }
0x44: {  	[bflag:$0x3] =	sbarrier.arrive $0xFFFF  }
0x45: {  	_ =	shalt  }

// kernel: sparse-core-data-format-call.5.cloned.1.call-start
scs
called_computation.5_lowered:
.L_overlay_start_0:
0x0: {  	s2 =	sld [smem:$0x3FD9]  }
0x1: {  	s3 =	sld [smem:$0x3FFE];
	_ =	sdelay $0x1  }
0x2: {  	s1 =	srdreg.scid  }
0x3: {  	s0 =	sand.u32 $0x1, s1  }
0x4: {  	s18 =	sshll.u32 s0, $0xA;
	s2 =	sadd.s32 s3, s2  }
0x5: {  	s2 =	sadd.s32 s2, s18  }
0x6: {  	[smem:$0x3F7A] =	sst s2  }
0x7: {  	_ = 	snop  }
0x8: {  	(tm) =	ssettm $0x1  }
0x9: {  	s19 =	sld [smem:$0x3FFB];
	_ =	sdelay $0x3  }
0xa: {  	_ =	strace s19  }
0xb: {  	s2 =	sld [smem:$0x3FFC];
	_ =	sdelay $0x3  }
0xc: {  	_ =	strace s2  }
0xd: {  	s2 =	sld [smem:$0x3FFD];
	_ =	sdelay $0x3  }
0xe: {  	_ =	strace s2  }
0xf: {  	_ =	strace $0x8FFFFFFF  }
0x10: {  	s20 =	sld [smem:$0x3FDB];
	_ =	sdelay $0x1  }
0x11: {  	s21 =	simm.s32 $_scs_section_size  }
0x12: {  	s4 =	simm.s32 $_size__tile_overlayer_lowered;
	s5 =	simm.s32 $_tile_overlayer_lowered  }
0x13: {  	s6 =	simm.s32 $0x1BFF;
	s22 =	sshll.u32 s5, $0x1;
	s3 =	sadd.s32 s21, s20  }
0x14: {  	s23 =	simm.s32 $0x0;
	s4 =	sshll.u32 s4, $0x1;
	s5 =	sadd.s32 s22, s3  }
0x15: {  	[timem:s23], [sflag:s6] =	dma.local [hbm:s5], s4  }
0x16: {  	_ =	swait.ge [sflag:s6], s4  }
0x17: {  	s4 =	ssub.s32 $0x0, s4;
	[sflag:s6] =	ssyncset.done $0x0  }
0x18: {  	[sflag:s6] =	ssyncadd.s32 s4;
	_ =	sdelay $0x1  }
0x19: {  	s24 =	simm.s32 $0x1B8B  }
0x1a: {  	_ =	swait.ge [sflag:s24], $0x1  }
0x1b: {  	[sflag:s24] =	ssyncset.done $0x0  }
0x1c: {  	[sflag:s24] =	ssyncadd.s32 $0xFFFFFFFF  }
0x1d: {  	s4 =	sld [smem:$0x0]  }
0x1e: {  	s5 =	sand.u32 $0xFFFFFFFE, s1  }
0x1f: {  	p0 =	sne.s32 s1, s5  }
0x20: {  	s5 =	sshll.u32 @p0 s5, $0xE  }
0x21: {  	s5 =	sadd.s32 @p0 $0x11B8D, s5;
	s6 =	sshll.u32 @p0 s4, $0x11  }
0x22: {  	s5 =	sor.u32 @p0 s6, s5  }
0x23: {  	[sflag:s5] =	ssyncadd.remote.s32 @p0 $0x1;
	_ =	sdelay $0x1  }
0x24: {  	s5 =	simm.s32 @p0 $0x1B8D  }
0x25: {  	_ =	swait.eq @p0 [sflag:s5], $0x1  }
0x26: {  	[sflag:s5] =	ssyncadd.s32 @p0 $0xFFFFFFFF  }
0x27: {  	s6 =	sshll.u32 @!p0 s1, $0xE  }
0x28: {  	s6 =	sor.u32 @!p0 $0x4000, s6;
	s5 =	simm.s32 @!p0 $0x1B8D  }
0x29: {  	s4 =	sshll.u32 @!p0 s4, $0x11;
	s6 =	sadd.s32 @!p0 $0x11B8D, s6;
	_ =	swait.eq @!p0 [sflag:s5], $0x1  }
0x2a: {  	s4 =	sor.u32 @!p0 s4, s6;
	[sflag:s5] =	ssyncadd.s32 @!p0 $0xFFFFFFFF  }
0x2b: {  	s26 =	simm.s32 $0x1B8E;
	s25 =	sld [smem:$0x3FFE];
	[sflag:s4] =	ssyncadd.remote.s32 @!p0 $0x1  }
0x2c: {  	s27 =	simm.s32 $execute0_lowered;
	[smem:$0x3FD2] =	sst s26  }
0x2d: {  	s5 =	sshll.u32 s27, $0x1;
	_ =	strace $0x8000004F;
	[dreg:$0x1] =	wrdreg $0xFFFFFFFF  }
0x2e: {  	s28 =	simm.s32 $_size_execute0_lowered;
	s3 =	sadd.s32 s3, s5;
	[dreg:$0x0] =	wrdreg $0x0  }
0x2f: {  	s5 =	sshll.u32 s28, $0x1;
	[dreg:$0x2] =	wrdreg s3  }
0x30: {  	[dreg:$0x3] =	wrdreg s5  }
0x31: {  	[dreg:$0x4] =	wrdreg $0xC0  }
0x32: {  	_ =	task [dreg:s23], $0x5FFFF  }
0x33: {  	[dreg:$0x1] =	wrdreg $0xFFFFFFFF  }
0x34: {  	[dreg:$0x0] =	wrdreg $0x60  }
0x35: {  	[dreg:$0x2] =	wrdreg s25  }
0x36: {  	[dreg:$0x3] =	wrdreg $0xA  }
0x37: {  	_ =	task.clear_ibuf [dreg:s23], $0x4FFFF;
	_ =	strace $0x9000004F  }
0x38: {  	s29 =	simm.s32 $0xA;
	_ =	strace $0x80000051  }
0x39: {  	_ =	swait.ge [sflag:s29], $0x1  }
0x3a: {  	[sflag:s29] =	ssyncadd.s32 $0xFFFFFFFF  }
0x3b: {  	_ =	strace $0x90000051  }
0x3c: {  	_ =	sfence  }
0x3d: {  	s30 =	sld [smem:$0x0];
	_ =	sdelay $0x2  }
0x3e: {  	s31 =	sshll.u32 s1, $0xD;
	s1 =	sshrl.u32 s1, $0x2  }
0x3f: {  	s4 =	sand.u32 $0x4000, s31;
	s1 =	sadd.s32 s1, s30  }
0x40: {  	s0 =	sor.u32 s4, s0;
	s1 =	sshll.u32 s1, $0x11  }
0x41: {  	s0 =	sor.u32 s1, s0  }
0x42: {  	s0 =	sadd.s32 $0x8F2B, s0  }
0x43: {  	[sflag:s0] =	ssyncadd.remote.s32 $0x1  }
0x44: {  	_ =	sfence.sel $0xFFFF  }
0x45: {  	[dreg:$0x0] =	wrdreg $0xFFFFFFFF;
	(pc) =	sbr.abs _section_cstart, $3  }
0x46: {  	[dreg:$0x1] =	wrdreg $0xFFFFFFFF  }
0x47: {  	_ =	task.clear_ibuf [dreg:s23], $0x2FFFF;
	_ =	strace $0x9FFFFFFF  }
0x48: {  	(tm) =	ssettm $0x7FFFFFFF  }
0x49: {  	_ =	shalt  }
tec
execute0_lowered:
.L_overlay_start_1:
0x0: {  	(tag) =	ssettag $0x1  }
0x1: {  	s0 =	srdreg.scid  }
0x2: {  	s1 =	sshll.u32 s0, $0x4  }
0x3: {  	s4 =	rddreg [dreg:$0x0];
	s0 =	stileid.u32;
	s1 =	sand.u32 $0x10, s1  }
0x4: {  	s7 =	simm.s32 $0x1;
	s8 =	simm.s32 $0x2;
	s2 =	sor.u32 s0, s1  }
0x5: {  	s11 =	simm.s32 $0x0;
	s3 =	sadd.s32 $0x46C200, s4;
	s2 =	sshll.u32 s2, $0x7  }
0x6: {  	s10 =	simm.s32 $0x0;
	s4 =	sadd.s32 $0x96C200, s4;
	s6 =	ssub.s32 $0x40000, s2  }
.Ltmp0:
0x7: {  	s1 =	rddreg [dreg:$0x1];
	s5 =	sand.u32 $0xF80, s6;
	(pc) =	sbr.rel .LBB1_1-.Ltmp0, $4  }
0x8: {  	_ =	strace $0x80000050;
	s9 =	smov.u32 s2;
	p0 =	sne.s32 s5, $0x0  }
0x9: {  	s6 =	sshrl.u32 s6, $0xC;
	s5 =	simm.s32 $0x1;
	s7 =	simm.s32 @!p0 $0x0  }
0xa: {  	[sflag:s5] =	ssyncpa.u1 $0x0;
	p0 =	por $0x0, $0x0;
	s6 =	sadd.s32 s7, s6  }
0xb: {  	[sflag:s8] =	ssyncpa.u1 $0x0;
	s8 =	simm.s32 $0x200000;
	s7 =	sadd.s32 $0x1, s6  }
.LBB1_4:
0xc: {  	s13 =	sshll.u32 s11, $0x3  }
0xd: {  	s15 =	sand.u32 $0x78, s11;
	s13 =	sand.u32 $0x3FC00, s13  }
0xe: {  	s30 =	sand.u32 $0xF8000, s11;
	s31 =	sand.u32 $0x7, s11;
	s13 =	sor.u32 s15, s13  }
0xf: {  	s11 =	sshll.u32 s31, $0x12;
	s15 =	sadd.s32 s4, s30;
	s13 =	sshrl.u32 s13, $0x3  }
0x10: {  	[tilespmem:s14+$0x0 ss:$0x81] =	vst.msk $0xffff, v0;
	s11 =	sor.u32 $0x400, s11;
	s13 =	sadd.s32 s13, s15  }
0x11: {  	[hbm4b:s13+s11] =	stream.strided.scatter [tilespmem:s12], [sflag:$0x2], $0x1000, s8, s11, $0x20;
	[tilespmem:$0x4040] =	vst v63  }
.LBB1_5:
0x12: {  	s13 =	sadd.s32 $0x1000, s9  }
0x13: {  	p2 =	sgt.s32 s13, $0x3FFFF  }
0x14: {  	s13 =	smov.u32 @p2 s2;
	p2 =	sne.s32 s10, s7  }
.Ltmp1:
0x15: {  	p1 =	slt.u32 s10, $0x2;
	(pc) =	sbr.rel @!p2 .LBB1_6-.Ltmp1, $4  }
0x16: {  	s12 =	simm.s32 @!p1 $0x2  }
0x17: {  	s14 =	sadd.s32 $0x1, s10;
	_ =	swait.ge @!p1 [sflag:s12], $0x1000  }
0x18: {  	s11 =	smov.u32 s9;
	p0 =	por !p0, !p0;
	[sflag:s12] =	ssyncset.done @!p1 $0x0  }
0x19: {  	s10 =	smov.u32 s14;
	s9 =	smov.u32 s13;
	[sflag:s12] =	ssyncadd.s32 @!p1 $0xFFFFF000  }
.LBB1_1:
0x1a: {  	p1 =	sge.u32 s10, s6  }
0x1b: {  	s31 =	sadd.s32 $0xFFFFFFFF, s10;
	s12 =	sxor.u32 @!p1 $0xFFFFFFFF, s10;
	s13 =	sshll.u32 @!p1 s9, $0x4  }
0x1c: {  	s14 =	simm.s32 @!p1 $0x20;
	s12 =	sshll.u32 @!p1 s12, $0xC;
	s13 =	sand.u32 @!p1 $0x3FFFF0, s13  }
0x1d: {  	s15 =	simm.s32 @!p1 $0x80;
	s12 =	sand.u32 @!p1 $0x1000, s12;
	s13 =	sadd.s32 @!p1 s3, s13  }
0x1e: {  	[tilespmem:s12], [sflag:$0x1] =	stream.strided.gather @!p1 [hbm4b:s13+s14], $0x1000, s15, s14, $0x38;
	[tilespmem:$0x4040] =	vst v63  }
0x1f: {  	p1 =	sge.u32 s31, s6  }
.Ltmp2:
0x20: {  	_ = 	snop;
	(pc) =	sbr.rel @p1 .LBB1_5-.Ltmp2, $1  }
0x21: {  	_ =	sdelay $0x3  }
0x22: {  	s12 =	simm.s32 $0x1  }
0x23: {  	_ =	swait.ge [sflag:s5], $0x1000;
	s12 =	simm.s32 @!p0 $0x0  }
0x24: {  	[sflag:s5] =	ssyncset.done $0x0;
	s13 =	sshll.u32 s12, $0xC  }
0x25: {  	[sflag:s5] =	ssyncadd.s32 $0xFFFFF000;
	s16 =	sor.u32 $0x10, s13  }
0x26: {  	s12 =	smul.u32 $0x4080, s12;
	v1 =	vld [tilespmem:s16+$0x0]  }
0x27: {  	s30 =	sand.u32 $0x1, s10;
	v0 =	vld [tilespmem:s16+$0xFFFFFFF0]  }
0x28: {  	s14 =	smul.u32 $0x4080, s30;
	s12 =	sshrl.u32 s12, $0x2  }
0x29: {  	s13 =	sor.u32 $0x2000, s12  }
0x2a: {  	s31 =	sshrl.u32 s14, $0x2;
	s14 =	sadd.s32 $0x0, s13  }
0x2b: {  	s15 =	simm.s32 $0x4;
	s16 =	sadd.s32 $0x20, s16;
	s12 =	sor.u32 $0x2000, s31;
	[tilespmem:s14+$0x810 ss:$0x81] =	vst.msk $0xffff, v1  }
.LBB1_3:
0x2c: {  	v1 =	vld [tilespmem:s16+$0x0];
	p1 =	sne.s32 s15, $0x1FC;
	[tilespmem:s14+$0x0 ss:$0x81] =	vst.msk $0xffff, v0;
	s14 =	smov.u32 s15;
	s15 =	sadd.s32 $0x4, s15  }
.Ltmp3:
0x2d: {  	v0 =	vld [tilespmem:s16+$0xFFFFFFF0];
	(pc) =	sbr.rel @p1 .LBB1_3-.Ltmp3, $4  }
0x2e: {  	_ = 	snop  }
0x2f: {  	s14 =	sshra.s32 s14, $0x2  }
0x30: {  	s14 =	sadd.s32 s14, s13  }
0x31: {  	s16 =	sadd.s32 $0x20, s16;
	[tilespmem:s14+$0x810 ss:$0x81] =	vst.msk $0xffff, v1  }
.Ltmp4:
0x32: {  	_ = 	snop;
	(pc) =	sbr.rel .LBB1_4-.Ltmp4, $1  }
0x33: {  	_ =	sdelay $0x3  }
.LBB1_6:
0x34: {  	_ =	sfence.sel $0x180000  }
0x35: {  	s2 =	simm.s32 $0x1;
	[bflag:$0x0] =	sbarrier.arrive $0xFFFF  }
0x36: {  	s31 =	simm.s32 $0x2;
	[sflag:s2] =	ssyncpa.u1 $0x1  }
0x37: {  	[sflag:s31] =	ssyncpa.u1 $0x1  }
0x38: {  	p0 =	sne.s32 s0, $0x0;
	_ =	strace $0x90000050  }
0x39: {  	s0 =	sadd.s32 @!p0 $0x100000, s1;
	[bflag:$0x2] =	sbarrier.arrive $0xFFFF  }
0x3a: {  	[sflag:s0] =	ssyncadd.tile.s32 @!p0 $0x1;
	_ =	shalt  }
.Lfunc_end1:
_tile_overlayer_lowered:
.L_overlay_start_2:
0x3b: {  	(tag) =	ssettag $0x2  }
0x3c: {  	s0 =	rddreg [dreg:$0x0];
	s2 =	stileid.u32  }
0x3d: {  	s1 =	rddreg [dreg:$0x1];
	p0 =	sne.s32 s2, $0x0  }
0x3e: {  	s3 =	rddreg [dreg:$0x2];
	[bflag:$0x3] =	sbarrier.arrive $0xFFFF;
	s2 =	simm.s32 @!p0 $0x1C01  }
0x3f: {  	[timem:s3], [sflag:s2] =	dma.local @!p0 [hbm:s0], s1  }
0x40: {  	s0 =	simm.s32 @!p0 $0x1  }
0x41: {  	_ =	swait.ge @!p0 [sflag:s0], s1  }
0x42: {  	s1 =	ssub.s32 @!p0 $0x0, s1;
	[sflag:s0] =	ssyncset.done @!p0 $0x0  }
0x43: {  	[sflag:s0] =	ssyncadd.s32 @!p0 s1  }
0x44: {  	[bflag:$0x3] =	sbarrier.arrive $0xFFFF  }
0x45: {  	_ =	shalt  }

// kernel: sparse-core-data-format-call.cloned.1.call-start
scs
called_computation_lowered:
.L_overlay_start_0:
0x0: {  	s1 =	sld [smem:$0x3FD9]  }
0x1: {  	s2 =	sld [smem:$0x3FFE];
	_ =	sdelay $0x1  }
0x2: {  	s3 =	srdreg.scid  }
0x3: {  	s0 =	sand.u32 $0x1, s3  }
0x4: {  	s17 =	sshll.u32 s0, $0xA;
	s1 =	sadd.s32 s2, s1  }
0x5: {  	s1 =	sadd.s32 s1, s17  }
0x6: {  	[smem:$0x3F7A] =	sst s1  }
0x7: {  	_ = 	snop  }
0x8: {  	(tm) =	ssettm $0x1  }
0x9: {  	s18 =	sld [smem:$0x3FFB];
	_ =	sdelay $0x3  }
0xa: {  	_ =	strace s18  }
0xb: {  	s1 =	sld [smem:$0x3FFC];
	_ =	sdelay $0x3  }
0xc: {  	_ =	strace s1  }
0xd: {  	s1 =	sld [smem:$0x3FFD];
	_ =	sdelay $0x3  }
0xe: {  	_ =	strace s1  }
0xf: {  	_ =	strace $0x8FFFFFFF  }
0x10: {  	s19 =	sld [smem:$0x3FDB];
	_ =	sdelay $0x1  }
0x11: {  	s20 =	simm.s32 $_scs_section_size  }
0x12: {  	s4 =	simm.s32 $_size__tile_overlayer_lowered;
	s5 =	simm.s32 $_tile_overlayer_lowered  }
0x13: {  	s23 =	simm.s32 $0x1BFF;
	s22 =	sshll.u32 s5, $0x1;
	s1 =	sadd.s32 s20, s19  }
0x14: {  	s6 =	simm.s32 $0x0;
	s21 =	sshll.u32 s4, $0x1;
	s4 =	sadd.s32 s22, s1  }
0x15: {  	[timem:s6], [sflag:s23] =	dma.local [hbm:s4], s21  }
0x16: {  	_ =	swait.ge [sflag:s23], s21  }
0x17: {  	s2 =	ssub.s32 $0x0, s21;
	[sflag:s23] =	ssyncset.done $0x0  }
0x18: {  	[sflag:s23] =	ssyncadd.s32 s2;
	_ =	sdelay $0x1  }
0x19: {  	s24 =	simm.s32 $0x1B8B  }
0x1a: {  	_ =	swait.ge [sflag:s24], $0x1  }
0x1b: {  	[sflag:s24] =	ssyncset.done $0x0  }
0x1c: {  	s26 =	simm.s32 $0x1B8E;
	s25 =	sld [smem:$0x3FFE];
	[sflag:s24] =	ssyncadd.s32 $0xFFFFFFFF  }
0x1d: {  	s27 =	simm.s32 $execute0_lowered;
	[smem:$0x3FD2] =	sst s26  }
0x1e: {  	s4 =	sshll.u32 s27, $0x1;
	_ =	strace $0x8000006D;
	[dreg:$0x1] =	wrdreg $0xFFFFFFFF  }
0x1f: {  	s28 =	simm.s32 $_size_execute0_lowered;
	s1 =	sadd.s32 s1, s4;
	[dreg:$0x0] =	wrdreg $0x0  }
0x20: {  	s4 =	sshll.u32 s28, $0x1;
	[dreg:$0x2] =	wrdreg s1  }
0x21: {  	[dreg:$0x3] =	wrdreg s4  }
0x22: {  	[dreg:$0x4] =	wrdreg $0xC0  }
0x23: {  	_ =	task [dreg:s6], $0x5FFFF  }
0x24: {  	[dreg:$0x1] =	wrdreg $0xFFFFFFFF  }
0x25: {  	[dreg:$0x0] =	wrdreg $0x60  }
0x26: {  	[dreg:$0x2] =	wrdreg s25  }
0x27: {  	[dreg:$0x3] =	wrdreg $0x9  }
0x28: {  	_ =	task.clear_ibuf [dreg:s6], $0x4FFFF;
	_ =	strace $0x9000006D  }
0x29: {  	s29 =	simm.s32 $0x9;
	_ =	strace $0x8000006F  }
0x2a: {  	_ =	swait.ge [sflag:s29], $0x1  }
0x2b: {  	[sflag:s29] =	ssyncadd.s32 $0xFFFFFFFF  }
0x2c: {  	_ =	strace $0x9000006F  }
0x2d: {  	_ =	sfence  }
0x2e: {  	s30 =	sld [smem:$0x0];
	_ =	sdelay $0x2  }
0x2f: {  	s31 =	sshll.u32 s3, $0xD;
	s3 =	sshrl.u32 s3, $0x2  }
0x30: {  	s2 =	sand.u32 $0x4000, s31;
	s1 =	sadd.s32 s3, s30  }
0x31: {  	s0 =	sor.u32 s2, s0;
	s1 =	sshll.u32 s1, $0x11  }
0x32: {  	s0 =	sor.u32 s1, s0  }
0x33: {  	s0 =	sadd.s32 $0x8F2B, s0  }
0x34: {  	[sflag:s0] =	ssyncadd.remote.s32 $0x1  }
0x35: {  	_ =	sfence.sel $0xFFFF  }
0x36: {  	[dreg:$0x0] =	wrdreg $0xFFFFFFFF;
	(pc) =	sbr.abs _section_cstart, $3  }
0x37: {  	[dreg:$0x1] =	wrdreg $0xFFFFFFFF  }
0x38: {  	_ =	task.clear_ibuf [dreg:s6], $0x2FFFF;
	_ =	strace $0x9FFFFFFF  }
0x39: {  	(tm) =	ssettm $0x7FFFFFFF  }
tec
execute0_lowered:
.L_overlay_start_1:
0x0: {  	(tag) =	ssettag $0x1  }
0x1: {  	s0 =	srdreg.scid  }
0x2: {  	s1 =	sshll.u32 s0, $0x4  }
0x3: {  	s4 =	rddreg [dreg:$0x0];
	s0 =	stileid.u32;
	s1 =	sand.u32 $0x10, s1  }
0x4: {  	s7 =	simm.s32 $0x1;
	s8 =	simm.s32 $0x2;
	s1 =	sor.u32 s0, s1  }
0x5: {  	s11 =	simm.s32 $0x0;
	s10 =	simm.s32 $0x0;
	s2 =	sshll.u32 s1, $0x7  }
0x6: {  	s3 =	sadd.s32 $0x5C400, s4;
	s4 =	sadd.s32 $0x45C400, s4;
	s6 =	ssub.s32 $0x40000, s2  }
.Ltmp0:
0x7: {  	s1 =	rddreg [dreg:$0x1];
	s5 =	sand.u32 $0xF80, s6;
	(pc) =	sbr.rel .LBB1_1-.Ltmp0, $4  }
0x8: {  	_ =	strace $0x8000006E;
	s9 =	smov.u32 s2;
	p0 =	sne.s32 s5, $0x0  }
0x9: {  	s6 =	sshrl.u32 s6, $0xC;
	s5 =	simm.s32 $0x1;
	s7 =	simm.s32 @!p0 $0x0  }
0xa: {  	[sflag:s5] =	ssyncpa.u1 $0x0;
	p0 =	por $0x0, $0x0;
	s6 =	sadd.s32 s7, s6  }
0xb: {  	[sflag:s8] =	ssyncpa.u1 $0x0;
	s8 =	simm.s32 $0x200000;
	s7 =	sadd.s32 $0x1, s6  }
.LBB1_4:
0xc: {  	s14 =	sshll.u32 s11, $0x3  }
0xd: {  	s15 =	sand.u32 $0x78, s11;
	s14 =	sand.u32 $0x3FC00, s14  }
0xe: {  	[tilespmem:s13+$0x810 ss:$0x81] =	vst.msk $0xffff, v2;
	s29 =	sand.u32 $0x1F8000, s11;
	s30 =	sand.u32 $0x7, s11;
	s14 =	sor.u32 s15, s14  }
0xf: {  	[tilespmem:s13+$0x1020 ss:$0x81] =	vst.msk $0xffff, v0;
	s11 =	sshll.u32 s30, $0x12;
	s15 =	sadd.s32 s4, s29;
	s14 =	sshrl.u32 s14, $0x3  }
0x10: {  	[tilespmem:s13+$0x0 ss:$0x81] =	vst.msk $0xffff, v1;
	s11 =	sor.u32 $0x400, s11;
	s31 =	sadd.s32 s14, s15  }
0x11: {  	[hbm4b:s31+s11] =	stream.strided.scatter [tilespmem:s12], [sflag:$0x2], $0x2000, s8, s11, $0x20;
	[tilespmem:$0x8080] =	vst v63  }
.LBB1_5:
0x12: {  	s13 =	sadd.s32 $0x1000, s9  }
0x13: {  	p2 =	sgt.s32 s13, $0x3FFFF  }
0x14: {  	s13 =	smov.u32 @p2 s2;
	p2 =	sne.s32 s10, s7  }
.Ltmp1:
0x15: {  	p1 =	slt.u32 s10, $0x2;
	(pc) =	sbr.rel @!p2 .LBB1_6-.Ltmp1, $4  }
0x16: {  	s12 =	simm.s32 @!p1 $0x2  }
0x17: {  	s14 =	sadd.s32 $0x1, s10;
	_ =	swait.ge @!p1 [sflag:s12], $0x2000  }
0x18: {  	s11 =	smov.u32 s9;
	p0 =	por !p0, !p0;
	[sflag:s12] =	ssyncset.done @!p1 $0x0  }
0x19: {  	s10 =	smov.u32 s14;
	s9 =	smov.u32 s13;
	[sflag:s12] =	ssyncadd.s32 @!p1 $0xFFFFE000  }
.LBB1_1:
0x1a: {  	p1 =	sge.u32 s10, s6  }
0x1b: {  	s31 =	sadd.s32 $0xFFFFFFFF, s10;
	s12 =	sxor.u32 @!p1 $0xFFFFFFFF, s10;
	s13 =	sshll.u32 @!p1 s9, $0x4  }
0x1c: {  	s14 =	simm.s32 @!p1 $0x40;
	s12 =	sshll.u32 @!p1 s12, $0xD;
	s13 =	sand.u32 @!p1 $0x3FFFF0, s13  }
0x1d: {  	s15 =	simm.s32 @!p1 $0x80;
	s12 =	sand.u32 @!p1 $0x2000, s12;
	s13 =	sadd.s32 @!p1 s3, s13  }
0x1e: {  	[tilespmem:s12], [sflag:$0x1] =	stream.strided.gather @!p1 [hbm4b:s13+s14], $0x2000, s15, s14, $0x38;
	[tilespmem:$0x8080] =	vst v63  }
0x1f: {  	p1 =	sge.u32 s31, s6  }
.Ltmp2:
0x20: {  	_ = 	snop;
	(pc) =	sbr.rel @p1 .LBB1_5-.Ltmp2, $1  }
0x21: {  	_ =	sdelay $0x3  }
0x22: {  	s12 =	simm.s32 $0x1  }
0x23: {  	_ =	swait.ge [sflag:s5], $0x2000;
	s12 =	simm.s32 @!p0 $0x0  }
0x24: {  	[sflag:s5] =	ssyncset.done $0x0;
	s13 =	sshll.u32 s12, $0xD  }
0x25: {  	[sflag:s5] =	ssyncadd.s32 $0xFFFFE000;
	s16 =	sor.u32 $0x20, s13  }
0x26: {  	s12 =	smul.u32 $0x8100, s12;
	v3 =	vld [tilespmem:s16+$0x10]  }
0x27: {  	s30 =	sand.u32 $0x1, s10;
	v2 =	vld [tilespmem:s16+$0xFFFFFFF0]  }
0x28: {  	s13 =	smul.u32 $0x8100, s30;
	s12 =	sshrl.u32 s12, $0x2;
	v0 =	vld [tilespmem:s16+$0x0]  }
0x29: {  	v1 =	vld [tilespmem:s16+$0xFFFFFFE0];
	s14 =	sor.u32 $0x4000, s12  }
0x2a: {  	s31 =	sshrl.u32 s13, $0x2;
	s13 =	sadd.s32 $0x0, s14  }
0x2b: {  	s15 =	simm.s32 $0x4;
	s16 =	sadd.s32 $0x40, s16;
	s12 =	sor.u32 $0x4000, s31;
	[tilespmem:s13+$0x1830 ss:$0x81] =	vst.msk $0xffff, v3  }
.LBB1_3:
0x2c: {  	v3 =	vld [tilespmem:s16+$0x10];
	p1 =	sne.s32 s15, $0x1FC;
	[tilespmem:s13+$0x810 ss:$0x81] =	vst.msk $0xffff, v2;
	s17 =	smov.u32 s15;
	s15 =	sadd.s32 $0x4, s15  }
.Ltmp3:
0x2d: {  	v2 =	vld [tilespmem:s16+$0xFFFFFFF0];
	[tilespmem:s13+$0x1020 ss:$0x81] =	vst.msk $0xffff, v0;
	(pc) =	sbr.rel @p1 .LBB1_3-.Ltmp3, $4  }
0x2e: {  	v0 =	vld [tilespmem:s16+$0x0];
	[tilespmem:s13+$0x0 ss:$0x81] =	vst.msk $0xffff, v1  }
0x2f: {  	s13 =	sshra.s32 s17, $0x2;
	v1 =	vld [tilespmem:s16+$0xFFFFFFE0]  }
0x30: {  	s13 =	sadd.s32 s13, s14  }
0x31: {  	s16 =	sadd.s32 $0x40, s16;
	[tilespmem:s13+$0x1830 ss:$0x81] =	vst.msk $0xffff, v3  }
.Ltmp4:
0x32: {  	_ = 	snop;
	(pc) =	sbr.rel .LBB1_4-.Ltmp4, $1  }
0x33: {  	_ =	sdelay $0x3  }
.LBB1_6:
0x34: {  	_ =	sfence.sel $0x180000  }
0x35: {  	s2 =	simm.s32 $0x1;
	[bflag:$0x0] =	sbarrier.arrive $0xFFFF  }
0x36: {  	s31 =	simm.s32 $0x2;
	[sflag:s2] =	ssyncpa.u1 $0x1  }
0x37: {  	[sflag:s31] =	ssyncpa.u1 $0x1  }
0x38: {  	p0 =	sne.s32 s0, $0x0;
	_ =	strace $0x9000006E  }
0x39: {  	s0 =	sadd.s32 @!p0 $0x100000, s1;
	[bflag:$0x2] =	sbarrier.arrive $0xFFFF  }
0x3a: {  	[sflag:s0] =	ssyncadd.tile.s32 @!p0 $0x1;
	_ =	shalt  }
.Lfunc_end1:
_tile_overlayer_lowered:
.L_overlay_start_2:
0x3b: {  	(tag) =	ssettag $0x2  }
0x3c: {  	s0 =	rddreg [dreg:$0x0];
	s2 =	stileid.u32  }
0x3d: {  	s1 =	rddreg [dreg:$0x1];
	p0 =	sne.s32 s2, $0x0  }
0x3e: {  	s3 =	rddreg [dreg:$0x2];
	[bflag:$0x3] =	sbarrier.arrive $0xFFFF;
	s2 =	simm.s32 @!p0 $0x1C01  }
0x3f: {  	[timem:s3], [sflag:s2] =	dma.local @!p0 [hbm:s0], s1  }
0x40: {  	s0 =	simm.s32 @!p0 $0x1  }
0x41: {  	_ =	swait.ge @!p0 [sflag:s0], s1  }
0x42: {  	s1 =	ssub.s32 @!p0 $0x0, s1;
	[sflag:s0] =	ssyncset.done @!p0 $0x0  }
0x43: {  	[sflag:s0] =	ssyncadd.s32 @!p0 s1  }
0x44: {  	[bflag:$0x3] =	sbarrier.arrive $0xFFFF  }
0x45: {  	_ =	shalt  }

</sc_bundles>
